<compile_context>
chip_gen: v7x
topology: tpu7x:2x2x1
jax: 0.10.2.dev20260603
libtpu: 0.0.44.dev20260713+nightly
codegen_flags: <defaults>
</compile_context>

<pallas_src>
import functools

import jax
import jax.numpy as jnp
from jax import lax
from jax.experimental import pallas as pl
from jax.experimental.pallas import tpu as pltpu
from jax.experimental.pallas import tpu_sc as plsc

_SMOOTH = 1e-05
_BH = 64
_SC_ROWS = 64
_LN2 = 0.6931471805599453



def _tc_stats_kernel(x_ref, t_ref, stats_ref, tt_ref, tp_ref, sv_ref, *,
                     nblocks):
    j = pl.program_id(1)
    x = x_ref[0]
    t = t_ref[0]
    C, BH, W = x.shape

    m = jnp.max(x, axis=0)

    e = jnp.exp(x)
    lse = jnp.log(jnp.sum(e, axis=0))

    cls = jax.lax.broadcasted_iota(jnp.int32, (C, BH, W), 0)
    oh = (t[None] == cls).astype(jnp.float32)
    b = oh * (x == m[None]).astype(jnp.float32)
    sv = oh * (x - lse[None])

    def fold(v):
        return jnp.sum(v.reshape(C, BH // 8, 8, W), axis=1)

    @pl.when(j == 0)
    def _():
        tt_ref[...] = fold(oh)
        tp_ref[...] = fold(b)
        sv_ref[...] = fold(sv)

    @pl.when(j != 0)
    def _():
        tt_ref[...] = tt_ref[...] + fold(oh)
        tp_ref[...] = tp_ref[...] + fold(b)
        sv_ref[...] = sv_ref[...] + fold(sv)

    @pl.when(j == nblocks - 1)
    def _():
        def collapse(ref):
            return jnp.sum(jnp.sum(ref[...], axis=2), axis=1, keepdims=True)

        stats_ref[0] = jnp.concatenate(
            [collapse(tt_ref), collapse(tp_ref), collapse(sv_ref)], axis=1
        )


def _tc_stats(input, t, h_tc):
    N, C, H, W = input.shape
    nblocks = h_tc // _BH
    return pl.pallas_call(
        functools.partial(_tc_stats_kernel, nblocks=nblocks),
        grid=(N, nblocks),
        in_specs=[
            pl.BlockSpec((1, C, _BH, W), lambda n, j: (n, 0, j, 0)),
            pl.BlockSpec((1, _BH, W), lambda n, j: (n, j, 0)),
        ],
        out_specs=pl.BlockSpec((1, C, 3), lambda n, j: (n, 0, 0)),
        out_shape=jax.ShapeDtypeStruct((N, C, 3), jnp.float32),
        scratch_shapes=[
            pltpu.VMEM((C, 8, W), jnp.float32),
            pltpu.VMEM((C, 8, W), jnp.float32),
            pltpu.VMEM((C, 8, W), jnp.float32),
        ],
        compiler_params=pltpu.CompilerParams(
            dimension_semantics=("arbitrary", "arbitrary"),
        ),
    )(input, t)



def _log16(s):
    bits = plsc.bitcast(s, jnp.int32)
    ex = lax.shift_right_logical(bits, 23) - 127
    mant_bits = lax.bitwise_or(
        lax.bitwise_and(bits, jnp.int32(0x7FFFFF)), jnp.int32(0x3F800000)
    )
    mant = plsc.bitcast(mant_bits, jnp.float32)
    z = (mant - 1.0) / (mant + 1.0)
    z2 = z * z
    p = 2.0 * z * (1.0 + z2 * (1.0 / 3.0 + z2 * (0.2 + z2 * (1.0 / 7.0
                   + z2 * (1.0 / 9.0)))))
    return ex.astype(jnp.float32) * _LN2 + p


def _sc_row_slab(x_hbm, t_hbm, out_hbm, xb, tb, bins, *,
                 C, H, W, h0, workers_per_sample, rows_per_worker):
    info = plsc.get_sparse_core_info()
    nc = info.num_cores
    wid = lax.axis_index("s") * nc + lax.axis_index("c")
    n = wid // workers_per_sample
    row0 = h0 + (wid % workers_per_sample) * rows_per_worker

    for c in range(C):
        src0 = pl.multiple_of(n * C * H + c * H + row0, 8)
        pltpu.sync_copy(
            x_hbm.at[pl.ds(src0, rows_per_worker), :],
            xb.at[pl.ds(c * rows_per_worker, rows_per_worker), :],
        )
    t0 = pl.multiple_of(n * H + row0, 8)
    pltpu.sync_copy(t_hbm.at[pl.ds(t0, rows_per_worker), :], tb)

    zeros16 = jnp.zeros((16,), jnp.float32)
    for k in range(bins.shape[0]):
        bins[k, :] = zeros16

    lanes = lax.iota(jnp.int32, 16)
    ones16 = jnp.ones((16,), jnp.float32)

    for r in range(rows_per_worker):
        def body(i, carry):
            sl = pl.ds(i * 16, 16)
            tv = tb[r, sl]
            v0 = xb[r, sl]
            m = v0
            s = jnp.exp(v0)
            picked = v0
            for c in range(1, C):
                v = xb[c * rows_per_worker + r, sl]
                m = jnp.maximum(m, v)
                s = s + jnp.exp(v)
                picked = jnp.where(tv == c, v, picked)
            correct = (picked == m).astype(jnp.float32)
            logp = picked - _log16(s)
            plsc.addupdate_scatter(bins, [tv, lanes], ones16)
            plsc.addupdate_scatter(bins, [tv + C, lanes], correct)
            plsc.addupdate_scatter(bins, [tv + 2 * C, lanes], logp)
            return carry

        lax.fori_loop(0, W // 16, body, 0)

    nb = bins.shape[0]
    o0 = pl.multiple_of(wid * nb, 8)
    pltpu.sync_copy(bins, out_hbm.at[pl.ds(o0, nb), :])


def _sc_stats(input, t, h0):
    N, C, H, W = input.shape
    rows = H - h0
    nw = 32
    workers_per_sample = nw // N
    rows_per_worker = rows // workers_per_sample

    mesh = plsc.VectorSubcoreMesh(core_axis_name="c", subcore_axis_name="s")
    fn = functools.partial(
        _sc_row_slab, C=C, H=H, W=W, h0=h0,
        workers_per_sample=workers_per_sample,
        rows_per_worker=rows_per_worker,
    )
    x2 = input.reshape(N * C * H, W)
    t2 = t.reshape(N * H, W)
    nb = (3 * C + 7) // 8 * 8
    return pl.kernel(
        fn,
        mesh=mesh,
        out_type=jax.ShapeDtypeStruct((nw * nb, 16), jnp.float32),
        scratch_types=[
            pltpu.VMEM((C * rows_per_worker, W), jnp.float32),
            pltpu.VMEM((rows_per_worker, W), jnp.int32),
            pltpu.VMEM((nb, 16), jnp.float32),
        ],
        compiler_params=pltpu.CompilerParams(needs_layout_passes=False),
    )(x2, t2)



def kernel(input, target):
    N, C, H, W = input.shape
    t = target.astype(jnp.int32)
    h_tc = H - _SC_ROWS

    tc = _tc_stats(input, t, h_tc)
    sc = _sc_stats(input, t, h_tc)

    nb = (3 * C + 7) // 8 * 8
    scp = (
        sc.reshape(N, 32 // N, nb, 16)[:, :, : 3 * C, :]
        .reshape(N, 32 // N, 3, C, 16)
        .sum(axis=(1, 4))
    )
    tt = tc[:, :, 0] + scp[:, 0]
    tp = tc[:, :, 1] + scp[:, 1]
    s = tc[:, :, 2] + scp[:, 2]
    rw = 1.0 - (tp + _SMOOTH) / (tt + _SMOOTH)
    return -jnp.sum(rw * s, axis=1) / jnp.sum(rw * tt, axis=1)

# --- scband reference (transcript-rebuilt; emitter-appended) ---
"""Pipeline reference for scband-recall-loss-83030307766533 (READ-ONLY COPY).

The authoritative reference and input builder live on the scoring server;
editing this copy changes nothing except your own understanding.
"""

import jax, jax.numpy as jnp
import numpy as np

SMOOTH = 1e-05
IGNORE_INDEX = 255

def setup_inputs(seed: int = 0) -> dict:
    key = jax.random.key(seed)
    k1, k2 = jax.random.split(key)
    inp = jax.random.normal(k1, (4, 21, 512, 512), dtype=jnp.float32)
    target = jax.random.randint(k2, (4, 512, 512), 0, 21, dtype=jnp.int64)
    return {"input": inp, "target": target}

def reference(input, target):
    N, C = input.shape[0], input.shape[1]
    # argmax prediction over class dim
    predict = jnp.argmax(input, axis=1)  # [N, H, W]
    L = int(np.prod(target.shape[1:]))
    pred_flat = predict.reshape(N, L)
    tgt_flat = target.reshape(N, L)
    # one-hot scatter (dim=1), shape [N, C, L]
    predict_onehot = jax.nn.one_hot(pred_flat, C, axis=1, dtype=input.dtype)
    target_onehot = jax.nn.one_hot(tgt_flat, C, axis=1, dtype=input.dtype)
    true_positive = jnp.sum(predict_onehot * target_onehot, axis=2)  # [N, C]
    total_target = jnp.sum(target_onehot, axis=2)  # [N, C]
    recall = (true_positive + SMOOTH) / (total_target + SMOOTH)
    recall = 1.0 - recall  # [N, C] per-sample class weights
    # per-sample weighted NLL with reduction='mean'
    logp = jax.nn.log_softmax(input, axis=1)  # [N, C, H, W]
    logp_flat = logp.reshape(N, C, L)
    picked = jnp.take_along_axis(logp_flat, tgt_flat[:, None, :], axis=1)[:, 0, :]  # [N, L]
    w = jnp.take_along_axis(recall, jnp.clip(tgt_flat, 0, C - 1), axis=1)  # [N, L]
    valid = (tgt_flat != IGNORE_INDEX).astype(input.dtype)
    w = w * valid
    loss_per_sample = -jnp.sum(w * picked, axis=1) / jnp.sum(w, axis=1)  # [N]
    return loss_per_sample  # torch.stack of per-sample means -> shape [N]

if __name__ == "__main__":
    import jax
    _d = setup_inputs()
    print(jax.jit(kernel)(*tuple(_d.values())))

</pallas_src>

<mosaic_0001>
#map = affine_map<(d0, d1) -> (0, 0)>
module attributes {stable_mosaic.version = 14 : i64} {
  func.func @_sc_row_slab(%arg0: i32, %arg1: i32, %arg2: memref<43008x512xf32, #tpu.memory_space<hbm>>, %arg3: memref<2048x512xi32, #tpu.memory_space<hbm>>, %arg4: memref<2048x16xf32, #tpu.memory_space<hbm>>, %arg5: memref<168x512xf32, #tpu.memory_space<vmem>>, %arg6: memref<8x512xi32, #tpu.memory_space<vmem>>, %arg7: memref<64x16xf32, #tpu.memory_space<vmem>>) attributes {dimension_semantics = [#tpu.dimension_semantics<core_parallel>, #tpu.dimension_semantics<subcore_parallel>], iteration_bounds = array<i64: 2, 16>, scalar_prefetch = 0 : i64, scratch_operands = 3 : i64, tpu.core_type = #tpu.core_type<sc_vector_subcore>, window_params = [{transform_indices = #map}, {transform_indices = #map}, {transform_indices = #map}]} {
    %mul3A = arith.constant 2 : i32
    %mul3A_0 = arith.muli %arg1, %mul3A : i32
    %add3A = arith.addi %mul3A_0, %arg0 : i32
    %jit3A = arith.constant 8 : i32
    %div3A = arith.divsi %add3A, %jit3A : i32
    %sign3A = arith.constant 0 : i32
    %sign3A_1 = arith.cmpi sgt, %add3A, %sign3A : i32
    %sign3A_2 = arith.extui %sign3A_1 : i1 to i32
    %sign3A_3 = arith.constant 0 : i32
    %sign3A_4 = arith.cmpi slt, %add3A, %sign3A_3 : i32
    %sign3A_5 = arith.extui %sign3A_4 : i1 to i32
    %sign3A_6 = arith.subi %sign3A_2, %sign3A_5 : i32
    %sign3A_7 = arith.constant 0 : i32
    %sign3A_8 = arith.cmpi sgt, %jit3A, %sign3A_7 : i32
    %sign3A_9 = arith.extui %sign3A_8 : i1 to i32
    %sign3A_10 = arith.constant 0 : i32
    %sign3A_11 = arith.cmpi slt, %jit3A, %sign3A_10 : i32
    %sign3A_12 = arith.extui %sign3A_11 : i1 to i32
    %sign3A_13 = arith.subi %sign3A_9, %sign3A_12 : i32
    %ne3A = arith.cmpi ne, %sign3A_6, %sign3A_13 : i32
    %rem3A = arith.remsi %add3A, %jit3A : i32
    %ne3A_14 = arith.constant 0 : i32
    %ne3A_15 = arith.cmpi ne, %rem3A, %ne3A_14 : i32
    %and3A = arith.andi %ne3A, %ne3A_15 : i1
    %sub3A = arith.constant 1 : i32
    %sub3A_16 = arith.subi %div3A, %sub3A : i32
    %select_n3A = arith.select %and3A, %sub3A_16, %div3A : i32
    %jit3A_17 = arith.constant 8 : i32
    %eq3A = arith.constant 0 : i32
    %eq3A_18 = arith.cmpi eq, %jit3A_17, %eq3A : i32
    %jit3A_19 = arith.constant 1 : i32
    %select_n3A_20 = arith.select %eq3A_18, %jit3A_19, %jit3A_17 : i32
    %rem3A_21 = arith.remsi %add3A, %select_n3A_20 : i32
    %ne3A_22 = arith.constant 0 : i32
    %ne3A_23 = arith.cmpi ne, %rem3A_21, %ne3A_22 : i32
    %lt3A = arith.constant 0 : i32
    %lt3A_24 = arith.cmpi slt, %rem3A_21, %lt3A : i32
    %lt3A_25 = arith.constant 0 : i32
    %lt3A_26 = arith.cmpi slt, %select_n3A_20, %lt3A_25 : i32
    %ne3A_27 = arith.xori %lt3A_24, %lt3A_26 : i1
    %and3A_28 = arith.andi %ne3A_27, %ne3A_23 : i1
    %add3A_29 = arith.addi %rem3A_21, %select_n3A_20 : i32
    %select_n3A_30 = arith.select %and3A_28, %add3A_29, %rem3A_21 : i32
    %mul3A_31 = arith.constant 8 : i32
    %mul3A_32 = arith.muli %select_n3A_30, %mul3A_31 : i32
    %add3A_33 = arith.constant 448 : i32
    %add3A_34 = arith.addi %add3A_33, %mul3A_32 : i32
    %mul3A_35 = arith.constant 21 : i32
    %mul3A_36 = arith.muli %select_n3A, %mul3A_35 : i32
    %mul3A_37 = arith.constant 512 : i32
    %mul3A_38 = arith.muli %mul3A_36, %mul3A_37 : i32
    %add3A_39 = arith.constant 0 : i32
    %add3A_40 = arith.addi %mul3A_38, %add3A_39 : i32
    %add3A_41 = arith.addi %add3A_40, %add3A_34 : i32
    %multiple_of3A = tpu.assume_multiple %add3A_41, 8 : i32
    "tpu.region"() ({
      %run_scoped3A = tpu.sem_alloc : memref<!tpu.dma_semaphore, #tpu.memory_space<semaphore_mem>>
      %dma_start3A = arith.constant 0 : i32
      %dma_start3A_514 = arith.constant 0 : i32
      %dma_start3A_515 = tpu.memref_slice %arg5[%dma_start3A, %dma_start3A_514] : memref<168x512xf32, #tpu.memory_space<vmem>> -> memref<8x512xf32, #tpu.memory_space<vmem>>
      %dma_start3A_516 = arith.constant 0 : i32
      %dma_start3A_517 = tpu.memref_slice %arg2[%multiple_of3A, %dma_start3A_516] : memref<43008x512xf32, #tpu.memory_space<hbm>> -> memref<8x512xf32, #tpu.memory_space<hbm>>
      %dma_start3A_518 = arith.constant 0 : i32
      %dma_start3A_519 = arith.constant 0 : i32
      %dma_start3A_520 = tpu.memref_slice %arg5[%dma_start3A_518, %dma_start3A_519] : memref<168x512xf32, #tpu.memory_space<vmem>> -> memref<8x512xf32, #tpu.memory_space<vmem>>
      %dma_start3A_521 = arith.constant 0 : i32
      %dma_start3A_522 = tpu.memref_slice %arg2[%multiple_of3A, %dma_start3A_521] : memref<43008x512xf32, #tpu.memory_space<hbm>> -> memref<8x512xf32, #tpu.memory_space<hbm>>
      tpu.enqueue_dma source(%dma_start3A_522 : memref<8x512xf32, #tpu.memory_space<hbm>>) target(%dma_start3A_520 : memref<8x512xf32, #tpu.memory_space<vmem>>) target_semaphore(%run_scoped3A : memref<!tpu.dma_semaphore, #tpu.memory_space<semaphore_mem>>)
      %dma_wait3A = arith.constant 0 : i32
      %dma_wait3A_523 = arith.constant 0 : i32
      %dma_wait3A_524 = tpu.memref_slice %arg5[%dma_wait3A, %dma_wait3A_523] : memref<168x512xf32, #tpu.memory_space<vmem>> -> memref<8x512xf32, #tpu.memory_space<vmem>>
      %dma_wait3A_525 = arith.constant 0 : i32
      %dma_wait3A_526 = tpu.memref_slice %arg2[%multiple_of3A, %dma_wait3A_525] : memref<43008x512xf32, #tpu.memory_space<hbm>> -> memref<8x512xf32, #tpu.memory_space<hbm>>
      %dma_wait3A_527 = arith.constant 0 : i32
      %dma_wait3A_528 = arith.constant 0 : i32
      %dma_wait3A_529 = tpu.memref_slice %arg5[%dma_wait3A_527, %dma_wait3A_528] : memref<168x512xf32, #tpu.memory_space<vmem>> -> memref<8x512xf32, #tpu.memory_space<vmem>>
      %dma_wait3A_530 = arith.constant 0 : i32
      %dma_wait3A_531 = tpu.memref_slice %arg2[%multiple_of3A, %dma_wait3A_530] : memref<43008x512xf32, #tpu.memory_space<hbm>> -> memref<8x512xf32, #tpu.memory_space<hbm>>
      tpu.wait_dma2 semaphore(%run_scoped3A : memref<!tpu.dma_semaphore, #tpu.memory_space<semaphore_mem>>) src(%dma_wait3A_531 : memref<8x512xf32, #tpu.memory_space<hbm>>) dst(%dma_wait3A_529 : memref<8x512xf32, #tpu.memory_space<vmem>>)
      tpu.yield
    }) : () -> ()
    %mul3A_42 = arith.constant 21 : i32
    %mul3A_43 = arith.muli %select_n3A, %mul3A_42 : i32
    %mul3A_44 = arith.constant 512 : i32
    %mul3A_45 = arith.muli %mul3A_43, %mul3A_44 : i32
    %add3A_46 = arith.constant 512 : i32
    %add3A_47 = arith.addi %mul3A_45, %add3A_46 : i32
    %add3A_48 = arith.addi %add3A_47, %add3A_34 : i32
    %multiple_of3A_49 = tpu.assume_multiple %add3A_48, 8 : i32
    "tpu.region"() ({
      %run_scoped3A = tpu.sem_alloc : memref<!tpu.dma_semaphore, #tpu.memory_space<semaphore_mem>>
      %dma_start3A = arith.constant 8 : i32
      %dma_start3A_514 = arith.constant 0 : i32
      %dma_start3A_515 = tpu.memref_slice %arg5[%dma_start3A, %dma_start3A_514] : memref<168x512xf32, #tpu.memory_space<vmem>> -> memref<8x512xf32, #tpu.memory_space<vmem>>
      %dma_start3A_516 = arith.constant 0 : i32
      %dma_start3A_517 = tpu.memref_slice %arg2[%multiple_of3A_49, %dma_start3A_516] : memref<43008x512xf32, #tpu.memory_space<hbm>> -> memref<8x512xf32, #tpu.memory_space<hbm>>
      %dma_start3A_518 = arith.constant 8 : i32
      %dma_start3A_519 = arith.constant 0 : i32
      %dma_start3A_520 = tpu.memref_slice %arg5[%dma_start3A_518, %dma_start3A_519] : memref<168x512xf32, #tpu.memory_space<vmem>> -> memref<8x512xf32, #tpu.memory_space<vmem>>
      %dma_start3A_521 = arith.constant 0 : i32
      %dma_start3A_522 = tpu.memref_slice %arg2[%multiple_of3A_49, %dma_start3A_521] : memref<43008x512xf32, #tpu.memory_space<hbm>> -> memref<8x512xf32, #tpu.memory_space<hbm>>
      tpu.enqueue_dma source(%dma_start3A_522 : memref<8x512xf32, #tpu.memory_space<hbm>>) target(%dma_start3A_520 : memref<8x512xf32, #tpu.memory_space<vmem>>) target_semaphore(%run_scoped3A : memref<!tpu.dma_semaphore, #tpu.memory_space<semaphore_mem>>)
      %dma_wait3A = arith.constant 8 : i32
      %dma_wait3A_523 = arith.constant 0 : i32
      %dma_wait3A_524 = tpu.memref_slice %arg5[%dma_wait3A, %dma_wait3A_523] : memref<168x512xf32, #tpu.memory_space<vmem>> -> memref<8x512xf32, #tpu.memory_space<vmem>>
      %dma_wait3A_525 = arith.constant 0 : i32
      %dma_wait3A_526 = tpu.memref_slice %arg2[%multiple_of3A_49, %dma_wait3A_525] : memref<43008x512xf32, #tpu.memory_space<hbm>> -> memref<8x512xf32, #tpu.memory_space<hbm>>
      %dma_wait3A_527 = arith.constant 8 : i32
      %dma_wait3A_528 = arith.constant 0 : i32
      %dma_wait3A_529 = tpu.memref_slice %arg5[%dma_wait3A_527, %dma_wait3A_528] : memref<168x512xf32, #tpu.memory_space<vmem>> -> memref<8x512xf32, #tpu.memory_space<vmem>>
      %dma_wait3A_530 = arith.constant 0 : i32
      %dma_wait3A_531 = tpu.memref_slice %arg2[%multiple_of3A_49, %dma_wait3A_530] : memref<43008x512xf32, #tpu.memory_space<hbm>> -> memref<8x512xf32, #tpu.memory_space<hbm>>
      tpu.wait_dma2 semaphore(%run_scoped3A : memref<!tpu.dma_semaphore, #tpu.memory_space<semaphore_mem>>) src(%dma_wait3A_531 : memref<8x512xf32, #tpu.memory_space<hbm>>) dst(%dma_wait3A_529 : memref<8x512xf32, #tpu.memory_space<vmem>>)
      tpu.yield
    }) : () -> ()
    %mul3A_50 = arith.constant 21 : i32
    %mul3A_51 = arith.muli %select_n3A, %mul3A_50 : i32
    %mul3A_52 = arith.constant 512 : i32
    %mul3A_53 = arith.muli %mul3A_51, %mul3A_52 : i32
    %add3A_54 = arith.constant 1024 : i32
    %add3A_55 = arith.addi %mul3A_53, %add3A_54 : i32
    %add3A_56 = arith.addi %add3A_55, %add3A_34 : i32
    %multiple_of3A_57 = tpu.assume_multiple %add3A_56, 8 : i32
    "tpu.region"() ({
      %run_scoped3A = tpu.sem_alloc : memref<!tpu.dma_semaphore, #tpu.memory_space<semaphore_mem>>
      %dma_start3A = arith.constant 16 : i32
      %dma_start3A_514 = arith.constant 0 : i32
      %dma_start3A_515 = tpu.memref_slice %arg5[%dma_start3A, %dma_start3A_514] : memref<168x512xf32, #tpu.memory_space<vmem>> -> memref<8x512xf32, #tpu.memory_space<vmem>>
      %dma_start3A_516 = arith.constant 0 : i32
      %dma_start3A_517 = tpu.memref_slice %arg2[%multiple_of3A_57, %dma_start3A_516] : memref<43008x512xf32, #tpu.memory_space<hbm>> -> memref<8x512xf32, #tpu.memory_space<hbm>>
      %dma_start3A_518 = arith.constant 16 : i32
      %dma_start3A_519 = arith.constant 0 : i32
      %dma_start3A_520 = tpu.memref_slice %arg5[%dma_start3A_518, %dma_start3A_519] : memref<168x512xf32, #tpu.memory_space<vmem>> -> memref<8x512xf32, #tpu.memory_space<vmem>>
      %dma_start3A_521 = arith.constant 0 : i32
      %dma_start3A_522 = tpu.memref_slice %arg2[%multiple_of3A_57, %dma_start3A_521] : memref<43008x512xf32, #tpu.memory_space<hbm>> -> memref<8x512xf32, #tpu.memory_space<hbm>>
      tpu.enqueue_dma source(%dma_start3A_522 : memref<8x512xf32, #tpu.memory_space<hbm>>) target(%dma_start3A_520 : memref<8x512xf32, #tpu.memory_space<vmem>>) target_semaphore(%run_scoped3A : memref<!tpu.dma_semaphore, #tpu.memory_space<semaphore_mem>>)
      %dma_wait3A = arith.constant 16 : i32
      %dma_wait3A_523 = arith.constant 0 : i32
      %dma_wait3A_524 = tpu.memref_slice %arg5[%dma_wait3A, %dma_wait3A_523] : memref<168x512xf32, #tpu.memory_space<vmem>> -> memref<8x512xf32, #tpu.memory_space<vmem>>
      %dma_wait3A_525 = arith.constant 0 : i32
      %dma_wait3A_526 = tpu.memref_slice %arg2[%multiple_of3A_57, %dma_wait3A_525] : memref<43008x512xf32, #tpu.memory_space<hbm>> -> memref<8x512xf32, #tpu.memory_space<hbm>>
      %dma_wait3A_527 = arith.constant 16 : i32
      %dma_wait3A_528 = arith.constant 0 : i32
      %dma_wait3A_529 = tpu.memref_slice %arg5[%dma_wait3A_527, %dma_wait3A_528] : memref<168x512xf32, #tpu.memory_space<vmem>> -> memref<8x512xf32, #tpu.memory_space<vmem>>
      %dma_wait3A_530 = arith.constant 0 : i32
      %dma_wait3A_531 = tpu.memref_slice %arg2[%multiple_of3A_57, %dma_wait3A_530] : memref<43008x512xf32, #tpu.memory_space<hbm>> -> memref<8x512xf32, #tpu.memory_space<hbm>>
      tpu.wait_dma2 semaphore(%run_scoped3A : memref<!tpu.dma_semaphore, #tpu.memory_space<semaphore_mem>>) src(%dma_wait3A_531 : memref<8x512xf32, #tpu.memory_space<hbm>>) dst(%dma_wait3A_529 : memref<8x512xf32, #tpu.memory_space<vmem>>)
      tpu.yield
    }) : () -> ()
    %mul3A_58 = arith.constant 21 : i32
    %mul3A_59 = arith.muli %select_n3A, %mul3A_58 : i32
    %mul3A_60 = arith.constant 512 : i32
    %mul3A_61 = arith.muli %mul3A_59, %mul3A_60 : i32
    %add3A_62 = arith.constant 1536 : i32
    %add3A_63 = arith.addi %mul3A_61, %add3A_62 : i32
    %add3A_64 = arith.addi %add3A_63, %add3A_34 : i32
    %multiple_of3A_65 = tpu.assume_multiple %add3A_64, 8 : i32
    "tpu.region"() ({
      %run_scoped3A = tpu.sem_alloc : memref<!tpu.dma_semaphore, #tpu.memory_space<semaphore_mem>>
      %dma_start3A = arith.constant 24 : i32
      %dma_start3A_514 = arith.constant 0 : i32
      %dma_start3A_515 = tpu.memref_slice %arg5[%dma_start3A, %dma_start3A_514] : memref<168x512xf32, #tpu.memory_space<vmem>> -> memref<8x512xf32, #tpu.memory_space<vmem>>
      %dma_start3A_516 = arith.constant 0 : i32
      %dma_start3A_517 = tpu.memref_slice %arg2[%multiple_of3A_65, %dma_start3A_516] : memref<43008x512xf32, #tpu.memory_space<hbm>> -> memref<8x512xf32, #tpu.memory_space<hbm>>
      %dma_start3A_518 = arith.constant 24 : i32
      %dma_start3A_519 = arith.constant 0 : i32
      %dma_start3A_520 = tpu.memref_slice %arg5[%dma_start3A_518, %dma_start3A_519] : memref<168x512xf32, #tpu.memory_space<vmem>> -> memref<8x512xf32, #tpu.memory_space<vmem>>
      %dma_start3A_521 = arith.constant 0 : i32
      %dma_start3A_522 = tpu.memref_slice %arg2[%multiple_of3A_65, %dma_start3A_521] : memref<43008x512xf32, #tpu.memory_space<hbm>> -> memref<8x512xf32, #tpu.memory_space<hbm>>
      tpu.enqueue_dma source(%dma_start3A_522 : memref<8x512xf32, #tpu.memory_space<hbm>>) target(%dma_start3A_520 : memref<8x512xf32, #tpu.memory_space<vmem>>) target_semaphore(%run_scoped3A : memref<!tpu.dma_semaphore, #tpu.memory_space<semaphore_mem>>)
      %dma_wait3A = arith.constant 24 : i32
      %dma_wait3A_523 = arith.constant 0 : i32
      %dma_wait3A_524 = tpu.memref_slice %arg5[%dma_wait3A, %dma_wait3A_523] : memref<168x512xf32, #tpu.memory_space<vmem>> -> memref<8x512xf32, #tpu.memory_space<vmem>>
      %dma_wait3A_525 = arith.constant 0 : i32
      %dma_wait3A_526 = tpu.memref_slice %arg2[%multiple_of3A_65, %dma_wait3A_525] : memref<43008x512xf32, #tpu.memory_space<hbm>> -> memref<8x512xf32, #tpu.memory_space<hbm>>
      %dma_wait3A_527 = arith.constant 24 : i32
      %dma_wait3A_528 = arith.constant 0 : i32
      %dma_wait3A_529 = tpu.memref_slice %arg5[%dma_wait3A_527, %dma_wait3A_528] : memref<168x512xf32, #tpu.memory_space<vmem>> -> memref<8x512xf32, #tpu.memory_space<vmem>>
      %dma_wait3A_530 = arith.constant 0 : i32
      %dma_wait3A_531 = tpu.memref_slice %arg2[%multiple_of3A_65, %dma_wait3A_530] : memref<43008x512xf32, #tpu.memory_space<hbm>> -> memref<8x512xf32, #tpu.memory_space<hbm>>
      tpu.wait_dma2 semaphore(%run_scoped3A : memref<!tpu.dma_semaphore, #tpu.memory_space<semaphore_mem>>) src(%dma_wait3A_531 : memref<8x512xf32, #tpu.memory_space<hbm>>) dst(%dma_wait3A_529 : memref<8x512xf32, #tpu.memory_space<vmem>>)
      tpu.yield
    }) : () -> ()
    %mul3A_66 = arith.constant 21 : i32
    %mul3A_67 = arith.muli %select_n3A, %mul3A_66 : i32
    %mul3A_68 = arith.constant 512 : i32
    %mul3A_69 = arith.muli %mul3A_67, %mul3A_68 : i32
    %add3A_70 = arith.constant 2048 : i32
    %add3A_71 = arith.addi %mul3A_69, %add3A_70 : i32
    %add3A_72 = arith.addi %add3A_71, %add3A_34 : i32
    %multiple_of3A_73 = tpu.assume_multiple %add3A_72, 8 : i32
    "tpu.region"() ({
      %run_scoped3A = tpu.sem_alloc : memref<!tpu.dma_semaphore, #tpu.memory_space<semaphore_mem>>
      %dma_start3A = arith.constant 32 : i32
      %dma_start3A_514 = arith.constant 0 : i32
      %dma_start3A_515 = tpu.memref_slice %arg5[%dma_start3A, %dma_start3A_514] : memref<168x512xf32, #tpu.memory_space<vmem>> -> memref<8x512xf32, #tpu.memory_space<vmem>>
      %dma_start3A_516 = arith.constant 0 : i32
      %dma_start3A_517 = tpu.memref_slice %arg2[%multiple_of3A_73, %dma_start3A_516] : memref<43008x512xf32, #tpu.memory_space<hbm>> -> memref<8x512xf32, #tpu.memory_space<hbm>>
      %dma_start3A_518 = arith.constant 32 : i32
      %dma_start3A_519 = arith.constant 0 : i32
      %dma_start3A_520 = tpu.memref_slice %arg5[%dma_start3A_518, %dma_start3A_519] : memref<168x512xf32, #tpu.memory_space<vmem>> -> memref<8x512xf32, #tpu.memory_space<vmem>>
      %dma_start3A_521 = arith.constant 0 : i32
      %dma_start3A_522 = tpu.memref_slice %arg2[%multiple_of3A_73, %dma_start3A_521] : memref<43008x512xf32, #tpu.memory_space<hbm>> -> memref<8x512xf32, #tpu.memory_space<hbm>>
      tpu.enqueue_dma source(%dma_start3A_522 : memref<8x512xf32, #tpu.memory_space<hbm>>) target(%dma_start3A_520 : memref<8x512xf32, #tpu.memory_space<vmem>>) target_semaphore(%run_scoped3A : memref<!tpu.dma_semaphore, #tpu.memory_space<semaphore_mem>>)
      %dma_wait3A = arith.constant 32 : i32
      %dma_wait3A_523 = arith.constant 0 : i32
      %dma_wait3A_524 = tpu.memref_slice %arg5[%dma_wait3A, %dma_wait3A_523] : memref<168x512xf32, #tpu.memory_space<vmem>> -> memref<8x512xf32, #tpu.memory_space<vmem>>
      %dma_wait3A_525 = arith.constant 0 : i32
      %dma_wait3A_526 = tpu.memref_slice %arg2[%multiple_of3A_73, %dma_wait3A_525] : memref<43008x512xf32, #tpu.memory_space<hbm>> -> memref<8x512xf32, #tpu.memory_space<hbm>>
      %dma_wait3A_527 = arith.constant 32 : i32
      %dma_wait3A_528 = arith.constant 0 : i32
      %dma_wait3A_529 = tpu.memref_slice %arg5[%dma_wait3A_527, %dma_wait3A_528] : memref<168x512xf32, #tpu.memory_space<vmem>> -> memref<8x512xf32, #tpu.memory_space<vmem>>
      %dma_wait3A_530 = arith.constant 0 : i32
      %dma_wait3A_531 = tpu.memref_slice %arg2[%multiple_of3A_73, %dma_wait3A_530] : memref<43008x512xf32, #tpu.memory_space<hbm>> -> memref<8x512xf32, #tpu.memory_space<hbm>>
      tpu.wait_dma2 semaphore(%run_scoped3A : memref<!tpu.dma_semaphore, #tpu.memory_space<semaphore_mem>>) src(%dma_wait3A_531 : memref<8x512xf32, #tpu.memory_space<hbm>>) dst(%dma_wait3A_529 : memref<8x512xf32, #tpu.memory_space<vmem>>)
      tpu.yield
    }) : () -> ()
    %mul3A_74 = arith.constant 21 : i32
    %mul3A_75 = arith.muli %select_n3A, %mul3A_74 : i32
    %mul3A_76 = arith.constant 512 : i32
    %mul3A_77 = arith.muli %mul3A_75, %mul3A_76 : i32
    %add3A_78 = arith.constant 2560 : i32
    %add3A_79 = arith.addi %mul3A_77, %add3A_78 : i32
    %add3A_80 = arith.addi %add3A_79, %add3A_34 : i32
    %multiple_of3A_81 = tpu.assume_multiple %add3A_80, 8 : i32
    "tpu.region"() ({
      %run_scoped3A = tpu.sem_alloc : memref<!tpu.dma_semaphore, #tpu.memory_space<semaphore_mem>>
      %dma_start3A = arith.constant 40 : i32
      %dma_start3A_514 = arith.constant 0 : i32
      %dma_start3A_515 = tpu.memref_slice %arg5[%dma_start3A, %dma_start3A_514] : memref<168x512xf32, #tpu.memory_space<vmem>> -> memref<8x512xf32, #tpu.memory_space<vmem>>
      %dma_start3A_516 = arith.constant 0 : i32
      %dma_start3A_517 = tpu.memref_slice %arg2[%multiple_of3A_81, %dma_start3A_516] : memref<43008x512xf32, #tpu.memory_space<hbm>> -> memref<8x512xf32, #tpu.memory_space<hbm>>
      %dma_start3A_518 = arith.constant 40 : i32
      %dma_start3A_519 = arith.constant 0 : i32
      %dma_start3A_520 = tpu.memref_slice %arg5[%dma_start3A_518, %dma_start3A_519] : memref<168x512xf32, #tpu.memory_space<vmem>> -> memref<8x512xf32, #tpu.memory_space<vmem>>
      %dma_start3A_521 = arith.constant 0 : i32
      %dma_start3A_522 = tpu.memref_slice %arg2[%multiple_of3A_81, %dma_start3A_521] : memref<43008x512xf32, #tpu.memory_space<hbm>> -> memref<8x512xf32, #tpu.memory_space<hbm>>
      tpu.enqueue_dma source(%dma_start3A_522 : memref<8x512xf32, #tpu.memory_space<hbm>>) target(%dma_start3A_520 : memref<8x512xf32, #tpu.memory_space<vmem>>) target_semaphore(%run_scoped3A : memref<!tpu.dma_semaphore, #tpu.memory_space<semaphore_mem>>)
      %dma_wait3A = arith.constant 40 : i32
      %dma_wait3A_523 = arith.constant 0 : i32
      %dma_wait3A_524 = tpu.memref_slice %arg5[%dma_wait3A, %dma_wait3A_523] : memref<168x512xf32, #tpu.memory_space<vmem>> -> memref<8x512xf32, #tpu.memory_space<vmem>>
      %dma_wait3A_525 = arith.constant 0 : i32
      %dma_wait3A_526 = tpu.memref_slice %arg2[%multiple_of3A_81, %dma_wait3A_525] : memref<43008x512xf32, #tpu.memory_space<hbm>> -> memref<8x512xf32, #tpu.memory_space<hbm>>
      %dma_wait3A_527 = arith.constant 40 : i32
      %dma_wait3A_528 = arith.constant 0 : i32
      %dma_wait3A_529 = tpu.memref_slice %arg5[%dma_wait3A_527, %dma_wait3A_528] : memref<168x512xf32, #tpu.memory_space<vmem>> -> memref<8x512xf32, #tpu.memory_space<vmem>>
      %dma_wait3A_530 = arith.constant 0 : i32
      %dma_wait3A_531 = tpu.memref_slice %arg2[%multiple_of3A_81, %dma_wait3A_530] : memref<43008x512xf32, #tpu.memory_space<hbm>> -> memref<8x512xf32, #tpu.memory_space<hbm>>
      tpu.wait_dma2 semaphore(%run_scoped3A : memref<!tpu.dma_semaphore, #tpu.memory_space<semaphore_mem>>) src(%dma_wait3A_531 : memref<8x512xf32, #tpu.memory_space<hbm>>) dst(%dma_wait3A_529 : memref<8x512xf32, #tpu.memory_space<vmem>>)
      tpu.yield
    }) : () -> ()
    %mul3A_82 = arith.constant 21 : i32
    %mul3A_83 = arith.muli %select_n3A, %mul3A_82 : i32
    %mul3A_84 = arith.constant 512 : i32
    %mul3A_85 = arith.muli %mul3A_83, %mul3A_84 : i32
    %add3A_86 = arith.constant 3072 : i32
    %add3A_87 = arith.addi %mul3A_85, %add3A_86 : i32
    %add3A_88 = arith.addi %add3A_87, %add3A_34 : i32
    %multiple_of3A_89 = tpu.assume_multiple %add3A_88, 8 : i32
    "tpu.region"() ({
      %run_scoped3A = tpu.sem_alloc : memref<!tpu.dma_semaphore, #tpu.memory_space<semaphore_mem>>
      %dma_start3A = arith.constant 48 : i32
      %dma_start3A_514 = arith.constant 0 : i32
      %dma_start3A_515 = tpu.memref_slice %arg5[%dma_start3A, %dma_start3A_514] : memref<168x512xf32, #tpu.memory_space<vmem>> -> memref<8x512xf32, #tpu.memory_space<vmem>>
      %dma_start3A_516 = arith.constant 0 : i32
      %dma_start3A_517 = tpu.memref_slice %arg2[%multiple_of3A_89, %dma_start3A_516] : memref<43008x512xf32, #tpu.memory_space<hbm>> -> memref<8x512xf32, #tpu.memory_space<hbm>>
      %dma_start3A_518 = arith.constant 48 : i32
      %dma_start3A_519 = arith.constant 0 : i32
      %dma_start3A_520 = tpu.memref_slice %arg5[%dma_start3A_518, %dma_start3A_519] : memref<168x512xf32, #tpu.memory_space<vmem>> -> memref<8x512xf32, #tpu.memory_space<vmem>>
      %dma_start3A_521 = arith.constant 0 : i32
      %dma_start3A_522 = tpu.memref_slice %arg2[%multiple_of3A_89, %dma_start3A_521] : memref<43008x512xf32, #tpu.memory_space<hbm>> -> memref<8x512xf32, #tpu.memory_space<hbm>>
      tpu.enqueue_dma source(%dma_start3A_522 : memref<8x512xf32, #tpu.memory_space<hbm>>) target(%dma_start3A_520 : memref<8x512xf32, #tpu.memory_space<vmem>>) target_semaphore(%run_scoped3A : memref<!tpu.dma_semaphore, #tpu.memory_space<semaphore_mem>>)
      %dma_wait3A = arith.constant 48 : i32
      %dma_wait3A_523 = arith.constant 0 : i32
      %dma_wait3A_524 = tpu.memref_slice %arg5[%dma_wait3A, %dma_wait3A_523] : memref<168x512xf32, #tpu.memory_space<vmem>> -> memref<8x512xf32, #tpu.memory_space<vmem>>
      %dma_wait3A_525 = arith.constant 0 : i32
      %dma_wait3A_526 = tpu.memref_slice %arg2[%multiple_of3A_89, %dma_wait3A_525] : memref<43008x512xf32, #tpu.memory_space<hbm>> -> memref<8x512xf32, #tpu.memory_space<hbm>>
      %dma_wait3A_527 = arith.constant 48 : i32
      %dma_wait3A_528 = arith.constant 0 : i32
      %dma_wait3A_529 = tpu.memref_slice %arg5[%dma_wait3A_527, %dma_wait3A_528] : memref<168x512xf32, #tpu.memory_space<vmem>> -> memref<8x512xf32, #tpu.memory_space<vmem>>
      %dma_wait3A_530 = arith.constant 0 : i32
      %dma_wait3A_531 = tpu.memref_slice %arg2[%multiple_of3A_89, %dma_wait3A_530] : memref<43008x512xf32, #tpu.memory_space<hbm>> -> memref<8x512xf32, #tpu.memory_space<hbm>>
      tpu.wait_dma2 semaphore(%run_scoped3A : memref<!tpu.dma_semaphore, #tpu.memory_space<semaphore_mem>>) src(%dma_wait3A_531 : memref<8x512xf32, #tpu.memory_space<hbm>>) dst(%dma_wait3A_529 : memref<8x512xf32, #tpu.memory_space<vmem>>)
      tpu.yield
    }) : () -> ()
    %mul3A_90 = arith.constant 21 : i32
    %mul3A_91 = arith.muli %select_n3A, %mul3A_90 : i32
    %mul3A_92 = arith.constant 512 : i32
    %mul3A_93 = arith.muli %mul3A_91, %mul3A_92 : i32
    %add3A_94 = arith.constant 3584 : i32
    %add3A_95 = arith.addi %mul3A_93, %add3A_94 : i32
    %add3A_96 = arith.addi %add3A_95, %add3A_34 : i32
    %multiple_of3A_97 = tpu.assume_multiple %add3A_96, 8 : i32
    "tpu.region"() ({
      %run_scoped3A = tpu.sem_alloc : memref<!tpu.dma_semaphore, #tpu.memory_space<semaphore_mem>>
      %dma_start3A = arith.constant 56 : i32
      %dma_start3A_514 = arith.constant 0 : i32
      %dma_start3A_515 = tpu.memref_slice %arg5[%dma_start3A, %dma_start3A_514] : memref<168x512xf32, #tpu.memory_space<vmem>> -> memref<8x512xf32, #tpu.memory_space<vmem>>
      %dma_start3A_516 = arith.constant 0 : i32
      %dma_start3A_517 = tpu.memref_slice %arg2[%multiple_of3A_97, %dma_start3A_516] : memref<43008x512xf32, #tpu.memory_space<hbm>> -> memref<8x512xf32, #tpu.memory_space<hbm>>
      %dma_start3A_518 = arith.constant 56 : i32
      %dma_start3A_519 = arith.constant 0 : i32
      %dma_start3A_520 = tpu.memref_slice %arg5[%dma_start3A_518, %dma_start3A_519] : memref<168x512xf32, #tpu.memory_space<vmem>> -> memref<8x512xf32, #tpu.memory_space<vmem>>
      %dma_start3A_521 = arith.constant 0 : i32
      %dma_start3A_522 = tpu.memref_slice %arg2[%multiple_of3A_97, %dma_start3A_521] : memref<43008x512xf32, #tpu.memory_space<hbm>> -> memref<8x512xf32, #tpu.memory_space<hbm>>
      tpu.enqueue_dma source(%dma_start3A_522 : memref<8x512xf32, #tpu.memory_space<hbm>>) target(%dma_start3A_520 : memref<8x512xf32, #tpu.memory_space<vmem>>) target_semaphore(%run_scoped3A : memref<!tpu.dma_semaphore, #tpu.memory_space<semaphore_mem>>)
      %dma_wait3A = arith.constant 56 : i32
      %dma_wait3A_523 = arith.constant 0 : i32
      %dma_wait3A_524 = tpu.memref_slice %arg5[%dma_wait3A, %dma_wait3A_523] : memref<168x512xf32, #tpu.memory_space<vmem>> -> memref<8x512xf32, #tpu.memory_space<vmem>>
      %dma_wait3A_525 = arith.constant 0 : i32
      %dma_wait3A_526 = tpu.memref_slice %arg2[%multiple_of3A_97, %dma_wait3A_525] : memref<43008x512xf32, #tpu.memory_space<hbm>> -> memref<8x512xf32, #tpu.memory_space<hbm>>
      %dma_wait3A_527 = arith.constant 56 : i32
      %dma_wait3A_528 = arith.constant 0 : i32
      %dma_wait3A_529 = tpu.memref_slice %arg5[%dma_wait3A_527, %dma_wait3A_528] : memref<168x512xf32, #tpu.memory_space<vmem>> -> memref<8x512xf32, #tpu.memory_space<vmem>>
      %dma_wait3A_530 = arith.constant 0 : i32
      %dma_wait3A_531 = tpu.memref_slice %arg2[%multiple_of3A_97, %dma_wait3A_530] : memref<43008x512xf32, #tpu.memory_space<hbm>> -> memref<8x512xf32, #tpu.memory_space<hbm>>
      tpu.wait_dma2 semaphore(%run_scoped3A : memref<!tpu.dma_semaphore, #tpu.memory_space<semaphore_mem>>) src(%dma_wait3A_531 : memref<8x512xf32, #tpu.memory_space<hbm>>) dst(%dma_wait3A_529 : memref<8x512xf32, #tpu.memory_space<vmem>>)
      tpu.yield
    }) : () -> ()
    %mul3A_98 = arith.constant 21 : i32
    %mul3A_99 = arith.muli %select_n3A, %mul3A_98 : i32
    %mul3A_100 = arith.constant 512 : i32
    %mul3A_101 = arith.muli %mul3A_99, %mul3A_100 : i32
    %add3A_102 = arith.constant 4096 : i32
    %add3A_103 = arith.addi %mul3A_101, %add3A_102 : i32
    %add3A_104 = arith.addi %add3A_103, %add3A_34 : i32
    %multiple_of3A_105 = tpu.assume_multiple %add3A_104, 8 : i32
    "tpu.region"() ({
      %run_scoped3A = tpu.sem_alloc : memref<!tpu.dma_semaphore, #tpu.memory_space<semaphore_mem>>
      %dma_start3A = arith.constant 64 : i32
      %dma_start3A_514 = arith.constant 0 : i32
      %dma_start3A_515 = tpu.memref_slice %arg5[%dma_start3A, %dma_start3A_514] : memref<168x512xf32, #tpu.memory_space<vmem>> -> memref<8x512xf32, #tpu.memory_space<vmem>>
      %dma_start3A_516 = arith.constant 0 : i32
      %dma_start3A_517 = tpu.memref_slice %arg2[%multiple_of3A_105, %dma_start3A_516] : memref<43008x512xf32, #tpu.memory_space<hbm>> -> memref<8x512xf32, #tpu.memory_space<hbm>>
      %dma_start3A_518 = arith.constant 64 : i32
      %dma_start3A_519 = arith.constant 0 : i32
      %dma_start3A_520 = tpu.memref_slice %arg5[%dma_start3A_518, %dma_start3A_519] : memref<168x512xf32, #tpu.memory_space<vmem>> -> memref<8x512xf32, #tpu.memory_space<vmem>>
      %dma_start3A_521 = arith.constant 0 : i32
      %dma_start3A_522 = tpu.memref_slice %arg2[%multiple_of3A_105, %dma_start3A_521] : memref<43008x512xf32, #tpu.memory_space<hbm>> -> memref<8x512xf32, #tpu.memory_space<hbm>>
      tpu.enqueue_dma source(%dma_start3A_522 : memref<8x512xf32, #tpu.memory_space<hbm>>) target(%dma_start3A_520 : memref<8x512xf32, #tpu.memory_space<vmem>>) target_semaphore(%run_scoped3A : memref<!tpu.dma_semaphore, #tpu.memory_space<semaphore_mem>>)
      %dma_wait3A = arith.constant 64 : i32
      %dma_wait3A_523 = arith.constant 0 : i32
      %dma_wait3A_524 = tpu.memref_slice %arg5[%dma_wait3A, %dma_wait3A_523] : memref<168x512xf32, #tpu.memory_space<vmem>> -> memref<8x512xf32, #tpu.memory_space<vmem>>
      %dma_wait3A_525 = arith.constant 0 : i32
      %dma_wait3A_526 = tpu.memref_slice %arg2[%multiple_of3A_105, %dma_wait3A_525] : memref<43008x512xf32, #tpu.memory_space<hbm>> -> memref<8x512xf32, #tpu.memory_space<hbm>>
      %dma_wait3A_527 = arith.constant 64 : i32
      %dma_wait3A_528 = arith.constant 0 : i32
      %dma_wait3A_529 = tpu.memref_slice %arg5[%dma_wait3A_527, %dma_wait3A_528] : memref<168x512xf32, #tpu.memory_space<vmem>> -> memref<8x512xf32, #tpu.memory_space<vmem>>
      %dma_wait3A_530 = arith.constant 0 : i32
      %dma_wait3A_531 = tpu.memref_slice %arg2[%multiple_of3A_105, %dma_wait3A_530] : memref<43008x512xf32, #tpu.memory_space<hbm>> -> memref<8x512xf32, #tpu.memory_space<hbm>>
      tpu.wait_dma2 semaphore(%run_scoped3A : memref<!tpu.dma_semaphore, #tpu.memory_space<semaphore_mem>>) src(%dma_wait3A_531 : memref<8x512xf32, #tpu.memory_space<hbm>>) dst(%dma_wait3A_529 : memref<8x512xf32, #tpu.memory_space<vmem>>)
      tpu.yield
    }) : () -> ()
    %mul3A_106 = arith.constant 21 : i32
    %mul3A_107 = arith.muli %select_n3A, %mul3A_106 : i32
    %mul3A_108 = arith.constant 512 : i32
    %mul3A_109 = arith.muli %mul3A_107, %mul3A_108 : i32
    %add3A_110 = arith.constant 4608 : i32
    %add3A_111 = arith.addi %mul3A_109, %add3A_110 : i32
    %add3A_112 = arith.addi %add3A_111, %add3A_34 : i32
    %multiple_of3A_113 = tpu.assume_multiple %add3A_112, 8 : i32
    "tpu.region"() ({
      %run_scoped3A = tpu.sem_alloc : memref<!tpu.dma_semaphore, #tpu.memory_space<semaphore_mem>>
      %dma_start3A = arith.constant 72 : i32
      %dma_start3A_514 = arith.constant 0 : i32
      %dma_start3A_515 = tpu.memref_slice %arg5[%dma_start3A, %dma_start3A_514] : memref<168x512xf32, #tpu.memory_space<vmem>> -> memref<8x512xf32, #tpu.memory_space<vmem>>
      %dma_start3A_516 = arith.constant 0 : i32
      %dma_start3A_517 = tpu.memref_slice %arg2[%multiple_of3A_113, %dma_start3A_516] : memref<43008x512xf32, #tpu.memory_space<hbm>> -> memref<8x512xf32, #tpu.memory_space<hbm>>
      %dma_start3A_518 = arith.constant 72 : i32
      %dma_start3A_519 = arith.constant 0 : i32
      %dma_start3A_520 = tpu.memref_slice %arg5[%dma_start3A_518, %dma_start3A_519] : memref<168x512xf32, #tpu.memory_space<vmem>> -> memref<8x512xf32, #tpu.memory_space<vmem>>
      %dma_start3A_521 = arith.constant 0 : i32
      %dma_start3A_522 = tpu.memref_slice %arg2[%multiple_of3A_113, %dma_start3A_521] : memref<43008x512xf32, #tpu.memory_space<hbm>> -> memref<8x512xf32, #tpu.memory_space<hbm>>
      tpu.enqueue_dma source(%dma_start3A_522 : memref<8x512xf32, #tpu.memory_space<hbm>>) target(%dma_start3A_520 : memref<8x512xf32, #tpu.memory_space<vmem>>) target_semaphore(%run_scoped3A : memref<!tpu.dma_semaphore, #tpu.memory_space<semaphore_mem>>)
      %dma_wait3A = arith.constant 72 : i32
      %dma_wait3A_523 = arith.constant 0 : i32
      %dma_wait3A_524 = tpu.memref_slice %arg5[%dma_wait3A, %dma_wait3A_523] : memref<168x512xf32, #tpu.memory_space<vmem>> -> memref<8x512xf32, #tpu.memory_space<vmem>>
      %dma_wait3A_525 = arith.constant 0 : i32
      %dma_wait3A_526 = tpu.memref_slice %arg2[%multiple_of3A_113, %dma_wait3A_525] : memref<43008x512xf32, #tpu.memory_space<hbm>> -> memref<8x512xf32, #tpu.memory_space<hbm>>
      %dma_wait3A_527 = arith.constant 72 : i32
      %dma_wait3A_528 = arith.constant 0 : i32
      %dma_wait3A_529 = tpu.memref_slice %arg5[%dma_wait3A_527, %dma_wait3A_528] : memref<168x512xf32, #tpu.memory_space<vmem>> -> memref<8x512xf32, #tpu.memory_space<vmem>>
      %dma_wait3A_530 = arith.constant 0 : i32
      %dma_wait3A_531 = tpu.memref_slice %arg2[%multiple_of3A_113, %dma_wait3A_530] : memref<43008x512xf32, #tpu.memory_space<hbm>> -> memref<8x512xf32, #tpu.memory_space<hbm>>
      tpu.wait_dma2 semaphore(%run_scoped3A : memref<!tpu.dma_semaphore, #tpu.memory_space<semaphore_mem>>) src(%dma_wait3A_531 : memref<8x512xf32, #tpu.memory_space<hbm>>) dst(%dma_wait3A_529 : memref<8x512xf32, #tpu.memory_space<vmem>>)
      tpu.yield
    }) : () -> ()
    %mul3A_114 = arith.constant 21 : i32
    %mul3A_115 = arith.muli %select_n3A, %mul3A_114 : i32
    %mul3A_116 = arith.constant 512 : i32
    %mul3A_117 = arith.muli %mul3A_115, %mul3A_116 : i32
    %add3A_118 = arith.constant 5120 : i32
    %add3A_119 = arith.addi %mul3A_117, %add3A_118 : i32
    %add3A_120 = arith.addi %add3A_119, %add3A_34 : i32
    %multiple_of3A_121 = tpu.assume_multiple %add3A_120, 8 : i32
    "tpu.region"() ({
      %run_scoped3A = tpu.sem_alloc : memref<!tpu.dma_semaphore, #tpu.memory_space<semaphore_mem>>
      %dma_start3A = arith.constant 80 : i32
      %dma_start3A_514 = arith.constant 0 : i32
      %dma_start3A_515 = tpu.memref_slice %arg5[%dma_start3A, %dma_start3A_514] : memref<168x512xf32, #tpu.memory_space<vmem>> -> memref<8x512xf32, #tpu.memory_space<vmem>>
      %dma_start3A_516 = arith.constant 0 : i32
      %dma_start3A_517 = tpu.memref_slice %arg2[%multiple_of3A_121, %dma_start3A_516] : memref<43008x512xf32, #tpu.memory_space<hbm>> -> memref<8x512xf32, #tpu.memory_space<hbm>>
      %dma_start3A_518 = arith.constant 80 : i32
      %dma_start3A_519 = arith.constant 0 : i32
      %dma_start3A_520 = tpu.memref_slice %arg5[%dma_start3A_518, %dma_start3A_519] : memref<168x512xf32, #tpu.memory_space<vmem>> -> memref<8x512xf32, #tpu.memory_space<vmem>>
      %dma_start3A_521 = arith.constant 0 : i32
      %dma_start3A_522 = tpu.memref_slice %arg2[%multiple_of3A_121, %dma_start3A_521] : memref<43008x512xf32, #tpu.memory_space<hbm>> -> memref<8x512xf32, #tpu.memory_space<hbm>>
      tpu.enqueue_dma source(%dma_start3A_522 : memref<8x512xf32, #tpu.memory_space<hbm>>) target(%dma_start3A_520 : memref<8x512xf32, #tpu.memory_space<vmem>>) target_semaphore(%run_scoped3A : memref<!tpu.dma_semaphore, #tpu.memory_space<semaphore_mem>>)
      %dma_wait3A = arith.constant 80 : i32
      %dma_wait3A_523 = arith.constant 0 : i32
      %dma_wait3A_524 = tpu.memref_slice %arg5[%dma_wait3A, %dma_wait3A_523] : memref<168x512xf32, #tpu.memory_space<vmem>> -> memref<8x512xf32, #tpu.memory_space<vmem>>
      %dma_wait3A_525 = arith.constant 0 : i32
      %dma_wait3A_526 = tpu.memref_slice %arg2[%multiple_of3A_121, %dma_wait3A_525] : memref<43008x512xf32, #tpu.memory_space<hbm>> -> memref<8x512xf32, #tpu.memory_space<hbm>>
      %dma_wait3A_527 = arith.constant 80 : i32
      %dma_wait3A_528 = arith.constant 0 : i32
      %dma_wait3A_529 = tpu.memref_slice %arg5[%dma_wait3A_527, %dma_wait3A_528] : memref<168x512xf32, #tpu.memory_space<vmem>> -> memref<8x512xf32, #tpu.memory_space<vmem>>
      %dma_wait3A_530 = arith.constant 0 : i32
      %dma_wait3A_531 = tpu.memref_slice %arg2[%multiple_of3A_121, %dma_wait3A_530] : memref<43008x512xf32, #tpu.memory_space<hbm>> -> memref<8x512xf32, #tpu.memory_space<hbm>>
      tpu.wait_dma2 semaphore(%run_scoped3A : memref<!tpu.dma_semaphore, #tpu.memory_space<semaphore_mem>>) src(%dma_wait3A_531 : memref<8x512xf32, #tpu.memory_space<hbm>>) dst(%dma_wait3A_529 : memref<8x512xf32, #tpu.memory_space<vmem>>)
      tpu.yield
    }) : () -> ()
    %mul3A_122 = arith.constant 21 : i32
    %mul3A_123 = arith.muli %select_n3A, %mul3A_122 : i32
    %mul3A_124 = arith.constant 512 : i32
    %mul3A_125 = arith.muli %mul3A_123, %mul3A_124 : i32
    %add3A_126 = arith.constant 5632 : i32
    %add3A_127 = arith.addi %mul3A_125, %add3A_126 : i32
    %add3A_128 = arith.addi %add3A_127, %add3A_34 : i32
    %multiple_of3A_129 = tpu.assume_multiple %add3A_128, 8 : i32
    "tpu.region"() ({
      %run_scoped3A = tpu.sem_alloc : memref<!tpu.dma_semaphore, #tpu.memory_space<semaphore_mem>>
      %dma_start3A = arith.constant 88 : i32
      %dma_start3A_514 = arith.constant 0 : i32
      %dma_start3A_515 = tpu.memref_slice %arg5[%dma_start3A, %dma_start3A_514] : memref<168x512xf32, #tpu.memory_space<vmem>> -> memref<8x512xf32, #tpu.memory_space<vmem>>
      %dma_start3A_516 = arith.constant 0 : i32
      %dma_start3A_517 = tpu.memref_slice %arg2[%multiple_of3A_129, %dma_start3A_516] : memref<43008x512xf32, #tpu.memory_space<hbm>> -> memref<8x512xf32, #tpu.memory_space<hbm>>
      %dma_start3A_518 = arith.constant 88 : i32
      %dma_start3A_519 = arith.constant 0 : i32
      %dma_start3A_520 = tpu.memref_slice %arg5[%dma_start3A_518, %dma_start3A_519] : memref<168x512xf32, #tpu.memory_space<vmem>> -> memref<8x512xf32, #tpu.memory_space<vmem>>
      %dma_start3A_521 = arith.constant 0 : i32
      %dma_start3A_522 = tpu.memref_slice %arg2[%multiple_of3A_129, %dma_start3A_521] : memref<43008x512xf32, #tpu.memory_space<hbm>> -> memref<8x512xf32, #tpu.memory_space<hbm>>
      tpu.enqueue_dma source(%dma_start3A_522 : memref<8x512xf32, #tpu.memory_space<hbm>>) target(%dma_start3A_520 : memref<8x512xf32, #tpu.memory_space<vmem>>) target_semaphore(%run_scoped3A : memref<!tpu.dma_semaphore, #tpu.memory_space<semaphore_mem>>)
      %dma_wait3A = arith.constant 88 : i32
      %dma_wait3A_523 = arith.constant 0 : i32
      %dma_wait3A_524 = tpu.memref_slice %arg5[%dma_wait3A, %dma_wait3A_523] : memref<168x512xf32, #tpu.memory_space<vmem>> -> memref<8x512xf32, #tpu.memory_space<vmem>>
      %dma_wait3A_525 = arith.constant 0 : i32
      %dma_wait3A_526 = tpu.memref_slice %arg2[%multiple_of3A_129, %dma_wait3A_525] : memref<43008x512xf32, #tpu.memory_space<hbm>> -> memref<8x512xf32, #tpu.memory_space<hbm>>
      %dma_wait3A_527 = arith.constant 88 : i32
      %dma_wait3A_528 = arith.constant 0 : i32
      %dma_wait3A_529 = tpu.memref_slice %arg5[%dma_wait3A_527, %dma_wait3A_528] : memref<168x512xf32, #tpu.memory_space<vmem>> -> memref<8x512xf32, #tpu.memory_space<vmem>>
      %dma_wait3A_530 = arith.constant 0 : i32
      %dma_wait3A_531 = tpu.memref_slice %arg2[%multiple_of3A_129, %dma_wait3A_530] : memref<43008x512xf32, #tpu.memory_space<hbm>> -> memref<8x512xf32, #tpu.memory_space<hbm>>
      tpu.wait_dma2 semaphore(%run_scoped3A : memref<!tpu.dma_semaphore, #tpu.memory_space<semaphore_mem>>) src(%dma_wait3A_531 : memref<8x512xf32, #tpu.memory_space<hbm>>) dst(%dma_wait3A_529 : memref<8x512xf32, #tpu.memory_space<vmem>>)
      tpu.yield
    }) : () -> ()
    %mul3A_130 = arith.constant 21 : i32
    %mul3A_131 = arith.muli %select_n3A, %mul3A_130 : i32
    %mul3A_132 = arith.constant 512 : i32
    %mul3A_133 = arith.muli %mul3A_131, %mul3A_132 : i32
    %add3A_134 = arith.constant 6144 : i32
    %add3A_135 = arith.addi %mul3A_133, %add3A_134 : i32
    %add3A_136 = arith.addi %add3A_135, %add3A_34 : i32
    %multiple_of3A_137 = tpu.assume_multiple %add3A_136, 8 : i32
    "tpu.region"() ({
      %run_scoped3A = tpu.sem_alloc : memref<!tpu.dma_semaphore, #tpu.memory_space<semaphore_mem>>
      %dma_start3A = arith.constant 96 : i32
      %dma_start3A_514 = arith.constant 0 : i32
      %dma_start3A_515 = tpu.memref_slice %arg5[%dma_start3A, %dma_start3A_514] : memref<168x512xf32, #tpu.memory_space<vmem>> -> memref<8x512xf32, #tpu.memory_space<vmem>>
      %dma_start3A_516 = arith.constant 0 : i32
      %dma_start3A_517 = tpu.memref_slice %arg2[%multiple_of3A_137, %dma_start3A_516] : memref<43008x512xf32, #tpu.memory_space<hbm>> -> memref<8x512xf32, #tpu.memory_space<hbm>>
      %dma_start3A_518 = arith.constant 96 : i32
      %dma_start3A_519 = arith.constant 0 : i32
      %dma_start3A_520 = tpu.memref_slice %arg5[%dma_start3A_518, %dma_start3A_519] : memref<168x512xf32, #tpu.memory_space<vmem>> -> memref<8x512xf32, #tpu.memory_space<vmem>>
      %dma_start3A_521 = arith.constant 0 : i32
      %dma_start3A_522 = tpu.memref_slice %arg2[%multiple_of3A_137, %dma_start3A_521] : memref<43008x512xf32, #tpu.memory_space<hbm>> -> memref<8x512xf32, #tpu.memory_space<hbm>>
      tpu.enqueue_dma source(%dma_start3A_522 : memref<8x512xf32, #tpu.memory_space<hbm>>) target(%dma_start3A_520 : memref<8x512xf32, #tpu.memory_space<vmem>>) target_semaphore(%run_scoped3A : memref<!tpu.dma_semaphore, #tpu.memory_space<semaphore_mem>>)
      %dma_wait3A = arith.constant 96 : i32
      %dma_wait3A_523 = arith.constant 0 : i32
      %dma_wait3A_524 = tpu.memref_slice %arg5[%dma_wait3A, %dma_wait3A_523] : memref<168x512xf32, #tpu.memory_space<vmem>> -> memref<8x512xf32, #tpu.memory_space<vmem>>
      %dma_wait3A_525 = arith.constant 0 : i32
      %dma_wait3A_526 = tpu.memref_slice %arg2[%multiple_of3A_137, %dma_wait3A_525] : memref<43008x512xf32, #tpu.memory_space<hbm>> -> memref<8x512xf32, #tpu.memory_space<hbm>>
      %dma_wait3A_527 = arith.constant 96 : i32
      %dma_wait3A_528 = arith.constant 0 : i32
      %dma_wait3A_529 = tpu.memref_slice %arg5[%dma_wait3A_527, %dma_wait3A_528] : memref<168x512xf32, #tpu.memory_space<vmem>> -> memref<8x512xf32, #tpu.memory_space<vmem>>
      %dma_wait3A_530 = arith.constant 0 : i32
      %dma_wait3A_531 = tpu.memref_slice %arg2[%multiple_of3A_137, %dma_wait3A_530] : memref<43008x512xf32, #tpu.memory_space<hbm>> -> memref<8x512xf32, #tpu.memory_space<hbm>>
      tpu.wait_dma2 semaphore(%run_scoped3A : memref<!tpu.dma_semaphore, #tpu.memory_space<semaphore_mem>>) src(%dma_wait3A_531 : memref<8x512xf32, #tpu.memory_space<hbm>>) dst(%dma_wait3A_529 : memref<8x512xf32, #tpu.memory_space<vmem>>)
      tpu.yield
    }) : () -> ()
    %mul3A_138 = arith.constant 21 : i32
    %mul3A_139 = arith.muli %select_n3A, %mul3A_138 : i32
    %mul3A_140 = arith.constant 512 : i32
    %mul3A_141 = arith.muli %mul3A_139, %mul3A_140 : i32
    %add3A_142 = arith.constant 6656 : i32
    %add3A_143 = arith.addi %mul3A_141, %add3A_142 : i32
    %add3A_144 = arith.addi %add3A_143, %add3A_34 : i32
    %multiple_of3A_145 = tpu.assume_multiple %add3A_144, 8 : i32
    "tpu.region"() ({
      %run_scoped3A = tpu.sem_alloc : memref<!tpu.dma_semaphore, #tpu.memory_space<semaphore_mem>>
      %dma_start3A = arith.constant 104 : i32
      %dma_start3A_514 = arith.constant 0 : i32
      %dma_start3A_515 = tpu.memref_slice %arg5[%dma_start3A, %dma_start3A_514] : memref<168x512xf32, #tpu.memory_space<vmem>> -> memref<8x512xf32, #tpu.memory_space<vmem>>
      %dma_start3A_516 = arith.constant 0 : i32
      %dma_start3A_517 = tpu.memref_slice %arg2[%multiple_of3A_145, %dma_start3A_516] : memref<43008x512xf32, #tpu.memory_space<hbm>> -> memref<8x512xf32, #tpu.memory_space<hbm>>
      %dma_start3A_518 = arith.constant 104 : i32
      %dma_start3A_519 = arith.constant 0 : i32
      %dma_start3A_520 = tpu.memref_slice %arg5[%dma_start3A_518, %dma_start3A_519] : memref<168x512xf32, #tpu.memory_space<vmem>> -> memref<8x512xf32, #tpu.memory_space<vmem>>
      %dma_start3A_521 = arith.constant 0 : i32
      %dma_start3A_522 = tpu.memref_slice %arg2[%multiple_of3A_145, %dma_start3A_521] : memref<43008x512xf32, #tpu.memory_space<hbm>> -> memref<8x512xf32, #tpu.memory_space<hbm>>
      tpu.enqueue_dma source(%dma_start3A_522 : memref<8x512xf32, #tpu.memory_space<hbm>>) target(%dma_start3A_520 : memref<8x512xf32, #tpu.memory_space<vmem>>) target_semaphore(%run_scoped3A : memref<!tpu.dma_semaphore, #tpu.memory_space<semaphore_mem>>)
      %dma_wait3A = arith.constant 104 : i32
      %dma_wait3A_523 = arith.constant 0 : i32
      %dma_wait3A_524 = tpu.memref_slice %arg5[%dma_wait3A, %dma_wait3A_523] : memref<168x512xf32, #tpu.memory_space<vmem>> -> memref<8x512xf32, #tpu.memory_space<vmem>>
      %dma_wait3A_525 = arith.constant 0 : i32
      %dma_wait3A_526 = tpu.memref_slice %arg2[%multiple_of3A_145, %dma_wait3A_525] : memref<43008x512xf32, #tpu.memory_space<hbm>> -> memref<8x512xf32, #tpu.memory_space<hbm>>
      %dma_wait3A_527 = arith.constant 104 : i32
      %dma_wait3A_528 = arith.constant 0 : i32
      %dma_wait3A_529 = tpu.memref_slice %arg5[%dma_wait3A_527, %dma_wait3A_528] : memref<168x512xf32, #tpu.memory_space<vmem>> -> memref<8x512xf32, #tpu.memory_space<vmem>>
      %dma_wait3A_530 = arith.constant 0 : i32
      %dma_wait3A_531 = tpu.memref_slice %arg2[%multiple_of3A_145, %dma_wait3A_530] : memref<43008x512xf32, #tpu.memory_space<hbm>> -> memref<8x512xf32, #tpu.memory_space<hbm>>
      tpu.wait_dma2 semaphore(%run_scoped3A : memref<!tpu.dma_semaphore, #tpu.memory_space<semaphore_mem>>) src(%dma_wait3A_531 : memref<8x512xf32, #tpu.memory_space<hbm>>) dst(%dma_wait3A_529 : memref<8x512xf32, #tpu.memory_space<vmem>>)
      tpu.yield
    }) : () -> ()
    %mul3A_146 = arith.constant 21 : i32
    %mul3A_147 = arith.muli %select_n3A, %mul3A_146 : i32
    %mul3A_148 = arith.constant 512 : i32
    %mul3A_149 = arith.muli %mul3A_147, %mul3A_148 : i32
    %add3A_150 = arith.constant 7168 : i32
    %add3A_151 = arith.addi %mul3A_149, %add3A_150 : i32
    %add3A_152 = arith.addi %add3A_151, %add3A_34 : i32
    %multiple_of3A_153 = tpu.assume_multiple %add3A_152, 8 : i32
    "tpu.region"() ({
      %run_scoped3A = tpu.sem_alloc : memref<!tpu.dma_semaphore, #tpu.memory_space<semaphore_mem>>
      %dma_start3A = arith.constant 112 : i32
      %dma_start3A_514 = arith.constant 0 : i32
      %dma_start3A_515 = tpu.memref_slice %arg5[%dma_start3A, %dma_start3A_514] : memref<168x512xf32, #tpu.memory_space<vmem>> -> memref<8x512xf32, #tpu.memory_space<vmem>>
      %dma_start3A_516 = arith.constant 0 : i32
      %dma_start3A_517 = tpu.memref_slice %arg2[%multiple_of3A_153, %dma_start3A_516] : memref<43008x512xf32, #tpu.memory_space<hbm>> -> memref<8x512xf32, #tpu.memory_space<hbm>>
      %dma_start3A_518 = arith.constant 112 : i32
      %dma_start3A_519 = arith.constant 0 : i32
      %dma_start3A_520 = tpu.memref_slice %arg5[%dma_start3A_518, %dma_start3A_519] : memref<168x512xf32, #tpu.memory_space<vmem>> -> memref<8x512xf32, #tpu.memory_space<vmem>>
      %dma_start3A_521 = arith.constant 0 : i32
      %dma_start3A_522 = tpu.memref_slice %arg2[%multiple_of3A_153, %dma_start3A_521] : memref<43008x512xf32, #tpu.memory_space<hbm>> -> memref<8x512xf32, #tpu.memory_space<hbm>>
      tpu.enqueue_dma source(%dma_start3A_522 : memref<8x512xf32, #tpu.memory_space<hbm>>) target(%dma_start3A_520 : memref<8x512xf32, #tpu.memory_space<vmem>>) target_semaphore(%run_scoped3A : memref<!tpu.dma_semaphore, #tpu.memory_space<semaphore_mem>>)
      %dma_wait3A = arith.constant 112 : i32
      %dma_wait3A_523 = arith.constant 0 : i32
      %dma_wait3A_524 = tpu.memref_slice %arg5[%dma_wait3A, %dma_wait3A_523] : memref<168x512xf32, #tpu.memory_space<vmem>> -> memref<8x512xf32, #tpu.memory_space<vmem>>
      %dma_wait3A_525 = arith.constant 0 : i32
      %dma_wait3A_526 = tpu.memref_slice %arg2[%multiple_of3A_153, %dma_wait3A_525] : memref<43008x512xf32, #tpu.memory_space<hbm>> -> memref<8x512xf32, #tpu.memory_space<hbm>>
      %dma_wait3A_527 = arith.constant 112 : i32
      %dma_wait3A_528 = arith.constant 0 : i32
      %dma_wait3A_529 = tpu.memref_slice %arg5[%dma_wait3A_527, %dma_wait3A_528] : memref<168x512xf32, #tpu.memory_space<vmem>> -> memref<8x512xf32, #tpu.memory_space<vmem>>
      %dma_wait3A_530 = arith.constant 0 : i32
      %dma_wait3A_531 = tpu.memref_slice %arg2[%multiple_of3A_153, %dma_wait3A_530] : memref<43008x512xf32, #tpu.memory_space<hbm>> -> memref<8x512xf32, #tpu.memory_space<hbm>>
      tpu.wait_dma2 semaphore(%run_scoped3A : memref<!tpu.dma_semaphore, #tpu.memory_space<semaphore_mem>>) src(%dma_wait3A_531 : memref<8x512xf32, #tpu.memory_space<hbm>>) dst(%dma_wait3A_529 : memref<8x512xf32, #tpu.memory_space<vmem>>)
      tpu.yield
    }) : () -> ()
    %mul3A_154 = arith.constant 21 : i32
    %mul3A_155 = arith.muli %select_n3A, %mul3A_154 : i32
    %mul3A_156 = arith.constant 512 : i32
    %mul3A_157 = arith.muli %mul3A_155, %mul3A_156 : i32
    %add3A_158 = arith.constant 7680 : i32
    %add3A_159 = arith.addi %mul3A_157, %add3A_158 : i32
    %add3A_160 = arith.addi %add3A_159, %add3A_34 : i32
    %multiple_of3A_161 = tpu.assume_multiple %add3A_160, 8 : i32
    "tpu.region"() ({
      %run_scoped3A = tpu.sem_alloc : memref<!tpu.dma_semaphore, #tpu.memory_space<semaphore_mem>>
      %dma_start3A = arith.constant 120 : i32
      %dma_start3A_514 = arith.constant 0 : i32
      %dma_start3A_515 = tpu.memref_slice %arg5[%dma_start3A, %dma_start3A_514] : memref<168x512xf32, #tpu.memory_space<vmem>> -> memref<8x512xf32, #tpu.memory_space<vmem>>
      %dma_start3A_516 = arith.constant 0 : i32
      %dma_start3A_517 = tpu.memref_slice %arg2[%multiple_of3A_161, %dma_start3A_516] : memref<43008x512xf32, #tpu.memory_space<hbm>> -> memref<8x512xf32, #tpu.memory_space<hbm>>
      %dma_start3A_518 = arith.constant 120 : i32
      %dma_start3A_519 = arith.constant 0 : i32
      %dma_start3A_520 = tpu.memref_slice %arg5[%dma_start3A_518, %dma_start3A_519] : memref<168x512xf32, #tpu.memory_space<vmem>> -> memref<8x512xf32, #tpu.memory_space<vmem>>
      %dma_start3A_521 = arith.constant 0 : i32
      %dma_start3A_522 = tpu.memref_slice %arg2[%multiple_of3A_161, %dma_start3A_521] : memref<43008x512xf32, #tpu.memory_space<hbm>> -> memref<8x512xf32, #tpu.memory_space<hbm>>
      tpu.enqueue_dma source(%dma_start3A_522 : memref<8x512xf32, #tpu.memory_space<hbm>>) target(%dma_start3A_520 : memref<8x512xf32, #tpu.memory_space<vmem>>) target_semaphore(%run_scoped3A : memref<!tpu.dma_semaphore, #tpu.memory_space<semaphore_mem>>)
      %dma_wait3A = arith.constant 120 : i32
      %dma_wait3A_523 = arith.constant 0 : i32
      %dma_wait3A_524 = tpu.memref_slice %arg5[%dma_wait3A, %dma_wait3A_523] : memref<168x512xf32, #tpu.memory_space<vmem>> -> memref<8x512xf32, #tpu.memory_space<vmem>>
      %dma_wait3A_525 = arith.constant 0 : i32
      %dma_wait3A_526 = tpu.memref_slice %arg2[%multiple_of3A_161, %dma_wait3A_525] : memref<43008x512xf32, #tpu.memory_space<hbm>> -> memref<8x512xf32, #tpu.memory_space<hbm>>
      %dma_wait3A_527 = arith.constant 120 : i32
      %dma_wait3A_528 = arith.constant 0 : i32
      %dma_wait3A_529 = tpu.memref_slice %arg5[%dma_wait3A_527, %dma_wait3A_528] : memref<168x512xf32, #tpu.memory_space<vmem>> -> memref<8x512xf32, #tpu.memory_space<vmem>>
      %dma_wait3A_530 = arith.constant 0 : i32
      %dma_wait3A_531 = tpu.memref_slice %arg2[%multiple_of3A_161, %dma_wait3A_530] : memref<43008x512xf32, #tpu.memory_space<hbm>> -> memref<8x512xf32, #tpu.memory_space<hbm>>
      tpu.wait_dma2 semaphore(%run_scoped3A : memref<!tpu.dma_semaphore, #tpu.memory_space<semaphore_mem>>) src(%dma_wait3A_531 : memref<8x512xf32, #tpu.memory_space<hbm>>) dst(%dma_wait3A_529 : memref<8x512xf32, #tpu.memory_space<vmem>>)
      tpu.yield
    }) : () -> ()
    %mul3A_162 = arith.constant 21 : i32
    %mul3A_163 = arith.muli %select_n3A, %mul3A_162 : i32
    %mul3A_164 = arith.constant 512 : i32
    %mul3A_165 = arith.muli %mul3A_163, %mul3A_164 : i32
    %add3A_166 = arith.constant 8192 : i32
    %add3A_167 = arith.addi %mul3A_165, %add3A_166 : i32
    %add3A_168 = arith.addi %add3A_167, %add3A_34 : i32
    %multiple_of3A_169 = tpu.assume_multiple %add3A_168, 8 : i32
    "tpu.region"() ({
      %run_scoped3A = tpu.sem_alloc : memref<!tpu.dma_semaphore, #tpu.memory_space<semaphore_mem>>
      %dma_start3A = arith.constant 128 : i32
      %dma_start3A_514 = arith.constant 0 : i32
      %dma_start3A_515 = tpu.memref_slice %arg5[%dma_start3A, %dma_start3A_514] : memref<168x512xf32, #tpu.memory_space<vmem>> -> memref<8x512xf32, #tpu.memory_space<vmem>>
      %dma_start3A_516 = arith.constant 0 : i32
      %dma_start3A_517 = tpu.memref_slice %arg2[%multiple_of3A_169, %dma_start3A_516] : memref<43008x512xf32, #tpu.memory_space<hbm>> -> memref<8x512xf32, #tpu.memory_space<hbm>>
      %dma_start3A_518 = arith.constant 128 : i32
      %dma_start3A_519 = arith.constant 0 : i32
      %dma_start3A_520 = tpu.memref_slice %arg5[%dma_start3A_518, %dma_start3A_519] : memref<168x512xf32, #tpu.memory_space<vmem>> -> memref<8x512xf32, #tpu.memory_space<vmem>>
      %dma_start3A_521 = arith.constant 0 : i32
      %dma_start3A_522 = tpu.memref_slice %arg2[%multiple_of3A_169, %dma_start3A_521] : memref<43008x512xf32, #tpu.memory_space<hbm>> -> memref<8x512xf32, #tpu.memory_space<hbm>>
      tpu.enqueue_dma source(%dma_start3A_522 : memref<8x512xf32, #tpu.memory_space<hbm>>) target(%dma_start3A_520 : memref<8x512xf32, #tpu.memory_space<vmem>>) target_semaphore(%run_scoped3A : memref<!tpu.dma_semaphore, #tpu.memory_space<semaphore_mem>>)
      %dma_wait3A = arith.constant 128 : i32
      %dma_wait3A_523 = arith.constant 0 : i32
      %dma_wait3A_524 = tpu.memref_slice %arg5[%dma_wait3A, %dma_wait3A_523] : memref<168x512xf32, #tpu.memory_space<vmem>> -> memref<8x512xf32, #tpu.memory_space<vmem>>
      %dma_wait3A_525 = arith.constant 0 : i32
      %dma_wait3A_526 = tpu.memref_slice %arg2[%multiple_of3A_169, %dma_wait3A_525] : memref<43008x512xf32, #tpu.memory_space<hbm>> -> memref<8x512xf32, #tpu.memory_space<hbm>>
      %dma_wait3A_527 = arith.constant 128 : i32
      %dma_wait3A_528 = arith.constant 0 : i32
      %dma_wait3A_529 = tpu.memref_slice %arg5[%dma_wait3A_527, %dma_wait3A_528] : memref<168x512xf32, #tpu.memory_space<vmem>> -> memref<8x512xf32, #tpu.memory_space<vmem>>
      %dma_wait3A_530 = arith.constant 0 : i32
      %dma_wait3A_531 = tpu.memref_slice %arg2[%multiple_of3A_169, %dma_wait3A_530] : memref<43008x512xf32, #tpu.memory_space<hbm>> -> memref<8x512xf32, #tpu.memory_space<hbm>>
      tpu.wait_dma2 semaphore(%run_scoped3A : memref<!tpu.dma_semaphore, #tpu.memory_space<semaphore_mem>>) src(%dma_wait3A_531 : memref<8x512xf32, #tpu.memory_space<hbm>>) dst(%dma_wait3A_529 : memref<8x512xf32, #tpu.memory_space<vmem>>)
      tpu.yield
    }) : () -> ()
    %mul3A_170 = arith.constant 21 : i32
    %mul3A_171 = arith.muli %select_n3A, %mul3A_170 : i32
    %mul3A_172 = arith.constant 512 : i32
    %mul3A_173 = arith.muli %mul3A_171, %mul3A_172 : i32
    %add3A_174 = arith.constant 8704 : i32
    %add3A_175 = arith.addi %mul3A_173, %add3A_174 : i32
    %add3A_176 = arith.addi %add3A_175, %add3A_34 : i32
    %multiple_of3A_177 = tpu.assume_multiple %add3A_176, 8 : i32
    "tpu.region"() ({
      %run_scoped3A = tpu.sem_alloc : memref<!tpu.dma_semaphore, #tpu.memory_space<semaphore_mem>>
      %dma_start3A = arith.constant 136 : i32
      %dma_start3A_514 = arith.constant 0 : i32
      %dma_start3A_515 = tpu.memref_slice %arg5[%dma_start3A, %dma_start3A_514] : memref<168x512xf32, #tpu.memory_space<vmem>> -> memref<8x512xf32, #tpu.memory_space<vmem>>
      %dma_start3A_516 = arith.constant 0 : i32
      %dma_start3A_517 = tpu.memref_slice %arg2[%multiple_of3A_177, %dma_start3A_516] : memref<43008x512xf32, #tpu.memory_space<hbm>> -> memref<8x512xf32, #tpu.memory_space<hbm>>
      %dma_start3A_518 = arith.constant 136 : i32
      %dma_start3A_519 = arith.constant 0 : i32
      %dma_start3A_520 = tpu.memref_slice %arg5[%dma_start3A_518, %dma_start3A_519] : memref<168x512xf32, #tpu.memory_space<vmem>> -> memref<8x512xf32, #tpu.memory_space<vmem>>
      %dma_start3A_521 = arith.constant 0 : i32
      %dma_start3A_522 = tpu.memref_slice %arg2[%multiple_of3A_177, %dma_start3A_521] : memref<43008x512xf32, #tpu.memory_space<hbm>> -> memref<8x512xf32, #tpu.memory_space<hbm>>
      tpu.enqueue_dma source(%dma_start3A_522 : memref<8x512xf32, #tpu.memory_space<hbm>>) target(%dma_start3A_520 : memref<8x512xf32, #tpu.memory_space<vmem>>) target_semaphore(%run_scoped3A : memref<!tpu.dma_semaphore, #tpu.memory_space<semaphore_mem>>)
      %dma_wait3A = arith.constant 136 : i32
      %dma_wait3A_523 = arith.constant 0 : i32
      %dma_wait3A_524 = tpu.memref_slice %arg5[%dma_wait3A, %dma_wait3A_523] : memref<168x512xf32, #tpu.memory_space<vmem>> -> memref<8x512xf32, #tpu.memory_space<vmem>>
      %dma_wait3A_525 = arith.constant 0 : i32
      %dma_wait3A_526 = tpu.memref_slice %arg2[%multiple_of3A_177, %dma_wait3A_525] : memref<43008x512xf32, #tpu.memory_space<hbm>> -> memref<8x512xf32, #tpu.memory_space<hbm>>
      %dma_wait3A_527 = arith.constant 136 : i32
      %dma_wait3A_528 = arith.constant 0 : i32
      %dma_wait3A_529 = tpu.memref_slice %arg5[%dma_wait3A_527, %dma_wait3A_528] : memref<168x512xf32, #tpu.memory_space<vmem>> -> memref<8x512xf32, #tpu.memory_space<vmem>>
      %dma_wait3A_530 = arith.constant 0 : i32
      %dma_wait3A_531 = tpu.memref_slice %arg2[%multiple_of3A_177, %dma_wait3A_530] : memref<43008x512xf32, #tpu.memory_space<hbm>> -> memref<8x512xf32, #tpu.memory_space<hbm>>
      tpu.wait_dma2 semaphore(%run_scoped3A : memref<!tpu.dma_semaphore, #tpu.memory_space<semaphore_mem>>) src(%dma_wait3A_531 : memref<8x512xf32, #tpu.memory_space<hbm>>) dst(%dma_wait3A_529 : memref<8x512xf32, #tpu.memory_space<vmem>>)
      tpu.yield
    }) : () -> ()
    %mul3A_178 = arith.constant 21 : i32
    %mul3A_179 = arith.muli %select_n3A, %mul3A_178 : i32
    %mul3A_180 = arith.constant 512 : i32
    %mul3A_181 = arith.muli %mul3A_179, %mul3A_180 : i32
    %add3A_182 = arith.constant 9216 : i32
    %add3A_183 = arith.addi %mul3A_181, %add3A_182 : i32
    %add3A_184 = arith.addi %add3A_183, %add3A_34 : i32
    %multiple_of3A_185 = tpu.assume_multiple %add3A_184, 8 : i32
    "tpu.region"() ({
      %run_scoped3A = tpu.sem_alloc : memref<!tpu.dma_semaphore, #tpu.memory_space<semaphore_mem>>
      %dma_start3A = arith.constant 144 : i32
      %dma_start3A_514 = arith.constant 0 : i32
      %dma_start3A_515 = tpu.memref_slice %arg5[%dma_start3A, %dma_start3A_514] : memref<168x512xf32, #tpu.memory_space<vmem>> -> memref<8x512xf32, #tpu.memory_space<vmem>>
      %dma_start3A_516 = arith.constant 0 : i32
      %dma_start3A_517 = tpu.memref_slice %arg2[%multiple_of3A_185, %dma_start3A_516] : memref<43008x512xf32, #tpu.memory_space<hbm>> -> memref<8x512xf32, #tpu.memory_space<hbm>>
      %dma_start3A_518 = arith.constant 144 : i32
      %dma_start3A_519 = arith.constant 0 : i32
      %dma_start3A_520 = tpu.memref_slice %arg5[%dma_start3A_518, %dma_start3A_519] : memref<168x512xf32, #tpu.memory_space<vmem>> -> memref<8x512xf32, #tpu.memory_space<vmem>>
      %dma_start3A_521 = arith.constant 0 : i32
      %dma_start3A_522 = tpu.memref_slice %arg2[%multiple_of3A_185, %dma_start3A_521] : memref<43008x512xf32, #tpu.memory_space<hbm>> -> memref<8x512xf32, #tpu.memory_space<hbm>>
      tpu.enqueue_dma source(%dma_start3A_522 : memref<8x512xf32, #tpu.memory_space<hbm>>) target(%dma_start3A_520 : memref<8x512xf32, #tpu.memory_space<vmem>>) target_semaphore(%run_scoped3A : memref<!tpu.dma_semaphore, #tpu.memory_space<semaphore_mem>>)
      %dma_wait3A = arith.constant 144 : i32
      %dma_wait3A_523 = arith.constant 0 : i32
      %dma_wait3A_524 = tpu.memref_slice %arg5[%dma_wait3A, %dma_wait3A_523] : memref<168x512xf32, #tpu.memory_space<vmem>> -> memref<8x512xf32, #tpu.memory_space<vmem>>
      %dma_wait3A_525 = arith.constant 0 : i32
      %dma_wait3A_526 = tpu.memref_slice %arg2[%multiple_of3A_185, %dma_wait3A_525] : memref<43008x512xf32, #tpu.memory_space<hbm>> -> memref<8x512xf32, #tpu.memory_space<hbm>>
      %dma_wait3A_527 = arith.constant 144 : i32
      %dma_wait3A_528 = arith.constant 0 : i32
      %dma_wait3A_529 = tpu.memref_slice %arg5[%dma_wait3A_527, %dma_wait3A_528] : memref<168x512xf32, #tpu.memory_space<vmem>> -> memref<8x512xf32, #tpu.memory_space<vmem>>
      %dma_wait3A_530 = arith.constant 0 : i32
      %dma_wait3A_531 = tpu.memref_slice %arg2[%multiple_of3A_185, %dma_wait3A_530] : memref<43008x512xf32, #tpu.memory_space<hbm>> -> memref<8x512xf32, #tpu.memory_space<hbm>>
      tpu.wait_dma2 semaphore(%run_scoped3A : memref<!tpu.dma_semaphore, #tpu.memory_space<semaphore_mem>>) src(%dma_wait3A_531 : memref<8x512xf32, #tpu.memory_space<hbm>>) dst(%dma_wait3A_529 : memref<8x512xf32, #tpu.memory_space<vmem>>)
      tpu.yield
    }) : () -> ()
    %mul3A_186 = arith.constant 21 : i32
    %mul3A_187 = arith.muli %select_n3A, %mul3A_186 : i32
    %mul3A_188 = arith.constant 512 : i32
    %mul3A_189 = arith.muli %mul3A_187, %mul3A_188 : i32
    %add3A_190 = arith.constant 9728 : i32
    %add3A_191 = arith.addi %mul3A_189, %add3A_190 : i32
    %add3A_192 = arith.addi %add3A_191, %add3A_34 : i32
    %multiple_of3A_193 = tpu.assume_multiple %add3A_192, 8 : i32
    "tpu.region"() ({
      %run_scoped3A = tpu.sem_alloc : memref<!tpu.dma_semaphore, #tpu.memory_space<semaphore_mem>>
      %dma_start3A = arith.constant 152 : i32
      %dma_start3A_514 = arith.constant 0 : i32
      %dma_start3A_515 = tpu.memref_slice %arg5[%dma_start3A, %dma_start3A_514] : memref<168x512xf32, #tpu.memory_space<vmem>> -> memref<8x512xf32, #tpu.memory_space<vmem>>
      %dma_start3A_516 = arith.constant 0 : i32
      %dma_start3A_517 = tpu.memref_slice %arg2[%multiple_of3A_193, %dma_start3A_516] : memref<43008x512xf32, #tpu.memory_space<hbm>> -> memref<8x512xf32, #tpu.memory_space<hbm>>
      %dma_start3A_518 = arith.constant 152 : i32
      %dma_start3A_519 = arith.constant 0 : i32
      %dma_start3A_520 = tpu.memref_slice %arg5[%dma_start3A_518, %dma_start3A_519] : memref<168x512xf32, #tpu.memory_space<vmem>> -> memref<8x512xf32, #tpu.memory_space<vmem>>
      %dma_start3A_521 = arith.constant 0 : i32
      %dma_start3A_522 = tpu.memref_slice %arg2[%multiple_of3A_193, %dma_start3A_521] : memref<43008x512xf32, #tpu.memory_space<hbm>> -> memref<8x512xf32, #tpu.memory_space<hbm>>
      tpu.enqueue_dma source(%dma_start3A_522 : memref<8x512xf32, #tpu.memory_space<hbm>>) target(%dma_start3A_520 : memref<8x512xf32, #tpu.memory_space<vmem>>) target_semaphore(%run_scoped3A : memref<!tpu.dma_semaphore, #tpu.memory_space<semaphore_mem>>)
      %dma_wait3A = arith.constant 152 : i32
      %dma_wait3A_523 = arith.constant 0 : i32
      %dma_wait3A_524 = tpu.memref_slice %arg5[%dma_wait3A, %dma_wait3A_523] : memref<168x512xf32, #tpu.memory_space<vmem>> -> memref<8x512xf32, #tpu.memory_space<vmem>>
      %dma_wait3A_525 = arith.constant 0 : i32
      %dma_wait3A_526 = tpu.memref_slice %arg2[%multiple_of3A_193, %dma_wait3A_525] : memref<43008x512xf32, #tpu.memory_space<hbm>> -> memref<8x512xf32, #tpu.memory_space<hbm>>
      %dma_wait3A_527 = arith.constant 152 : i32
      %dma_wait3A_528 = arith.constant 0 : i32
      %dma_wait3A_529 = tpu.memref_slice %arg5[%dma_wait3A_527, %dma_wait3A_528] : memref<168x512xf32, #tpu.memory_space<vmem>> -> memref<8x512xf32, #tpu.memory_space<vmem>>
      %dma_wait3A_530 = arith.constant 0 : i32
      %dma_wait3A_531 = tpu.memref_slice %arg2[%multiple_of3A_193, %dma_wait3A_530] : memref<43008x512xf32, #tpu.memory_space<hbm>> -> memref<8x512xf32, #tpu.memory_space<hbm>>
      tpu.wait_dma2 semaphore(%run_scoped3A : memref<!tpu.dma_semaphore, #tpu.memory_space<semaphore_mem>>) src(%dma_wait3A_531 : memref<8x512xf32, #tpu.memory_space<hbm>>) dst(%dma_wait3A_529 : memref<8x512xf32, #tpu.memory_space<vmem>>)
      tpu.yield
    }) : () -> ()
    %mul3A_194 = arith.constant 21 : i32
    %mul3A_195 = arith.muli %select_n3A, %mul3A_194 : i32
    %mul3A_196 = arith.constant 512 : i32
    %mul3A_197 = arith.muli %mul3A_195, %mul3A_196 : i32
    %add3A_198 = arith.constant 10240 : i32
    %add3A_199 = arith.addi %mul3A_197, %add3A_198 : i32
    %add3A_200 = arith.addi %add3A_199, %add3A_34 : i32
    %multiple_of3A_201 = tpu.assume_multiple %add3A_200, 8 : i32
    "tpu.region"() ({
      %run_scoped3A = tpu.sem_alloc : memref<!tpu.dma_semaphore, #tpu.memory_space<semaphore_mem>>
      %dma_start3A = arith.constant 160 : i32
      %dma_start3A_514 = arith.constant 0 : i32
      %dma_start3A_515 = tpu.memref_slice %arg5[%dma_start3A, %dma_start3A_514] : memref<168x512xf32, #tpu.memory_space<vmem>> -> memref<8x512xf32, #tpu.memory_space<vmem>>
      %dma_start3A_516 = arith.constant 0 : i32
      %dma_start3A_517 = tpu.memref_slice %arg2[%multiple_of3A_201, %dma_start3A_516] : memref<43008x512xf32, #tpu.memory_space<hbm>> -> memref<8x512xf32, #tpu.memory_space<hbm>>
      %dma_start3A_518 = arith.constant 160 : i32
      %dma_start3A_519 = arith.constant 0 : i32
      %dma_start3A_520 = tpu.memref_slice %arg5[%dma_start3A_518, %dma_start3A_519] : memref<168x512xf32, #tpu.memory_space<vmem>> -> memref<8x512xf32, #tpu.memory_space<vmem>>
      %dma_start3A_521 = arith.constant 0 : i32
      %dma_start3A_522 = tpu.memref_slice %arg2[%multiple_of3A_201, %dma_start3A_521] : memref<43008x512xf32, #tpu.memory_space<hbm>> -> memref<8x512xf32, #tpu.memory_space<hbm>>
      tpu.enqueue_dma source(%dma_start3A_522 : memref<8x512xf32, #tpu.memory_space<hbm>>) target(%dma_start3A_520 : memref<8x512xf32, #tpu.memory_space<vmem>>) target_semaphore(%run_scoped3A : memref<!tpu.dma_semaphore, #tpu.memory_space<semaphore_mem>>)
      %dma_wait3A = arith.constant 160 : i32
      %dma_wait3A_523 = arith.constant 0 : i32
      %dma_wait3A_524 = tpu.memref_slice %arg5[%dma_wait3A, %dma_wait3A_523] : memref<168x512xf32, #tpu.memory_space<vmem>> -> memref<8x512xf32, #tpu.memory_space<vmem>>
      %dma_wait3A_525 = arith.constant 0 : i32
      %dma_wait3A_526 = tpu.memref_slice %arg2[%multiple_of3A_201, %dma_wait3A_525] : memref<43008x512xf32, #tpu.memory_space<hbm>> -> memref<8x512xf32, #tpu.memory_space<hbm>>
      %dma_wait3A_527 = arith.constant 160 : i32
      %dma_wait3A_528 = arith.constant 0 : i32
      %dma_wait3A_529 = tpu.memref_slice %arg5[%dma_wait3A_527, %dma_wait3A_528] : memref<168x512xf32, #tpu.memory_space<vmem>> -> memref<8x512xf32, #tpu.memory_space<vmem>>
      %dma_wait3A_530 = arith.constant 0 : i32
      %dma_wait3A_531 = tpu.memref_slice %arg2[%multiple_of3A_201, %dma_wait3A_530] : memref<43008x512xf32, #tpu.memory_space<hbm>> -> memref<8x512xf32, #tpu.memory_space<hbm>>
      tpu.wait_dma2 semaphore(%run_scoped3A : memref<!tpu.dma_semaphore, #tpu.memory_space<semaphore_mem>>) src(%dma_wait3A_531 : memref<8x512xf32, #tpu.memory_space<hbm>>) dst(%dma_wait3A_529 : memref<8x512xf32, #tpu.memory_space<vmem>>)
      tpu.yield
    }) : () -> ()
    %mul3A_202 = arith.constant 512 : i32
    %mul3A_203 = arith.muli %select_n3A, %mul3A_202 : i32
    %add3A_204 = arith.addi %mul3A_203, %add3A_34 : i32
    %multiple_of3A_205 = tpu.assume_multiple %add3A_204, 8 : i32
    "tpu.region"() ({
      %run_scoped3A = tpu.sem_alloc : memref<!tpu.dma_semaphore, #tpu.memory_space<semaphore_mem>>
      %dma_start3A = arith.constant 0 : i32
      %dma_start3A_514 = tpu.memref_slice %arg3[%multiple_of3A_205, %dma_start3A] : memref<2048x512xi32, #tpu.memory_space<hbm>> -> memref<8x512xi32, #tpu.memory_space<hbm>>
      %dma_start3A_515 = arith.constant 0 : i32
      %dma_start3A_516 = tpu.memref_slice %arg3[%multiple_of3A_205, %dma_start3A_515] : memref<2048x512xi32, #tpu.memory_space<hbm>> -> memref<8x512xi32, #tpu.memory_space<hbm>>
      tpu.enqueue_dma source(%dma_start3A_516 : memref<8x512xi32, #tpu.memory_space<hbm>>) target(%arg6 : memref<8x512xi32, #tpu.memory_space<vmem>>) target_semaphore(%run_scoped3A : memref<!tpu.dma_semaphore, #tpu.memory_space<semaphore_mem>>)
      %dma_wait3A = arith.constant 0 : i32
      %dma_wait3A_517 = tpu.memref_slice %arg3[%multiple_of3A_205, %dma_wait3A] : memref<2048x512xi32, #tpu.memory_space<hbm>> -> memref<8x512xi32, #tpu.memory_space<hbm>>
      %dma_wait3A_518 = arith.constant 0 : i32
      %dma_wait3A_519 = tpu.memref_slice %arg3[%multiple_of3A_205, %dma_wait3A_518] : memref<2048x512xi32, #tpu.memory_space<hbm>> -> memref<8x512xi32, #tpu.memory_space<hbm>>
      tpu.wait_dma2 semaphore(%run_scoped3A : memref<!tpu.dma_semaphore, #tpu.memory_space<semaphore_mem>>) src(%dma_wait3A_519 : memref<8x512xi32, #tpu.memory_space<hbm>>) dst(%arg6 : memref<8x512xi32, #tpu.memory_space<vmem>>)
      tpu.yield
    }) : () -> ()
    %broadcast_in_dim3A = arith.constant 0.000000e+00 : f32
    %broadcast_in_dim3A_206 = vector.broadcast %broadcast_in_dim3A : f32 to vector<16xf32>
    %swap3A = arith.constant 0 : i32
    %swap3A_207 = arith.index_cast %swap3A : i32 to index
    %swap3A_208 = arith.constant 0 : index
    %swap3A_209 = tpu.vector_load %arg7[%swap3A_207, %swap3A_208] {strides = array<i32>} : memref<64x16xf32, #tpu.memory_space<vmem>>, vector<16xf32>,
    tpu.vector_store %arg7[%swap3A_207, %swap3A_208], %broadcast_in_dim3A_206 {strides = array<i32>} : memref<64x16xf32, #tpu.memory_space<vmem>>, vector<16xf32>,
    %swap3A_210 = arith.constant 1 : i32
    %swap3A_211 = arith.index_cast %swap3A_210 : i32 to index
    %swap3A_212 = arith.constant 0 : index
    %swap3A_213 = tpu.vector_load %arg7[%swap3A_211, %swap3A_212] {strides = array<i32>} : memref<64x16xf32, #tpu.memory_space<vmem>>, vector<16xf32>,
    tpu.vector_store %arg7[%swap3A_211, %swap3A_212], %broadcast_in_dim3A_206 {strides = array<i32>} : memref<64x16xf32, #tpu.memory_space<vmem>>, vector<16xf32>,
    %swap3A_214 = arith.constant 2 : i32
    %swap3A_215 = arith.index_cast %swap3A_214 : i32 to index
    %swap3A_216 = arith.constant 0 : index
    %swap3A_217 = tpu.vector_load %arg7[%swap3A_215, %swap3A_216] {strides = array<i32>} : memref<64x16xf32, #tpu.memory_space<vmem>>, vector<16xf32>,
    tpu.vector_store %arg7[%swap3A_215, %swap3A_216], %broadcast_in_dim3A_206 {strides = array<i32>} : memref<64x16xf32, #tpu.memory_space<vmem>>, vector<16xf32>,
    %swap3A_218 = arith.constant 3 : i32
    %swap3A_219 = arith.index_cast %swap3A_218 : i32 to index
    %swap3A_220 = arith.constant 0 : index
    %swap3A_221 = tpu.vector_load %arg7[%swap3A_219, %swap3A_220] {strides = array<i32>} : memref<64x16xf32, #tpu.memory_space<vmem>>, vector<16xf32>,
    tpu.vector_store %arg7[%swap3A_219, %swap3A_220], %broadcast_in_dim3A_206 {strides = array<i32>} : memref<64x16xf32, #tpu.memory_space<vmem>>, vector<16xf32>,
    %swap3A_222 = arith.constant 4 : i32
    %swap3A_223 = arith.index_cast %swap3A_222 : i32 to index
    %swap3A_224 = arith.constant 0 : index
    %swap3A_225 = tpu.vector_load %arg7[%swap3A_223, %swap3A_224] {strides = array<i32>} : memref<64x16xf32, #tpu.memory_space<vmem>>, vector<16xf32>,
    tpu.vector_store %arg7[%swap3A_223, %swap3A_224], %broadcast_in_dim3A_206 {strides = array<i32>} : memref<64x16xf32, #tpu.memory_space<vmem>>, vector<16xf32>,
    %swap3A_226 = arith.constant 5 : i32
    %swap3A_227 = arith.index_cast %swap3A_226 : i32 to index
    %swap3A_228 = arith.constant 0 : index
    %swap3A_229 = tpu.vector_load %arg7[%swap3A_227, %swap3A_228] {strides = array<i32>} : memref<64x16xf32, #tpu.memory_space<vmem>>, vector<16xf32>,
    tpu.vector_store %arg7[%swap3A_227, %swap3A_228], %broadcast_in_dim3A_206 {strides = array<i32>} : memref<64x16xf32, #tpu.memory_space<vmem>>, vector<16xf32>,
    %swap3A_230 = arith.constant 6 : i32
    %swap3A_231 = arith.index_cast %swap3A_230 : i32 to index
    %swap3A_232 = arith.constant 0 : index
    %swap3A_233 = tpu.vector_load %arg7[%swap3A_231, %swap3A_232] {strides = array<i32>} : memref<64x16xf32, #tpu.memory_space<vmem>>, vector<16xf32>,
    tpu.vector_store %arg7[%swap3A_231, %swap3A_232], %broadcast_in_dim3A_206 {strides = array<i32>} : memref<64x16xf32, #tpu.memory_space<vmem>>, vector<16xf32>,
    %swap3A_234 = arith.constant 7 : i32
    %swap3A_235 = arith.index_cast %swap3A_234 : i32 to index
    %swap3A_236 = arith.constant 0 : index
    %swap3A_237 = tpu.vector_load %arg7[%swap3A_235, %swap3A_236] {strides = array<i32>} : memref<64x16xf32, #tpu.memory_space<vmem>>, vector<16xf32>,
    tpu.vector_store %arg7[%swap3A_235, %swap3A_236], %broadcast_in_dim3A_206 {strides = array<i32>} : memref<64x16xf32, #tpu.memory_space<vmem>>, vector<16xf32>,
    %swap3A_238 = arith.constant 8 : i32
    %swap3A_239 = arith.index_cast %swap3A_238 : i32 to index
    %swap3A_240 = arith.constant 0 : index
    %swap3A_241 = tpu.vector_load %arg7[%swap3A_239, %swap3A_240] {strides = array<i32>} : memref<64x16xf32, #tpu.memory_space<vmem>>, vector<16xf32>,
    tpu.vector_store %arg7[%swap3A_239, %swap3A_240], %broadcast_in_dim3A_206 {strides = array<i32>} : memref<64x16xf32, #tpu.memory_space<vmem>>, vector<16xf32>,
    %swap3A_242 = arith.constant 9 : i32
    %swap3A_243 = arith.index_cast %swap3A_242 : i32 to index
    %swap3A_244 = arith.constant 0 : index
    %swap3A_245 = tpu.vector_load %arg7[%swap3A_243, %swap3A_244] {strides = array<i32>} : memref<64x16xf32, #tpu.memory_space<vmem>>, vector<16xf32>,
    tpu.vector_store %arg7[%swap3A_243, %swap3A_244], %broadcast_in_dim3A_206 {strides = array<i32>} : memref<64x16xf32, #tpu.memory_space<vmem>>, vector<16xf32>,
    %swap3A_246 = arith.constant 10 : i32
    %swap3A_247 = arith.index_cast %swap3A_246 : i32 to index
    %swap3A_248 = arith.constant 0 : index
    %swap3A_249 = tpu.vector_load %arg7[%swap3A_247, %swap3A_248] {strides = array<i32>} : memref<64x16xf32, #tpu.memory_space<vmem>>, vector<16xf32>,
    tpu.vector_store %arg7[%swap3A_247, %swap3A_248], %broadcast_in_dim3A_206 {strides = array<i32>} : memref<64x16xf32, #tpu.memory_space<vmem>>, vector<16xf32>,
    %swap3A_250 = arith.constant 11 : i32
    %swap3A_251 = arith.index_cast %swap3A_250 : i32 to index
    %swap3A_252 = arith.constant 0 : index
    %swap3A_253 = tpu.vector_load %arg7[%swap3A_251, %swap3A_252] {strides = array<i32>} : memref<64x16xf32, #tpu.memory_space<vmem>>, vector<16xf32>,
    tpu.vector_store %arg7[%swap3A_251, %swap3A_252], %broadcast_in_dim3A_206 {strides = array<i32>} : memref<64x16xf32, #tpu.memory_space<vmem>>, vector<16xf32>,
    %swap3A_254 = arith.constant 12 : i32
    %swap3A_255 = arith.index_cast %swap3A_254 : i32 to index
    %swap3A_256 = arith.constant 0 : index
    %swap3A_257 = tpu.vector_load %arg7[%swap3A_255, %swap3A_256] {strides = array<i32>} : memref<64x16xf32, #tpu.memory_space<vmem>>, vector<16xf32>,
    tpu.vector_store %arg7[%swap3A_255, %swap3A_256], %broadcast_in_dim3A_206 {strides = array<i32>} : memref<64x16xf32, #tpu.memory_space<vmem>>, vector<16xf32>,
    %swap3A_258 = arith.constant 13 : i32
    %swap3A_259 = arith.index_cast %swap3A_258 : i32 to index
    %swap3A_260 = arith.constant 0 : index
    %swap3A_261 = tpu.vector_load %arg7[%swap3A_259, %swap3A_260] {strides = array<i32>} : memref<64x16xf32, #tpu.memory_space<vmem>>, vector<16xf32>,
    tpu.vector_store %arg7[%swap3A_259, %swap3A_260], %broadcast_in_dim3A_206 {strides = array<i32>} : memref<64x16xf32, #tpu.memory_space<vmem>>, vector<16xf32>,
    %swap3A_262 = arith.constant 14 : i32
    %swap3A_263 = arith.index_cast %swap3A_262 : i32 to index
    %swap3A_264 = arith.constant 0 : index
    %swap3A_265 = tpu.vector_load %arg7[%swap3A_263, %swap3A_264] {strides = array<i32>} : memref<64x16xf32, #tpu.memory_space<vmem>>, vector<16xf32>,
    tpu.vector_store %arg7[%swap3A_263, %swap3A_264], %broadcast_in_dim3A_206 {strides = array<i32>} : memref<64x16xf32, #tpu.memory_space<vmem>>, vector<16xf32>,
    %swap3A_266 = arith.constant 15 : i32
    %swap3A_267 = arith.index_cast %swap3A_266 : i32 to index
    %swap3A_268 = arith.constant 0 : index
    %swap3A_269 = tpu.vector_load %arg7[%swap3A_267, %swap3A_268] {strides = array<i32>} : memref<64x16xf32, #tpu.memory_space<vmem>>, vector<16xf32>,
    tpu.vector_store %arg7[%swap3A_267, %swap3A_268], %broadcast_in_dim3A_206 {strides = array<i32>} : memref<64x16xf32, #tpu.memory_space<vmem>>, vector<16xf32>,
    %swap3A_270 = arith.constant 16 : i32
    %swap3A_271 = arith.index_cast %swap3A_270 : i32 to index
    %swap3A_272 = arith.constant 0 : index
    %swap3A_273 = tpu.vector_load %arg7[%swap3A_271, %swap3A_272] {strides = array<i32>} : memref<64x16xf32, #tpu.memory_space<vmem>>, vector<16xf32>,
    tpu.vector_store %arg7[%swap3A_271, %swap3A_272], %broadcast_in_dim3A_206 {strides = array<i32>} : memref<64x16xf32, #tpu.memory_space<vmem>>, vector<16xf32>,
    %swap3A_274 = arith.constant 17 : i32
    %swap3A_275 = arith.index_cast %swap3A_274 : i32 to index
    %swap3A_276 = arith.constant 0 : index
    %swap3A_277 = tpu.vector_load %arg7[%swap3A_275, %swap3A_276] {strides = array<i32>} : memref<64x16xf32, #tpu.memory_space<vmem>>, vector<16xf32>,
    tpu.vector_store %arg7[%swap3A_275, %swap3A_276], %broadcast_in_dim3A_206 {strides = array<i32>} : memref<64x16xf32, #tpu.memory_space<vmem>>, vector<16xf32>,
    %swap3A_278 = arith.constant 18 : i32
    %swap3A_279 = arith.index_cast %swap3A_278 : i32 to index
    %swap3A_280 = arith.constant 0 : index
    %swap3A_281 = tpu.vector_load %arg7[%swap3A_279, %swap3A_280] {strides = array<i32>} : memref<64x16xf32, #tpu.memory_space<vmem>>, vector<16xf32>,
    tpu.vector_store %arg7[%swap3A_279, %swap3A_280], %broadcast_in_dim3A_206 {strides = array<i32>} : memref<64x16xf32, #tpu.memory_space<vmem>>, vector<16xf32>,
    %swap3A_282 = arith.constant 19 : i32
    %swap3A_283 = arith.index_cast %swap3A_282 : i32 to index
    %swap3A_284 = arith.constant 0 : index
    %swap3A_285 = tpu.vector_load %arg7[%swap3A_283, %swap3A_284] {strides = array<i32>} : memref<64x16xf32, #tpu.memory_space<vmem>>, vector<16xf32>,
    tpu.vector_store %arg7[%swap3A_283, %swap3A_284], %broadcast_in_dim3A_206 {strides = array<i32>} : memref<64x16xf32, #tpu.memory_space<vmem>>, vector<16xf32>,
    %swap3A_286 = arith.constant 20 : i32
    %swap3A_287 = arith.index_cast %swap3A_286 : i32 to index
    %swap3A_288 = arith.constant 0 : index
    %swap3A_289 = tpu.vector_load %arg7[%swap3A_287, %swap3A_288] {strides = array<i32>} : memref<64x16xf32, #tpu.memory_space<vmem>>, vector<16xf32>,
    tpu.vector_store %arg7[%swap3A_287, %swap3A_288], %broadcast_in_dim3A_206 {strides = array<i32>} : memref<64x16xf32, #tpu.memory_space<vmem>>, vector<16xf32>,
    %swap3A_290 = arith.constant 21 : i32
    %swap3A_291 = arith.index_cast %swap3A_290 : i32 to index
    %swap3A_292 = arith.constant 0 : index
    %swap3A_293 = tpu.vector_load %arg7[%swap3A_291, %swap3A_292] {strides = array<i32>} : memref<64x16xf32, #tpu.memory_space<vmem>>, vector<16xf32>,
    tpu.vector_store %arg7[%swap3A_291, %swap3A_292], %broadcast_in_dim3A_206 {strides = array<i32>} : memref<64x16xf32, #tpu.memory_space<vmem>>, vector<16xf32>,
    %swap3A_294 = arith.constant 22 : i32
    %swap3A_295 = arith.index_cast %swap3A_294 : i32 to index
    %swap3A_296 = arith.constant 0 : index
    %swap3A_297 = tpu.vector_load %arg7[%swap3A_295, %swap3A_296] {strides = array<i32>} : memref<64x16xf32, #tpu.memory_space<vmem>>, vector<16xf32>,
    tpu.vector_store %arg7[%swap3A_295, %swap3A_296], %broadcast_in_dim3A_206 {strides = array<i32>} : memref<64x16xf32, #tpu.memory_space<vmem>>, vector<16xf32>,
    %swap3A_298 = arith.constant 23 : i32
    %swap3A_299 = arith.index_cast %swap3A_298 : i32 to index
    %swap3A_300 = arith.constant 0 : index
    %swap3A_301 = tpu.vector_load %arg7[%swap3A_299, %swap3A_300] {strides = array<i32>} : memref<64x16xf32, #tpu.memory_space<vmem>>, vector<16xf32>,
    tpu.vector_store %arg7[%swap3A_299, %swap3A_300], %broadcast_in_dim3A_206 {strides = array<i32>} : memref<64x16xf32, #tpu.memory_space<vmem>>, vector<16xf32>,
    %swap3A_302 = arith.constant 24 : i32
    %swap3A_303 = arith.index_cast %swap3A_302 : i32 to index
    %swap3A_304 = arith.constant 0 : index
    %swap3A_305 = tpu.vector_load %arg7[%swap3A_303, %swap3A_304] {strides = array<i32>} : memref<64x16xf32, #tpu.memory_space<vmem>>, vector<16xf32>,
    tpu.vector_store %arg7[%swap3A_303, %swap3A_304], %broadcast_in_dim3A_206 {strides = array<i32>} : memref<64x16xf32, #tpu.memory_space<vmem>>, vector<16xf32>,
    %swap3A_306 = arith.constant 25 : i32
    %swap3A_307 = arith.index_cast %swap3A_306 : i32 to index
    %swap3A_308 = arith.constant 0 : index
    %swap3A_309 = tpu.vector_load %arg7[%swap3A_307, %swap3A_308] {strides = array<i32>} : memref<64x16xf32, #tpu.memory_space<vmem>>, vector<16xf32>,
    tpu.vector_store %arg7[%swap3A_307, %swap3A_308], %broadcast_in_dim3A_206 {strides = array<i32>} : memref<64x16xf32, #tpu.memory_space<vmem>>, vector<16xf32>,
    %swap3A_310 = arith.constant 26 : i32
    %swap3A_311 = arith.index_cast %swap3A_310 : i32 to index
    %swap3A_312 = arith.constant 0 : index
    %swap3A_313 = tpu.vector_load %arg7[%swap3A_311, %swap3A_312] {strides = array<i32>} : memref<64x16xf32, #tpu.memory_space<vmem>>, vector<16xf32>,
    tpu.vector_store %arg7[%swap3A_311, %swap3A_312], %broadcast_in_dim3A_206 {strides = array<i32>} : memref<64x16xf32, #tpu.memory_space<vmem>>, vector<16xf32>,
    %swap3A_314 = arith.constant 27 : i32
    %swap3A_315 = arith.index_cast %swap3A_314 : i32 to index
    %swap3A_316 = arith.constant 0 : index
    %swap3A_317 = tpu.vector_load %arg7[%swap3A_315, %swap3A_316] {strides = array<i32>} : memref<64x16xf32, #tpu.memory_space<vmem>>, vector<16xf32>,
    tpu.vector_store %arg7[%swap3A_315, %swap3A_316], %broadcast_in_dim3A_206 {strides = array<i32>} : memref<64x16xf32, #tpu.memory_space<vmem>>, vector<16xf32>,
    %swap3A_318 = arith.constant 28 : i32
    %swap3A_319 = arith.index_cast %swap3A_318 : i32 to index
    %swap3A_320 = arith.constant 0 : index
    %swap3A_321 = tpu.vector_load %arg7[%swap3A_319, %swap3A_320] {strides = array<i32>} : memref<64x16xf32, #tpu.memory_space<vmem>>, vector<16xf32>,
    tpu.vector_store %arg7[%swap3A_319, %swap3A_320], %broadcast_in_dim3A_206 {strides = array<i32>} : memref<64x16xf32, #tpu.memory_space<vmem>>, vector<16xf32>,
    %swap3A_322 = arith.constant 29 : i32
    %swap3A_323 = arith.index_cast %swap3A_322 : i32 to index
    %swap3A_324 = arith.constant 0 : index
    %swap3A_325 = tpu.vector_load %arg7[%swap3A_323, %swap3A_324] {strides = array<i32>} : memref<64x16xf32, #tpu.memory_space<vmem>>, vector<16xf32>,
    tpu.vector_store %arg7[%swap3A_323, %swap3A_324], %broadcast_in_dim3A_206 {strides = array<i32>} : memref<64x16xf32, #tpu.memory_space<vmem>>, vector<16xf32>,
    %swap3A_326 = arith.constant 30 : i32
    %swap3A_327 = arith.index_cast %swap3A_326 : i32 to index
    %swap3A_328 = arith.constant 0 : index
    %swap3A_329 = tpu.vector_load %arg7[%swap3A_327, %swap3A_328] {strides = array<i32>} : memref<64x16xf32, #tpu.memory_space<vmem>>, vector<16xf32>,
    tpu.vector_store %arg7[%swap3A_327, %swap3A_328], %broadcast_in_dim3A_206 {strides = array<i32>} : memref<64x16xf32, #tpu.memory_space<vmem>>, vector<16xf32>,
    %swap3A_330 = arith.constant 31 : i32
    %swap3A_331 = arith.index_cast %swap3A_330 : i32 to index
    %swap3A_332 = arith.constant 0 : index
    %swap3A_333 = tpu.vector_load %arg7[%swap3A_331, %swap3A_332] {strides = array<i32>} : memref<64x16xf32, #tpu.memory_space<vmem>>, vector<16xf32>,
    tpu.vector_store %arg7[%swap3A_331, %swap3A_332], %broadcast_in_dim3A_206 {strides = array<i32>} : memref<64x16xf32, #tpu.memory_space<vmem>>, vector<16xf32>,
    %swap3A_334 = arith.constant 32 : i32
    %swap3A_335 = arith.index_cast %swap3A_334 : i32 to index
    %swap3A_336 = arith.constant 0 : index
    %swap3A_337 = tpu.vector_load %arg7[%swap3A_335, %swap3A_336] {strides = array<i32>} : memref<64x16xf32, #tpu.memory_space<vmem>>, vector<16xf32>,
    tpu.vector_store %arg7[%swap3A_335, %swap3A_336], %broadcast_in_dim3A_206 {strides = array<i32>} : memref<64x16xf32, #tpu.memory_space<vmem>>, vector<16xf32>,
    %swap3A_338 = arith.constant 33 : i32
    %swap3A_339 = arith.index_cast %swap3A_338 : i32 to index
    %swap3A_340 = arith.constant 0 : index
    %swap3A_341 = tpu.vector_load %arg7[%swap3A_339, %swap3A_340] {strides = array<i32>} : memref<64x16xf32, #tpu.memory_space<vmem>>, vector<16xf32>,
    tpu.vector_store %arg7[%swap3A_339, %swap3A_340], %broadcast_in_dim3A_206 {strides = array<i32>} : memref<64x16xf32, #tpu.memory_space<vmem>>, vector<16xf32>,
    %swap3A_342 = arith.constant 34 : i32
    %swap3A_343 = arith.index_cast %swap3A_342 : i32 to index
    %swap3A_344 = arith.constant 0 : index
    %swap3A_345 = tpu.vector_load %arg7[%swap3A_343, %swap3A_344] {strides = array<i32>} : memref<64x16xf32, #tpu.memory_space<vmem>>, vector<16xf32>,
    tpu.vector_store %arg7[%swap3A_343, %swap3A_344], %broadcast_in_dim3A_206 {strides = array<i32>} : memref<64x16xf32, #tpu.memory_space<vmem>>, vector<16xf32>,
    %swap3A_346 = arith.constant 35 : i32
    %swap3A_347 = arith.index_cast %swap3A_346 : i32 to index
    %swap3A_348 = arith.constant 0 : index
    %swap3A_349 = tpu.vector_load %arg7[%swap3A_347, %swap3A_348] {strides = array<i32>} : memref<64x16xf32, #tpu.memory_space<vmem>>, vector<16xf32>,
    tpu.vector_store %arg7[%swap3A_347, %swap3A_348], %broadcast_in_dim3A_206 {strides = array<i32>} : memref<64x16xf32, #tpu.memory_space<vmem>>, vector<16xf32>,
    %swap3A_350 = arith.constant 36 : i32
    %swap3A_351 = arith.index_cast %swap3A_350 : i32 to index
    %swap3A_352 = arith.constant 0 : index
    %swap3A_353 = tpu.vector_load %arg7[%swap3A_351, %swap3A_352] {strides = array<i32>} : memref<64x16xf32, #tpu.memory_space<vmem>>, vector<16xf32>,
    tpu.vector_store %arg7[%swap3A_351, %swap3A_352], %broadcast_in_dim3A_206 {strides = array<i32>} : memref<64x16xf32, #tpu.memory_space<vmem>>, vector<16xf32>,
    %swap3A_354 = arith.constant 37 : i32
    %swap3A_355 = arith.index_cast %swap3A_354 : i32 to index
    %swap3A_356 = arith.constant 0 : index
    %swap3A_357 = tpu.vector_load %arg7[%swap3A_355, %swap3A_356] {strides = array<i32>} : memref<64x16xf32, #tpu.memory_space<vmem>>, vector<16xf32>,
    tpu.vector_store %arg7[%swap3A_355, %swap3A_356], %broadcast_in_dim3A_206 {strides = array<i32>} : memref<64x16xf32, #tpu.memory_space<vmem>>, vector<16xf32>,
    %swap3A_358 = arith.constant 38 : i32
    %swap3A_359 = arith.index_cast %swap3A_358 : i32 to index
    %swap3A_360 = arith.constant 0 : index
    %swap3A_361 = tpu.vector_load %arg7[%swap3A_359, %swap3A_360] {strides = array<i32>} : memref<64x16xf32, #tpu.memory_space<vmem>>, vector<16xf32>,
    tpu.vector_store %arg7[%swap3A_359, %swap3A_360], %broadcast_in_dim3A_206 {strides = array<i32>} : memref<64x16xf32, #tpu.memory_space<vmem>>, vector<16xf32>,
    %swap3A_362 = arith.constant 39 : i32
    %swap3A_363 = arith.index_cast %swap3A_362 : i32 to index
    %swap3A_364 = arith.constant 0 : index
    %swap3A_365 = tpu.vector_load %arg7[%swap3A_363, %swap3A_364] {strides = array<i32>} : memref<64x16xf32, #tpu.memory_space<vmem>>, vector<16xf32>,
    tpu.vector_store %arg7[%swap3A_363, %swap3A_364], %broadcast_in_dim3A_206 {strides = array<i32>} : memref<64x16xf32, #tpu.memory_space<vmem>>, vector<16xf32>,
    %swap3A_366 = arith.constant 40 : i32
    %swap3A_367 = arith.index_cast %swap3A_366 : i32 to index
    %swap3A_368 = arith.constant 0 : index
    %swap3A_369 = tpu.vector_load %arg7[%swap3A_367, %swap3A_368] {strides = array<i32>} : memref<64x16xf32, #tpu.memory_space<vmem>>, vector<16xf32>,
    tpu.vector_store %arg7[%swap3A_367, %swap3A_368], %broadcast_in_dim3A_206 {strides = array<i32>} : memref<64x16xf32, #tpu.memory_space<vmem>>, vector<16xf32>,
    %swap3A_370 = arith.constant 41 : i32
    %swap3A_371 = arith.index_cast %swap3A_370 : i32 to index
    %swap3A_372 = arith.constant 0 : index
    %swap3A_373 = tpu.vector_load %arg7[%swap3A_371, %swap3A_372] {strides = array<i32>} : memref<64x16xf32, #tpu.memory_space<vmem>>, vector<16xf32>,
    tpu.vector_store %arg7[%swap3A_371, %swap3A_372], %broadcast_in_dim3A_206 {strides = array<i32>} : memref<64x16xf32, #tpu.memory_space<vmem>>, vector<16xf32>,
    %swap3A_374 = arith.constant 42 : i32
    %swap3A_375 = arith.index_cast %swap3A_374 : i32 to index
    %swap3A_376 = arith.constant 0 : index
    %swap3A_377 = tpu.vector_load %arg7[%swap3A_375, %swap3A_376] {strides = array<i32>} : memref<64x16xf32, #tpu.memory_space<vmem>>, vector<16xf32>,
    tpu.vector_store %arg7[%swap3A_375, %swap3A_376], %broadcast_in_dim3A_206 {strides = array<i32>} : memref<64x16xf32, #tpu.memory_space<vmem>>, vector<16xf32>,
    %swap3A_378 = arith.constant 43 : i32
    %swap3A_379 = arith.index_cast %swap3A_378 : i32 to index
    %swap3A_380 = arith.constant 0 : index
    %swap3A_381 = tpu.vector_load %arg7[%swap3A_379, %swap3A_380] {strides = array<i32>} : memref<64x16xf32, #tpu.memory_space<vmem>>, vector<16xf32>,
    tpu.vector_store %arg7[%swap3A_379, %swap3A_380], %broadcast_in_dim3A_206 {strides = array<i32>} : memref<64x16xf32, #tpu.memory_space<vmem>>, vector<16xf32>,
    %swap3A_382 = arith.constant 44 : i32
    %swap3A_383 = arith.index_cast %swap3A_382 : i32 to index
    %swap3A_384 = arith.constant 0 : index
    %swap3A_385 = tpu.vector_load %arg7[%swap3A_383, %swap3A_384] {strides = array<i32>} : memref<64x16xf32, #tpu.memory_space<vmem>>, vector<16xf32>,
    tpu.vector_store %arg7[%swap3A_383, %swap3A_384], %broadcast_in_dim3A_206 {strides = array<i32>} : memref<64x16xf32, #tpu.memory_space<vmem>>, vector<16xf32>,
    %swap3A_386 = arith.constant 45 : i32
    %swap3A_387 = arith.index_cast %swap3A_386 : i32 to index
    %swap3A_388 = arith.constant 0 : index
    %swap3A_389 = tpu.vector_load %arg7[%swap3A_387, %swap3A_388] {strides = array<i32>} : memref<64x16xf32, #tpu.memory_space<vmem>>, vector<16xf32>,
    tpu.vector_store %arg7[%swap3A_387, %swap3A_388], %broadcast_in_dim3A_206 {strides = array<i32>} : memref<64x16xf32, #tpu.memory_space<vmem>>, vector<16xf32>,
    %swap3A_390 = arith.constant 46 : i32
    %swap3A_391 = arith.index_cast %swap3A_390 : i32 to index
    %swap3A_392 = arith.constant 0 : index
    %swap3A_393 = tpu.vector_load %arg7[%swap3A_391, %swap3A_392] {strides = array<i32>} : memref<64x16xf32, #tpu.memory_space<vmem>>, vector<16xf32>,
    tpu.vector_store %arg7[%swap3A_391, %swap3A_392], %broadcast_in_dim3A_206 {strides = array<i32>} : memref<64x16xf32, #tpu.memory_space<vmem>>, vector<16xf32>,
    %swap3A_394 = arith.constant 47 : i32
    %swap3A_395 = arith.index_cast %swap3A_394 : i32 to index
    %swap3A_396 = arith.constant 0 : index
    %swap3A_397 = tpu.vector_load %arg7[%swap3A_395, %swap3A_396] {strides = array<i32>} : memref<64x16xf32, #tpu.memory_space<vmem>>, vector<16xf32>,
    tpu.vector_store %arg7[%swap3A_395, %swap3A_396], %broadcast_in_dim3A_206 {strides = array<i32>} : memref<64x16xf32, #tpu.memory_space<vmem>>, vector<16xf32>,
    %swap3A_398 = arith.constant 48 : i32
    %swap3A_399 = arith.index_cast %swap3A_398 : i32 to index
    %swap3A_400 = arith.constant 0 : index
    %swap3A_401 = tpu.vector_load %arg7[%swap3A_399, %swap3A_400] {strides = array<i32>} : memref<64x16xf32, #tpu.memory_space<vmem>>, vector<16xf32>,
    tpu.vector_store %arg7[%swap3A_399, %swap3A_400], %broadcast_in_dim3A_206 {strides = array<i32>} : memref<64x16xf32, #tpu.memory_space<vmem>>, vector<16xf32>,
    %swap3A_402 = arith.constant 49 : i32
    %swap3A_403 = arith.index_cast %swap3A_402 : i32 to index
    %swap3A_404 = arith.constant 0 : index
    %swap3A_405 = tpu.vector_load %arg7[%swap3A_403, %swap3A_404] {strides = array<i32>} : memref<64x16xf32, #tpu.memory_space<vmem>>, vector<16xf32>,
    tpu.vector_store %arg7[%swap3A_403, %swap3A_404], %broadcast_in_dim3A_206 {strides = array<i32>} : memref<64x16xf32, #tpu.memory_space<vmem>>, vector<16xf32>,
    %swap3A_406 = arith.constant 50 : i32
    %swap3A_407 = arith.index_cast %swap3A_406 : i32 to index
    %swap3A_408 = arith.constant 0 : index
    %swap3A_409 = tpu.vector_load %arg7[%swap3A_407, %swap3A_408] {strides = array<i32>} : memref<64x16xf32, #tpu.memory_space<vmem>>, vector<16xf32>,
    tpu.vector_store %arg7[%swap3A_407, %swap3A_408], %broadcast_in_dim3A_206 {strides = array<i32>} : memref<64x16xf32, #tpu.memory_space<vmem>>, vector<16xf32>,
    %swap3A_410 = arith.constant 51 : i32
    %swap3A_411 = arith.index_cast %swap3A_410 : i32 to index
    %swap3A_412 = arith.constant 0 : index
    %swap3A_413 = tpu.vector_load %arg7[%swap3A_411, %swap3A_412] {strides = array<i32>} : memref<64x16xf32, #tpu.memory_space<vmem>>, vector<16xf32>,
    tpu.vector_store %arg7[%swap3A_411, %swap3A_412], %broadcast_in_dim3A_206 {strides = array<i32>} : memref<64x16xf32, #tpu.memory_space<vmem>>, vector<16xf32>,
    %swap3A_414 = arith.constant 52 : i32
    %swap3A_415 = arith.index_cast %swap3A_414 : i32 to index
    %swap3A_416 = arith.constant 0 : index
    %swap3A_417 = tpu.vector_load %arg7[%swap3A_415, %swap3A_416] {strides = array<i32>} : memref<64x16xf32, #tpu.memory_space<vmem>>, vector<16xf32>,
    tpu.vector_store %arg7[%swap3A_415, %swap3A_416], %broadcast_in_dim3A_206 {strides = array<i32>} : memref<64x16xf32, #tpu.memory_space<vmem>>, vector<16xf32>,
    %swap3A_418 = arith.constant 53 : i32
    %swap3A_419 = arith.index_cast %swap3A_418 : i32 to index
    %swap3A_420 = arith.constant 0 : index
    %swap3A_421 = tpu.vector_load %arg7[%swap3A_419, %swap3A_420] {strides = array<i32>} : memref<64x16xf32, #tpu.memory_space<vmem>>, vector<16xf32>,
    tpu.vector_store %arg7[%swap3A_419, %swap3A_420], %broadcast_in_dim3A_206 {strides = array<i32>} : memref<64x16xf32, #tpu.memory_space<vmem>>, vector<16xf32>,
    %swap3A_422 = arith.constant 54 : i32
    %swap3A_423 = arith.index_cast %swap3A_422 : i32 to index
    %swap3A_424 = arith.constant 0 : index
    %swap3A_425 = tpu.vector_load %arg7[%swap3A_423, %swap3A_424] {strides = array<i32>} : memref<64x16xf32, #tpu.memory_space<vmem>>, vector<16xf32>,
    tpu.vector_store %arg7[%swap3A_423, %swap3A_424], %broadcast_in_dim3A_206 {strides = array<i32>} : memref<64x16xf32, #tpu.memory_space<vmem>>, vector<16xf32>,
    %swap3A_426 = arith.constant 55 : i32
    %swap3A_427 = arith.index_cast %swap3A_426 : i32 to index
    %swap3A_428 = arith.constant 0 : index
    %swap3A_429 = tpu.vector_load %arg7[%swap3A_427, %swap3A_428] {strides = array<i32>} : memref<64x16xf32, #tpu.memory_space<vmem>>, vector<16xf32>,
    tpu.vector_store %arg7[%swap3A_427, %swap3A_428], %broadcast_in_dim3A_206 {strides = array<i32>} : memref<64x16xf32, #tpu.memory_space<vmem>>, vector<16xf32>,
    %swap3A_430 = arith.constant 56 : i32
    %swap3A_431 = arith.index_cast %swap3A_430 : i32 to index
    %swap3A_432 = arith.constant 0 : index
    %swap3A_433 = tpu.vector_load %arg7[%swap3A_431, %swap3A_432] {strides = array<i32>} : memref<64x16xf32, #tpu.memory_space<vmem>>, vector<16xf32>,
    tpu.vector_store %arg7[%swap3A_431, %swap3A_432], %broadcast_in_dim3A_206 {strides = array<i32>} : memref<64x16xf32, #tpu.memory_space<vmem>>, vector<16xf32>,
    %swap3A_434 = arith.constant 57 : i32
    %swap3A_435 = arith.index_cast %swap3A_434 : i32 to index
    %swap3A_436 = arith.constant 0 : index
    %swap3A_437 = tpu.vector_load %arg7[%swap3A_435, %swap3A_436] {strides = array<i32>} : memref<64x16xf32, #tpu.memory_space<vmem>>, vector<16xf32>,
    tpu.vector_store %arg7[%swap3A_435, %swap3A_436], %broadcast_in_dim3A_206 {strides = array<i32>} : memref<64x16xf32, #tpu.memory_space<vmem>>, vector<16xf32>,
    %swap3A_438 = arith.constant 58 : i32
    %swap3A_439 = arith.index_cast %swap3A_438 : i32 to index
    %swap3A_440 = arith.constant 0 : index
    %swap3A_441 = tpu.vector_load %arg7[%swap3A_439, %swap3A_440] {strides = array<i32>} : memref<64x16xf32, #tpu.memory_space<vmem>>, vector<16xf32>,
    tpu.vector_store %arg7[%swap3A_439, %swap3A_440], %broadcast_in_dim3A_206 {strides = array<i32>} : memref<64x16xf32, #tpu.memory_space<vmem>>, vector<16xf32>,
    %swap3A_442 = arith.constant 59 : i32
    %swap3A_443 = arith.index_cast %swap3A_442 : i32 to index
    %swap3A_444 = arith.constant 0 : index
    %swap3A_445 = tpu.vector_load %arg7[%swap3A_443, %swap3A_444] {strides = array<i32>} : memref<64x16xf32, #tpu.memory_space<vmem>>, vector<16xf32>,
    tpu.vector_store %arg7[%swap3A_443, %swap3A_444], %broadcast_in_dim3A_206 {strides = array<i32>} : memref<64x16xf32, #tpu.memory_space<vmem>>, vector<16xf32>,
    %swap3A_446 = arith.constant 60 : i32
    %swap3A_447 = arith.index_cast %swap3A_446 : i32 to index
    %swap3A_448 = arith.constant 0 : index
    %swap3A_449 = tpu.vector_load %arg7[%swap3A_447, %swap3A_448] {strides = array<i32>} : memref<64x16xf32, #tpu.memory_space<vmem>>, vector<16xf32>,
    tpu.vector_store %arg7[%swap3A_447, %swap3A_448], %broadcast_in_dim3A_206 {strides = array<i32>} : memref<64x16xf32, #tpu.memory_space<vmem>>, vector<16xf32>,
    %swap3A_450 = arith.constant 61 : i32
    %swap3A_451 = arith.index_cast %swap3A_450 : i32 to index
    %swap3A_452 = arith.constant 0 : index
    %swap3A_453 = tpu.vector_load %arg7[%swap3A_451, %swap3A_452] {strides = array<i32>} : memref<64x16xf32, #tpu.memory_space<vmem>>, vector<16xf32>,
    tpu.vector_store %arg7[%swap3A_451, %swap3A_452], %broadcast_in_dim3A_206 {strides = array<i32>} : memref<64x16xf32, #tpu.memory_space<vmem>>, vector<16xf32>,
    %swap3A_454 = arith.constant 62 : i32
    %swap3A_455 = arith.index_cast %swap3A_454 : i32 to index
    %swap3A_456 = arith.constant 0 : index
    %swap3A_457 = tpu.vector_load %arg7[%swap3A_455, %swap3A_456] {strides = array<i32>} : memref<64x16xf32, #tpu.memory_space<vmem>>, vector<16xf32>,
    tpu.vector_store %arg7[%swap3A_455, %swap3A_456], %broadcast_in_dim3A_206 {strides = array<i32>} : memref<64x16xf32, #tpu.memory_space<vmem>>, vector<16xf32>,
    %swap3A_458 = arith.constant 63 : i32
    %swap3A_459 = arith.index_cast %swap3A_458 : i32 to index
    %swap3A_460 = arith.constant 0 : index
    %swap3A_461 = tpu.vector_load %arg7[%swap3A_459, %swap3A_460] {strides = array<i32>} : memref<64x16xf32, #tpu.memory_space<vmem>>, vector<16xf32>,
    tpu.vector_store %arg7[%swap3A_459, %swap3A_460], %broadcast_in_dim3A_206 {strides = array<i32>} : memref<64x16xf32, #tpu.memory_space<vmem>>, vector<16xf32>,
    %iota3A = tpu.iota {dimensions = array<i32: 0>} : vector<16xi32>
    %broadcast_in_dim3A_462 = arith.constant 1.000000e+00 : f32
    %broadcast_in_dim3A_463 = vector.broadcast %broadcast_in_dim3A_462 : f32 to vector<16xf32>
    %scan3A = arith.constant 0 : i32
    %scan3A_464 = arith.constant 0 : i32
    %scan3A_465 = arith.constant 32 : i32
    %scan3A_466 = arith.addi %scan3A_464, %scan3A_465 : i32
    %scan3A_467 = arith.constant 1 : i32
    scf.for %scan3A_514 = %scan3A_464 to %scan3A_466 step %scan3A_467  : i32 {
      %mul3A_515 = arith.constant 16 : i32
      %mul3A_516 = arith.muli %scan3A_514, %mul3A_515 : i32
      %get3A = arith.constant 0 : i32
      %get3A_517 = arith.index_cast %get3A : i32 to index
      %get3A_518 = arith.index_cast %mul3A_516 : i32 to index
      %get3A_519 = tpu.vector_load %arg6[%get3A_517, %get3A_518] {strides = array<i32>} : memref<8x512xi32, #tpu.memory_space<vmem>>, vector<16xi32>,
      %get3A_520 = arith.constant 0 : i32
      %get3A_521 = arith.index_cast %get3A_520 : i32 to index
      %get3A_522 = arith.index_cast %mul3A_516 : i32 to index
      %get3A_523 = tpu.vector_load %arg5[%get3A_521, %get3A_522] {strides = array<i32>} : memref<168x512xf32, #tpu.memory_space<vmem>>, vector<16xf32>,
      %exp3A = math.exp %get3A_523 : vector<16xf32>
      %get3A_524 = arith.constant 8 : i32
      %get3A_525 = arith.index_cast %get3A_524 : i32 to index
      %get3A_526 = arith.index_cast %mul3A_516 : i32 to index
      %get3A_527 = tpu.vector_load %arg5[%get3A_525, %get3A_526] {strides = array<i32>} : memref<168x512xf32, #tpu.memory_space<vmem>>, vector<16xf32>,
      %max3A = arith.maximumf %get3A_523, %get3A_527 : vector<16xf32>
      %exp3A_528 = math.exp %get3A_527 : vector<16xf32>
      %add3A_529 = arith.addf %exp3A, %exp3A_528 : vector<16xf32>
      %eq3A_530 = arith.constant 1 : i32
      %eq3A_531 = vector.broadcast %eq3A_530 : i32 to vector<16xi32>
      %eq3A_532 = arith.cmpi eq, %get3A_519, %eq3A_531 : vector<16xi32>
      %select_n3A_533 = arith.select %eq3A_532, %get3A_527, %get3A_523 : vector<16xi1>, vector<16xf32>
      %get3A_534 = arith.constant 16 : i32
      %get3A_535 = arith.index_cast %get3A_534 : i32 to index
      %get3A_536 = arith.index_cast %mul3A_516 : i32 to index
      %get3A_537 = tpu.vector_load %arg5[%get3A_535, %get3A_536] {strides = array<i32>} : memref<168x512xf32, #tpu.memory_space<vmem>>, vector<16xf32>,
      %max3A_538 = arith.maximumf %max3A, %get3A_537 : vector<16xf32>
      %exp3A_539 = math.exp %get3A_537 : vector<16xf32>
      %add3A_540 = arith.addf %add3A_529, %exp3A_539 : vector<16xf32>
      %eq3A_541 = arith.constant 2 : i32
      %eq3A_542 = vector.broadcast %eq3A_541 : i32 to vector<16xi32>
      %eq3A_543 = arith.cmpi eq, %get3A_519, %eq3A_542 : vector<16xi32>
      %select_n3A_544 = arith.select %eq3A_543, %get3A_537, %select_n3A_533 : vector<16xi1>, vector<16xf32>
      %get3A_545 = arith.constant 24 : i32
      %get3A_546 = arith.index_cast %get3A_545 : i32 to index
      %get3A_547 = arith.index_cast %mul3A_516 : i32 to index
      %get3A_548 = tpu.vector_load %arg5[%get3A_546, %get3A_547] {strides = array<i32>} : memref<168x512xf32, #tpu.memory_space<vmem>>, vector<16xf32>,
      %max3A_549 = arith.maximumf %max3A_538, %get3A_548 : vector<16xf32>
      %exp3A_550 = math.exp %get3A_548 : vector<16xf32>
      %add3A_551 = arith.addf %add3A_540, %exp3A_550 : vector<16xf32>
      %eq3A_552 = arith.constant 3 : i32
      %eq3A_553 = vector.broadcast %eq3A_552 : i32 to vector<16xi32>
      %eq3A_554 = arith.cmpi eq, %get3A_519, %eq3A_553 : vector<16xi32>
      %select_n3A_555 = arith.select %eq3A_554, %get3A_548, %select_n3A_544 : vector<16xi1>, vector<16xf32>
      %get3A_556 = arith.constant 32 : i32
      %get3A_557 = arith.index_cast %get3A_556 : i32 to index
      %get3A_558 = arith.index_cast %mul3A_516 : i32 to index
      %get3A_559 = tpu.vector_load %arg5[%get3A_557, %get3A_558] {strides = array<i32>} : memref<168x512xf32, #tpu.memory_space<vmem>>, vector<16xf32>,
      %max3A_560 = arith.maximumf %max3A_549, %get3A_559 : vector<16xf32>
      %exp3A_561 = math.exp %get3A_559 : vector<16xf32>
      %add3A_562 = arith.addf %add3A_551, %exp3A_561 : vector<16xf32>
      %eq3A_563 = arith.constant 4 : i32
      %eq3A_564 = vector.broadcast %eq3A_563 : i32 to vector<16xi32>
      %eq3A_565 = arith.cmpi eq, %get3A_519, %eq3A_564 : vector<16xi32>
      %select_n3A_566 = arith.select %eq3A_565, %get3A_559, %select_n3A_555 : vector<16xi1>, vector<16xf32>
      %get3A_567 = arith.constant 40 : i32
      %get3A_568 = arith.index_cast %get3A_567 : i32 to index
      %get3A_569 = arith.index_cast %mul3A_516 : i32 to index
      %get3A_570 = tpu.vector_load %arg5[%get3A_568, %get3A_569] {strides = array<i32>} : memref<168x512xf32, #tpu.memory_space<vmem>>, vector<16xf32>,
      %max3A_571 = arith.maximumf %max3A_560, %get3A_570 : vector<16xf32>
      %exp3A_572 = math.exp %get3A_570 : vector<16xf32>
      %add3A_573 = arith.addf %add3A_562, %exp3A_572 : vector<16xf32>
      %eq3A_574 = arith.constant 5 : i32
      %eq3A_575 = vector.broadcast %eq3A_574 : i32 to vector<16xi32>
      %eq3A_576 = arith.cmpi eq, %get3A_519, %eq3A_575 : vector<16xi32>
      %select_n3A_577 = arith.select %eq3A_576, %get3A_570, %select_n3A_566 : vector<16xi1>, vector<16xf32>
      %get3A_578 = arith.constant 48 : i32
      %get3A_579 = arith.index_cast %get3A_578 : i32 to index
      %get3A_580 = arith.index_cast %mul3A_516 : i32 to index
      %get3A_581 = tpu.vector_load %arg5[%get3A_579, %get3A_580] {strides = array<i32>} : memref<168x512xf32, #tpu.memory_space<vmem>>, vector<16xf32>,
      %max3A_582 = arith.maximumf %max3A_571, %get3A_581 : vector<16xf32>
      %exp3A_583 = math.exp %get3A_581 : vector<16xf32>
      %add3A_584 = arith.addf %add3A_573, %exp3A_583 : vector<16xf32>
      %eq3A_585 = arith.constant 6 : i32
      %eq3A_586 = vector.broadcast %eq3A_585 : i32 to vector<16xi32>
      %eq3A_587 = arith.cmpi eq, %get3A_519, %eq3A_586 : vector<16xi32>
      %select_n3A_588 = arith.select %eq3A_587, %get3A_581, %select_n3A_577 : vector<16xi1>, vector<16xf32>
      %get3A_589 = arith.constant 56 : i32
      %get3A_590 = arith.index_cast %get3A_589 : i32 to index
      %get3A_591 = arith.index_cast %mul3A_516 : i32 to index
      %get3A_592 = tpu.vector_load %arg5[%get3A_590, %get3A_591] {strides = array<i32>} : memref<168x512xf32, #tpu.memory_space<vmem>>, vector<16xf32>,
      %max3A_593 = arith.maximumf %max3A_582, %get3A_592 : vector<16xf32>
      %exp3A_594 = math.exp %get3A_592 : vector<16xf32>
      %add3A_595 = arith.addf %add3A_584, %exp3A_594 : vector<16xf32>
      %eq3A_596 = arith.constant 7 : i32
      %eq3A_597 = vector.broadcast %eq3A_596 : i32 to vector<16xi32>
      %eq3A_598 = arith.cmpi eq, %get3A_519, %eq3A_597 : vector<16xi32>
      %select_n3A_599 = arith.select %eq3A_598, %get3A_592, %select_n3A_588 : vector<16xi1>, vector<16xf32>
      %get3A_600 = arith.constant 64 : i32
      %get3A_601 = arith.index_cast %get3A_600 : i32 to index
      %get3A_602 = arith.index_cast %mul3A_516 : i32 to index
      %get3A_603 = tpu.vector_load %arg5[%get3A_601, %get3A_602] {strides = array<i32>} : memref<168x512xf32, #tpu.memory_space<vmem>>, vector<16xf32>,
      %max3A_604 = arith.maximumf %max3A_593, %get3A_603 : vector<16xf32>
      %exp3A_605 = math.exp %get3A_603 : vector<16xf32>
      %add3A_606 = arith.addf %add3A_595, %exp3A_605 : vector<16xf32>
      %eq3A_607 = arith.constant 8 : i32
      %eq3A_608 = vector.broadcast %eq3A_607 : i32 to vector<16xi32>
      %eq3A_609 = arith.cmpi eq, %get3A_519, %eq3A_608 : vector<16xi32>
      %select_n3A_610 = arith.select %eq3A_609, %get3A_603, %select_n3A_599 : vector<16xi1>, vector<16xf32>
      %get3A_611 = arith.constant 72 : i32
      %get3A_612 = arith.index_cast %get3A_611 : i32 to index
      %get3A_613 = arith.index_cast %mul3A_516 : i32 to index
      %get3A_614 = tpu.vector_load %arg5[%get3A_612, %get3A_613] {strides = array<i32>} : memref<168x512xf32, #tpu.memory_space<vmem>>, vector<16xf32>,
      %max3A_615 = arith.maximumf %max3A_604, %get3A_614 : vector<16xf32>
      %exp3A_616 = math.exp %get3A_614 : vector<16xf32>
      %add3A_617 = arith.addf %add3A_606, %exp3A_616 : vector<16xf32>
      %eq3A_618 = arith.constant 9 : i32
      %eq3A_619 = vector.broadcast %eq3A_618 : i32 to vector<16xi32>
      %eq3A_620 = arith.cmpi eq, %get3A_519, %eq3A_619 : vector<16xi32>
      %select_n3A_621 = arith.select %eq3A_620, %get3A_614, %select_n3A_610 : vector<16xi1>, vector<16xf32>
      %get3A_622 = arith.constant 80 : i32
      %get3A_623 = arith.index_cast %get3A_622 : i32 to index
      %get3A_624 = arith.index_cast %mul3A_516 : i32 to index
      %get3A_625 = tpu.vector_load %arg5[%get3A_623, %get3A_624] {strides = array<i32>} : memref<168x512xf32, #tpu.memory_space<vmem>>, vector<16xf32>,
      %max3A_626 = arith.maximumf %max3A_615, %get3A_625 : vector<16xf32>
      %exp3A_627 = math.exp %get3A_625 : vector<16xf32>
      %add3A_628 = arith.addf %add3A_617, %exp3A_627 : vector<16xf32>
      %eq3A_629 = arith.constant 10 : i32
      %eq3A_630 = vector.broadcast %eq3A_629 : i32 to vector<16xi32>
      %eq3A_631 = arith.cmpi eq, %get3A_519, %eq3A_630 : vector<16xi32>
      %select_n3A_632 = arith.select %eq3A_631, %get3A_625, %select_n3A_621 : vector<16xi1>, vector<16xf32>
      %get3A_633 = arith.constant 88 : i32
      %get3A_634 = arith.index_cast %get3A_633 : i32 to index
      %get3A_635 = arith.index_cast %mul3A_516 : i32 to index
      %get3A_636 = tpu.vector_load %arg5[%get3A_634, %get3A_635] {strides = array<i32>} : memref<168x512xf32, #tpu.memory_space<vmem>>, vector<16xf32>,
      %max3A_637 = arith.maximumf %max3A_626, %get3A_636 : vector<16xf32>
      %exp3A_638 = math.exp %get3A_636 : vector<16xf32>
      %add3A_639 = arith.addf %add3A_628, %exp3A_638 : vector<16xf32>
      %eq3A_640 = arith.constant 11 : i32
      %eq3A_641 = vector.broadcast %eq3A_640 : i32 to vector<16xi32>
      %eq3A_642 = arith.cmpi eq, %get3A_519, %eq3A_641 : vector<16xi32>
      %select_n3A_643 = arith.select %eq3A_642, %get3A_636, %select_n3A_632 : vector<16xi1>, vector<16xf32>
      %get3A_644 = arith.constant 96 : i32
      %get3A_645 = arith.index_cast %get3A_644 : i32 to index
      %get3A_646 = arith.index_cast %mul3A_516 : i32 to index
      %get3A_647 = tpu.vector_load %arg5[%get3A_645, %get3A_646] {strides = array<i32>} : memref<168x512xf32, #tpu.memory_space<vmem>>, vector<16xf32>,
      %max3A_648 = arith.maximumf %max3A_637, %get3A_647 : vector<16xf32>
      %exp3A_649 = math.exp %get3A_647 : vector<16xf32>
      %add3A_650 = arith.addf %add3A_639, %exp3A_649 : vector<16xf32>
      %eq3A_651 = arith.constant 12 : i32
      %eq3A_652 = vector.broadcast %eq3A_651 : i32 to vector<16xi32>
      %eq3A_653 = arith.cmpi eq, %get3A_519, %eq3A_652 : vector<16xi32>
      %select_n3A_654 = arith.select %eq3A_653, %get3A_647, %select_n3A_643 : vector<16xi1>, vector<16xf32>
      %get3A_655 = arith.constant 104 : i32
      %get3A_656 = arith.index_cast %get3A_655 : i32 to index
      %get3A_657 = arith.index_cast %mul3A_516 : i32 to index
      %get3A_658 = tpu.vector_load %arg5[%get3A_656, %get3A_657] {strides = array<i32>} : memref<168x512xf32, #tpu.memory_space<vmem>>, vector<16xf32>,
      %max3A_659 = arith.maximumf %max3A_648, %get3A_658 : vector<16xf32>
      %exp3A_660 = math.exp %get3A_658 : vector<16xf32>
      %add3A_661 = arith.addf %add3A_650, %exp3A_660 : vector<16xf32>
      %eq3A_662 = arith.constant 13 : i32
      %eq3A_663 = vector.broadcast %eq3A_662 : i32 to vector<16xi32>
      %eq3A_664 = arith.cmpi eq, %get3A_519, %eq3A_663 : vector<16xi32>
      %select_n3A_665 = arith.select %eq3A_664, %get3A_658, %select_n3A_654 : vector<16xi1>, vector<16xf32>
      %get3A_666 = arith.constant 112 : i32
      %get3A_667 = arith.index_cast %get3A_666 : i32 to index
      %get3A_668 = arith.index_cast %mul3A_516 : i32 to index
      %get3A_669 = tpu.vector_load %arg5[%get3A_667, %get3A_668] {strides = array<i32>} : memref<168x512xf32, #tpu.memory_space<vmem>>, vector<16xf32>,
      %max3A_670 = arith.maximumf %max3A_659, %get3A_669 : vector<16xf32>
      %exp3A_671 = math.exp %get3A_669 : vector<16xf32>
      %add3A_672 = arith.addf %add3A_661, %exp3A_671 : vector<16xf32>
      %eq3A_673 = arith.constant 14 : i32
      %eq3A_674 = vector.broadcast %eq3A_673 : i32 to vector<16xi32>
      %eq3A_675 = arith.cmpi eq, %get3A_519, %eq3A_674 : vector<16xi32>
      %select_n3A_676 = arith.select %eq3A_675, %get3A_669, %select_n3A_665 : vector<16xi1>, vector<16xf32>
      %get3A_677 = arith.constant 120 : i32
      %get3A_678 = arith.index_cast %get3A_677 : i32 to index
      %get3A_679 = arith.index_cast %mul3A_516 : i32 to index
      %get3A_680 = tpu.vector_load %arg5[%get3A_678, %get3A_679] {strides = array<i32>} : memref<168x512xf32, #tpu.memory_space<vmem>>, vector<16xf32>,
      %max3A_681 = arith.maximumf %max3A_670, %get3A_680 : vector<16xf32>
      %exp3A_682 = math.exp %get3A_680 : vector<16xf32>
      %add3A_683 = arith.addf %add3A_672, %exp3A_682 : vector<16xf32>
      %eq3A_684 = arith.constant 15 : i32
      %eq3A_685 = vector.broadcast %eq3A_684 : i32 to vector<16xi32>
      %eq3A_686 = arith.cmpi eq, %get3A_519, %eq3A_685 : vector<16xi32>
      %select_n3A_687 = arith.select %eq3A_686, %get3A_680, %select_n3A_676 : vector<16xi1>, vector<16xf32>
      %get3A_688 = arith.constant 128 : i32
      %get3A_689 = arith.index_cast %get3A_688 : i32 to index
      %get3A_690 = arith.index_cast %mul3A_516 : i32 to index
      %get3A_691 = tpu.vector_load %arg5[%get3A_689, %get3A_690] {strides = array<i32>} : memref<168x512xf32, #tpu.memory_space<vmem>>, vector<16xf32>,
      %max3A_692 = arith.maximumf %max3A_681, %get3A_691 : vector<16xf32>
      %exp3A_693 = math.exp %get3A_691 : vector<16xf32>
      %add3A_694 = arith.addf %add3A_683, %exp3A_693 : vector<16xf32>
      %eq3A_695 = arith.constant 16 : i32
      %eq3A_696 = vector.broadcast %eq3A_695 : i32 to vector<16xi32>
      %eq3A_697 = arith.cmpi eq, %get3A_519, %eq3A_696 : vector<16xi32>
      %select_n3A_698 = arith.select %eq3A_697, %get3A_691, %select_n3A_687 : vector<16xi1>, vector<16xf32>
      %get3A_699 = arith.constant 136 : i32
      %get3A_700 = arith.index_cast %get3A_699 : i32 to index
      %get3A_701 = arith.index_cast %mul3A_516 : i32 to index
      %get3A_702 = tpu.vector_load %arg5[%get3A_700, %get3A_701] {strides = array<i32>} : memref<168x512xf32, #tpu.memory_space<vmem>>, vector<16xf32>,
      %max3A_703 = arith.maximumf %max3A_692, %get3A_702 : vector<16xf32>
      %exp3A_704 = math.exp %get3A_702 : vector<16xf32>
      %add3A_705 = arith.addf %add3A_694, %exp3A_704 : vector<16xf32>
      %eq3A_706 = arith.constant 17 : i32
      %eq3A_707 = vector.broadcast %eq3A_706 : i32 to vector<16xi32>
      %eq3A_708 = arith.cmpi eq, %get3A_519, %eq3A_707 : vector<16xi32>
      %select_n3A_709 = arith.select %eq3A_708, %get3A_702, %select_n3A_698 : vector<16xi1>, vector<16xf32>
      %get3A_710 = arith.constant 144 : i32
      %get3A_711 = arith.index_cast %get3A_710 : i32 to index
      %get3A_712 = arith.index_cast %mul3A_516 : i32 to index
      %get3A_713 = tpu.vector_load %arg5[%get3A_711, %get3A_712] {strides = array<i32>} : memref<168x512xf32, #tpu.memory_space<vmem>>, vector<16xf32>,
      %max3A_714 = arith.maximumf %max3A_703, %get3A_713 : vector<16xf32>
      %exp3A_715 = math.exp %get3A_713 : vector<16xf32>
      %add3A_716 = arith.addf %add3A_705, %exp3A_715 : vector<16xf32>
      %eq3A_717 = arith.constant 18 : i32
      %eq3A_718 = vector.broadcast %eq3A_717 : i32 to vector<16xi32>
      %eq3A_719 = arith.cmpi eq, %get3A_519, %eq3A_718 : vector<16xi32>
      %select_n3A_720 = arith.select %eq3A_719, %get3A_713, %select_n3A_709 : vector<16xi1>, vector<16xf32>
      %get3A_721 = arith.constant 152 : i32
      %get3A_722 = arith.index_cast %get3A_721 : i32 to index
      %get3A_723 = arith.index_cast %mul3A_516 : i32 to index
      %get3A_724 = tpu.vector_load %arg5[%get3A_722, %get3A_723] {strides = array<i32>} : memref<168x512xf32, #tpu.memory_space<vmem>>, vector<16xf32>,
      %max3A_725 = arith.maximumf %max3A_714, %get3A_724 : vector<16xf32>
      %exp3A_726 = math.exp %get3A_724 : vector<16xf32>
      %add3A_727 = arith.addf %add3A_716, %exp3A_726 : vector<16xf32>
      %eq3A_728 = arith.constant 19 : i32
      %eq3A_729 = vector.broadcast %eq3A_728 : i32 to vector<16xi32>
      %eq3A_730 = arith.cmpi eq, %get3A_519, %eq3A_729 : vector<16xi32>
      %select_n3A_731 = arith.select %eq3A_730, %get3A_724, %select_n3A_720 : vector<16xi1>, vector<16xf32>
      %get3A_732 = arith.constant 160 : i32
      %get3A_733 = arith.index_cast %get3A_732 : i32 to index
      %get3A_734 = arith.index_cast %mul3A_516 : i32 to index
      %get3A_735 = tpu.vector_load %arg5[%get3A_733, %get3A_734] {strides = array<i32>} : memref<168x512xf32, #tpu.memory_space<vmem>>, vector<16xf32>,
      %max3A_736 = arith.maximumf %max3A_725, %get3A_735 : vector<16xf32>
      %exp3A_737 = math.exp %get3A_735 : vector<16xf32>
      %add3A_738 = arith.addf %add3A_727, %exp3A_737 : vector<16xf32>
      %eq3A_739 = arith.constant 20 : i32
      %eq3A_740 = vector.broadcast %eq3A_739 : i32 to vector<16xi32>
      %eq3A_741 = arith.cmpi eq, %get3A_519, %eq3A_740 : vector<16xi32>
      %select_n3A_742 = arith.select %eq3A_741, %get3A_735, %select_n3A_731 : vector<16xi1>, vector<16xf32>
      %eq3A_743 = arith.cmpf oeq, %select_n3A_742, %max3A_736 : vector<16xf32>
      %convert_element_type3A = arith.extui %eq3A_743 : vector<16xi1> to vector<16xi32>
      %convert_element_type3A_744 = arith.sitofp %convert_element_type3A : vector<16xi32> to vector<16xf32>
      %bitcast3A = vector.bitcast %add3A_738 : vector<16xf32> to vector<16xi32>
      %shift_right_logical3A = arith.constant 23 : i32
      %shift_right_logical3A_745 = vector.broadcast %shift_right_logical3A : i32 to vector<16xi32>
      %shift_right_logical3A_746 = arith.shrui %bitcast3A, %shift_right_logical3A_745 : vector<16xi32>
      %sub3A_747 = arith.constant 127 : i32
      %sub3A_748 = vector.broadcast %sub3A_747 : i32 to vector<16xi32>
      %sub3A_749 = arith.subi %shift_right_logical3A_746, %sub3A_748 : vector<16xi32>
      %and3A_750 = arith.constant 8388607 : i32
      %and3A_751 = vector.broadcast %and3A_750 : i32 to vector<16xi32>
      %and3A_752 = arith.andi %bitcast3A, %and3A_751 : vector<16xi32>
      %or3A = arith.constant 1065353216 : i32
      %or3A_753 = vector.broadcast %or3A : i32 to vector<16xi32>
      %or3A_754 = arith.ori %and3A_752, %or3A_753 : vector<16xi32>
      %bitcast3A_755 = vector.bitcast %or3A_754 : vector<16xi32> to vector<16xf32>
      %sub3A_756 = arith.constant 1.000000e+00 : f32
      %sub3A_757 = vector.broadcast %sub3A_756 : f32 to vector<16xf32>
      %sub3A_758 = arith.subf %bitcast3A_755, %sub3A_757 : vector<16xf32>
      %add3A_759 = arith.constant 1.000000e+00 : f32
      %add3A_760 = vector.broadcast %add3A_759 : f32 to vector<16xf32>
      %add3A_761 = arith.addf %bitcast3A_755, %add3A_760 : vector<16xf32>
      %div3A_762 = arith.divf %sub3A_758, %add3A_761 : vector<16xf32>
      %mul3A_763 = arith.mulf %div3A_762, %div3A_762 : vector<16xf32>
      %mul3A_764 = arith.constant 2.000000e+00 : f32
      %mul3A_765 = vector.broadcast %mul3A_764 : f32 to vector<16xf32>
      %mul3A_766 = arith.mulf %mul3A_765, %div3A_762 : vector<16xf32>
      %mul3A_767 = arith.constant 0.111111112 : f32
      %mul3A_768 = vector.broadcast %mul3A_767 : f32 to vector<16xf32>
      %mul3A_769 = arith.mulf %mul3A_763, %mul3A_768 : vector<16xf32>
      %add3A_770 = arith.constant 0.142857149 : f32
      %add3A_771 = vector.broadcast %add3A_770 : f32 to vector<16xf32>
      %add3A_772 = arith.addf %add3A_771, %mul3A_769 : vector<16xf32>
      %mul3A_773 = arith.mulf %mul3A_763, %add3A_772 : vector<16xf32>
      %add3A_774 = arith.constant 2.000000e-01 : f32
      %add3A_775 = vector.broadcast %add3A_774 : f32 to vector<16xf32>
      %add3A_776 = arith.addf %add3A_775, %mul3A_773 : vector<16xf32>
      %mul3A_777 = arith.mulf %mul3A_763, %add3A_776 : vector<16xf32>
      %add3A_778 = arith.constant 0.333333343 : f32
      %add3A_779 = vector.broadcast %add3A_778 : f32 to vector<16xf32>
      %add3A_780 = arith.addf %add3A_779, %mul3A_777 : vector<16xf32>
      %mul3A_781 = arith.mulf %mul3A_763, %add3A_780 : vector<16xf32>
      %add3A_782 = arith.constant 1.000000e+00 : f32
      %add3A_783 = vector.broadcast %add3A_782 : f32 to vector<16xf32>
      %add3A_784 = arith.addf %add3A_783, %mul3A_781 : vector<16xf32>
      %mul3A_785 = arith.mulf %mul3A_766, %add3A_784 : vector<16xf32>
      %convert_element_type3A_786 = arith.sitofp %sub3A_749 : vector<16xi32> to vector<16xf32>
      %mul3A_787 = arith.constant 0.693147182 : f32
      %mul3A_788 = vector.broadcast %mul3A_787 : f32 to vector<16xf32>
      %mul3A_789 = arith.mulf %convert_element_type3A_786, %mul3A_788 : vector<16xf32>
      %add3A_790 = arith.addf %mul3A_789, %mul3A_785 : vector<16xf32>
      %sub3A_791 = arith.subf %select_n3A_742, %add3A_790 : vector<16xf32>
      tpu.vector_store_idx %arg7[%get3A_519, %iota3A], %broadcast_in_dim3A_463 {add = true} : memref<64x16xf32, #tpu.memory_space<vmem>>[vector<16xi32>, vector<16xi32>], vector<16xf32>,
      %add3A_792 = arith.constant 21 : i32
      %add3A_793 = vector.broadcast %add3A_792 : i32 to vector<16xi32>
      %add3A_794 = arith.addi %get3A_519, %add3A_793 : vector<16xi32>
      tpu.vector_store_idx %arg7[%add3A_794, %iota3A], %convert_element_type3A_744 {add = true} : memref<64x16xf32, #tpu.memory_space<vmem>>[vector<16xi32>, vector<16xi32>], vector<16xf32>,
      %add3A_795 = arith.constant 42 : i32
      %add3A_796 = vector.broadcast %add3A_795 : i32 to vector<16xi32>
      %add3A_797 = arith.addi %get3A_519, %add3A_796 : vector<16xi32>
      tpu.vector_store_idx %arg7[%add3A_797, %iota3A], %sub3A_791 {add = true} : memref<64x16xf32, #tpu.memory_space<vmem>>[vector<16xi32>, vector<16xi32>], vector<16xf32>,
    }
    %scan3A_468 = arith.constant 32 : i32
    %scan3A_469 = arith.constant 0 : i32
    %scan3A_470 = arith.constant 0 : i32
    %scan3A_471 = arith.constant 32 : i32
    %scan3A_472 = arith.addi %scan3A_470, %scan3A_471 : i32
    %scan3A_473 = arith.constant 1 : i32
    scf.for %scan3A_514 = %scan3A_470 to %scan3A_472 step %scan3A_473  : i32 {
      %mul3A_515 = arith.constant 16 : i32
      %mul3A_516 = arith.muli %scan3A_514, %mul3A_515 : i32
      %get3A = arith.constant 1 : i32
      %get3A_517 = arith.index_cast %get3A : i32 to index
      %get3A_518 = arith.index_cast %mul3A_516 : i32 to index
      %get3A_519 = tpu.vector_load %arg6[%get3A_517, %get3A_518] {strides = array<i32>} : memref<8x512xi32, #tpu.memory_space<vmem>>, vector<16xi32>,
      %get3A_520 = arith.constant 1 : i32
      %get3A_521 = arith.index_cast %get3A_520 : i32 to index
      %get3A_522 = arith.index_cast %mul3A_516 : i32 to index
      %get3A_523 = tpu.vector_load %arg5[%get3A_521, %get3A_522] {strides = array<i32>} : memref<168x512xf32, #tpu.memory_space<vmem>>, vector<16xf32>,
      %exp3A = math.exp %get3A_523 : vector<16xf32>
      %get3A_524 = arith.constant 9 : i32
      %get3A_525 = arith.index_cast %get3A_524 : i32 to index
      %get3A_526 = arith.index_cast %mul3A_516 : i32 to index
      %get3A_527 = tpu.vector_load %arg5[%get3A_525, %get3A_526] {strides = array<i32>} : memref<168x512xf32, #tpu.memory_space<vmem>>, vector<16xf32>,
      %max3A = arith.maximumf %get3A_523, %get3A_527 : vector<16xf32>
      %exp3A_528 = math.exp %get3A_527 : vector<16xf32>
      %add3A_529 = arith.addf %exp3A, %exp3A_528 : vector<16xf32>
      %eq3A_530 = arith.constant 1 : i32
      %eq3A_531 = vector.broadcast %eq3A_530 : i32 to vector<16xi32>
      %eq3A_532 = arith.cmpi eq, %get3A_519, %eq3A_531 : vector<16xi32>
      %select_n3A_533 = arith.select %eq3A_532, %get3A_527, %get3A_523 : vector<16xi1>, vector<16xf32>
      %get3A_534 = arith.constant 17 : i32
      %get3A_535 = arith.index_cast %get3A_534 : i32 to index
      %get3A_536 = arith.index_cast %mul3A_516 : i32 to index
      %get3A_537 = tpu.vector_load %arg5[%get3A_535, %get3A_536] {strides = array<i32>} : memref<168x512xf32, #tpu.memory_space<vmem>>, vector<16xf32>,
      %max3A_538 = arith.maximumf %max3A, %get3A_537 : vector<16xf32>
      %exp3A_539 = math.exp %get3A_537 : vector<16xf32>
      %add3A_540 = arith.addf %add3A_529, %exp3A_539 : vector<16xf32>
      %eq3A_541 = arith.constant 2 : i32
      %eq3A_542 = vector.broadcast %eq3A_541 : i32 to vector<16xi32>
      %eq3A_543 = arith.cmpi eq, %get3A_519, %eq3A_542 : vector<16xi32>
      %select_n3A_544 = arith.select %eq3A_543, %get3A_537, %select_n3A_533 : vector<16xi1>, vector<16xf32>
      %get3A_545 = arith.constant 25 : i32
      %get3A_546 = arith.index_cast %get3A_545 : i32 to index
      %get3A_547 = arith.index_cast %mul3A_516 : i32 to index
      %get3A_548 = tpu.vector_load %arg5[%get3A_546, %get3A_547] {strides = array<i32>} : memref<168x512xf32, #tpu.memory_space<vmem>>, vector<16xf32>,
      %max3A_549 = arith.maximumf %max3A_538, %get3A_548 : vector<16xf32>
      %exp3A_550 = math.exp %get3A_548 : vector<16xf32>
      %add3A_551 = arith.addf %add3A_540, %exp3A_550 : vector<16xf32>
      %eq3A_552 = arith.constant 3 : i32
      %eq3A_553 = vector.broadcast %eq3A_552 : i32 to vector<16xi32>
      %eq3A_554 = arith.cmpi eq, %get3A_519, %eq3A_553 : vector<16xi32>
      %select_n3A_555 = arith.select %eq3A_554, %get3A_548, %select_n3A_544 : vector<16xi1>, vector<16xf32>
      %get3A_556 = arith.constant 33 : i32
      %get3A_557 = arith.index_cast %get3A_556 : i32 to index
      %get3A_558 = arith.index_cast %mul3A_516 : i32 to index
      %get3A_559 = tpu.vector_load %arg5[%get3A_557, %get3A_558] {strides = array<i32>} : memref<168x512xf32, #tpu.memory_space<vmem>>, vector<16xf32>,
      %max3A_560 = arith.maximumf %max3A_549, %get3A_559 : vector<16xf32>
      %exp3A_561 = math.exp %get3A_559 : vector<16xf32>
      %add3A_562 = arith.addf %add3A_551, %exp3A_561 : vector<16xf32>
      %eq3A_563 = arith.constant 4 : i32
      %eq3A_564 = vector.broadcast %eq3A_563 : i32 to vector<16xi32>
      %eq3A_565 = arith.cmpi eq, %get3A_519, %eq3A_564 : vector<16xi32>
      %select_n3A_566 = arith.select %eq3A_565, %get3A_559, %select_n3A_555 : vector<16xi1>, vector<16xf32>
      %get3A_567 = arith.constant 41 : i32
      %get3A_568 = arith.index_cast %get3A_567 : i32 to index
      %get3A_569 = arith.index_cast %mul3A_516 : i32 to index
      %get3A_570 = tpu.vector_load %arg5[%get3A_568, %get3A_569] {strides = array<i32>} : memref<168x512xf32, #tpu.memory_space<vmem>>, vector<16xf32>,
      %max3A_571 = arith.maximumf %max3A_560, %get3A_570 : vector<16xf32>
      %exp3A_572 = math.exp %get3A_570 : vector<16xf32>
      %add3A_573 = arith.addf %add3A_562, %exp3A_572 : vector<16xf32>
      %eq3A_574 = arith.constant 5 : i32
      %eq3A_575 = vector.broadcast %eq3A_574 : i32 to vector<16xi32>
      %eq3A_576 = arith.cmpi eq, %get3A_519, %eq3A_575 : vector<16xi32>
      %select_n3A_577 = arith.select %eq3A_576, %get3A_570, %select_n3A_566 : vector<16xi1>, vector<16xf32>
      %get3A_578 = arith.constant 49 : i32
      %get3A_579 = arith.index_cast %get3A_578 : i32 to index
      %get3A_580 = arith.index_cast %mul3A_516 : i32 to index
      %get3A_581 = tpu.vector_load %arg5[%get3A_579, %get3A_580] {strides = array<i32>} : memref<168x512xf32, #tpu.memory_space<vmem>>, vector<16xf32>,
      %max3A_582 = arith.maximumf %max3A_571, %get3A_581 : vector<16xf32>
      %exp3A_583 = math.exp %get3A_581 : vector<16xf32>
      %add3A_584 = arith.addf %add3A_573, %exp3A_583 : vector<16xf32>
      %eq3A_585 = arith.constant 6 : i32
      %eq3A_586 = vector.broadcast %eq3A_585 : i32 to vector<16xi32>
      %eq3A_587 = arith.cmpi eq, %get3A_519, %eq3A_586 : vector<16xi32>
      %select_n3A_588 = arith.select %eq3A_587, %get3A_581, %select_n3A_577 : vector<16xi1>, vector<16xf32>
      %get3A_589 = arith.constant 57 : i32
      %get3A_590 = arith.index_cast %get3A_589 : i32 to index
      %get3A_591 = arith.index_cast %mul3A_516 : i32 to index
      %get3A_592 = tpu.vector_load %arg5[%get3A_590, %get3A_591] {strides = array<i32>} : memref<168x512xf32, #tpu.memory_space<vmem>>, vector<16xf32>,
      %max3A_593 = arith.maximumf %max3A_582, %get3A_592 : vector<16xf32>
      %exp3A_594 = math.exp %get3A_592 : vector<16xf32>
      %add3A_595 = arith.addf %add3A_584, %exp3A_594 : vector<16xf32>
      %eq3A_596 = arith.constant 7 : i32
      %eq3A_597 = vector.broadcast %eq3A_596 : i32 to vector<16xi32>
      %eq3A_598 = arith.cmpi eq, %get3A_519, %eq3A_597 : vector<16xi32>
      %select_n3A_599 = arith.select %eq3A_598, %get3A_592, %select_n3A_588 : vector<16xi1>, vector<16xf32>
      %get3A_600 = arith.constant 65 : i32
      %get3A_601 = arith.index_cast %get3A_600 : i32 to index
      %get3A_602 = arith.index_cast %mul3A_516 : i32 to index
      %get3A_603 = tpu.vector_load %arg5[%get3A_601, %get3A_602] {strides = array<i32>} : memref<168x512xf32, #tpu.memory_space<vmem>>, vector<16xf32>,
      %max3A_604 = arith.maximumf %max3A_593, %get3A_603 : vector<16xf32>
      %exp3A_605 = math.exp %get3A_603 : vector<16xf32>
      %add3A_606 = arith.addf %add3A_595, %exp3A_605 : vector<16xf32>
      %eq3A_607 = arith.constant 8 : i32
      %eq3A_608 = vector.broadcast %eq3A_607 : i32 to vector<16xi32>
      %eq3A_609 = arith.cmpi eq, %get3A_519, %eq3A_608 : vector<16xi32>
      %select_n3A_610 = arith.select %eq3A_609, %get3A_603, %select_n3A_599 : vector<16xi1>, vector<16xf32>
      %get3A_611 = arith.constant 73 : i32
      %get3A_612 = arith.index_cast %get3A_611 : i32 to index
      %get3A_613 = arith.index_cast %mul3A_516 : i32 to index
      %get3A_614 = tpu.vector_load %arg5[%get3A_612, %get3A_613] {strides = array<i32>} : memref<168x512xf32, #tpu.memory_space<vmem>>, vector<16xf32>,
      %max3A_615 = arith.maximumf %max3A_604, %get3A_614 : vector<16xf32>
      %exp3A_616 = math.exp %get3A_614 : vector<16xf32>
      %add3A_617 = arith.addf %add3A_606, %exp3A_616 : vector<16xf32>
      %eq3A_618 = arith.constant 9 : i32
      %eq3A_619 = vector.broadcast %eq3A_618 : i32 to vector<16xi32>
      %eq3A_620 = arith.cmpi eq, %get3A_519, %eq3A_619 : vector<16xi32>
      %select_n3A_621 = arith.select %eq3A_620, %get3A_614, %select_n3A_610 : vector<16xi1>, vector<16xf32>
      %get3A_622 = arith.constant 81 : i32
      %get3A_623 = arith.index_cast %get3A_622 : i32 to index
      %get3A_624 = arith.index_cast %mul3A_516 : i32 to index
      %get3A_625 = tpu.vector_load %arg5[%get3A_623, %get3A_624] {strides = array<i32>} : memref<168x512xf32, #tpu.memory_space<vmem>>, vector<16xf32>,
      %max3A_626 = arith.maximumf %max3A_615, %get3A_625 : vector<16xf32>
      %exp3A_627 = math.exp %get3A_625 : vector<16xf32>
      %add3A_628 = arith.addf %add3A_617, %exp3A_627 : vector<16xf32>
      %eq3A_629 = arith.constant 10 : i32
      %eq3A_630 = vector.broadcast %eq3A_629 : i32 to vector<16xi32>
      %eq3A_631 = arith.cmpi eq, %get3A_519, %eq3A_630 : vector<16xi32>
      %select_n3A_632 = arith.select %eq3A_631, %get3A_625, %select_n3A_621 : vector<16xi1>, vector<16xf32>
      %get3A_633 = arith.constant 89 : i32
      %get3A_634 = arith.index_cast %get3A_633 : i32 to index
      %get3A_635 = arith.index_cast %mul3A_516 : i32 to index
      %get3A_636 = tpu.vector_load %arg5[%get3A_634, %get3A_635] {strides = array<i32>} : memref<168x512xf32, #tpu.memory_space<vmem>>, vector<16xf32>,
      %max3A_637 = arith.maximumf %max3A_626, %get3A_636 : vector<16xf32>
      %exp3A_638 = math.exp %get3A_636 : vector<16xf32>
      %add3A_639 = arith.addf %add3A_628, %exp3A_638 : vector<16xf32>
      %eq3A_640 = arith.constant 11 : i32
      %eq3A_641 = vector.broadcast %eq3A_640 : i32 to vector<16xi32>
      %eq3A_642 = arith.cmpi eq, %get3A_519, %eq3A_641 : vector<16xi32>
      %select_n3A_643 = arith.select %eq3A_642, %get3A_636, %select_n3A_632 : vector<16xi1>, vector<16xf32>
      %get3A_644 = arith.constant 97 : i32
      %get3A_645 = arith.index_cast %get3A_644 : i32 to index
      %get3A_646 = arith.index_cast %mul3A_516 : i32 to index
      %get3A_647 = tpu.vector_load %arg5[%get3A_645, %get3A_646] {strides = array<i32>} : memref<168x512xf32, #tpu.memory_space<vmem>>, vector<16xf32>,
      %max3A_648 = arith.maximumf %max3A_637, %get3A_647 : vector<16xf32>
      %exp3A_649 = math.exp %get3A_647 : vector<16xf32>
      %add3A_650 = arith.addf %add3A_639, %exp3A_649 : vector<16xf32>
      %eq3A_651 = arith.constant 12 : i32
      %eq3A_652 = vector.broadcast %eq3A_651 : i32 to vector<16xi32>
      %eq3A_653 = arith.cmpi eq, %get3A_519, %eq3A_652 : vector<16xi32>
      %select_n3A_654 = arith.select %eq3A_653, %get3A_647, %select_n3A_643 : vector<16xi1>, vector<16xf32>
      %get3A_655 = arith.constant 105 : i32
      %get3A_656 = arith.index_cast %get3A_655 : i32 to index
      %get3A_657 = arith.index_cast %mul3A_516 : i32 to index
      %get3A_658 = tpu.vector_load %arg5[%get3A_656, %get3A_657] {strides = array<i32>} : memref<168x512xf32, #tpu.memory_space<vmem>>, vector<16xf32>,
      %max3A_659 = arith.maximumf %max3A_648, %get3A_658 : vector<16xf32>
      %exp3A_660 = math.exp %get3A_658 : vector<16xf32>
      %add3A_661 = arith.addf %add3A_650, %exp3A_660 : vector<16xf32>
      %eq3A_662 = arith.constant 13 : i32
      %eq3A_663 = vector.broadcast %eq3A_662 : i32 to vector<16xi32>
      %eq3A_664 = arith.cmpi eq, %get3A_519, %eq3A_663 : vector<16xi32>
      %select_n3A_665 = arith.select %eq3A_664, %get3A_658, %select_n3A_654 : vector<16xi1>, vector<16xf32>
      %get3A_666 = arith.constant 113 : i32
      %get3A_667 = arith.index_cast %get3A_666 : i32 to index
      %get3A_668 = arith.index_cast %mul3A_516 : i32 to index
      %get3A_669 = tpu.vector_load %arg5[%get3A_667, %get3A_668] {strides = array<i32>} : memref<168x512xf32, #tpu.memory_space<vmem>>, vector<16xf32>,
      %max3A_670 = arith.maximumf %max3A_659, %get3A_669 : vector<16xf32>
      %exp3A_671 = math.exp %get3A_669 : vector<16xf32>
      %add3A_672 = arith.addf %add3A_661, %exp3A_671 : vector<16xf32>
      %eq3A_673 = arith.constant 14 : i32
      %eq3A_674 = vector.broadcast %eq3A_673 : i32 to vector<16xi32>
      %eq3A_675 = arith.cmpi eq, %get3A_519, %eq3A_674 : vector<16xi32>
      %select_n3A_676 = arith.select %eq3A_675, %get3A_669, %select_n3A_665 : vector<16xi1>, vector<16xf32>
      %get3A_677 = arith.constant 121 : i32
      %get3A_678 = arith.index_cast %get3A_677 : i32 to index
      %get3A_679 = arith.index_cast %mul3A_516 : i32 to index
      %get3A_680 = tpu.vector_load %arg5[%get3A_678, %get3A_679] {strides = array<i32>} : memref<168x512xf32, #tpu.memory_space<vmem>>, vector<16xf32>,
      %max3A_681 = arith.maximumf %max3A_670, %get3A_680 : vector<16xf32>
      %exp3A_682 = math.exp %get3A_680 : vector<16xf32>
      %add3A_683 = arith.addf %add3A_672, %exp3A_682 : vector<16xf32>
      %eq3A_684 = arith.constant 15 : i32
      %eq3A_685 = vector.broadcast %eq3A_684 : i32 to vector<16xi32>
      %eq3A_686 = arith.cmpi eq, %get3A_519, %eq3A_685 : vector<16xi32>
      %select_n3A_687 = arith.select %eq3A_686, %get3A_680, %select_n3A_676 : vector<16xi1>, vector<16xf32>
      %get3A_688 = arith.constant 129 : i32
      %get3A_689 = arith.index_cast %get3A_688 : i32 to index
      %get3A_690 = arith.index_cast %mul3A_516 : i32 to index
      %get3A_691 = tpu.vector_load %arg5[%get3A_689, %get3A_690] {strides = array<i32>} : memref<168x512xf32, #tpu.memory_space<vmem>>, vector<16xf32>,
      %max3A_692 = arith.maximumf %max3A_681, %get3A_691 : vector<16xf32>
      %exp3A_693 = math.exp %get3A_691 : vector<16xf32>
      %add3A_694 = arith.addf %add3A_683, %exp3A_693 : vector<16xf32>
      %eq3A_695 = arith.constant 16 : i32
      %eq3A_696 = vector.broadcast %eq3A_695 : i32 to vector<16xi32>
      %eq3A_697 = arith.cmpi eq, %get3A_519, %eq3A_696 : vector<16xi32>
      %select_n3A_698 = arith.select %eq3A_697, %get3A_691, %select_n3A_687 : vector<16xi1>, vector<16xf32>
      %get3A_699 = arith.constant 137 : i32
      %get3A_700 = arith.index_cast %get3A_699 : i32 to index
      %get3A_701 = arith.index_cast %mul3A_516 : i32 to index
      %get3A_702 = tpu.vector_load %arg5[%get3A_700, %get3A_701] {strides = array<i32>} : memref<168x512xf32, #tpu.memory_space<vmem>>, vector<16xf32>,
      %max3A_703 = arith.maximumf %max3A_692, %get3A_702 : vector<16xf32>
      %exp3A_704 = math.exp %get3A_702 : vector<16xf32>
      %add3A_705 = arith.addf %add3A_694, %exp3A_704 : vector<16xf32>
      %eq3A_706 = arith.constant 17 : i32
      %eq3A_707 = vector.broadcast %eq3A_706 : i32 to vector<16xi32>
      %eq3A_708 = arith.cmpi eq, %get3A_519, %eq3A_707 : vector<16xi32>
      %select_n3A_709 = arith.select %eq3A_708, %get3A_702, %select_n3A_698 : vector<16xi1>, vector<16xf32>
      %get3A_710 = arith.constant 145 : i32
      %get3A_711 = arith.index_cast %get3A_710 : i32 to index
      %get3A_712 = arith.index_cast %mul3A_516 : i32 to index
      %get3A_713 = tpu.vector_load %arg5[%get3A_711, %get3A_712] {strides = array<i32>} : memref<168x512xf32, #tpu.memory_space<vmem>>, vector<16xf32>,
      %max3A_714 = arith.maximumf %max3A_703, %get3A_713 : vector<16xf32>
      %exp3A_715 = math.exp %get3A_713 : vector<16xf32>
      %add3A_716 = arith.addf %add3A_705, %exp3A_715 : vector<16xf32>
      %eq3A_717 = arith.constant 18 : i32
      %eq3A_718 = vector.broadcast %eq3A_717 : i32 to vector<16xi32>
      %eq3A_719 = arith.cmpi eq, %get3A_519, %eq3A_718 : vector<16xi32>
      %select_n3A_720 = arith.select %eq3A_719, %get3A_713, %select_n3A_709 : vector<16xi1>, vector<16xf32>
      %get3A_721 = arith.constant 153 : i32
      %get3A_722 = arith.index_cast %get3A_721 : i32 to index
      %get3A_723 = arith.index_cast %mul3A_516 : i32 to index
      %get3A_724 = tpu.vector_load %arg5[%get3A_722, %get3A_723] {strides = array<i32>} : memref<168x512xf32, #tpu.memory_space<vmem>>, vector<16xf32>,
      %max3A_725 = arith.maximumf %max3A_714, %get3A_724 : vector<16xf32>
      %exp3A_726 = math.exp %get3A_724 : vector<16xf32>
      %add3A_727 = arith.addf %add3A_716, %exp3A_726 : vector<16xf32>
      %eq3A_728 = arith.constant 19 : i32
      %eq3A_729 = vector.broadcast %eq3A_728 : i32 to vector<16xi32>
      %eq3A_730 = arith.cmpi eq, %get3A_519, %eq3A_729 : vector<16xi32>
      %select_n3A_731 = arith.select %eq3A_730, %get3A_724, %select_n3A_720 : vector<16xi1>, vector<16xf32>
      %get3A_732 = arith.constant 161 : i32
      %get3A_733 = arith.index_cast %get3A_732 : i32 to index
      %get3A_734 = arith.index_cast %mul3A_516 : i32 to index
      %get3A_735 = tpu.vector_load %arg5[%get3A_733, %get3A_734] {strides = array<i32>} : memref<168x512xf32, #tpu.memory_space<vmem>>, vector<16xf32>,
      %max3A_736 = arith.maximumf %max3A_725, %get3A_735 : vector<16xf32>
      %exp3A_737 = math.exp %get3A_735 : vector<16xf32>
      %add3A_738 = arith.addf %add3A_727, %exp3A_737 : vector<16xf32>
      %eq3A_739 = arith.constant 20 : i32
      %eq3A_740 = vector.broadcast %eq3A_739 : i32 to vector<16xi32>
      %eq3A_741 = arith.cmpi eq, %get3A_519, %eq3A_740 : vector<16xi32>
      %select_n3A_742 = arith.select %eq3A_741, %get3A_735, %select_n3A_731 : vector<16xi1>, vector<16xf32>
      %eq3A_743 = arith.cmpf oeq, %select_n3A_742, %max3A_736 : vector<16xf32>
      %convert_element_type3A = arith.extui %eq3A_743 : vector<16xi1> to vector<16xi32>
      %convert_element_type3A_744 = arith.sitofp %convert_element_type3A : vector<16xi32> to vector<16xf32>
      %bitcast3A = vector.bitcast %add3A_738 : vector<16xf32> to vector<16xi32>
      %shift_right_logical3A = arith.constant 23 : i32
      %shift_right_logical3A_745 = vector.broadcast %shift_right_logical3A : i32 to vector<16xi32>
      %shift_right_logical3A_746 = arith.shrui %bitcast3A, %shift_right_logical3A_745 : vector<16xi32>
      %sub3A_747 = arith.constant 127 : i32
      %sub3A_748 = vector.broadcast %sub3A_747 : i32 to vector<16xi32>
      %sub3A_749 = arith.subi %shift_right_logical3A_746, %sub3A_748 : vector<16xi32>
      %and3A_750 = arith.constant 8388607 : i32
      %and3A_751 = vector.broadcast %and3A_750 : i32 to vector<16xi32>
      %and3A_752 = arith.andi %bitcast3A, %and3A_751 : vector<16xi32>
      %or3A = arith.constant 1065353216 : i32
      %or3A_753 = vector.broadcast %or3A : i32 to vector<16xi32>
      %or3A_754 = arith.ori %and3A_752, %or3A_753 : vector<16xi32>
      %bitcast3A_755 = vector.bitcast %or3A_754 : vector<16xi32> to vector<16xf32>
      %sub3A_756 = arith.constant 1.000000e+00 : f32
      %sub3A_757 = vector.broadcast %sub3A_756 : f32 to vector<16xf32>
      %sub3A_758 = arith.subf %bitcast3A_755, %sub3A_757 : vector<16xf32>
      %add3A_759 = arith.constant 1.000000e+00 : f32
      %add3A_760 = vector.broadcast %add3A_759 : f32 to vector<16xf32>
      %add3A_761 = arith.addf %bitcast3A_755, %add3A_760 : vector<16xf32>
      %div3A_762 = arith.divf %sub3A_758, %add3A_761 : vector<16xf32>
      %mul3A_763 = arith.mulf %div3A_762, %div3A_762 : vector<16xf32>
      %mul3A_764 = arith.constant 2.000000e+00 : f32
      %mul3A_765 = vector.broadcast %mul3A_764 : f32 to vector<16xf32>
      %mul3A_766 = arith.mulf %mul3A_765, %div3A_762 : vector<16xf32>
      %mul3A_767 = arith.constant 0.111111112 : f32
      %mul3A_768 = vector.broadcast %mul3A_767 : f32 to vector<16xf32>
      %mul3A_769 = arith.mulf %mul3A_763, %mul3A_768 : vector<16xf32>
      %add3A_770 = arith.constant 0.142857149 : f32
      %add3A_771 = vector.broadcast %add3A_770 : f32 to vector<16xf32>
      %add3A_772 = arith.addf %add3A_771, %mul3A_769 : vector<16xf32>
      %mul3A_773 = arith.mulf %mul3A_763, %add3A_772 : vector<16xf32>
      %add3A_774 = arith.constant 2.000000e-01 : f32
      %add3A_775 = vector.broadcast %add3A_774 : f32 to vector<16xf32>
      %add3A_776 = arith.addf %add3A_775, %mul3A_773 : vector<16xf32>
      %mul3A_777 = arith.mulf %mul3A_763, %add3A_776 : vector<16xf32>
      %add3A_778 = arith.constant 0.333333343 : f32
      %add3A_779 = vector.broadcast %add3A_778 : f32 to vector<16xf32>
      %add3A_780 = arith.addf %add3A_779, %mul3A_777 : vector<16xf32>
      %mul3A_781 = arith.mulf %mul3A_763, %add3A_780 : vector<16xf32>
      %add3A_782 = arith.constant 1.000000e+00 : f32
      %add3A_783 = vector.broadcast %add3A_782 : f32 to vector<16xf32>
      %add3A_784 = arith.addf %add3A_783, %mul3A_781 : vector<16xf32>
      %mul3A_785 = arith.mulf %mul3A_766, %add3A_784 : vector<16xf32>
      %convert_element_type3A_786 = arith.sitofp %sub3A_749 : vector<16xi32> to vector<16xf32>
      %mul3A_787 = arith.constant 0.693147182 : f32
      %mul3A_788 = vector.broadcast %mul3A_787 : f32 to vector<16xf32>
      %mul3A_789 = arith.mulf %convert_element_type3A_786, %mul3A_788 : vector<16xf32>
      %add3A_790 = arith.addf %mul3A_789, %mul3A_785 : vector<16xf32>
      %sub3A_791 = arith.subf %select_n3A_742, %add3A_790 : vector<16xf32>
      tpu.vector_store_idx %arg7[%get3A_519, %iota3A], %broadcast_in_dim3A_463 {add = true} : memref<64x16xf32, #tpu.memory_space<vmem>>[vector<16xi32>, vector<16xi32>], vector<16xf32>,
      %add3A_792 = arith.constant 21 : i32
      %add3A_793 = vector.broadcast %add3A_792 : i32 to vector<16xi32>
      %add3A_794 = arith.addi %get3A_519, %add3A_793 : vector<16xi32>
      tpu.vector_store_idx %arg7[%add3A_794, %iota3A], %convert_element_type3A_744 {add = true} : memref<64x16xf32, #tpu.memory_space<vmem>>[vector<16xi32>, vector<16xi32>], vector<16xf32>,
      %add3A_795 = arith.constant 42 : i32
      %add3A_796 = vector.broadcast %add3A_795 : i32 to vector<16xi32>
      %add3A_797 = arith.addi %get3A_519, %add3A_796 : vector<16xi32>
      tpu.vector_store_idx %arg7[%add3A_797, %iota3A], %sub3A_791 {add = true} : memref<64x16xf32, #tpu.memory_space<vmem>>[vector<16xi32>, vector<16xi32>], vector<16xf32>,
    }
    %scan3A_474 = arith.constant 32 : i32
    %scan3A_475 = arith.constant 0 : i32
    %scan3A_476 = arith.constant 0 : i32
    %scan3A_477 = arith.constant 32 : i32
    %scan3A_478 = arith.addi %scan3A_476, %scan3A_477 : i32
    %scan3A_479 = arith.constant 1 : i32
    scf.for %scan3A_514 = %scan3A_476 to %scan3A_478 step %scan3A_479  : i32 {
      %mul3A_515 = arith.constant 16 : i32
      %mul3A_516 = arith.muli %scan3A_514, %mul3A_515 : i32
      %get3A = arith.constant 2 : i32
      %get3A_517 = arith.index_cast %get3A : i32 to index
      %get3A_518 = arith.index_cast %mul3A_516 : i32 to index
      %get3A_519 = tpu.vector_load %arg6[%get3A_517, %get3A_518] {strides = array<i32>} : memref<8x512xi32, #tpu.memory_space<vmem>>, vector<16xi32>,
      %get3A_520 = arith.constant 2 : i32
      %get3A_521 = arith.index_cast %get3A_520 : i32 to index
      %get3A_522 = arith.index_cast %mul3A_516 : i32 to index
      %get3A_523 = tpu.vector_load %arg5[%get3A_521, %get3A_522] {strides = array<i32>} : memref<168x512xf32, #tpu.memory_space<vmem>>, vector<16xf32>,
      %exp3A = math.exp %get3A_523 : vector<16xf32>
      %get3A_524 = arith.constant 10 : i32
      %get3A_525 = arith.index_cast %get3A_524 : i32 to index
      %get3A_526 = arith.index_cast %mul3A_516 : i32 to index
      %get3A_527 = tpu.vector_load %arg5[%get3A_525, %get3A_526] {strides = array<i32>} : memref<168x512xf32, #tpu.memory_space<vmem>>, vector<16xf32>,
      %max3A = arith.maximumf %get3A_523, %get3A_527 : vector<16xf32>
      %exp3A_528 = math.exp %get3A_527 : vector<16xf32>
      %add3A_529 = arith.addf %exp3A, %exp3A_528 : vector<16xf32>
      %eq3A_530 = arith.constant 1 : i32
      %eq3A_531 = vector.broadcast %eq3A_530 : i32 to vector<16xi32>
      %eq3A_532 = arith.cmpi eq, %get3A_519, %eq3A_531 : vector<16xi32>
      %select_n3A_533 = arith.select %eq3A_532, %get3A_527, %get3A_523 : vector<16xi1>, vector<16xf32>
      %get3A_534 = arith.constant 18 : i32
      %get3A_535 = arith.index_cast %get3A_534 : i32 to index
      %get3A_536 = arith.index_cast %mul3A_516 : i32 to index
      %get3A_537 = tpu.vector_load %arg5[%get3A_535, %get3A_536] {strides = array<i32>} : memref<168x512xf32, #tpu.memory_space<vmem>>, vector<16xf32>,
      %max3A_538 = arith.maximumf %max3A, %get3A_537 : vector<16xf32>
      %exp3A_539 = math.exp %get3A_537 : vector<16xf32>
      %add3A_540 = arith.addf %add3A_529, %exp3A_539 : vector<16xf32>
      %eq3A_541 = arith.constant 2 : i32
      %eq3A_542 = vector.broadcast %eq3A_541 : i32 to vector<16xi32>
      %eq3A_543 = arith.cmpi eq, %get3A_519, %eq3A_542 : vector<16xi32>
      %select_n3A_544 = arith.select %eq3A_543, %get3A_537, %select_n3A_533 : vector<16xi1>, vector<16xf32>
      %get3A_545 = arith.constant 26 : i32
      %get3A_546 = arith.index_cast %get3A_545 : i32 to index
      %get3A_547 = arith.index_cast %mul3A_516 : i32 to index
      %get3A_548 = tpu.vector_load %arg5[%get3A_546, %get3A_547] {strides = array<i32>} : memref<168x512xf32, #tpu.memory_space<vmem>>, vector<16xf32>,
      %max3A_549 = arith.maximumf %max3A_538, %get3A_548 : vector<16xf32>
      %exp3A_550 = math.exp %get3A_548 : vector<16xf32>
      %add3A_551 = arith.addf %add3A_540, %exp3A_550 : vector<16xf32>
      %eq3A_552 = arith.constant 3 : i32
      %eq3A_553 = vector.broadcast %eq3A_552 : i32 to vector<16xi32>
      %eq3A_554 = arith.cmpi eq, %get3A_519, %eq3A_553 : vector<16xi32>
      %select_n3A_555 = arith.select %eq3A_554, %get3A_548, %select_n3A_544 : vector<16xi1>, vector<16xf32>
      %get3A_556 = arith.constant 34 : i32
      %get3A_557 = arith.index_cast %get3A_556 : i32 to index
      %get3A_558 = arith.index_cast %mul3A_516 : i32 to index
      %get3A_559 = tpu.vector_load %arg5[%get3A_557, %get3A_558] {strides = array<i32>} : memref<168x512xf32, #tpu.memory_space<vmem>>, vector<16xf32>,
      %max3A_560 = arith.maximumf %max3A_549, %get3A_559 : vector<16xf32>
      %exp3A_561 = math.exp %get3A_559 : vector<16xf32>
      %add3A_562 = arith.addf %add3A_551, %exp3A_561 : vector<16xf32>
      %eq3A_563 = arith.constant 4 : i32
      %eq3A_564 = vector.broadcast %eq3A_563 : i32 to vector<16xi32>
      %eq3A_565 = arith.cmpi eq, %get3A_519, %eq3A_564 : vector<16xi32>
      %select_n3A_566 = arith.select %eq3A_565, %get3A_559, %select_n3A_555 : vector<16xi1>, vector<16xf32>
      %get3A_567 = arith.constant 42 : i32
      %get3A_568 = arith.index_cast %get3A_567 : i32 to index
      %get3A_569 = arith.index_cast %mul3A_516 : i32 to index
      %get3A_570 = tpu.vector_load %arg5[%get3A_568, %get3A_569] {strides = array<i32>} : memref<168x512xf32, #tpu.memory_space<vmem>>, vector<16xf32>,
      %max3A_571 = arith.maximumf %max3A_560, %get3A_570 : vector<16xf32>
      %exp3A_572 = math.exp %get3A_570 : vector<16xf32>
      %add3A_573 = arith.addf %add3A_562, %exp3A_572 : vector<16xf32>
      %eq3A_574 = arith.constant 5 : i32
      %eq3A_575 = vector.broadcast %eq3A_574 : i32 to vector<16xi32>
      %eq3A_576 = arith.cmpi eq, %get3A_519, %eq3A_575 : vector<16xi32>
      %select_n3A_577 = arith.select %eq3A_576, %get3A_570, %select_n3A_566 : vector<16xi1>, vector<16xf32>
      %get3A_578 = arith.constant 50 : i32
      %get3A_579 = arith.index_cast %get3A_578 : i32 to index
      %get3A_580 = arith.index_cast %mul3A_516 : i32 to index
      %get3A_581 = tpu.vector_load %arg5[%get3A_579, %get3A_580] {strides = array<i32>} : memref<168x512xf32, #tpu.memory_space<vmem>>, vector<16xf32>,
      %max3A_582 = arith.maximumf %max3A_571, %get3A_581 : vector<16xf32>
      %exp3A_583 = math.exp %get3A_581 : vector<16xf32>
      %add3A_584 = arith.addf %add3A_573, %exp3A_583 : vector<16xf32>
      %eq3A_585 = arith.constant 6 : i32
      %eq3A_586 = vector.broadcast %eq3A_585 : i32 to vector<16xi32>
      %eq3A_587 = arith.cmpi eq, %get3A_519, %eq3A_586 : vector<16xi32>
      %select_n3A_588 = arith.select %eq3A_587, %get3A_581, %select_n3A_577 : vector<16xi1>, vector<16xf32>
      %get3A_589 = arith.constant 58 : i32
      %get3A_590 = arith.index_cast %get3A_589 : i32 to index
      %get3A_591 = arith.index_cast %mul3A_516 : i32 to index
      %get3A_592 = tpu.vector_load %arg5[%get3A_590, %get3A_591] {strides = array<i32>} : memref<168x512xf32, #tpu.memory_space<vmem>>, vector<16xf32>,
      %max3A_593 = arith.maximumf %max3A_582, %get3A_592 : vector<16xf32>
      %exp3A_594 = math.exp %get3A_592 : vector<16xf32>
      %add3A_595 = arith.addf %add3A_584, %exp3A_594 : vector<16xf32>
      %eq3A_596 = arith.constant 7 : i32
      %eq3A_597 = vector.broadcast %eq3A_596 : i32 to vector<16xi32>
      %eq3A_598 = arith.cmpi eq, %get3A_519, %eq3A_597 : vector<16xi32>
      %select_n3A_599 = arith.select %eq3A_598, %get3A_592, %select_n3A_588 : vector<16xi1>, vector<16xf32>
      %get3A_600 = arith.constant 66 : i32
      %get3A_601 = arith.index_cast %get3A_600 : i32 to index
      %get3A_602 = arith.index_cast %mul3A_516 : i32 to index
      %get3A_603 = tpu.vector_load %arg5[%get3A_601, %get3A_602] {strides = array<i32>} : memref<168x512xf32, #tpu.memory_space<vmem>>, vector<16xf32>,
      %max3A_604 = arith.maximumf %max3A_593, %get3A_603 : vector<16xf32>
      %exp3A_605 = math.exp %get3A_603 : vector<16xf32>
      %add3A_606 = arith.addf %add3A_595, %exp3A_605 : vector<16xf32>
      %eq3A_607 = arith.constant 8 : i32
      %eq3A_608 = vector.broadcast %eq3A_607 : i32 to vector<16xi32>
      %eq3A_609 = arith.cmpi eq, %get3A_519, %eq3A_608 : vector<16xi32>
      %select_n3A_610 = arith.select %eq3A_609, %get3A_603, %select_n3A_599 : vector<16xi1>, vector<16xf32>
      %get3A_611 = arith.constant 74 : i32
      %get3A_612 = arith.index_cast %get3A_611 : i32 to index
      %get3A_613 = arith.index_cast %mul3A_516 : i32 to index
      %get3A_614 = tpu.vector_load %arg5[%get3A_612, %get3A_613] {strides = array<i32>} : memref<168x512xf32, #tpu.memory_space<vmem>>, vector<16xf32>,
      %max3A_615 = arith.maximumf %max3A_604, %get3A_614 : vector<16xf32>
      %exp3A_616 = math.exp %get3A_614 : vector<16xf32>
      %add3A_617 = arith.addf %add3A_606, %exp3A_616 : vector<16xf32>
      %eq3A_618 = arith.constant 9 : i32
      %eq3A_619 = vector.broadcast %eq3A_618 : i32 to vector<16xi32>
      %eq3A_620 = arith.cmpi eq, %get3A_519, %eq3A_619 : vector<16xi32>
      %select_n3A_621 = arith.select %eq3A_620, %get3A_614, %select_n3A_610 : vector<16xi1>, vector<16xf32>
      %get3A_622 = arith.constant 82 : i32
      %get3A_623 = arith.index_cast %get3A_622 : i32 to index
      %get3A_624 = arith.index_cast %mul3A_516 : i32 to index
      %get3A_625 = tpu.vector_load %arg5[%get3A_623, %get3A_624] {strides = array<i32>} : memref<168x512xf32, #tpu.memory_space<vmem>>, vector<16xf32>,
      %max3A_626 = arith.maximumf %max3A_615, %get3A_625 : vector<16xf32>
      %exp3A_627 = math.exp %get3A_625 : vector<16xf32>
      %add3A_628 = arith.addf %add3A_617, %exp3A_627 : vector<16xf32>
      %eq3A_629 = arith.constant 10 : i32
      %eq3A_630 = vector.broadcast %eq3A_629 : i32 to vector<16xi32>
      %eq3A_631 = arith.cmpi eq, %get3A_519, %eq3A_630 : vector<16xi32>
      %select_n3A_632 = arith.select %eq3A_631, %get3A_625, %select_n3A_621 : vector<16xi1>, vector<16xf32>
      %get3A_633 = arith.constant 90 : i32
      %get3A_634 = arith.index_cast %get3A_633 : i32 to index
      %get3A_635 = arith.index_cast %mul3A_516 : i32 to index
      %get3A_636 = tpu.vector_load %arg5[%get3A_634, %get3A_635] {strides = array<i32>} : memref<168x512xf32, #tpu.memory_space<vmem>>, vector<16xf32>,
      %max3A_637 = arith.maximumf %max3A_626, %get3A_636 : vector<16xf32>
      %exp3A_638 = math.exp %get3A_636 : vector<16xf32>
      %add3A_639 = arith.addf %add3A_628, %exp3A_638 : vector<16xf32>
      %eq3A_640 = arith.constant 11 : i32
      %eq3A_641 = vector.broadcast %eq3A_640 : i32 to vector<16xi32>
      %eq3A_642 = arith.cmpi eq, %get3A_519, %eq3A_641 : vector<16xi32>
      %select_n3A_643 = arith.select %eq3A_642, %get3A_636, %select_n3A_632 : vector<16xi1>, vector<16xf32>
      %get3A_644 = arith.constant 98 : i32
      %get3A_645 = arith.index_cast %get3A_644 : i32 to index
      %get3A_646 = arith.index_cast %mul3A_516 : i32 to index
      %get3A_647 = tpu.vector_load %arg5[%get3A_645, %get3A_646] {strides = array<i32>} : memref<168x512xf32, #tpu.memory_space<vmem>>, vector<16xf32>,
      %max3A_648 = arith.maximumf %max3A_637, %get3A_647 : vector<16xf32>
      %exp3A_649 = math.exp %get3A_647 : vector<16xf32>
      %add3A_650 = arith.addf %add3A_639, %exp3A_649 : vector<16xf32>
      %eq3A_651 = arith.constant 12 : i32
      %eq3A_652 = vector.broadcast %eq3A_651 : i32 to vector<16xi32>
      %eq3A_653 = arith.cmpi eq, %get3A_519, %eq3A_652 : vector<16xi32>
      %select_n3A_654 = arith.select %eq3A_653, %get3A_647, %select_n3A_643 : vector<16xi1>, vector<16xf32>
      %get3A_655 = arith.constant 106 : i32
      %get3A_656 = arith.index_cast %get3A_655 : i32 to index
      %get3A_657 = arith.index_cast %mul3A_516 : i32 to index
      %get3A_658 = tpu.vector_load %arg5[%get3A_656, %get3A_657] {strides = array<i32>} : memref<168x512xf32, #tpu.memory_space<vmem>>, vector<16xf32>,
      %max3A_659 = arith.maximumf %max3A_648, %get3A_658 : vector<16xf32>
      %exp3A_660 = math.exp %get3A_658 : vector<16xf32>
      %add3A_661 = arith.addf %add3A_650, %exp3A_660 : vector<16xf32>
      %eq3A_662 = arith.constant 13 : i32
      %eq3A_663 = vector.broadcast %eq3A_662 : i32 to vector<16xi32>
      %eq3A_664 = arith.cmpi eq, %get3A_519, %eq3A_663 : vector<16xi32>
      %select_n3A_665 = arith.select %eq3A_664, %get3A_658, %select_n3A_654 : vector<16xi1>, vector<16xf32>
      %get3A_666 = arith.constant 114 : i32
      %get3A_667 = arith.index_cast %get3A_666 : i32 to index
      %get3A_668 = arith.index_cast %mul3A_516 : i32 to index
      %get3A_669 = tpu.vector_load %arg5[%get3A_667, %get3A_668] {strides = array<i32>} : memref<168x512xf32, #tpu.memory_space<vmem>>, vector<16xf32>,
      %max3A_670 = arith.maximumf %max3A_659, %get3A_669 : vector<16xf32>
      %exp3A_671 = math.exp %get3A_669 : vector<16xf32>
      %add3A_672 = arith.addf %add3A_661, %exp3A_671 : vector<16xf32>
      %eq3A_673 = arith.constant 14 : i32
      %eq3A_674 = vector.broadcast %eq3A_673 : i32 to vector<16xi32>
      %eq3A_675 = arith.cmpi eq, %get3A_519, %eq3A_674 : vector<16xi32>
      %select_n3A_676 = arith.select %eq3A_675, %get3A_669, %select_n3A_665 : vector<16xi1>, vector<16xf32>
      %get3A_677 = arith.constant 122 : i32
      %get3A_678 = arith.index_cast %get3A_677 : i32 to index
      %get3A_679 = arith.index_cast %mul3A_516 : i32 to index
      %get3A_680 = tpu.vector_load %arg5[%get3A_678, %get3A_679] {strides = array<i32>} : memref<168x512xf32, #tpu.memory_space<vmem>>, vector<16xf32>,
      %max3A_681 = arith.maximumf %max3A_670, %get3A_680 : vector<16xf32>
      %exp3A_682 = math.exp %get3A_680 : vector<16xf32>
      %add3A_683 = arith.addf %add3A_672, %exp3A_682 : vector<16xf32>
      %eq3A_684 = arith.constant 15 : i32
      %eq3A_685 = vector.broadcast %eq3A_684 : i32 to vector<16xi32>
      %eq3A_686 = arith.cmpi eq, %get3A_519, %eq3A_685 : vector<16xi32>
      %select_n3A_687 = arith.select %eq3A_686, %get3A_680, %select_n3A_676 : vector<16xi1>, vector<16xf32>
      %get3A_688 = arith.constant 130 : i32
      %get3A_689 = arith.index_cast %get3A_688 : i32 to index
      %get3A_690 = arith.index_cast %mul3A_516 : i32 to index
      %get3A_691 = tpu.vector_load %arg5[%get3A_689, %get3A_690] {strides = array<i32>} : memref<168x512xf32, #tpu.memory_space<vmem>>, vector<16xf32>,
      %max3A_692 = arith.maximumf %max3A_681, %get3A_691 : vector<16xf32>
      %exp3A_693 = math.exp %get3A_691 : vector<16xf32>
      %add3A_694 = arith.addf %add3A_683, %exp3A_693 : vector<16xf32>
      %eq3A_695 = arith.constant 16 : i32
      %eq3A_696 = vector.broadcast %eq3A_695 : i32 to vector<16xi32>
      %eq3A_697 = arith.cmpi eq, %get3A_519, %eq3A_696 : vector<16xi32>
      %select_n3A_698 = arith.select %eq3A_697, %get3A_691, %select_n3A_687 : vector<16xi1>, vector<16xf32>
      %get3A_699 = arith.constant 138 : i32
      %get3A_700 = arith.index_cast %get3A_699 : i32 to index
      %get3A_701 = arith.index_cast %mul3A_516 : i32 to index
      %get3A_702 = tpu.vector_load %arg5[%get3A_700, %get3A_701] {strides = array<i32>} : memref<168x512xf32, #tpu.memory_space<vmem>>, vector<16xf32>,
      %max3A_703 = arith.maximumf %max3A_692, %get3A_702 : vector<16xf32>
      %exp3A_704 = math.exp %get3A_702 : vector<16xf32>
      %add3A_705 = arith.addf %add3A_694, %exp3A_704 : vector<16xf32>
      %eq3A_706 = arith.constant 17 : i32
      %eq3A_707 = vector.broadcast %eq3A_706 : i32 to vector<16xi32>
      %eq3A_708 = arith.cmpi eq, %get3A_519, %eq3A_707 : vector<16xi32>
      %select_n3A_709 = arith.select %eq3A_708, %get3A_702, %select_n3A_698 : vector<16xi1>, vector<16xf32>
      %get3A_710 = arith.constant 146 : i32
      %get3A_711 = arith.index_cast %get3A_710 : i32 to index
      %get3A_712 = arith.index_cast %mul3A_516 : i32 to index
      %get3A_713 = tpu.vector_load %arg5[%get3A_711, %get3A_712] {strides = array<i32>} : memref<168x512xf32, #tpu.memory_space<vmem>>, vector<16xf32>,
      %max3A_714 = arith.maximumf %max3A_703, %get3A_713 : vector<16xf32>
      %exp3A_715 = math.exp %get3A_713 : vector<16xf32>
      %add3A_716 = arith.addf %add3A_705, %exp3A_715 : vector<16xf32>
      %eq3A_717 = arith.constant 18 : i32
      %eq3A_718 = vector.broadcast %eq3A_717 : i32 to vector<16xi32>
      %eq3A_719 = arith.cmpi eq, %get3A_519, %eq3A_718 : vector<16xi32>
      %select_n3A_720 = arith.select %eq3A_719, %get3A_713, %select_n3A_709 : vector<16xi1>, vector<16xf32>
      %get3A_721 = arith.constant 154 : i32
      %get3A_722 = arith.index_cast %get3A_721 : i32 to index
      %get3A_723 = arith.index_cast %mul3A_516 : i32 to index
      %get3A_724 = tpu.vector_load %arg5[%get3A_722, %get3A_723] {strides = array<i32>} : memref<168x512xf32, #tpu.memory_space<vmem>>, vector<16xf32>,
      %max3A_725 = arith.maximumf %max3A_714, %get3A_724 : vector<16xf32>
      %exp3A_726 = math.exp %get3A_724 : vector<16xf32>
      %add3A_727 = arith.addf %add3A_716, %exp3A_726 : vector<16xf32>
      %eq3A_728 = arith.constant 19 : i32
      %eq3A_729 = vector.broadcast %eq3A_728 : i32 to vector<16xi32>
      %eq3A_730 = arith.cmpi eq, %get3A_519, %eq3A_729 : vector<16xi32>
      %select_n3A_731 = arith.select %eq3A_730, %get3A_724, %select_n3A_720 : vector<16xi1>, vector<16xf32>
      %get3A_732 = arith.constant 162 : i32
      %get3A_733 = arith.index_cast %get3A_732 : i32 to index
      %get3A_734 = arith.index_cast %mul3A_516 : i32 to index
      %get3A_735 = tpu.vector_load %arg5[%get3A_733, %get3A_734] {strides = array<i32>} : memref<168x512xf32, #tpu.memory_space<vmem>>, vector<16xf32>,
      %max3A_736 = arith.maximumf %max3A_725, %get3A_735 : vector<16xf32>
      %exp3A_737 = math.exp %get3A_735 : vector<16xf32>
      %add3A_738 = arith.addf %add3A_727, %exp3A_737 : vector<16xf32>
      %eq3A_739 = arith.constant 20 : i32
      %eq3A_740 = vector.broadcast %eq3A_739 : i32 to vector<16xi32>
      %eq3A_741 = arith.cmpi eq, %get3A_519, %eq3A_740 : vector<16xi32>
      %select_n3A_742 = arith.select %eq3A_741, %get3A_735, %select_n3A_731 : vector<16xi1>, vector<16xf32>
      %eq3A_743 = arith.cmpf oeq, %select_n3A_742, %max3A_736 : vector<16xf32>
      %convert_element_type3A = arith.extui %eq3A_743 : vector<16xi1> to vector<16xi32>
      %convert_element_type3A_744 = arith.sitofp %convert_element_type3A : vector<16xi32> to vector<16xf32>
      %bitcast3A = vector.bitcast %add3A_738 : vector<16xf32> to vector<16xi32>
      %shift_right_logical3A = arith.constant 23 : i32
      %shift_right_logical3A_745 = vector.broadcast %shift_right_logical3A : i32 to vector<16xi32>
      %shift_right_logical3A_746 = arith.shrui %bitcast3A, %shift_right_logical3A_745 : vector<16xi32>
      %sub3A_747 = arith.constant 127 : i32
      %sub3A_748 = vector.broadcast %sub3A_747 : i32 to vector<16xi32>
      %sub3A_749 = arith.subi %shift_right_logical3A_746, %sub3A_748 : vector<16xi32>
      %and3A_750 = arith.constant 8388607 : i32
      %and3A_751 = vector.broadcast %and3A_750 : i32 to vector<16xi32>
      %and3A_752 = arith.andi %bitcast3A, %and3A_751 : vector<16xi32>
      %or3A = arith.constant 1065353216 : i32
      %or3A_753 = vector.broadcast %or3A : i32 to vector<16xi32>
      %or3A_754 = arith.ori %and3A_752, %or3A_753 : vector<16xi32>
      %bitcast3A_755 = vector.bitcast %or3A_754 : vector<16xi32> to vector<16xf32>
      %sub3A_756 = arith.constant 1.000000e+00 : f32
      %sub3A_757 = vector.broadcast %sub3A_756 : f32 to vector<16xf32>
      %sub3A_758 = arith.subf %bitcast3A_755, %sub3A_757 : vector<16xf32>
      %add3A_759 = arith.constant 1.000000e+00 : f32
      %add3A_760 = vector.broadcast %add3A_759 : f32 to vector<16xf32>
      %add3A_761 = arith.addf %bitcast3A_755, %add3A_760 : vector<16xf32>
      %div3A_762 = arith.divf %sub3A_758, %add3A_761 : vector<16xf32>
      %mul3A_763 = arith.mulf %div3A_762, %div3A_762 : vector<16xf32>
      %mul3A_764 = arith.constant 2.000000e+00 : f32
      %mul3A_765 = vector.broadcast %mul3A_764 : f32 to vector<16xf32>
      %mul3A_766 = arith.mulf %mul3A_765, %div3A_762 : vector<16xf32>
      %mul3A_767 = arith.constant 0.111111112 : f32
      %mul3A_768 = vector.broadcast %mul3A_767 : f32 to vector<16xf32>
      %mul3A_769 = arith.mulf %mul3A_763, %mul3A_768 : vector<16xf32>
      %add3A_770 = arith.constant 0.142857149 : f32
      %add3A_771 = vector.broadcast %add3A_770 : f32 to vector<16xf32>
      %add3A_772 = arith.addf %add3A_771, %mul3A_769 : vector<16xf32>
      %mul3A_773 = arith.mulf %mul3A_763, %add3A_772 : vector<16xf32>
      %add3A_774 = arith.constant 2.000000e-01 : f32
      %add3A_775 = vector.broadcast %add3A_774 : f32 to vector<16xf32>
      %add3A_776 = arith.addf %add3A_775, %mul3A_773 : vector<16xf32>
      %mul3A_777 = arith.mulf %mul3A_763, %add3A_776 : vector<16xf32>
      %add3A_778 = arith.constant 0.333333343 : f32
      %add3A_779 = vector.broadcast %add3A_778 : f32 to vector<16xf32>
      %add3A_780 = arith.addf %add3A_779, %mul3A_777 : vector<16xf32>
      %mul3A_781 = arith.mulf %mul3A_763, %add3A_780 : vector<16xf32>
      %add3A_782 = arith.constant 1.000000e+00 : f32
      %add3A_783 = vector.broadcast %add3A_782 : f32 to vector<16xf32>
      %add3A_784 = arith.addf %add3A_783, %mul3A_781 : vector<16xf32>
      %mul3A_785 = arith.mulf %mul3A_766, %add3A_784 : vector<16xf32>
      %convert_element_type3A_786 = arith.sitofp %sub3A_749 : vector<16xi32> to vector<16xf32>
      %mul3A_787 = arith.constant 0.693147182 : f32
      %mul3A_788 = vector.broadcast %mul3A_787 : f32 to vector<16xf32>
      %mul3A_789 = arith.mulf %convert_element_type3A_786, %mul3A_788 : vector<16xf32>
      %add3A_790 = arith.addf %mul3A_789, %mul3A_785 : vector<16xf32>
      %sub3A_791 = arith.subf %select_n3A_742, %add3A_790 : vector<16xf32>
      tpu.vector_store_idx %arg7[%get3A_519, %iota3A], %broadcast_in_dim3A_463 {add = true} : memref<64x16xf32, #tpu.memory_space<vmem>>[vector<16xi32>, vector<16xi32>], vector<16xf32>,
      %add3A_792 = arith.constant 21 : i32
      %add3A_793 = vector.broadcast %add3A_792 : i32 to vector<16xi32>
      %add3A_794 = arith.addi %get3A_519, %add3A_793 : vector<16xi32>
      tpu.vector_store_idx %arg7[%add3A_794, %iota3A], %convert_element_type3A_744 {add = true} : memref<64x16xf32, #tpu.memory_space<vmem>>[vector<16xi32>, vector<16xi32>], vector<16xf32>,
      %add3A_795 = arith.constant 42 : i32
      %add3A_796 = vector.broadcast %add3A_795 : i32 to vector<16xi32>
      %add3A_797 = arith.addi %get3A_519, %add3A_796 : vector<16xi32>
      tpu.vector_store_idx %arg7[%add3A_797, %iota3A], %sub3A_791 {add = true} : memref<64x16xf32, #tpu.memory_space<vmem>>[vector<16xi32>, vector<16xi32>], vector<16xf32>,
    }
    %scan3A_480 = arith.constant 32 : i32
    %scan3A_481 = arith.constant 0 : i32
    %scan3A_482 = arith.constant 0 : i32
    %scan3A_483 = arith.constant 32 : i32
    %scan3A_484 = arith.addi %scan3A_482, %scan3A_483 : i32
    %scan3A_485 = arith.constant 1 : i32
    scf.for %scan3A_514 = %scan3A_482 to %scan3A_484 step %scan3A_485  : i32 {
      %mul3A_515 = arith.constant 16 : i32
      %mul3A_516 = arith.muli %scan3A_514, %mul3A_515 : i32
      %get3A = arith.constant 3 : i32
      %get3A_517 = arith.index_cast %get3A : i32 to index
      %get3A_518 = arith.index_cast %mul3A_516 : i32 to index
      %get3A_519 = tpu.vector_load %arg6[%get3A_517, %get3A_518] {strides = array<i32>} : memref<8x512xi32, #tpu.memory_space<vmem>>, vector<16xi32>,
      %get3A_520 = arith.constant 3 : i32
      %get3A_521 = arith.index_cast %get3A_520 : i32 to index
      %get3A_522 = arith.index_cast %mul3A_516 : i32 to index
      %get3A_523 = tpu.vector_load %arg5[%get3A_521, %get3A_522] {strides = array<i32>} : memref<168x512xf32, #tpu.memory_space<vmem>>, vector<16xf32>,
      %exp3A = math.exp %get3A_523 : vector<16xf32>
      %get3A_524 = arith.constant 11 : i32
      %get3A_525 = arith.index_cast %get3A_524 : i32 to index
      %get3A_526 = arith.index_cast %mul3A_516 : i32 to index
      %get3A_527 = tpu.vector_load %arg5[%get3A_525, %get3A_526] {strides = array<i32>} : memref<168x512xf32, #tpu.memory_space<vmem>>, vector<16xf32>,
      %max3A = arith.maximumf %get3A_523, %get3A_527 : vector<16xf32>
      %exp3A_528 = math.exp %get3A_527 : vector<16xf32>
      %add3A_529 = arith.addf %exp3A, %exp3A_528 : vector<16xf32>
      %eq3A_530 = arith.constant 1 : i32
      %eq3A_531 = vector.broadcast %eq3A_530 : i32 to vector<16xi32>
      %eq3A_532 = arith.cmpi eq, %get3A_519, %eq3A_531 : vector<16xi32>
      %select_n3A_533 = arith.select %eq3A_532, %get3A_527, %get3A_523 : vector<16xi1>, vector<16xf32>
      %get3A_534 = arith.constant 19 : i32
      %get3A_535 = arith.index_cast %get3A_534 : i32 to index
      %get3A_536 = arith.index_cast %mul3A_516 : i32 to index
      %get3A_537 = tpu.vector_load %arg5[%get3A_535, %get3A_536] {strides = array<i32>} : memref<168x512xf32, #tpu.memory_space<vmem>>, vector<16xf32>,
      %max3A_538 = arith.maximumf %max3A, %get3A_537 : vector<16xf32>
      %exp3A_539 = math.exp %get3A_537 : vector<16xf32>
      %add3A_540 = arith.addf %add3A_529, %exp3A_539 : vector<16xf32>
      %eq3A_541 = arith.constant 2 : i32
      %eq3A_542 = vector.broadcast %eq3A_541 : i32 to vector<16xi32>
      %eq3A_543 = arith.cmpi eq, %get3A_519, %eq3A_542 : vector<16xi32>
      %select_n3A_544 = arith.select %eq3A_543, %get3A_537, %select_n3A_533 : vector<16xi1>, vector<16xf32>
      %get3A_545 = arith.constant 27 : i32
      %get3A_546 = arith.index_cast %get3A_545 : i32 to index
      %get3A_547 = arith.index_cast %mul3A_516 : i32 to index
      %get3A_548 = tpu.vector_load %arg5[%get3A_546, %get3A_547] {strides = array<i32>} : memref<168x512xf32, #tpu.memory_space<vmem>>, vector<16xf32>,
      %max3A_549 = arith.maximumf %max3A_538, %get3A_548 : vector<16xf32>
      %exp3A_550 = math.exp %get3A_548 : vector<16xf32>
      %add3A_551 = arith.addf %add3A_540, %exp3A_550 : vector<16xf32>
      %eq3A_552 = arith.constant 3 : i32
      %eq3A_553 = vector.broadcast %eq3A_552 : i32 to vector<16xi32>
      %eq3A_554 = arith.cmpi eq, %get3A_519, %eq3A_553 : vector<16xi32>
      %select_n3A_555 = arith.select %eq3A_554, %get3A_548, %select_n3A_544 : vector<16xi1>, vector<16xf32>
      %get3A_556 = arith.constant 35 : i32
      %get3A_557 = arith.index_cast %get3A_556 : i32 to index
      %get3A_558 = arith.index_cast %mul3A_516 : i32 to index
      %get3A_559 = tpu.vector_load %arg5[%get3A_557, %get3A_558] {strides = array<i32>} : memref<168x512xf32, #tpu.memory_space<vmem>>, vector<16xf32>,
      %max3A_560 = arith.maximumf %max3A_549, %get3A_559 : vector<16xf32>
      %exp3A_561 = math.exp %get3A_559 : vector<16xf32>
      %add3A_562 = arith.addf %add3A_551, %exp3A_561 : vector<16xf32>
      %eq3A_563 = arith.constant 4 : i32
      %eq3A_564 = vector.broadcast %eq3A_563 : i32 to vector<16xi32>
      %eq3A_565 = arith.cmpi eq, %get3A_519, %eq3A_564 : vector<16xi32>
      %select_n3A_566 = arith.select %eq3A_565, %get3A_559, %select_n3A_555 : vector<16xi1>, vector<16xf32>
      %get3A_567 = arith.constant 43 : i32
      %get3A_568 = arith.index_cast %get3A_567 : i32 to index
      %get3A_569 = arith.index_cast %mul3A_516 : i32 to index
      %get3A_570 = tpu.vector_load %arg5[%get3A_568, %get3A_569] {strides = array<i32>} : memref<168x512xf32, #tpu.memory_space<vmem>>, vector<16xf32>,
      %max3A_571 = arith.maximumf %max3A_560, %get3A_570 : vector<16xf32>
      %exp3A_572 = math.exp %get3A_570 : vector<16xf32>
      %add3A_573 = arith.addf %add3A_562, %exp3A_572 : vector<16xf32>
      %eq3A_574 = arith.constant 5 : i32
      %eq3A_575 = vector.broadcast %eq3A_574 : i32 to vector<16xi32>
      %eq3A_576 = arith.cmpi eq, %get3A_519, %eq3A_575 : vector<16xi32>
      %select_n3A_577 = arith.select %eq3A_576, %get3A_570, %select_n3A_566 : vector<16xi1>, vector<16xf32>
      %get3A_578 = arith.constant 51 : i32
      %get3A_579 = arith.index_cast %get3A_578 : i32 to index
      %get3A_580 = arith.index_cast %mul3A_516 : i32 to index
      %get3A_581 = tpu.vector_load %arg5[%get3A_579, %get3A_580] {strides = array<i32>} : memref<168x512xf32, #tpu.memory_space<vmem>>, vector<16xf32>,
      %max3A_582 = arith.maximumf %max3A_571, %get3A_581 : vector<16xf32>
      %exp3A_583 = math.exp %get3A_581 : vector<16xf32>
      %add3A_584 = arith.addf %add3A_573, %exp3A_583 : vector<16xf32>
      %eq3A_585 = arith.constant 6 : i32
      %eq3A_586 = vector.broadcast %eq3A_585 : i32 to vector<16xi32>
      %eq3A_587 = arith.cmpi eq, %get3A_519, %eq3A_586 : vector<16xi32>
      %select_n3A_588 = arith.select %eq3A_587, %get3A_581, %select_n3A_577 : vector<16xi1>, vector<16xf32>
      %get3A_589 = arith.constant 59 : i32
      %get3A_590 = arith.index_cast %get3A_589 : i32 to index
      %get3A_591 = arith.index_cast %mul3A_516 : i32 to index
      %get3A_592 = tpu.vector_load %arg5[%get3A_590, %get3A_591] {strides = array<i32>} : memref<168x512xf32, #tpu.memory_space<vmem>>, vector<16xf32>,
      %max3A_593 = arith.maximumf %max3A_582, %get3A_592 : vector<16xf32>
      %exp3A_594 = math.exp %get3A_592 : vector<16xf32>
      %add3A_595 = arith.addf %add3A_584, %exp3A_594 : vector<16xf32>
      %eq3A_596 = arith.constant 7 : i32
      %eq3A_597 = vector.broadcast %eq3A_596 : i32 to vector<16xi32>
      %eq3A_598 = arith.cmpi eq, %get3A_519, %eq3A_597 : vector<16xi32>
      %select_n3A_599 = arith.select %eq3A_598, %get3A_592, %select_n3A_588 : vector<16xi1>, vector<16xf32>
      %get3A_600 = arith.constant 67 : i32
      %get3A_601 = arith.index_cast %get3A_600 : i32 to index
      %get3A_602 = arith.index_cast %mul3A_516 : i32 to index
      %get3A_603 = tpu.vector_load %arg5[%get3A_601, %get3A_602] {strides = array<i32>} : memref<168x512xf32, #tpu.memory_space<vmem>>, vector<16xf32>,
      %max3A_604 = arith.maximumf %max3A_593, %get3A_603 : vector<16xf32>
      %exp3A_605 = math.exp %get3A_603 : vector<16xf32>
      %add3A_606 = arith.addf %add3A_595, %exp3A_605 : vector<16xf32>
      %eq3A_607 = arith.constant 8 : i32
      %eq3A_608 = vector.broadcast %eq3A_607 : i32 to vector<16xi32>
      %eq3A_609 = arith.cmpi eq, %get3A_519, %eq3A_608 : vector<16xi32>
      %select_n3A_610 = arith.select %eq3A_609, %get3A_603, %select_n3A_599 : vector<16xi1>, vector<16xf32>
      %get3A_611 = arith.constant 75 : i32
      %get3A_612 = arith.index_cast %get3A_611 : i32 to index
      %get3A_613 = arith.index_cast %mul3A_516 : i32 to index
      %get3A_614 = tpu.vector_load %arg5[%get3A_612, %get3A_613] {strides = array<i32>} : memref<168x512xf32, #tpu.memory_space<vmem>>, vector<16xf32>,
      %max3A_615 = arith.maximumf %max3A_604, %get3A_614 : vector<16xf32>
      %exp3A_616 = math.exp %get3A_614 : vector<16xf32>
      %add3A_617 = arith.addf %add3A_606, %exp3A_616 : vector<16xf32>
      %eq3A_618 = arith.constant 9 : i32
      %eq3A_619 = vector.broadcast %eq3A_618 : i32 to vector<16xi32>
      %eq3A_620 = arith.cmpi eq, %get3A_519, %eq3A_619 : vector<16xi32>
      %select_n3A_621 = arith.select %eq3A_620, %get3A_614, %select_n3A_610 : vector<16xi1>, vector<16xf32>
      %get3A_622 = arith.constant 83 : i32
      %get3A_623 = arith.index_cast %get3A_622 : i32 to index
      %get3A_624 = arith.index_cast %mul3A_516 : i32 to index
      %get3A_625 = tpu.vector_load %arg5[%get3A_623, %get3A_624] {strides = array<i32>} : memref<168x512xf32, #tpu.memory_space<vmem>>, vector<16xf32>,
      %max3A_626 = arith.maximumf %max3A_615, %get3A_625 : vector<16xf32>
      %exp3A_627 = math.exp %get3A_625 : vector<16xf32>
      %add3A_628 = arith.addf %add3A_617, %exp3A_627 : vector<16xf32>
      %eq3A_629 = arith.constant 10 : i32
      %eq3A_630 = vector.broadcast %eq3A_629 : i32 to vector<16xi32>
      %eq3A_631 = arith.cmpi eq, %get3A_519, %eq3A_630 : vector<16xi32>
      %select_n3A_632 = arith.select %eq3A_631, %get3A_625, %select_n3A_621 : vector<16xi1>, vector<16xf32>
      %get3A_633 = arith.constant 91 : i32
      %get3A_634 = arith.index_cast %get3A_633 : i32 to index
      %get3A_635 = arith.index_cast %mul3A_516 : i32 to index
      %get3A_636 = tpu.vector_load %arg5[%get3A_634, %get3A_635] {strides = array<i32>} : memref<168x512xf32, #tpu.memory_space<vmem>>, vector<16xf32>,
      %max3A_637 = arith.maximumf %max3A_626, %get3A_636 : vector<16xf32>
      %exp3A_638 = math.exp %get3A_636 : vector<16xf32>
      %add3A_639 = arith.addf %add3A_628, %exp3A_638 : vector<16xf32>
      %eq3A_640 = arith.constant 11 : i32
      %eq3A_641 = vector.broadcast %eq3A_640 : i32 to vector<16xi32>
      %eq3A_642 = arith.cmpi eq, %get3A_519, %eq3A_641 : vector<16xi32>
      %select_n3A_643 = arith.select %eq3A_642, %get3A_636, %select_n3A_632 : vector<16xi1>, vector<16xf32>
      %get3A_644 = arith.constant 99 : i32
      %get3A_645 = arith.index_cast %get3A_644 : i32 to index
      %get3A_646 = arith.index_cast %mul3A_516 : i32 to index
      %get3A_647 = tpu.vector_load %arg5[%get3A_645, %get3A_646] {strides = array<i32>} : memref<168x512xf32, #tpu.memory_space<vmem>>, vector<16xf32>,
      %max3A_648 = arith.maximumf %max3A_637, %get3A_647 : vector<16xf32>
      %exp3A_649 = math.exp %get3A_647 : vector<16xf32>
      %add3A_650 = arith.addf %add3A_639, %exp3A_649 : vector<16xf32>
      %eq3A_651 = arith.constant 12 : i32
      %eq3A_652 = vector.broadcast %eq3A_651 : i32 to vector<16xi32>
      %eq3A_653 = arith.cmpi eq, %get3A_519, %eq3A_652 : vector<16xi32>
      %select_n3A_654 = arith.select %eq3A_653, %get3A_647, %select_n3A_643 : vector<16xi1>, vector<16xf32>
      %get3A_655 = arith.constant 107 : i32
      %get3A_656 = arith.index_cast %get3A_655 : i32 to index
      %get3A_657 = arith.index_cast %mul3A_516 : i32 to index
      %get3A_658 = tpu.vector_load %arg5[%get3A_656, %get3A_657] {strides = array<i32>} : memref<168x512xf32, #tpu.memory_space<vmem>>, vector<16xf32>,
      %max3A_659 = arith.maximumf %max3A_648, %get3A_658 : vector<16xf32>
      %exp3A_660 = math.exp %get3A_658 : vector<16xf32>
      %add3A_661 = arith.addf %add3A_650, %exp3A_660 : vector<16xf32>
      %eq3A_662 = arith.constant 13 : i32
      %eq3A_663 = vector.broadcast %eq3A_662 : i32 to vector<16xi32>
      %eq3A_664 = arith.cmpi eq, %get3A_519, %eq3A_663 : vector<16xi32>
      %select_n3A_665 = arith.select %eq3A_664, %get3A_658, %select_n3A_654 : vector<16xi1>, vector<16xf32>
      %get3A_666 = arith.constant 115 : i32
      %get3A_667 = arith.index_cast %get3A_666 : i32 to index
      %get3A_668 = arith.index_cast %mul3A_516 : i32 to index
      %get3A_669 = tpu.vector_load %arg5[%get3A_667, %get3A_668] {strides = array<i32>} : memref<168x512xf32, #tpu.memory_space<vmem>>, vector<16xf32>,
      %max3A_670 = arith.maximumf %max3A_659, %get3A_669 : vector<16xf32>
      %exp3A_671 = math.exp %get3A_669 : vector<16xf32>
      %add3A_672 = arith.addf %add3A_661, %exp3A_671 : vector<16xf32>
      %eq3A_673 = arith.constant 14 : i32
      %eq3A_674 = vector.broadcast %eq3A_673 : i32 to vector<16xi32>
      %eq3A_675 = arith.cmpi eq, %get3A_519, %eq3A_674 : vector<16xi32>
      %select_n3A_676 = arith.select %eq3A_675, %get3A_669, %select_n3A_665 : vector<16xi1>, vector<16xf32>
      %get3A_677 = arith.constant 123 : i32
      %get3A_678 = arith.index_cast %get3A_677 : i32 to index
      %get3A_679 = arith.index_cast %mul3A_516 : i32 to index
      %get3A_680 = tpu.vector_load %arg5[%get3A_678, %get3A_679] {strides = array<i32>} : memref<168x512xf32, #tpu.memory_space<vmem>>, vector<16xf32>,
      %max3A_681 = arith.maximumf %max3A_670, %get3A_680 : vector<16xf32>
      %exp3A_682 = math.exp %get3A_680 : vector<16xf32>
      %add3A_683 = arith.addf %add3A_672, %exp3A_682 : vector<16xf32>
      %eq3A_684 = arith.constant 15 : i32
      %eq3A_685 = vector.broadcast %eq3A_684 : i32 to vector<16xi32>
      %eq3A_686 = arith.cmpi eq, %get3A_519, %eq3A_685 : vector<16xi32>
      %select_n3A_687 = arith.select %eq3A_686, %get3A_680, %select_n3A_676 : vector<16xi1>, vector<16xf32>
      %get3A_688 = arith.constant 131 : i32
      %get3A_689 = arith.index_cast %get3A_688 : i32 to index
      %get3A_690 = arith.index_cast %mul3A_516 : i32 to index
      %get3A_691 = tpu.vector_load %arg5[%get3A_689, %get3A_690] {strides = array<i32>} : memref<168x512xf32, #tpu.memory_space<vmem>>, vector<16xf32>,
      %max3A_692 = arith.maximumf %max3A_681, %get3A_691 : vector<16xf32>
      %exp3A_693 = math.exp %get3A_691 : vector<16xf32>
      %add3A_694 = arith.addf %add3A_683, %exp3A_693 : vector<16xf32>
      %eq3A_695 = arith.constant 16 : i32
      %eq3A_696 = vector.broadcast %eq3A_695 : i32 to vector<16xi32>
      %eq3A_697 = arith.cmpi eq, %get3A_519, %eq3A_696 : vector<16xi32>
      %select_n3A_698 = arith.select %eq3A_697, %get3A_691, %select_n3A_687 : vector<16xi1>, vector<16xf32>
      %get3A_699 = arith.constant 139 : i32
      %get3A_700 = arith.index_cast %get3A_699 : i32 to index
      %get3A_701 = arith.index_cast %mul3A_516 : i32 to index
      %get3A_702 = tpu.vector_load %arg5[%get3A_700, %get3A_701] {strides = array<i32>} : memref<168x512xf32, #tpu.memory_space<vmem>>, vector<16xf32>,
      %max3A_703 = arith.maximumf %max3A_692, %get3A_702 : vector<16xf32>
      %exp3A_704 = math.exp %get3A_702 : vector<16xf32>
      %add3A_705 = arith.addf %add3A_694, %exp3A_704 : vector<16xf32>
      %eq3A_706 = arith.constant 17 : i32
      %eq3A_707 = vector.broadcast %eq3A_706 : i32 to vector<16xi32>
      %eq3A_708 = arith.cmpi eq, %get3A_519, %eq3A_707 : vector<16xi32>
      %select_n3A_709 = arith.select %eq3A_708, %get3A_702, %select_n3A_698 : vector<16xi1>, vector<16xf32>
      %get3A_710 = arith.constant 147 : i32
      %get3A_711 = arith.index_cast %get3A_710 : i32 to index
      %get3A_712 = arith.index_cast %mul3A_516 : i32 to index
      %get3A_713 = tpu.vector_load %arg5[%get3A_711, %get3A_712] {strides = array<i32>} : memref<168x512xf32, #tpu.memory_space<vmem>>, vector<16xf32>,
      %max3A_714 = arith.maximumf %max3A_703, %get3A_713 : vector<16xf32>
      %exp3A_715 = math.exp %get3A_713 : vector<16xf32>
      %add3A_716 = arith.addf %add3A_705, %exp3A_715 : vector<16xf32>
      %eq3A_717 = arith.constant 18 : i32
      %eq3A_718 = vector.broadcast %eq3A_717 : i32 to vector<16xi32>
      %eq3A_719 = arith.cmpi eq, %get3A_519, %eq3A_718 : vector<16xi32>
      %select_n3A_720 = arith.select %eq3A_719, %get3A_713, %select_n3A_709 : vector<16xi1>, vector<16xf32>
      %get3A_721 = arith.constant 155 : i32
      %get3A_722 = arith.index_cast %get3A_721 : i32 to index
      %get3A_723 = arith.index_cast %mul3A_516 : i32 to index
      %get3A_724 = tpu.vector_load %arg5[%get3A_722, %get3A_723] {strides = array<i32>} : memref<168x512xf32, #tpu.memory_space<vmem>>, vector<16xf32>,
      %max3A_725 = arith.maximumf %max3A_714, %get3A_724 : vector<16xf32>
      %exp3A_726 = math.exp %get3A_724 : vector<16xf32>
      %add3A_727 = arith.addf %add3A_716, %exp3A_726 : vector<16xf32>
      %eq3A_728 = arith.constant 19 : i32
      %eq3A_729 = vector.broadcast %eq3A_728 : i32 to vector<16xi32>
      %eq3A_730 = arith.cmpi eq, %get3A_519, %eq3A_729 : vector<16xi32>
      %select_n3A_731 = arith.select %eq3A_730, %get3A_724, %select_n3A_720 : vector<16xi1>, vector<16xf32>
      %get3A_732 = arith.constant 163 : i32
      %get3A_733 = arith.index_cast %get3A_732 : i32 to index
      %get3A_734 = arith.index_cast %mul3A_516 : i32 to index
      %get3A_735 = tpu.vector_load %arg5[%get3A_733, %get3A_734] {strides = array<i32>} : memref<168x512xf32, #tpu.memory_space<vmem>>, vector<16xf32>,
      %max3A_736 = arith.maximumf %max3A_725, %get3A_735 : vector<16xf32>
      %exp3A_737 = math.exp %get3A_735 : vector<16xf32>
      %add3A_738 = arith.addf %add3A_727, %exp3A_737 : vector<16xf32>
      %eq3A_739 = arith.constant 20 : i32
      %eq3A_740 = vector.broadcast %eq3A_739 : i32 to vector<16xi32>
      %eq3A_741 = arith.cmpi eq, %get3A_519, %eq3A_740 : vector<16xi32>
      %select_n3A_742 = arith.select %eq3A_741, %get3A_735, %select_n3A_731 : vector<16xi1>, vector<16xf32>
      %eq3A_743 = arith.cmpf oeq, %select_n3A_742, %max3A_736 : vector<16xf32>
      %convert_element_type3A = arith.extui %eq3A_743 : vector<16xi1> to vector<16xi32>
      %convert_element_type3A_744 = arith.sitofp %convert_element_type3A : vector<16xi32> to vector<16xf32>
      %bitcast3A = vector.bitcast %add3A_738 : vector<16xf32> to vector<16xi32>
      %shift_right_logical3A = arith.constant 23 : i32
      %shift_right_logical3A_745 = vector.broadcast %shift_right_logical3A : i32 to vector<16xi32>
      %shift_right_logical3A_746 = arith.shrui %bitcast3A, %shift_right_logical3A_745 : vector<16xi32>
      %sub3A_747 = arith.constant 127 : i32
      %sub3A_748 = vector.broadcast %sub3A_747 : i32 to vector<16xi32>
      %sub3A_749 = arith.subi %shift_right_logical3A_746, %sub3A_748 : vector<16xi32>
      %and3A_750 = arith.constant 8388607 : i32
      %and3A_751 = vector.broadcast %and3A_750 : i32 to vector<16xi32>
      %and3A_752 = arith.andi %bitcast3A, %and3A_751 : vector<16xi32>
      %or3A = arith.constant 1065353216 : i32
      %or3A_753 = vector.broadcast %or3A : i32 to vector<16xi32>
      %or3A_754 = arith.ori %and3A_752, %or3A_753 : vector<16xi32>
      %bitcast3A_755 = vector.bitcast %or3A_754 : vector<16xi32> to vector<16xf32>
      %sub3A_756 = arith.constant 1.000000e+00 : f32
      %sub3A_757 = vector.broadcast %sub3A_756 : f32 to vector<16xf32>
      %sub3A_758 = arith.subf %bitcast3A_755, %sub3A_757 : vector<16xf32>
      %add3A_759 = arith.constant 1.000000e+00 : f32
      %add3A_760 = vector.broadcast %add3A_759 : f32 to vector<16xf32>
      %add3A_761 = arith.addf %bitcast3A_755, %add3A_760 : vector<16xf32>
      %div3A_762 = arith.divf %sub3A_758, %add3A_761 : vector<16xf32>
      %mul3A_763 = arith.mulf %div3A_762, %div3A_762 : vector<16xf32>
      %mul3A_764 = arith.constant 2.000000e+00 : f32
      %mul3A_765 = vector.broadcast %mul3A_764 : f32 to vector<16xf32>
      %mul3A_766 = arith.mulf %mul3A_765, %div3A_762 : vector<16xf32>
      %mul3A_767 = arith.constant 0.111111112 : f32
      %mul3A_768 = vector.broadcast %mul3A_767 : f32 to vector<16xf32>
      %mul3A_769 = arith.mulf %mul3A_763, %mul3A_768 : vector<16xf32>
      %add3A_770 = arith.constant 0.142857149 : f32
      %add3A_771 = vector.broadcast %add3A_770 : f32 to vector<16xf32>
      %add3A_772 = arith.addf %add3A_771, %mul3A_769 : vector<16xf32>
      %mul3A_773 = arith.mulf %mul3A_763, %add3A_772 : vector<16xf32>
      %add3A_774 = arith.constant 2.000000e-01 : f32
      %add3A_775 = vector.broadcast %add3A_774 : f32 to vector<16xf32>
      %add3A_776 = arith.addf %add3A_775, %mul3A_773 : vector<16xf32>
      %mul3A_777 = arith.mulf %mul3A_763, %add3A_776 : vector<16xf32>
      %add3A_778 = arith.constant 0.333333343 : f32
      %add3A_779 = vector.broadcast %add3A_778 : f32 to vector<16xf32>
      %add3A_780 = arith.addf %add3A_779, %mul3A_777 : vector<16xf32>
      %mul3A_781 = arith.mulf %mul3A_763, %add3A_780 : vector<16xf32>
      %add3A_782 = arith.constant 1.000000e+00 : f32
      %add3A_783 = vector.broadcast %add3A_782 : f32 to vector<16xf32>
      %add3A_784 = arith.addf %add3A_783, %mul3A_781 : vector<16xf32>
      %mul3A_785 = arith.mulf %mul3A_766, %add3A_784 : vector<16xf32>
      %convert_element_type3A_786 = arith.sitofp %sub3A_749 : vector<16xi32> to vector<16xf32>
      %mul3A_787 = arith.constant 0.693147182 : f32
      %mul3A_788 = vector.broadcast %mul3A_787 : f32 to vector<16xf32>
      %mul3A_789 = arith.mulf %convert_element_type3A_786, %mul3A_788 : vector<16xf32>
      %add3A_790 = arith.addf %mul3A_789, %mul3A_785 : vector<16xf32>
      %sub3A_791 = arith.subf %select_n3A_742, %add3A_790 : vector<16xf32>
      tpu.vector_store_idx %arg7[%get3A_519, %iota3A], %broadcast_in_dim3A_463 {add = true} : memref<64x16xf32, #tpu.memory_space<vmem>>[vector<16xi32>, vector<16xi32>], vector<16xf32>,
      %add3A_792 = arith.constant 21 : i32
      %add3A_793 = vector.broadcast %add3A_792 : i32 to vector<16xi32>
      %add3A_794 = arith.addi %get3A_519, %add3A_793 : vector<16xi32>
      tpu.vector_store_idx %arg7[%add3A_794, %iota3A], %convert_element_type3A_744 {add = true} : memref<64x16xf32, #tpu.memory_space<vmem>>[vector<16xi32>, vector<16xi32>], vector<16xf32>,
      %add3A_795 = arith.constant 42 : i32
      %add3A_796 = vector.broadcast %add3A_795 : i32 to vector<16xi32>
      %add3A_797 = arith.addi %get3A_519, %add3A_796 : vector<16xi32>
      tpu.vector_store_idx %arg7[%add3A_797, %iota3A], %sub3A_791 {add = true} : memref<64x16xf32, #tpu.memory_space<vmem>>[vector<16xi32>, vector<16xi32>], vector<16xf32>,
    }
    %scan3A_486 = arith.constant 32 : i32
    %scan3A_487 = arith.constant 0 : i32
    %scan3A_488 = arith.constant 0 : i32
    %scan3A_489 = arith.constant 32 : i32
    %scan3A_490 = arith.addi %scan3A_488, %scan3A_489 : i32
    %scan3A_491 = arith.constant 1 : i32
    scf.for %scan3A_514 = %scan3A_488 to %scan3A_490 step %scan3A_491  : i32 {
      %mul3A_515 = arith.constant 16 : i32
      %mul3A_516 = arith.muli %scan3A_514, %mul3A_515 : i32
      %get3A = arith.constant 4 : i32
      %get3A_517 = arith.index_cast %get3A : i32 to index
      %get3A_518 = arith.index_cast %mul3A_516 : i32 to index
      %get3A_519 = tpu.vector_load %arg6[%get3A_517, %get3A_518] {strides = array<i32>} : memref<8x512xi32, #tpu.memory_space<vmem>>, vector<16xi32>,
      %get3A_520 = arith.constant 4 : i32
      %get3A_521 = arith.index_cast %get3A_520 : i32 to index
      %get3A_522 = arith.index_cast %mul3A_516 : i32 to index
      %get3A_523 = tpu.vector_load %arg5[%get3A_521, %get3A_522] {strides = array<i32>} : memref<168x512xf32, #tpu.memory_space<vmem>>, vector<16xf32>,
      %exp3A = math.exp %get3A_523 : vector<16xf32>
      %get3A_524 = arith.constant 12 : i32
      %get3A_525 = arith.index_cast %get3A_524 : i32 to index
      %get3A_526 = arith.index_cast %mul3A_516 : i32 to index
      %get3A_527 = tpu.vector_load %arg5[%get3A_525, %get3A_526] {strides = array<i32>} : memref<168x512xf32, #tpu.memory_space<vmem>>, vector<16xf32>,
      %max3A = arith.maximumf %get3A_523, %get3A_527 : vector<16xf32>
      %exp3A_528 = math.exp %get3A_527 : vector<16xf32>
      %add3A_529 = arith.addf %exp3A, %exp3A_528 : vector<16xf32>
      %eq3A_530 = arith.constant 1 : i32
      %eq3A_531 = vector.broadcast %eq3A_530 : i32 to vector<16xi32>
      %eq3A_532 = arith.cmpi eq, %get3A_519, %eq3A_531 : vector<16xi32>
      %select_n3A_533 = arith.select %eq3A_532, %get3A_527, %get3A_523 : vector<16xi1>, vector<16xf32>
      %get3A_534 = arith.constant 20 : i32
      %get3A_535 = arith.index_cast %get3A_534 : i32 to index
      %get3A_536 = arith.index_cast %mul3A_516 : i32 to index
      %get3A_537 = tpu.vector_load %arg5[%get3A_535, %get3A_536] {strides = array<i32>} : memref<168x512xf32, #tpu.memory_space<vmem>>, vector<16xf32>,
      %max3A_538 = arith.maximumf %max3A, %get3A_537 : vector<16xf32>
      %exp3A_539 = math.exp %get3A_537 : vector<16xf32>
      %add3A_540 = arith.addf %add3A_529, %exp3A_539 : vector<16xf32>
      %eq3A_541 = arith.constant 2 : i32
      %eq3A_542 = vector.broadcast %eq3A_541 : i32 to vector<16xi32>
      %eq3A_543 = arith.cmpi eq, %get3A_519, %eq3A_542 : vector<16xi32>
      %select_n3A_544 = arith.select %eq3A_543, %get3A_537, %select_n3A_533 : vector<16xi1>, vector<16xf32>
      %get3A_545 = arith.constant 28 : i32
      %get3A_546 = arith.index_cast %get3A_545 : i32 to index
      %get3A_547 = arith.index_cast %mul3A_516 : i32 to index
      %get3A_548 = tpu.vector_load %arg5[%get3A_546, %get3A_547] {strides = array<i32>} : memref<168x512xf32, #tpu.memory_space<vmem>>, vector<16xf32>,
      %max3A_549 = arith.maximumf %max3A_538, %get3A_548 : vector<16xf32>
      %exp3A_550 = math.exp %get3A_548 : vector<16xf32>
      %add3A_551 = arith.addf %add3A_540, %exp3A_550 : vector<16xf32>
      %eq3A_552 = arith.constant 3 : i32
      %eq3A_553 = vector.broadcast %eq3A_552 : i32 to vector<16xi32>
      %eq3A_554 = arith.cmpi eq, %get3A_519, %eq3A_553 : vector<16xi32>
      %select_n3A_555 = arith.select %eq3A_554, %get3A_548, %select_n3A_544 : vector<16xi1>, vector<16xf32>
      %get3A_556 = arith.constant 36 : i32
      %get3A_557 = arith.index_cast %get3A_556 : i32 to index
      %get3A_558 = arith.index_cast %mul3A_516 : i32 to index
      %get3A_559 = tpu.vector_load %arg5[%get3A_557, %get3A_558] {strides = array<i32>} : memref<168x512xf32, #tpu.memory_space<vmem>>, vector<16xf32>,
      %max3A_560 = arith.maximumf %max3A_549, %get3A_559 : vector<16xf32>
      %exp3A_561 = math.exp %get3A_559 : vector<16xf32>
      %add3A_562 = arith.addf %add3A_551, %exp3A_561 : vector<16xf32>
      %eq3A_563 = arith.constant 4 : i32
      %eq3A_564 = vector.broadcast %eq3A_563 : i32 to vector<16xi32>
      %eq3A_565 = arith.cmpi eq, %get3A_519, %eq3A_564 : vector<16xi32>
      %select_n3A_566 = arith.select %eq3A_565, %get3A_559, %select_n3A_555 : vector<16xi1>, vector<16xf32>
      %get3A_567 = arith.constant 44 : i32
      %get3A_568 = arith.index_cast %get3A_567 : i32 to index
      %get3A_569 = arith.index_cast %mul3A_516 : i32 to index
      %get3A_570 = tpu.vector_load %arg5[%get3A_568, %get3A_569] {strides = array<i32>} : memref<168x512xf32, #tpu.memory_space<vmem>>, vector<16xf32>,
      %max3A_571 = arith.maximumf %max3A_560, %get3A_570 : vector<16xf32>
      %exp3A_572 = math.exp %get3A_570 : vector<16xf32>
      %add3A_573 = arith.addf %add3A_562, %exp3A_572 : vector<16xf32>
      %eq3A_574 = arith.constant 5 : i32
      %eq3A_575 = vector.broadcast %eq3A_574 : i32 to vector<16xi32>
      %eq3A_576 = arith.cmpi eq, %get3A_519, %eq3A_575 : vector<16xi32>
      %select_n3A_577 = arith.select %eq3A_576, %get3A_570, %select_n3A_566 : vector<16xi1>, vector<16xf32>
      %get3A_578 = arith.constant 52 : i32
      %get3A_579 = arith.index_cast %get3A_578 : i32 to index
      %get3A_580 = arith.index_cast %mul3A_516 : i32 to index
      %get3A_581 = tpu.vector_load %arg5[%get3A_579, %get3A_580] {strides = array<i32>} : memref<168x512xf32, #tpu.memory_space<vmem>>, vector<16xf32>,
      %max3A_582 = arith.maximumf %max3A_571, %get3A_581 : vector<16xf32>
      %exp3A_583 = math.exp %get3A_581 : vector<16xf32>
      %add3A_584 = arith.addf %add3A_573, %exp3A_583 : vector<16xf32>
      %eq3A_585 = arith.constant 6 : i32
      %eq3A_586 = vector.broadcast %eq3A_585 : i32 to vector<16xi32>
      %eq3A_587 = arith.cmpi eq, %get3A_519, %eq3A_586 : vector<16xi32>
      %select_n3A_588 = arith.select %eq3A_587, %get3A_581, %select_n3A_577 : vector<16xi1>, vector<16xf32>
      %get3A_589 = arith.constant 60 : i32
      %get3A_590 = arith.index_cast %get3A_589 : i32 to index
      %get3A_591 = arith.index_cast %mul3A_516 : i32 to index
      %get3A_592 = tpu.vector_load %arg5[%get3A_590, %get3A_591] {strides = array<i32>} : memref<168x512xf32, #tpu.memory_space<vmem>>, vector<16xf32>,
      %max3A_593 = arith.maximumf %max3A_582, %get3A_592 : vector<16xf32>
      %exp3A_594 = math.exp %get3A_592 : vector<16xf32>
      %add3A_595 = arith.addf %add3A_584, %exp3A_594 : vector<16xf32>
      %eq3A_596 = arith.constant 7 : i32
      %eq3A_597 = vector.broadcast %eq3A_596 : i32 to vector<16xi32>
      %eq3A_598 = arith.cmpi eq, %get3A_519, %eq3A_597 : vector<16xi32>
      %select_n3A_599 = arith.select %eq3A_598, %get3A_592, %select_n3A_588 : vector<16xi1>, vector<16xf32>
      %get3A_600 = arith.constant 68 : i32
      %get3A_601 = arith.index_cast %get3A_600 : i32 to index
      %get3A_602 = arith.index_cast %mul3A_516 : i32 to index
      %get3A_603 = tpu.vector_load %arg5[%get3A_601, %get3A_602] {strides = array<i32>} : memref<168x512xf32, #tpu.memory_space<vmem>>, vector<16xf32>,
      %max3A_604 = arith.maximumf %max3A_593, %get3A_603 : vector<16xf32>
      %exp3A_605 = math.exp %get3A_603 : vector<16xf32>
      %add3A_606 = arith.addf %add3A_595, %exp3A_605 : vector<16xf32>
      %eq3A_607 = arith.constant 8 : i32
      %eq3A_608 = vector.broadcast %eq3A_607 : i32 to vector<16xi32>
      %eq3A_609 = arith.cmpi eq, %get3A_519, %eq3A_608 : vector<16xi32>
      %select_n3A_610 = arith.select %eq3A_609, %get3A_603, %select_n3A_599 : vector<16xi1>, vector<16xf32>
      %get3A_611 = arith.constant 76 : i32
      %get3A_612 = arith.index_cast %get3A_611 : i32 to index
      %get3A_613 = arith.index_cast %mul3A_516 : i32 to index
      %get3A_614 = tpu.vector_load %arg5[%get3A_612, %get3A_613] {strides = array<i32>} : memref<168x512xf32, #tpu.memory_space<vmem>>, vector<16xf32>,
      %max3A_615 = arith.maximumf %max3A_604, %get3A_614 : vector<16xf32>
      %exp3A_616 = math.exp %get3A_614 : vector<16xf32>
      %add3A_617 = arith.addf %add3A_606, %exp3A_616 : vector<16xf32>
      %eq3A_618 = arith.constant 9 : i32
      %eq3A_619 = vector.broadcast %eq3A_618 : i32 to vector<16xi32>
      %eq3A_620 = arith.cmpi eq, %get3A_519, %eq3A_619 : vector<16xi32>
      %select_n3A_621 = arith.select %eq3A_620, %get3A_614, %select_n3A_610 : vector<16xi1>, vector<16xf32>
      %get3A_622 = arith.constant 84 : i32
      %get3A_623 = arith.index_cast %get3A_622 : i32 to index
      %get3A_624 = arith.index_cast %mul3A_516 : i32 to index
      %get3A_625 = tpu.vector_load %arg5[%get3A_623, %get3A_624] {strides = array<i32>} : memref<168x512xf32, #tpu.memory_space<vmem>>, vector<16xf32>,
      %max3A_626 = arith.maximumf %max3A_615, %get3A_625 : vector<16xf32>
      %exp3A_627 = math.exp %get3A_625 : vector<16xf32>
      %add3A_628 = arith.addf %add3A_617, %exp3A_627 : vector<16xf32>
      %eq3A_629 = arith.constant 10 : i32
      %eq3A_630 = vector.broadcast %eq3A_629 : i32 to vector<16xi32>
      %eq3A_631 = arith.cmpi eq, %get3A_519, %eq3A_630 : vector<16xi32>
      %select_n3A_632 = arith.select %eq3A_631, %get3A_625, %select_n3A_621 : vector<16xi1>, vector<16xf32>
      %get3A_633 = arith.constant 92 : i32
      %get3A_634 = arith.index_cast %get3A_633 : i32 to index
      %get3A_635 = arith.index_cast %mul3A_516 : i32 to index
      %get3A_636 = tpu.vector_load %arg5[%get3A_634, %get3A_635] {strides = array<i32>} : memref<168x512xf32, #tpu.memory_space<vmem>>, vector<16xf32>,
      %max3A_637 = arith.maximumf %max3A_626, %get3A_636 : vector<16xf32>
      %exp3A_638 = math.exp %get3A_636 : vector<16xf32>
      %add3A_639 = arith.addf %add3A_628, %exp3A_638 : vector<16xf32>
      %eq3A_640 = arith.constant 11 : i32
      %eq3A_641 = vector.broadcast %eq3A_640 : i32 to vector<16xi32>
      %eq3A_642 = arith.cmpi eq, %get3A_519, %eq3A_641 : vector<16xi32>
      %select_n3A_643 = arith.select %eq3A_642, %get3A_636, %select_n3A_632 : vector<16xi1>, vector<16xf32>
      %get3A_644 = arith.constant 100 : i32
      %get3A_645 = arith.index_cast %get3A_644 : i32 to index
      %get3A_646 = arith.index_cast %mul3A_516 : i32 to index
      %get3A_647 = tpu.vector_load %arg5[%get3A_645, %get3A_646] {strides = array<i32>} : memref<168x512xf32, #tpu.memory_space<vmem>>, vector<16xf32>,
      %max3A_648 = arith.maximumf %max3A_637, %get3A_647 : vector<16xf32>
      %exp3A_649 = math.exp %get3A_647 : vector<16xf32>
      %add3A_650 = arith.addf %add3A_639, %exp3A_649 : vector<16xf32>
      %eq3A_651 = arith.constant 12 : i32
      %eq3A_652 = vector.broadcast %eq3A_651 : i32 to vector<16xi32>
      %eq3A_653 = arith.cmpi eq, %get3A_519, %eq3A_652 : vector<16xi32>
      %select_n3A_654 = arith.select %eq3A_653, %get3A_647, %select_n3A_643 : vector<16xi1>, vector<16xf32>
      %get3A_655 = arith.constant 108 : i32
      %get3A_656 = arith.index_cast %get3A_655 : i32 to index
      %get3A_657 = arith.index_cast %mul3A_516 : i32 to index
      %get3A_658 = tpu.vector_load %arg5[%get3A_656, %get3A_657] {strides = array<i32>} : memref<168x512xf32, #tpu.memory_space<vmem>>, vector<16xf32>,
      %max3A_659 = arith.maximumf %max3A_648, %get3A_658 : vector<16xf32>
      %exp3A_660 = math.exp %get3A_658 : vector<16xf32>
      %add3A_661 = arith.addf %add3A_650, %exp3A_660 : vector<16xf32>
      %eq3A_662 = arith.constant 13 : i32
      %eq3A_663 = vector.broadcast %eq3A_662 : i32 to vector<16xi32>
      %eq3A_664 = arith.cmpi eq, %get3A_519, %eq3A_663 : vector<16xi32>
      %select_n3A_665 = arith.select %eq3A_664, %get3A_658, %select_n3A_654 : vector<16xi1>, vector<16xf32>
      %get3A_666 = arith.constant 116 : i32
      %get3A_667 = arith.index_cast %get3A_666 : i32 to index
      %get3A_668 = arith.index_cast %mul3A_516 : i32 to index
      %get3A_669 = tpu.vector_load %arg5[%get3A_667, %get3A_668] {strides = array<i32>} : memref<168x512xf32, #tpu.memory_space<vmem>>, vector<16xf32>,
      %max3A_670 = arith.maximumf %max3A_659, %get3A_669 : vector<16xf32>
      %exp3A_671 = math.exp %get3A_669 : vector<16xf32>
      %add3A_672 = arith.addf %add3A_661, %exp3A_671 : vector<16xf32>
      %eq3A_673 = arith.constant 14 : i32
      %eq3A_674 = vector.broadcast %eq3A_673 : i32 to vector<16xi32>
      %eq3A_675 = arith.cmpi eq, %get3A_519, %eq3A_674 : vector<16xi32>
      %select_n3A_676 = arith.select %eq3A_675, %get3A_669, %select_n3A_665 : vector<16xi1>, vector<16xf32>
      %get3A_677 = arith.constant 124 : i32
      %get3A_678 = arith.index_cast %get3A_677 : i32 to index
      %get3A_679 = arith.index_cast %mul3A_516 : i32 to index
      %get3A_680 = tpu.vector_load %arg5[%get3A_678, %get3A_679] {strides = array<i32>} : memref<168x512xf32, #tpu.memory_space<vmem>>, vector<16xf32>,
      %max3A_681 = arith.maximumf %max3A_670, %get3A_680 : vector<16xf32>
      %exp3A_682 = math.exp %get3A_680 : vector<16xf32>
      %add3A_683 = arith.addf %add3A_672, %exp3A_682 : vector<16xf32>
      %eq3A_684 = arith.constant 15 : i32
      %eq3A_685 = vector.broadcast %eq3A_684 : i32 to vector<16xi32>
      %eq3A_686 = arith.cmpi eq, %get3A_519, %eq3A_685 : vector<16xi32>
      %select_n3A_687 = arith.select %eq3A_686, %get3A_680, %select_n3A_676 : vector<16xi1>, vector<16xf32>
      %get3A_688 = arith.constant 132 : i32
      %get3A_689 = arith.index_cast %get3A_688 : i32 to index
      %get3A_690 = arith.index_cast %mul3A_516 : i32 to index
      %get3A_691 = tpu.vector_load %arg5[%get3A_689, %get3A_690] {strides = array<i32>} : memref<168x512xf32, #tpu.memory_space<vmem>>, vector<16xf32>,
      %max3A_692 = arith.maximumf %max3A_681, %get3A_691 : vector<16xf32>
      %exp3A_693 = math.exp %get3A_691 : vector<16xf32>
      %add3A_694 = arith.addf %add3A_683, %exp3A_693 : vector<16xf32>
      %eq3A_695 = arith.constant 16 : i32
      %eq3A_696 = vector.broadcast %eq3A_695 : i32 to vector<16xi32>
      %eq3A_697 = arith.cmpi eq, %get3A_519, %eq3A_696 : vector<16xi32>
      %select_n3A_698 = arith.select %eq3A_697, %get3A_691, %select_n3A_687 : vector<16xi1>, vector<16xf32>
      %get3A_699 = arith.constant 140 : i32
      %get3A_700 = arith.index_cast %get3A_699 : i32 to index
      %get3A_701 = arith.index_cast %mul3A_516 : i32 to index
      %get3A_702 = tpu.vector_load %arg5[%get3A_700, %get3A_701] {strides = array<i32>} : memref<168x512xf32, #tpu.memory_space<vmem>>, vector<16xf32>,
      %max3A_703 = arith.maximumf %max3A_692, %get3A_702 : vector<16xf32>
      %exp3A_704 = math.exp %get3A_702 : vector<16xf32>
      %add3A_705 = arith.addf %add3A_694, %exp3A_704 : vector<16xf32>
      %eq3A_706 = arith.constant 17 : i32
      %eq3A_707 = vector.broadcast %eq3A_706 : i32 to vector<16xi32>
      %eq3A_708 = arith.cmpi eq, %get3A_519, %eq3A_707 : vector<16xi32>
      %select_n3A_709 = arith.select %eq3A_708, %get3A_702, %select_n3A_698 : vector<16xi1>, vector<16xf32>
      %get3A_710 = arith.constant 148 : i32
      %get3A_711 = arith.index_cast %get3A_710 : i32 to index
      %get3A_712 = arith.index_cast %mul3A_516 : i32 to index
      %get3A_713 = tpu.vector_load %arg5[%get3A_711, %get3A_712] {strides = array<i32>} : memref<168x512xf32, #tpu.memory_space<vmem>>, vector<16xf32>,
      %max3A_714 = arith.maximumf %max3A_703, %get3A_713 : vector<16xf32>
      %exp3A_715 = math.exp %get3A_713 : vector<16xf32>
      %add3A_716 = arith.addf %add3A_705, %exp3A_715 : vector<16xf32>
      %eq3A_717 = arith.constant 18 : i32
      %eq3A_718 = vector.broadcast %eq3A_717 : i32 to vector<16xi32>
      %eq3A_719 = arith.cmpi eq, %get3A_519, %eq3A_718 : vector<16xi32>
      %select_n3A_720 = arith.select %eq3A_719, %get3A_713, %select_n3A_709 : vector<16xi1>, vector<16xf32>
      %get3A_721 = arith.constant 156 : i32
      %get3A_722 = arith.index_cast %get3A_721 : i32 to index
      %get3A_723 = arith.index_cast %mul3A_516 : i32 to index
      %get3A_724 = tpu.vector_load %arg5[%get3A_722, %get3A_723] {strides = array<i32>} : memref<168x512xf32, #tpu.memory_space<vmem>>, vector<16xf32>,
      %max3A_725 = arith.maximumf %max3A_714, %get3A_724 : vector<16xf32>
      %exp3A_726 = math.exp %get3A_724 : vector<16xf32>
      %add3A_727 = arith.addf %add3A_716, %exp3A_726 : vector<16xf32>
      %eq3A_728 = arith.constant 19 : i32
      %eq3A_729 = vector.broadcast %eq3A_728 : i32 to vector<16xi32>
      %eq3A_730 = arith.cmpi eq, %get3A_519, %eq3A_729 : vector<16xi32>
      %select_n3A_731 = arith.select %eq3A_730, %get3A_724, %select_n3A_720 : vector<16xi1>, vector<16xf32>
      %get3A_732 = arith.constant 164 : i32
      %get3A_733 = arith.index_cast %get3A_732 : i32 to index
      %get3A_734 = arith.index_cast %mul3A_516 : i32 to index
      %get3A_735 = tpu.vector_load %arg5[%get3A_733, %get3A_734] {strides = array<i32>} : memref<168x512xf32, #tpu.memory_space<vmem>>, vector<16xf32>,
      %max3A_736 = arith.maximumf %max3A_725, %get3A_735 : vector<16xf32>
      %exp3A_737 = math.exp %get3A_735 : vector<16xf32>
      %add3A_738 = arith.addf %add3A_727, %exp3A_737 : vector<16xf32>
      %eq3A_739 = arith.constant 20 : i32
      %eq3A_740 = vector.broadcast %eq3A_739 : i32 to vector<16xi32>
      %eq3A_741 = arith.cmpi eq, %get3A_519, %eq3A_740 : vector<16xi32>
      %select_n3A_742 = arith.select %eq3A_741, %get3A_735, %select_n3A_731 : vector<16xi1>, vector<16xf32>
      %eq3A_743 = arith.cmpf oeq, %select_n3A_742, %max3A_736 : vector<16xf32>
      %convert_element_type3A = arith.extui %eq3A_743 : vector<16xi1> to vector<16xi32>
      %convert_element_type3A_744 = arith.sitofp %convert_element_type3A : vector<16xi32> to vector<16xf32>
      %bitcast3A = vector.bitcast %add3A_738 : vector<16xf32> to vector<16xi32>
      %shift_right_logical3A = arith.constant 23 : i32
      %shift_right_logical3A_745 = vector.broadcast %shift_right_logical3A : i32 to vector<16xi32>
      %shift_right_logical3A_746 = arith.shrui %bitcast3A, %shift_right_logical3A_745 : vector<16xi32>
      %sub3A_747 = arith.constant 127 : i32
      %sub3A_748 = vector.broadcast %sub3A_747 : i32 to vector<16xi32>
      %sub3A_749 = arith.subi %shift_right_logical3A_746, %sub3A_748 : vector<16xi32>
      %and3A_750 = arith.constant 8388607 : i32
      %and3A_751 = vector.broadcast %and3A_750 : i32 to vector<16xi32>
      %and3A_752 = arith.andi %bitcast3A, %and3A_751 : vector<16xi32>
      %or3A = arith.constant 1065353216 : i32
      %or3A_753 = vector.broadcast %or3A : i32 to vector<16xi32>
      %or3A_754 = arith.ori %and3A_752, %or3A_753 : vector<16xi32>
      %bitcast3A_755 = vector.bitcast %or3A_754 : vector<16xi32> to vector<16xf32>
      %sub3A_756 = arith.constant 1.000000e+00 : f32
      %sub3A_757 = vector.broadcast %sub3A_756 : f32 to vector<16xf32>
      %sub3A_758 = arith.subf %bitcast3A_755, %sub3A_757 : vector<16xf32>
      %add3A_759 = arith.constant 1.000000e+00 : f32
      %add3A_760 = vector.broadcast %add3A_759 : f32 to vector<16xf32>
      %add3A_761 = arith.addf %bitcast3A_755, %add3A_760 : vector<16xf32>
      %div3A_762 = arith.divf %sub3A_758, %add3A_761 : vector<16xf32>
      %mul3A_763 = arith.mulf %div3A_762, %div3A_762 : vector<16xf32>
      %mul3A_764 = arith.constant 2.000000e+00 : f32
      %mul3A_765 = vector.broadcast %mul3A_764 : f32 to vector<16xf32>
      %mul3A_766 = arith.mulf %mul3A_765, %div3A_762 : vector<16xf32>
      %mul3A_767 = arith.constant 0.111111112 : f32
      %mul3A_768 = vector.broadcast %mul3A_767 : f32 to vector<16xf32>
      %mul3A_769 = arith.mulf %mul3A_763, %mul3A_768 : vector<16xf32>
      %add3A_770 = arith.constant 0.142857149 : f32
      %add3A_771 = vector.broadcast %add3A_770 : f32 to vector<16xf32>
      %add3A_772 = arith.addf %add3A_771, %mul3A_769 : vector<16xf32>
      %mul3A_773 = arith.mulf %mul3A_763, %add3A_772 : vector<16xf32>
      %add3A_774 = arith.constant 2.000000e-01 : f32
      %add3A_775 = vector.broadcast %add3A_774 : f32 to vector<16xf32>
      %add3A_776 = arith.addf %add3A_775, %mul3A_773 : vector<16xf32>
      %mul3A_777 = arith.mulf %mul3A_763, %add3A_776 : vector<16xf32>
      %add3A_778 = arith.constant 0.333333343 : f32
      %add3A_779 = vector.broadcast %add3A_778 : f32 to vector<16xf32>
      %add3A_780 = arith.addf %add3A_779, %mul3A_777 : vector<16xf32>
      %mul3A_781 = arith.mulf %mul3A_763, %add3A_780 : vector<16xf32>
      %add3A_782 = arith.constant 1.000000e+00 : f32
      %add3A_783 = vector.broadcast %add3A_782 : f32 to vector<16xf32>
      %add3A_784 = arith.addf %add3A_783, %mul3A_781 : vector<16xf32>
      %mul3A_785 = arith.mulf %mul3A_766, %add3A_784 : vector<16xf32>
      %convert_element_type3A_786 = arith.sitofp %sub3A_749 : vector<16xi32> to vector<16xf32>
      %mul3A_787 = arith.constant 0.693147182 : f32
      %mul3A_788 = vector.broadcast %mul3A_787 : f32 to vector<16xf32>
      %mul3A_789 = arith.mulf %convert_element_type3A_786, %mul3A_788 : vector<16xf32>
      %add3A_790 = arith.addf %mul3A_789, %mul3A_785 : vector<16xf32>
      %sub3A_791 = arith.subf %select_n3A_742, %add3A_790 : vector<16xf32>
      tpu.vector_store_idx %arg7[%get3A_519, %iota3A], %broadcast_in_dim3A_463 {add = true} : memref<64x16xf32, #tpu.memory_space<vmem>>[vector<16xi32>, vector<16xi32>], vector<16xf32>,
      %add3A_792 = arith.constant 21 : i32
      %add3A_793 = vector.broadcast %add3A_792 : i32 to vector<16xi32>
      %add3A_794 = arith.addi %get3A_519, %add3A_793 : vector<16xi32>
      tpu.vector_store_idx %arg7[%add3A_794, %iota3A], %convert_element_type3A_744 {add = true} : memref<64x16xf32, #tpu.memory_space<vmem>>[vector<16xi32>, vector<16xi32>], vector<16xf32>,
      %add3A_795 = arith.constant 42 : i32
      %add3A_796 = vector.broadcast %add3A_795 : i32 to vector<16xi32>
      %add3A_797 = arith.addi %get3A_519, %add3A_796 : vector<16xi32>
      tpu.vector_store_idx %arg7[%add3A_797, %iota3A], %sub3A_791 {add = true} : memref<64x16xf32, #tpu.memory_space<vmem>>[vector<16xi32>, vector<16xi32>], vector<16xf32>,
    }
    %scan3A_492 = arith.constant 32 : i32
    %scan3A_493 = arith.constant 0 : i32
    %scan3A_494 = arith.constant 0 : i32
    %scan3A_495 = arith.constant 32 : i32
    %scan3A_496 = arith.addi %scan3A_494, %scan3A_495 : i32
    %scan3A_497 = arith.constant 1 : i32
    scf.for %scan3A_514 = %scan3A_494 to %scan3A_496 step %scan3A_497  : i32 {
      %mul3A_515 = arith.constant 16 : i32
      %mul3A_516 = arith.muli %scan3A_514, %mul3A_515 : i32
      %get3A = arith.constant 5 : i32
      %get3A_517 = arith.index_cast %get3A : i32 to index
      %get3A_518 = arith.index_cast %mul3A_516 : i32 to index
      %get3A_519 = tpu.vector_load %arg6[%get3A_517, %get3A_518] {strides = array<i32>} : memref<8x512xi32, #tpu.memory_space<vmem>>, vector<16xi32>,
      %get3A_520 = arith.constant 5 : i32
      %get3A_521 = arith.index_cast %get3A_520 : i32 to index
      %get3A_522 = arith.index_cast %mul3A_516 : i32 to index
      %get3A_523 = tpu.vector_load %arg5[%get3A_521, %get3A_522] {strides = array<i32>} : memref<168x512xf32, #tpu.memory_space<vmem>>, vector<16xf32>,
      %exp3A = math.exp %get3A_523 : vector<16xf32>
      %get3A_524 = arith.constant 13 : i32
      %get3A_525 = arith.index_cast %get3A_524 : i32 to index
      %get3A_526 = arith.index_cast %mul3A_516 : i32 to index
      %get3A_527 = tpu.vector_load %arg5[%get3A_525, %get3A_526] {strides = array<i32>} : memref<168x512xf32, #tpu.memory_space<vmem>>, vector<16xf32>,
      %max3A = arith.maximumf %get3A_523, %get3A_527 : vector<16xf32>
      %exp3A_528 = math.exp %get3A_527 : vector<16xf32>
      %add3A_529 = arith.addf %exp3A, %exp3A_528 : vector<16xf32>
      %eq3A_530 = arith.constant 1 : i32
      %eq3A_531 = vector.broadcast %eq3A_530 : i32 to vector<16xi32>
      %eq3A_532 = arith.cmpi eq, %get3A_519, %eq3A_531 : vector<16xi32>
      %select_n3A_533 = arith.select %eq3A_532, %get3A_527, %get3A_523 : vector<16xi1>, vector<16xf32>
      %get3A_534 = arith.constant 21 : i32
      %get3A_535 = arith.index_cast %get3A_534 : i32 to index
      %get3A_536 = arith.index_cast %mul3A_516 : i32 to index
      %get3A_537 = tpu.vector_load %arg5[%get3A_535, %get3A_536] {strides = array<i32>} : memref<168x512xf32, #tpu.memory_space<vmem>>, vector<16xf32>,
      %max3A_538 = arith.maximumf %max3A, %get3A_537 : vector<16xf32>
      %exp3A_539 = math.exp %get3A_537 : vector<16xf32>
      %add3A_540 = arith.addf %add3A_529, %exp3A_539 : vector<16xf32>
      %eq3A_541 = arith.constant 2 : i32
      %eq3A_542 = vector.broadcast %eq3A_541 : i32 to vector<16xi32>
      %eq3A_543 = arith.cmpi eq, %get3A_519, %eq3A_542 : vector<16xi32>
      %select_n3A_544 = arith.select %eq3A_543, %get3A_537, %select_n3A_533 : vector<16xi1>, vector<16xf32>
      %get3A_545 = arith.constant 29 : i32
      %get3A_546 = arith.index_cast %get3A_545 : i32 to index
      %get3A_547 = arith.index_cast %mul3A_516 : i32 to index
      %get3A_548 = tpu.vector_load %arg5[%get3A_546, %get3A_547] {strides = array<i32>} : memref<168x512xf32, #tpu.memory_space<vmem>>, vector<16xf32>,
      %max3A_549 = arith.maximumf %max3A_538, %get3A_548 : vector<16xf32>
      %exp3A_550 = math.exp %get3A_548 : vector<16xf32>
      %add3A_551 = arith.addf %add3A_540, %exp3A_550 : vector<16xf32>
      %eq3A_552 = arith.constant 3 : i32
      %eq3A_553 = vector.broadcast %eq3A_552 : i32 to vector<16xi32>
      %eq3A_554 = arith.cmpi eq, %get3A_519, %eq3A_553 : vector<16xi32>
      %select_n3A_555 = arith.select %eq3A_554, %get3A_548, %select_n3A_544 : vector<16xi1>, vector<16xf32>
      %get3A_556 = arith.constant 37 : i32
      %get3A_557 = arith.index_cast %get3A_556 : i32 to index
      %get3A_558 = arith.index_cast %mul3A_516 : i32 to index
      %get3A_559 = tpu.vector_load %arg5[%get3A_557, %get3A_558] {strides = array<i32>} : memref<168x512xf32, #tpu.memory_space<vmem>>, vector<16xf32>,
      %max3A_560 = arith.maximumf %max3A_549, %get3A_559 : vector<16xf32>
      %exp3A_561 = math.exp %get3A_559 : vector<16xf32>
      %add3A_562 = arith.addf %add3A_551, %exp3A_561 : vector<16xf32>
      %eq3A_563 = arith.constant 4 : i32
      %eq3A_564 = vector.broadcast %eq3A_563 : i32 to vector<16xi32>
      %eq3A_565 = arith.cmpi eq, %get3A_519, %eq3A_564 : vector<16xi32>
      %select_n3A_566 = arith.select %eq3A_565, %get3A_559, %select_n3A_555 : vector<16xi1>, vector<16xf32>
      %get3A_567 = arith.constant 45 : i32
      %get3A_568 = arith.index_cast %get3A_567 : i32 to index
      %get3A_569 = arith.index_cast %mul3A_516 : i32 to index
      %get3A_570 = tpu.vector_load %arg5[%get3A_568, %get3A_569] {strides = array<i32>} : memref<168x512xf32, #tpu.memory_space<vmem>>, vector<16xf32>,
      %max3A_571 = arith.maximumf %max3A_560, %get3A_570 : vector<16xf32>
      %exp3A_572 = math.exp %get3A_570 : vector<16xf32>
      %add3A_573 = arith.addf %add3A_562, %exp3A_572 : vector<16xf32>
      %eq3A_574 = arith.constant 5 : i32
      %eq3A_575 = vector.broadcast %eq3A_574 : i32 to vector<16xi32>
      %eq3A_576 = arith.cmpi eq, %get3A_519, %eq3A_575 : vector<16xi32>
      %select_n3A_577 = arith.select %eq3A_576, %get3A_570, %select_n3A_566 : vector<16xi1>, vector<16xf32>
      %get3A_578 = arith.constant 53 : i32
      %get3A_579 = arith.index_cast %get3A_578 : i32 to index
      %get3A_580 = arith.index_cast %mul3A_516 : i32 to index
      %get3A_581 = tpu.vector_load %arg5[%get3A_579, %get3A_580] {strides = array<i32>} : memref<168x512xf32, #tpu.memory_space<vmem>>, vector<16xf32>,
      %max3A_582 = arith.maximumf %max3A_571, %get3A_581 : vector<16xf32>
      %exp3A_583 = math.exp %get3A_581 : vector<16xf32>
      %add3A_584 = arith.addf %add3A_573, %exp3A_583 : vector<16xf32>
      %eq3A_585 = arith.constant 6 : i32
      %eq3A_586 = vector.broadcast %eq3A_585 : i32 to vector<16xi32>
      %eq3A_587 = arith.cmpi eq, %get3A_519, %eq3A_586 : vector<16xi32>
      %select_n3A_588 = arith.select %eq3A_587, %get3A_581, %select_n3A_577 : vector<16xi1>, vector<16xf32>
      %get3A_589 = arith.constant 61 : i32
      %get3A_590 = arith.index_cast %get3A_589 : i32 to index
      %get3A_591 = arith.index_cast %mul3A_516 : i32 to index
      %get3A_592 = tpu.vector_load %arg5[%get3A_590, %get3A_591] {strides = array<i32>} : memref<168x512xf32, #tpu.memory_space<vmem>>, vector<16xf32>,
      %max3A_593 = arith.maximumf %max3A_582, %get3A_592 : vector<16xf32>
      %exp3A_594 = math.exp %get3A_592 : vector<16xf32>
      %add3A_595 = arith.addf %add3A_584, %exp3A_594 : vector<16xf32>
      %eq3A_596 = arith.constant 7 : i32
      %eq3A_597 = vector.broadcast %eq3A_596 : i32 to vector<16xi32>
      %eq3A_598 = arith.cmpi eq, %get3A_519, %eq3A_597 : vector<16xi32>
      %select_n3A_599 = arith.select %eq3A_598, %get3A_592, %select_n3A_588 : vector<16xi1>, vector<16xf32>
      %get3A_600 = arith.constant 69 : i32
      %get3A_601 = arith.index_cast %get3A_600 : i32 to index
      %get3A_602 = arith.index_cast %mul3A_516 : i32 to index
      %get3A_603 = tpu.vector_load %arg5[%get3A_601, %get3A_602] {strides = array<i32>} : memref<168x512xf32, #tpu.memory_space<vmem>>, vector<16xf32>,
      %max3A_604 = arith.maximumf %max3A_593, %get3A_603 : vector<16xf32>
      %exp3A_605 = math.exp %get3A_603 : vector<16xf32>
      %add3A_606 = arith.addf %add3A_595, %exp3A_605 : vector<16xf32>
      %eq3A_607 = arith.constant 8 : i32
      %eq3A_608 = vector.broadcast %eq3A_607 : i32 to vector<16xi32>
      %eq3A_609 = arith.cmpi eq, %get3A_519, %eq3A_608 : vector<16xi32>
      %select_n3A_610 = arith.select %eq3A_609, %get3A_603, %select_n3A_599 : vector<16xi1>, vector<16xf32>
      %get3A_611 = arith.constant 77 : i32
      %get3A_612 = arith.index_cast %get3A_611 : i32 to index
      %get3A_613 = arith.index_cast %mul3A_516 : i32 to index
      %get3A_614 = tpu.vector_load %arg5[%get3A_612, %get3A_613] {strides = array<i32>} : memref<168x512xf32, #tpu.memory_space<vmem>>, vector<16xf32>,
      %max3A_615 = arith.maximumf %max3A_604, %get3A_614 : vector<16xf32>
      %exp3A_616 = math.exp %get3A_614 : vector<16xf32>
      %add3A_617 = arith.addf %add3A_606, %exp3A_616 : vector<16xf32>
      %eq3A_618 = arith.constant 9 : i32
      %eq3A_619 = vector.broadcast %eq3A_618 : i32 to vector<16xi32>
      %eq3A_620 = arith.cmpi eq, %get3A_519, %eq3A_619 : vector<16xi32>
      %select_n3A_621 = arith.select %eq3A_620, %get3A_614, %select_n3A_610 : vector<16xi1>, vector<16xf32>
      %get3A_622 = arith.constant 85 : i32
      %get3A_623 = arith.index_cast %get3A_622 : i32 to index
      %get3A_624 = arith.index_cast %mul3A_516 : i32 to index
      %get3A_625 = tpu.vector_load %arg5[%get3A_623, %get3A_624] {strides = array<i32>} : memref<168x512xf32, #tpu.memory_space<vmem>>, vector<16xf32>,
      %max3A_626 = arith.maximumf %max3A_615, %get3A_625 : vector<16xf32>
      %exp3A_627 = math.exp %get3A_625 : vector<16xf32>
      %add3A_628 = arith.addf %add3A_617, %exp3A_627 : vector<16xf32>
      %eq3A_629 = arith.constant 10 : i32
      %eq3A_630 = vector.broadcast %eq3A_629 : i32 to vector<16xi32>
      %eq3A_631 = arith.cmpi eq, %get3A_519, %eq3A_630 : vector<16xi32>
      %select_n3A_632 = arith.select %eq3A_631, %get3A_625, %select_n3A_621 : vector<16xi1>, vector<16xf32>
      %get3A_633 = arith.constant 93 : i32
      %get3A_634 = arith.index_cast %get3A_633 : i32 to index
      %get3A_635 = arith.index_cast %mul3A_516 : i32 to index
      %get3A_636 = tpu.vector_load %arg5[%get3A_634, %get3A_635] {strides = array<i32>} : memref<168x512xf32, #tpu.memory_space<vmem>>, vector<16xf32>,
      %max3A_637 = arith.maximumf %max3A_626, %get3A_636 : vector<16xf32>
      %exp3A_638 = math.exp %get3A_636 : vector<16xf32>
      %add3A_639 = arith.addf %add3A_628, %exp3A_638 : vector<16xf32>
      %eq3A_640 = arith.constant 11 : i32
      %eq3A_641 = vector.broadcast %eq3A_640 : i32 to vector<16xi32>
      %eq3A_642 = arith.cmpi eq, %get3A_519, %eq3A_641 : vector<16xi32>
      %select_n3A_643 = arith.select %eq3A_642, %get3A_636, %select_n3A_632 : vector<16xi1>, vector<16xf32>
      %get3A_644 = arith.constant 101 : i32
      %get3A_645 = arith.index_cast %get3A_644 : i32 to index
      %get3A_646 = arith.index_cast %mul3A_516 : i32 to index
      %get3A_647 = tpu.vector_load %arg5[%get3A_645, %get3A_646] {strides = array<i32>} : memref<168x512xf32, #tpu.memory_space<vmem>>, vector<16xf32>,
      %max3A_648 = arith.maximumf %max3A_637, %get3A_647 : vector<16xf32>
      %exp3A_649 = math.exp %get3A_647 : vector<16xf32>
      %add3A_650 = arith.addf %add3A_639, %exp3A_649 : vector<16xf32>
      %eq3A_651 = arith.constant 12 : i32
      %eq3A_652 = vector.broadcast %eq3A_651 : i32 to vector<16xi32>
      %eq3A_653 = arith.cmpi eq, %get3A_519, %eq3A_652 : vector<16xi32>
      %select_n3A_654 = arith.select %eq3A_653, %get3A_647, %select_n3A_643 : vector<16xi1>, vector<16xf32>
      %get3A_655 = arith.constant 109 : i32
      %get3A_656 = arith.index_cast %get3A_655 : i32 to index
      %get3A_657 = arith.index_cast %mul3A_516 : i32 to index
      %get3A_658 = tpu.vector_load %arg5[%get3A_656, %get3A_657] {strides = array<i32>} : memref<168x512xf32, #tpu.memory_space<vmem>>, vector<16xf32>,
      %max3A_659 = arith.maximumf %max3A_648, %get3A_658 : vector<16xf32>
      %exp3A_660 = math.exp %get3A_658 : vector<16xf32>
      %add3A_661 = arith.addf %add3A_650, %exp3A_660 : vector<16xf32>
      %eq3A_662 = arith.constant 13 : i32
      %eq3A_663 = vector.broadcast %eq3A_662 : i32 to vector<16xi32>
      %eq3A_664 = arith.cmpi eq, %get3A_519, %eq3A_663 : vector<16xi32>
      %select_n3A_665 = arith.select %eq3A_664, %get3A_658, %select_n3A_654 : vector<16xi1>, vector<16xf32>
      %get3A_666 = arith.constant 117 : i32
      %get3A_667 = arith.index_cast %get3A_666 : i32 to index
      %get3A_668 = arith.index_cast %mul3A_516 : i32 to index
      %get3A_669 = tpu.vector_load %arg5[%get3A_667, %get3A_668] {strides = array<i32>} : memref<168x512xf32, #tpu.memory_space<vmem>>, vector<16xf32>,
      %max3A_670 = arith.maximumf %max3A_659, %get3A_669 : vector<16xf32>
      %exp3A_671 = math.exp %get3A_669 : vector<16xf32>
      %add3A_672 = arith.addf %add3A_661, %exp3A_671 : vector<16xf32>
      %eq3A_673 = arith.constant 14 : i32
      %eq3A_674 = vector.broadcast %eq3A_673 : i32 to vector<16xi32>
      %eq3A_675 = arith.cmpi eq, %get3A_519, %eq3A_674 : vector<16xi32>
      %select_n3A_676 = arith.select %eq3A_675, %get3A_669, %select_n3A_665 : vector<16xi1>, vector<16xf32>
      %get3A_677 = arith.constant 125 : i32
      %get3A_678 = arith.index_cast %get3A_677 : i32 to index
      %get3A_679 = arith.index_cast %mul3A_516 : i32 to index
      %get3A_680 = tpu.vector_load %arg5[%get3A_678, %get3A_679] {strides = array<i32>} : memref<168x512xf32, #tpu.memory_space<vmem>>, vector<16xf32>,
      %max3A_681 = arith.maximumf %max3A_670, %get3A_680 : vector<16xf32>
      %exp3A_682 = math.exp %get3A_680 : vector<16xf32>
      %add3A_683 = arith.addf %add3A_672, %exp3A_682 : vector<16xf32>
      %eq3A_684 = arith.constant 15 : i32
      %eq3A_685 = vector.broadcast %eq3A_684 : i32 to vector<16xi32>
      %eq3A_686 = arith.cmpi eq, %get3A_519, %eq3A_685 : vector<16xi32>
      %select_n3A_687 = arith.select %eq3A_686, %get3A_680, %select_n3A_676 : vector<16xi1>, vector<16xf32>
      %get3A_688 = arith.constant 133 : i32
      %get3A_689 = arith.index_cast %get3A_688 : i32 to index
      %get3A_690 = arith.index_cast %mul3A_516 : i32 to index
      %get3A_691 = tpu.vector_load %arg5[%get3A_689, %get3A_690] {strides = array<i32>} : memref<168x512xf32, #tpu.memory_space<vmem>>, vector<16xf32>,
      %max3A_692 = arith.maximumf %max3A_681, %get3A_691 : vector<16xf32>
      %exp3A_693 = math.exp %get3A_691 : vector<16xf32>
      %add3A_694 = arith.addf %add3A_683, %exp3A_693 : vector<16xf32>
      %eq3A_695 = arith.constant 16 : i32
      %eq3A_696 = vector.broadcast %eq3A_695 : i32 to vector<16xi32>
      %eq3A_697 = arith.cmpi eq, %get3A_519, %eq3A_696 : vector<16xi32>
      %select_n3A_698 = arith.select %eq3A_697, %get3A_691, %select_n3A_687 : vector<16xi1>, vector<16xf32>
      %get3A_699 = arith.constant 141 : i32
      %get3A_700 = arith.index_cast %get3A_699 : i32 to index
      %get3A_701 = arith.index_cast %mul3A_516 : i32 to index
      %get3A_702 = tpu.vector_load %arg5[%get3A_700, %get3A_701] {strides = array<i32>} : memref<168x512xf32, #tpu.memory_space<vmem>>, vector<16xf32>,
      %max3A_703 = arith.maximumf %max3A_692, %get3A_702 : vector<16xf32>
      %exp3A_704 = math.exp %get3A_702 : vector<16xf32>
      %add3A_705 = arith.addf %add3A_694, %exp3A_704 : vector<16xf32>
      %eq3A_706 = arith.constant 17 : i32
      %eq3A_707 = vector.broadcast %eq3A_706 : i32 to vector<16xi32>
      %eq3A_708 = arith.cmpi eq, %get3A_519, %eq3A_707 : vector<16xi32>
      %select_n3A_709 = arith.select %eq3A_708, %get3A_702, %select_n3A_698 : vector<16xi1>, vector<16xf32>
      %get3A_710 = arith.constant 149 : i32
      %get3A_711 = arith.index_cast %get3A_710 : i32 to index
      %get3A_712 = arith.index_cast %mul3A_516 : i32 to index
      %get3A_713 = tpu.vector_load %arg5[%get3A_711, %get3A_712] {strides = array<i32>} : memref<168x512xf32, #tpu.memory_space<vmem>>, vector<16xf32>,
      %max3A_714 = arith.maximumf %max3A_703, %get3A_713 : vector<16xf32>
      %exp3A_715 = math.exp %get3A_713 : vector<16xf32>
      %add3A_716 = arith.addf %add3A_705, %exp3A_715 : vector<16xf32>
      %eq3A_717 = arith.constant 18 : i32
      %eq3A_718 = vector.broadcast %eq3A_717 : i32 to vector<16xi32>
      %eq3A_719 = arith.cmpi eq, %get3A_519, %eq3A_718 : vector<16xi32>
      %select_n3A_720 = arith.select %eq3A_719, %get3A_713, %select_n3A_709 : vector<16xi1>, vector<16xf32>
      %get3A_721 = arith.constant 157 : i32
      %get3A_722 = arith.index_cast %get3A_721 : i32 to index
      %get3A_723 = arith.index_cast %mul3A_516 : i32 to index
      %get3A_724 = tpu.vector_load %arg5[%get3A_722, %get3A_723] {strides = array<i32>} : memref<168x512xf32, #tpu.memory_space<vmem>>, vector<16xf32>,
      %max3A_725 = arith.maximumf %max3A_714, %get3A_724 : vector<16xf32>
      %exp3A_726 = math.exp %get3A_724 : vector<16xf32>
      %add3A_727 = arith.addf %add3A_716, %exp3A_726 : vector<16xf32>
      %eq3A_728 = arith.constant 19 : i32
      %eq3A_729 = vector.broadcast %eq3A_728 : i32 to vector<16xi32>
      %eq3A_730 = arith.cmpi eq, %get3A_519, %eq3A_729 : vector<16xi32>
      %select_n3A_731 = arith.select %eq3A_730, %get3A_724, %select_n3A_720 : vector<16xi1>, vector<16xf32>
      %get3A_732 = arith.constant 165 : i32
      %get3A_733 = arith.index_cast %get3A_732 : i32 to index
      %get3A_734 = arith.index_cast %mul3A_516 : i32 to index
      %get3A_735 = tpu.vector_load %arg5[%get3A_733, %get3A_734] {strides = array<i32>} : memref<168x512xf32, #tpu.memory_space<vmem>>, vector<16xf32>,
      %max3A_736 = arith.maximumf %max3A_725, %get3A_735 : vector<16xf32>
      %exp3A_737 = math.exp %get3A_735 : vector<16xf32>
      %add3A_738 = arith.addf %add3A_727, %exp3A_737 : vector<16xf32>
      %eq3A_739 = arith.constant 20 : i32
      %eq3A_740 = vector.broadcast %eq3A_739 : i32 to vector<16xi32>
      %eq3A_741 = arith.cmpi eq, %get3A_519, %eq3A_740 : vector<16xi32>
      %select_n3A_742 = arith.select %eq3A_741, %get3A_735, %select_n3A_731 : vector<16xi1>, vector<16xf32>
      %eq3A_743 = arith.cmpf oeq, %select_n3A_742, %max3A_736 : vector<16xf32>
      %convert_element_type3A = arith.extui %eq3A_743 : vector<16xi1> to vector<16xi32>
      %convert_element_type3A_744 = arith.sitofp %convert_element_type3A : vector<16xi32> to vector<16xf32>
      %bitcast3A = vector.bitcast %add3A_738 : vector<16xf32> to vector<16xi32>
      %shift_right_logical3A = arith.constant 23 : i32
      %shift_right_logical3A_745 = vector.broadcast %shift_right_logical3A : i32 to vector<16xi32>
      %shift_right_logical3A_746 = arith.shrui %bitcast3A, %shift_right_logical3A_745 : vector<16xi32>
      %sub3A_747 = arith.constant 127 : i32
      %sub3A_748 = vector.broadcast %sub3A_747 : i32 to vector<16xi32>
      %sub3A_749 = arith.subi %shift_right_logical3A_746, %sub3A_748 : vector<16xi32>
      %and3A_750 = arith.constant 8388607 : i32
      %and3A_751 = vector.broadcast %and3A_750 : i32 to vector<16xi32>
      %and3A_752 = arith.andi %bitcast3A, %and3A_751 : vector<16xi32>
      %or3A = arith.constant 1065353216 : i32
      %or3A_753 = vector.broadcast %or3A : i32 to vector<16xi32>
      %or3A_754 = arith.ori %and3A_752, %or3A_753 : vector<16xi32>
      %bitcast3A_755 = vector.bitcast %or3A_754 : vector<16xi32> to vector<16xf32>
      %sub3A_756 = arith.constant 1.000000e+00 : f32
      %sub3A_757 = vector.broadcast %sub3A_756 : f32 to vector<16xf32>
      %sub3A_758 = arith.subf %bitcast3A_755, %sub3A_757 : vector<16xf32>
      %add3A_759 = arith.constant 1.000000e+00 : f32
      %add3A_760 = vector.broadcast %add3A_759 : f32 to vector<16xf32>
      %add3A_761 = arith.addf %bitcast3A_755, %add3A_760 : vector<16xf32>
      %div3A_762 = arith.divf %sub3A_758, %add3A_761 : vector<16xf32>
      %mul3A_763 = arith.mulf %div3A_762, %div3A_762 : vector<16xf32>
      %mul3A_764 = arith.constant 2.000000e+00 : f32
      %mul3A_765 = vector.broadcast %mul3A_764 : f32 to vector<16xf32>
      %mul3A_766 = arith.mulf %mul3A_765, %div3A_762 : vector<16xf32>
      %mul3A_767 = arith.constant 0.111111112 : f32
      %mul3A_768 = vector.broadcast %mul3A_767 : f32 to vector<16xf32>
      %mul3A_769 = arith.mulf %mul3A_763, %mul3A_768 : vector<16xf32>
      %add3A_770 = arith.constant 0.142857149 : f32
      %add3A_771 = vector.broadcast %add3A_770 : f32 to vector<16xf32>
      %add3A_772 = arith.addf %add3A_771, %mul3A_769 : vector<16xf32>
      %mul3A_773 = arith.mulf %mul3A_763, %add3A_772 : vector<16xf32>
      %add3A_774 = arith.constant 2.000000e-01 : f32
      %add3A_775 = vector.broadcast %add3A_774 : f32 to vector<16xf32>
      %add3A_776 = arith.addf %add3A_775, %mul3A_773 : vector<16xf32>
      %mul3A_777 = arith.mulf %mul3A_763, %add3A_776 : vector<16xf32>
      %add3A_778 = arith.constant 0.333333343 : f32
      %add3A_779 = vector.broadcast %add3A_778 : f32 to vector<16xf32>
      %add3A_780 = arith.addf %add3A_779, %mul3A_777 : vector<16xf32>
      %mul3A_781 = arith.mulf %mul3A_763, %add3A_780 : vector<16xf32>
      %add3A_782 = arith.constant 1.000000e+00 : f32
      %add3A_783 = vector.broadcast %add3A_782 : f32 to vector<16xf32>
      %add3A_784 = arith.addf %add3A_783, %mul3A_781 : vector<16xf32>
      %mul3A_785 = arith.mulf %mul3A_766, %add3A_784 : vector<16xf32>
      %convert_element_type3A_786 = arith.sitofp %sub3A_749 : vector<16xi32> to vector<16xf32>
      %mul3A_787 = arith.constant 0.693147182 : f32
      %mul3A_788 = vector.broadcast %mul3A_787 : f32 to vector<16xf32>
      %mul3A_789 = arith.mulf %convert_element_type3A_786, %mul3A_788 : vector<16xf32>
      %add3A_790 = arith.addf %mul3A_789, %mul3A_785 : vector<16xf32>
      %sub3A_791 = arith.subf %select_n3A_742, %add3A_790 : vector<16xf32>
      tpu.vector_store_idx %arg7[%get3A_519, %iota3A], %broadcast_in_dim3A_463 {add = true} : memref<64x16xf32, #tpu.memory_space<vmem>>[vector<16xi32>, vector<16xi32>], vector<16xf32>,
      %add3A_792 = arith.constant 21 : i32
      %add3A_793 = vector.broadcast %add3A_792 : i32 to vector<16xi32>
      %add3A_794 = arith.addi %get3A_519, %add3A_793 : vector<16xi32>
      tpu.vector_store_idx %arg7[%add3A_794, %iota3A], %convert_element_type3A_744 {add = true} : memref<64x16xf32, #tpu.memory_space<vmem>>[vector<16xi32>, vector<16xi32>], vector<16xf32>,
      %add3A_795 = arith.constant 42 : i32
      %add3A_796 = vector.broadcast %add3A_795 : i32 to vector<16xi32>
      %add3A_797 = arith.addi %get3A_519, %add3A_796 : vector<16xi32>
      tpu.vector_store_idx %arg7[%add3A_797, %iota3A], %sub3A_791 {add = true} : memref<64x16xf32, #tpu.memory_space<vmem>>[vector<16xi32>, vector<16xi32>], vector<16xf32>,
    }
    %scan3A_498 = arith.constant 32 : i32
    %scan3A_499 = arith.constant 0 : i32
    %scan3A_500 = arith.constant 0 : i32
    %scan3A_501 = arith.constant 32 : i32
    %scan3A_502 = arith.addi %scan3A_500, %scan3A_501 : i32
    %scan3A_503 = arith.constant 1 : i32
    scf.for %scan3A_514 = %scan3A_500 to %scan3A_502 step %scan3A_503  : i32 {
      %mul3A_515 = arith.constant 16 : i32
      %mul3A_516 = arith.muli %scan3A_514, %mul3A_515 : i32
      %get3A = arith.constant 6 : i32
      %get3A_517 = arith.index_cast %get3A : i32 to index
      %get3A_518 = arith.index_cast %mul3A_516 : i32 to index
      %get3A_519 = tpu.vector_load %arg6[%get3A_517, %get3A_518] {strides = array<i32>} : memref<8x512xi32, #tpu.memory_space<vmem>>, vector<16xi32>,
      %get3A_520 = arith.constant 6 : i32
      %get3A_521 = arith.index_cast %get3A_520 : i32 to index
      %get3A_522 = arith.index_cast %mul3A_516 : i32 to index
      %get3A_523 = tpu.vector_load %arg5[%get3A_521, %get3A_522] {strides = array<i32>} : memref<168x512xf32, #tpu.memory_space<vmem>>, vector<16xf32>,
      %exp3A = math.exp %get3A_523 : vector<16xf32>
      %get3A_524 = arith.constant 14 : i32
      %get3A_525 = arith.index_cast %get3A_524 : i32 to index
      %get3A_526 = arith.index_cast %mul3A_516 : i32 to index
      %get3A_527 = tpu.vector_load %arg5[%get3A_525, %get3A_526] {strides = array<i32>} : memref<168x512xf32, #tpu.memory_space<vmem>>, vector<16xf32>,
      %max3A = arith.maximumf %get3A_523, %get3A_527 : vector<16xf32>
      %exp3A_528 = math.exp %get3A_527 : vector<16xf32>
      %add3A_529 = arith.addf %exp3A, %exp3A_528 : vector<16xf32>
      %eq3A_530 = arith.constant 1 : i32
      %eq3A_531 = vector.broadcast %eq3A_530 : i32 to vector<16xi32>
      %eq3A_532 = arith.cmpi eq, %get3A_519, %eq3A_531 : vector<16xi32>
      %select_n3A_533 = arith.select %eq3A_532, %get3A_527, %get3A_523 : vector<16xi1>, vector<16xf32>
      %get3A_534 = arith.constant 22 : i32
      %get3A_535 = arith.index_cast %get3A_534 : i32 to index
      %get3A_536 = arith.index_cast %mul3A_516 : i32 to index
      %get3A_537 = tpu.vector_load %arg5[%get3A_535, %get3A_536] {strides = array<i32>} : memref<168x512xf32, #tpu.memory_space<vmem>>, vector<16xf32>,
      %max3A_538 = arith.maximumf %max3A, %get3A_537 : vector<16xf32>
      %exp3A_539 = math.exp %get3A_537 : vector<16xf32>
      %add3A_540 = arith.addf %add3A_529, %exp3A_539 : vector<16xf32>
      %eq3A_541 = arith.constant 2 : i32
      %eq3A_542 = vector.broadcast %eq3A_541 : i32 to vector<16xi32>
      %eq3A_543 = arith.cmpi eq, %get3A_519, %eq3A_542 : vector<16xi32>
      %select_n3A_544 = arith.select %eq3A_543, %get3A_537, %select_n3A_533 : vector<16xi1>, vector<16xf32>
      %get3A_545 = arith.constant 30 : i32
      %get3A_546 = arith.index_cast %get3A_545 : i32 to index
      %get3A_547 = arith.index_cast %mul3A_516 : i32 to index
      %get3A_548 = tpu.vector_load %arg5[%get3A_546, %get3A_547] {strides = array<i32>} : memref<168x512xf32, #tpu.memory_space<vmem>>, vector<16xf32>,
      %max3A_549 = arith.maximumf %max3A_538, %get3A_548 : vector<16xf32>
      %exp3A_550 = math.exp %get3A_548 : vector<16xf32>
      %add3A_551 = arith.addf %add3A_540, %exp3A_550 : vector<16xf32>
      %eq3A_552 = arith.constant 3 : i32
      %eq3A_553 = vector.broadcast %eq3A_552 : i32 to vector<16xi32>
      %eq3A_554 = arith.cmpi eq, %get3A_519, %eq3A_553 : vector<16xi32>
      %select_n3A_555 = arith.select %eq3A_554, %get3A_548, %select_n3A_544 : vector<16xi1>, vector<16xf32>
      %get3A_556 = arith.constant 38 : i32
      %get3A_557 = arith.index_cast %get3A_556 : i32 to index
      %get3A_558 = arith.index_cast %mul3A_516 : i32 to index
      %get3A_559 = tpu.vector_load %arg5[%get3A_557, %get3A_558] {strides = array<i32>} : memref<168x512xf32, #tpu.memory_space<vmem>>, vector<16xf32>,
      %max3A_560 = arith.maximumf %max3A_549, %get3A_559 : vector<16xf32>
      %exp3A_561 = math.exp %get3A_559 : vector<16xf32>
      %add3A_562 = arith.addf %add3A_551, %exp3A_561 : vector<16xf32>
      %eq3A_563 = arith.constant 4 : i32
      %eq3A_564 = vector.broadcast %eq3A_563 : i32 to vector<16xi32>
      %eq3A_565 = arith.cmpi eq, %get3A_519, %eq3A_564 : vector<16xi32>
      %select_n3A_566 = arith.select %eq3A_565, %get3A_559, %select_n3A_555 : vector<16xi1>, vector<16xf32>
      %get3A_567 = arith.constant 46 : i32
      %get3A_568 = arith.index_cast %get3A_567 : i32 to index
      %get3A_569 = arith.index_cast %mul3A_516 : i32 to index
      %get3A_570 = tpu.vector_load %arg5[%get3A_568, %get3A_569] {strides = array<i32>} : memref<168x512xf32, #tpu.memory_space<vmem>>, vector<16xf32>,
      %max3A_571 = arith.maximumf %max3A_560, %get3A_570 : vector<16xf32>
      %exp3A_572 = math.exp %get3A_570 : vector<16xf32>
      %add3A_573 = arith.addf %add3A_562, %exp3A_572 : vector<16xf32>
      %eq3A_574 = arith.constant 5 : i32
      %eq3A_575 = vector.broadcast %eq3A_574 : i32 to vector<16xi32>
      %eq3A_576 = arith.cmpi eq, %get3A_519, %eq3A_575 : vector<16xi32>
      %select_n3A_577 = arith.select %eq3A_576, %get3A_570, %select_n3A_566 : vector<16xi1>, vector<16xf32>
      %get3A_578 = arith.constant 54 : i32
      %get3A_579 = arith.index_cast %get3A_578 : i32 to index
      %get3A_580 = arith.index_cast %mul3A_516 : i32 to index
      %get3A_581 = tpu.vector_load %arg5[%get3A_579, %get3A_580] {strides = array<i32>} : memref<168x512xf32, #tpu.memory_space<vmem>>, vector<16xf32>,
      %max3A_582 = arith.maximumf %max3A_571, %get3A_581 : vector<16xf32>
      %exp3A_583 = math.exp %get3A_581 : vector<16xf32>
      %add3A_584 = arith.addf %add3A_573, %exp3A_583 : vector<16xf32>
      %eq3A_585 = arith.constant 6 : i32
      %eq3A_586 = vector.broadcast %eq3A_585 : i32 to vector<16xi32>
      %eq3A_587 = arith.cmpi eq, %get3A_519, %eq3A_586 : vector<16xi32>
      %select_n3A_588 = arith.select %eq3A_587, %get3A_581, %select_n3A_577 : vector<16xi1>, vector<16xf32>
      %get3A_589 = arith.constant 62 : i32
      %get3A_590 = arith.index_cast %get3A_589 : i32 to index
      %get3A_591 = arith.index_cast %mul3A_516 : i32 to index
      %get3A_592 = tpu.vector_load %arg5[%get3A_590, %get3A_591] {strides = array<i32>} : memref<168x512xf32, #tpu.memory_space<vmem>>, vector<16xf32>,
      %max3A_593 = arith.maximumf %max3A_582, %get3A_592 : vector<16xf32>
      %exp3A_594 = math.exp %get3A_592 : vector<16xf32>
      %add3A_595 = arith.addf %add3A_584, %exp3A_594 : vector<16xf32>
      %eq3A_596 = arith.constant 7 : i32
      %eq3A_597 = vector.broadcast %eq3A_596 : i32 to vector<16xi32>
      %eq3A_598 = arith.cmpi eq, %get3A_519, %eq3A_597 : vector<16xi32>
      %select_n3A_599 = arith.select %eq3A_598, %get3A_592, %select_n3A_588 : vector<16xi1>, vector<16xf32>
      %get3A_600 = arith.constant 70 : i32
      %get3A_601 = arith.index_cast %get3A_600 : i32 to index
      %get3A_602 = arith.index_cast %mul3A_516 : i32 to index
      %get3A_603 = tpu.vector_load %arg5[%get3A_601, %get3A_602] {strides = array<i32>} : memref<168x512xf32, #tpu.memory_space<vmem>>, vector<16xf32>,
      %max3A_604 = arith.maximumf %max3A_593, %get3A_603 : vector<16xf32>
      %exp3A_605 = math.exp %get3A_603 : vector<16xf32>
      %add3A_606 = arith.addf %add3A_595, %exp3A_605 : vector<16xf32>
      %eq3A_607 = arith.constant 8 : i32
      %eq3A_608 = vector.broadcast %eq3A_607 : i32 to vector<16xi32>
      %eq3A_609 = arith.cmpi eq, %get3A_519, %eq3A_608 : vector<16xi32>
      %select_n3A_610 = arith.select %eq3A_609, %get3A_603, %select_n3A_599 : vector<16xi1>, vector<16xf32>
      %get3A_611 = arith.constant 78 : i32
      %get3A_612 = arith.index_cast %get3A_611 : i32 to index
      %get3A_613 = arith.index_cast %mul3A_516 : i32 to index
      %get3A_614 = tpu.vector_load %arg5[%get3A_612, %get3A_613] {strides = array<i32>} : memref<168x512xf32, #tpu.memory_space<vmem>>, vector<16xf32>,
      %max3A_615 = arith.maximumf %max3A_604, %get3A_614 : vector<16xf32>
      %exp3A_616 = math.exp %get3A_614 : vector<16xf32>
      %add3A_617 = arith.addf %add3A_606, %exp3A_616 : vector<16xf32>
      %eq3A_618 = arith.constant 9 : i32
      %eq3A_619 = vector.broadcast %eq3A_618 : i32 to vector<16xi32>
      %eq3A_620 = arith.cmpi eq, %get3A_519, %eq3A_619 : vector<16xi32>
      %select_n3A_621 = arith.select %eq3A_620, %get3A_614, %select_n3A_610 : vector<16xi1>, vector<16xf32>
      %get3A_622 = arith.constant 86 : i32
      %get3A_623 = arith.index_cast %get3A_622 : i32 to index
      %get3A_624 = arith.index_cast %mul3A_516 : i32 to index
      %get3A_625 = tpu.vector_load %arg5[%get3A_623, %get3A_624] {strides = array<i32>} : memref<168x512xf32, #tpu.memory_space<vmem>>, vector<16xf32>,
      %max3A_626 = arith.maximumf %max3A_615, %get3A_625 : vector<16xf32>
      %exp3A_627 = math.exp %get3A_625 : vector<16xf32>
      %add3A_628 = arith.addf %add3A_617, %exp3A_627 : vector<16xf32>
      %eq3A_629 = arith.constant 10 : i32
      %eq3A_630 = vector.broadcast %eq3A_629 : i32 to vector<16xi32>
      %eq3A_631 = arith.cmpi eq, %get3A_519, %eq3A_630 : vector<16xi32>
      %select_n3A_632 = arith.select %eq3A_631, %get3A_625, %select_n3A_621 : vector<16xi1>, vector<16xf32>
      %get3A_633 = arith.constant 94 : i32
      %get3A_634 = arith.index_cast %get3A_633 : i32 to index
      %get3A_635 = arith.index_cast %mul3A_516 : i32 to index
      %get3A_636 = tpu.vector_load %arg5[%get3A_634, %get3A_635] {strides = array<i32>} : memref<168x512xf32, #tpu.memory_space<vmem>>, vector<16xf32>,
      %max3A_637 = arith.maximumf %max3A_626, %get3A_636 : vector<16xf32>
      %exp3A_638 = math.exp %get3A_636 : vector<16xf32>
      %add3A_639 = arith.addf %add3A_628, %exp3A_638 : vector<16xf32>
      %eq3A_640 = arith.constant 11 : i32
      %eq3A_641 = vector.broadcast %eq3A_640 : i32 to vector<16xi32>
      %eq3A_642 = arith.cmpi eq, %get3A_519, %eq3A_641 : vector<16xi32>
      %select_n3A_643 = arith.select %eq3A_642, %get3A_636, %select_n3A_632 : vector<16xi1>, vector<16xf32>
      %get3A_644 = arith.constant 102 : i32
      %get3A_645 = arith.index_cast %get3A_644 : i32 to index
      %get3A_646 = arith.index_cast %mul3A_516 : i32 to index
      %get3A_647 = tpu.vector_load %arg5[%get3A_645, %get3A_646] {strides = array<i32>} : memref<168x512xf32, #tpu.memory_space<vmem>>, vector<16xf32>,
      %max3A_648 = arith.maximumf %max3A_637, %get3A_647 : vector<16xf32>
      %exp3A_649 = math.exp %get3A_647 : vector<16xf32>
      %add3A_650 = arith.addf %add3A_639, %exp3A_649 : vector<16xf32>
      %eq3A_651 = arith.constant 12 : i32
      %eq3A_652 = vector.broadcast %eq3A_651 : i32 to vector<16xi32>
      %eq3A_653 = arith.cmpi eq, %get3A_519, %eq3A_652 : vector<16xi32>
      %select_n3A_654 = arith.select %eq3A_653, %get3A_647, %select_n3A_643 : vector<16xi1>, vector<16xf32>
      %get3A_655 = arith.constant 110 : i32
      %get3A_656 = arith.index_cast %get3A_655 : i32 to index
      %get3A_657 = arith.index_cast %mul3A_516 : i32 to index
      %get3A_658 = tpu.vector_load %arg5[%get3A_656, %get3A_657] {strides = array<i32>} : memref<168x512xf32, #tpu.memory_space<vmem>>, vector<16xf32>,
      %max3A_659 = arith.maximumf %max3A_648, %get3A_658 : vector<16xf32>
      %exp3A_660 = math.exp %get3A_658 : vector<16xf32>
      %add3A_661 = arith.addf %add3A_650, %exp3A_660 : vector<16xf32>
      %eq3A_662 = arith.constant 13 : i32
      %eq3A_663 = vector.broadcast %eq3A_662 : i32 to vector<16xi32>
      %eq3A_664 = arith.cmpi eq, %get3A_519, %eq3A_663 : vector<16xi32>
      %select_n3A_665 = arith.select %eq3A_664, %get3A_658, %select_n3A_654 : vector<16xi1>, vector<16xf32>
      %get3A_666 = arith.constant 118 : i32
      %get3A_667 = arith.index_cast %get3A_666 : i32 to index
      %get3A_668 = arith.index_cast %mul3A_516 : i32 to index
      %get3A_669 = tpu.vector_load %arg5[%get3A_667, %get3A_668] {strides = array<i32>} : memref<168x512xf32, #tpu.memory_space<vmem>>, vector<16xf32>,
      %max3A_670 = arith.maximumf %max3A_659, %get3A_669 : vector<16xf32>
      %exp3A_671 = math.exp %get3A_669 : vector<16xf32>
      %add3A_672 = arith.addf %add3A_661, %exp3A_671 : vector<16xf32>
      %eq3A_673 = arith.constant 14 : i32
      %eq3A_674 = vector.broadcast %eq3A_673 : i32 to vector<16xi32>
      %eq3A_675 = arith.cmpi eq, %get3A_519, %eq3A_674 : vector<16xi32>
      %select_n3A_676 = arith.select %eq3A_675, %get3A_669, %select_n3A_665 : vector<16xi1>, vector<16xf32>
      %get3A_677 = arith.constant 126 : i32
      %get3A_678 = arith.index_cast %get3A_677 : i32 to index
      %get3A_679 = arith.index_cast %mul3A_516 : i32 to index
      %get3A_680 = tpu.vector_load %arg5[%get3A_678, %get3A_679] {strides = array<i32>} : memref<168x512xf32, #tpu.memory_space<vmem>>, vector<16xf32>,
      %max3A_681 = arith.maximumf %max3A_670, %get3A_680 : vector<16xf32>
      %exp3A_682 = math.exp %get3A_680 : vector<16xf32>
      %add3A_683 = arith.addf %add3A_672, %exp3A_682 : vector<16xf32>
      %eq3A_684 = arith.constant 15 : i32
      %eq3A_685 = vector.broadcast %eq3A_684 : i32 to vector<16xi32>
      %eq3A_686 = arith.cmpi eq, %get3A_519, %eq3A_685 : vector<16xi32>
      %select_n3A_687 = arith.select %eq3A_686, %get3A_680, %select_n3A_676 : vector<16xi1>, vector<16xf32>
      %get3A_688 = arith.constant 134 : i32
      %get3A_689 = arith.index_cast %get3A_688 : i32 to index
      %get3A_690 = arith.index_cast %mul3A_516 : i32 to index
      %get3A_691 = tpu.vector_load %arg5[%get3A_689, %get3A_690] {strides = array<i32>} : memref<168x512xf32, #tpu.memory_space<vmem>>, vector<16xf32>,
      %max3A_692 = arith.maximumf %max3A_681, %get3A_691 : vector<16xf32>
      %exp3A_693 = math.exp %get3A_691 : vector<16xf32>
      %add3A_694 = arith.addf %add3A_683, %exp3A_693 : vector<16xf32>
      %eq3A_695 = arith.constant 16 : i32
      %eq3A_696 = vector.broadcast %eq3A_695 : i32 to vector<16xi32>
      %eq3A_697 = arith.cmpi eq, %get3A_519, %eq3A_696 : vector<16xi32>
      %select_n3A_698 = arith.select %eq3A_697, %get3A_691, %select_n3A_687 : vector<16xi1>, vector<16xf32>
      %get3A_699 = arith.constant 142 : i32
      %get3A_700 = arith.index_cast %get3A_699 : i32 to index
      %get3A_701 = arith.index_cast %mul3A_516 : i32 to index
      %get3A_702 = tpu.vector_load %arg5[%get3A_700, %get3A_701] {strides = array<i32>} : memref<168x512xf32, #tpu.memory_space<vmem>>, vector<16xf32>,
      %max3A_703 = arith.maximumf %max3A_692, %get3A_702 : vector<16xf32>
      %exp3A_704 = math.exp %get3A_702 : vector<16xf32>
      %add3A_705 = arith.addf %add3A_694, %exp3A_704 : vector<16xf32>
      %eq3A_706 = arith.constant 17 : i32
      %eq3A_707 = vector.broadcast %eq3A_706 : i32 to vector<16xi32>
      %eq3A_708 = arith.cmpi eq, %get3A_519, %eq3A_707 : vector<16xi32>
      %select_n3A_709 = arith.select %eq3A_708, %get3A_702, %select_n3A_698 : vector<16xi1>, vector<16xf32>
      %get3A_710 = arith.constant 150 : i32
      %get3A_711 = arith.index_cast %get3A_710 : i32 to index
      %get3A_712 = arith.index_cast %mul3A_516 : i32 to index
      %get3A_713 = tpu.vector_load %arg5[%get3A_711, %get3A_712] {strides = array<i32>} : memref<168x512xf32, #tpu.memory_space<vmem>>, vector<16xf32>,
      %max3A_714 = arith.maximumf %max3A_703, %get3A_713 : vector<16xf32>
      %exp3A_715 = math.exp %get3A_713 : vector<16xf32>
      %add3A_716 = arith.addf %add3A_705, %exp3A_715 : vector<16xf32>
      %eq3A_717 = arith.constant 18 : i32
      %eq3A_718 = vector.broadcast %eq3A_717 : i32 to vector<16xi32>
      %eq3A_719 = arith.cmpi eq, %get3A_519, %eq3A_718 : vector<16xi32>
      %select_n3A_720 = arith.select %eq3A_719, %get3A_713, %select_n3A_709 : vector<16xi1>, vector<16xf32>
      %get3A_721 = arith.constant 158 : i32
      %get3A_722 = arith.index_cast %get3A_721 : i32 to index
      %get3A_723 = arith.index_cast %mul3A_516 : i32 to index
      %get3A_724 = tpu.vector_load %arg5[%get3A_722, %get3A_723] {strides = array<i32>} : memref<168x512xf32, #tpu.memory_space<vmem>>, vector<16xf32>,
      %max3A_725 = arith.maximumf %max3A_714, %get3A_724 : vector<16xf32>
      %exp3A_726 = math.exp %get3A_724 : vector<16xf32>
      %add3A_727 = arith.addf %add3A_716, %exp3A_726 : vector<16xf32>
      %eq3A_728 = arith.constant 19 : i32
      %eq3A_729 = vector.broadcast %eq3A_728 : i32 to vector<16xi32>
      %eq3A_730 = arith.cmpi eq, %get3A_519, %eq3A_729 : vector<16xi32>
      %select_n3A_731 = arith.select %eq3A_730, %get3A_724, %select_n3A_720 : vector<16xi1>, vector<16xf32>
      %get3A_732 = arith.constant 166 : i32
      %get3A_733 = arith.index_cast %get3A_732 : i32 to index
      %get3A_734 = arith.index_cast %mul3A_516 : i32 to index
      %get3A_735 = tpu.vector_load %arg5[%get3A_733, %get3A_734] {strides = array<i32>} : memref<168x512xf32, #tpu.memory_space<vmem>>, vector<16xf32>,
      %max3A_736 = arith.maximumf %max3A_725, %get3A_735 : vector<16xf32>
      %exp3A_737 = math.exp %get3A_735 : vector<16xf32>
      %add3A_738 = arith.addf %add3A_727, %exp3A_737 : vector<16xf32>
      %eq3A_739 = arith.constant 20 : i32
      %eq3A_740 = vector.broadcast %eq3A_739 : i32 to vector<16xi32>
      %eq3A_741 = arith.cmpi eq, %get3A_519, %eq3A_740 : vector<16xi32>
      %select_n3A_742 = arith.select %eq3A_741, %get3A_735, %select_n3A_731 : vector<16xi1>, vector<16xf32>
      %eq3A_743 = arith.cmpf oeq, %select_n3A_742, %max3A_736 : vector<16xf32>
      %convert_element_type3A = arith.extui %eq3A_743 : vector<16xi1> to vector<16xi32>
      %convert_element_type3A_744 = arith.sitofp %convert_element_type3A : vector<16xi32> to vector<16xf32>
      %bitcast3A = vector.bitcast %add3A_738 : vector<16xf32> to vector<16xi32>
      %shift_right_logical3A = arith.constant 23 : i32
      %shift_right_logical3A_745 = vector.broadcast %shift_right_logical3A : i32 to vector<16xi32>
      %shift_right_logical3A_746 = arith.shrui %bitcast3A, %shift_right_logical3A_745 : vector<16xi32>
      %sub3A_747 = arith.constant 127 : i32
      %sub3A_748 = vector.broadcast %sub3A_747 : i32 to vector<16xi32>
      %sub3A_749 = arith.subi %shift_right_logical3A_746, %sub3A_748 : vector<16xi32>
      %and3A_750 = arith.constant 8388607 : i32
      %and3A_751 = vector.broadcast %and3A_750 : i32 to vector<16xi32>
      %and3A_752 = arith.andi %bitcast3A, %and3A_751 : vector<16xi32>
      %or3A = arith.constant 1065353216 : i32
      %or3A_753 = vector.broadcast %or3A : i32 to vector<16xi32>
      %or3A_754 = arith.ori %and3A_752, %or3A_753 : vector<16xi32>
      %bitcast3A_755 = vector.bitcast %or3A_754 : vector<16xi32> to vector<16xf32>
      %sub3A_756 = arith.constant 1.000000e+00 : f32
      %sub3A_757 = vector.broadcast %sub3A_756 : f32 to vector<16xf32>
      %sub3A_758 = arith.subf %bitcast3A_755, %sub3A_757 : vector<16xf32>
      %add3A_759 = arith.constant 1.000000e+00 : f32
      %add3A_760 = vector.broadcast %add3A_759 : f32 to vector<16xf32>
      %add3A_761 = arith.addf %bitcast3A_755, %add3A_760 : vector<16xf32>
      %div3A_762 = arith.divf %sub3A_758, %add3A_761 : vector<16xf32>
      %mul3A_763 = arith.mulf %div3A_762, %div3A_762 : vector<16xf32>
      %mul3A_764 = arith.constant 2.000000e+00 : f32
      %mul3A_765 = vector.broadcast %mul3A_764 : f32 to vector<16xf32>
      %mul3A_766 = arith.mulf %mul3A_765, %div3A_762 : vector<16xf32>
      %mul3A_767 = arith.constant 0.111111112 : f32
      %mul3A_768 = vector.broadcast %mul3A_767 : f32 to vector<16xf32>
      %mul3A_769 = arith.mulf %mul3A_763, %mul3A_768 : vector<16xf32>
      %add3A_770 = arith.constant 0.142857149 : f32
      %add3A_771 = vector.broadcast %add3A_770 : f32 to vector<16xf32>
      %add3A_772 = arith.addf %add3A_771, %mul3A_769 : vector<16xf32>
      %mul3A_773 = arith.mulf %mul3A_763, %add3A_772 : vector<16xf32>
      %add3A_774 = arith.constant 2.000000e-01 : f32
      %add3A_775 = vector.broadcast %add3A_774 : f32 to vector<16xf32>
      %add3A_776 = arith.addf %add3A_775, %mul3A_773 : vector<16xf32>
      %mul3A_777 = arith.mulf %mul3A_763, %add3A_776 : vector<16xf32>
      %add3A_778 = arith.constant 0.333333343 : f32
      %add3A_779 = vector.broadcast %add3A_778 : f32 to vector<16xf32>
      %add3A_780 = arith.addf %add3A_779, %mul3A_777 : vector<16xf32>
      %mul3A_781 = arith.mulf %mul3A_763, %add3A_780 : vector<16xf32>
      %add3A_782 = arith.constant 1.000000e+00 : f32
      %add3A_783 = vector.broadcast %add3A_782 : f32 to vector<16xf32>
      %add3A_784 = arith.addf %add3A_783, %mul3A_781 : vector<16xf32>
      %mul3A_785 = arith.mulf %mul3A_766, %add3A_784 : vector<16xf32>
      %convert_element_type3A_786 = arith.sitofp %sub3A_749 : vector<16xi32> to vector<16xf32>
      %mul3A_787 = arith.constant 0.693147182 : f32
      %mul3A_788 = vector.broadcast %mul3A_787 : f32 to vector<16xf32>
      %mul3A_789 = arith.mulf %convert_element_type3A_786, %mul3A_788 : vector<16xf32>
      %add3A_790 = arith.addf %mul3A_789, %mul3A_785 : vector<16xf32>
      %sub3A_791 = arith.subf %select_n3A_742, %add3A_790 : vector<16xf32>
      tpu.vector_store_idx %arg7[%get3A_519, %iota3A], %broadcast_in_dim3A_463 {add = true} : memref<64x16xf32, #tpu.memory_space<vmem>>[vector<16xi32>, vector<16xi32>], vector<16xf32>,
      %add3A_792 = arith.constant 21 : i32
      %add3A_793 = vector.broadcast %add3A_792 : i32 to vector<16xi32>
      %add3A_794 = arith.addi %get3A_519, %add3A_793 : vector<16xi32>
      tpu.vector_store_idx %arg7[%add3A_794, %iota3A], %convert_element_type3A_744 {add = true} : memref<64x16xf32, #tpu.memory_space<vmem>>[vector<16xi32>, vector<16xi32>], vector<16xf32>,
      %add3A_795 = arith.constant 42 : i32
      %add3A_796 = vector.broadcast %add3A_795 : i32 to vector<16xi32>
      %add3A_797 = arith.addi %get3A_519, %add3A_796 : vector<16xi32>
      tpu.vector_store_idx %arg7[%add3A_797, %iota3A], %sub3A_791 {add = true} : memref<64x16xf32, #tpu.memory_space<vmem>>[vector<16xi32>, vector<16xi32>], vector<16xf32>,
    }
    %scan3A_504 = arith.constant 32 : i32
    %scan3A_505 = arith.constant 0 : i32
    %scan3A_506 = arith.constant 0 : i32
    %scan3A_507 = arith.constant 32 : i32
    %scan3A_508 = arith.addi %scan3A_506, %scan3A_507 : i32
    %scan3A_509 = arith.constant 1 : i32
    scf.for %scan3A_514 = %scan3A_506 to %scan3A_508 step %scan3A_509  : i32 {
      %mul3A_515 = arith.constant 16 : i32
      %mul3A_516 = arith.muli %scan3A_514, %mul3A_515 : i32
      %get3A = arith.constant 7 : i32
      %get3A_517 = arith.index_cast %get3A : i32 to index
      %get3A_518 = arith.index_cast %mul3A_516 : i32 to index
      %get3A_519 = tpu.vector_load %arg6[%get3A_517, %get3A_518] {strides = array<i32>} : memref<8x512xi32, #tpu.memory_space<vmem>>, vector<16xi32>,
      %get3A_520 = arith.constant 7 : i32
      %get3A_521 = arith.index_cast %get3A_520 : i32 to index
      %get3A_522 = arith.index_cast %mul3A_516 : i32 to index
      %get3A_523 = tpu.vector_load %arg5[%get3A_521, %get3A_522] {strides = array<i32>} : memref<168x512xf32, #tpu.memory_space<vmem>>, vector<16xf32>,
      %exp3A = math.exp %get3A_523 : vector<16xf32>
      %get3A_524 = arith.constant 15 : i32
      %get3A_525 = arith.index_cast %get3A_524 : i32 to index
      %get3A_526 = arith.index_cast %mul3A_516 : i32 to index
      %get3A_527 = tpu.vector_load %arg5[%get3A_525, %get3A_526] {strides = array<i32>} : memref<168x512xf32, #tpu.memory_space<vmem>>, vector<16xf32>,
      %max3A = arith.maximumf %get3A_523, %get3A_527 : vector<16xf32>
      %exp3A_528 = math.exp %get3A_527 : vector<16xf32>
      %add3A_529 = arith.addf %exp3A, %exp3A_528 : vector<16xf32>
      %eq3A_530 = arith.constant 1 : i32
      %eq3A_531 = vector.broadcast %eq3A_530 : i32 to vector<16xi32>
      %eq3A_532 = arith.cmpi eq, %get3A_519, %eq3A_531 : vector<16xi32>
      %select_n3A_533 = arith.select %eq3A_532, %get3A_527, %get3A_523 : vector<16xi1>, vector<16xf32>
      %get3A_534 = arith.constant 23 : i32
      %get3A_535 = arith.index_cast %get3A_534 : i32 to index
      %get3A_536 = arith.index_cast %mul3A_516 : i32 to index
      %get3A_537 = tpu.vector_load %arg5[%get3A_535, %get3A_536] {strides = array<i32>} : memref<168x512xf32, #tpu.memory_space<vmem>>, vector<16xf32>,
      %max3A_538 = arith.maximumf %max3A, %get3A_537 : vector<16xf32>
      %exp3A_539 = math.exp %get3A_537 : vector<16xf32>
      %add3A_540 = arith.addf %add3A_529, %exp3A_539 : vector<16xf32>
      %eq3A_541 = arith.constant 2 : i32
      %eq3A_542 = vector.broadcast %eq3A_541 : i32 to vector<16xi32>
      %eq3A_543 = arith.cmpi eq, %get3A_519, %eq3A_542 : vector<16xi32>
      %select_n3A_544 = arith.select %eq3A_543, %get3A_537, %select_n3A_533 : vector<16xi1>, vector<16xf32>
      %get3A_545 = arith.constant 31 : i32
      %get3A_546 = arith.index_cast %get3A_545 : i32 to index
      %get3A_547 = arith.index_cast %mul3A_516 : i32 to index
      %get3A_548 = tpu.vector_load %arg5[%get3A_546, %get3A_547] {strides = array<i32>} : memref<168x512xf32, #tpu.memory_space<vmem>>, vector<16xf32>,
      %max3A_549 = arith.maximumf %max3A_538, %get3A_548 : vector<16xf32>
      %exp3A_550 = math.exp %get3A_548 : vector<16xf32>
      %add3A_551 = arith.addf %add3A_540, %exp3A_550 : vector<16xf32>
      %eq3A_552 = arith.constant 3 : i32
      %eq3A_553 = vector.broadcast %eq3A_552 : i32 to vector<16xi32>
      %eq3A_554 = arith.cmpi eq, %get3A_519, %eq3A_553 : vector<16xi32>
      %select_n3A_555 = arith.select %eq3A_554, %get3A_548, %select_n3A_544 : vector<16xi1>, vector<16xf32>
      %get3A_556 = arith.constant 39 : i32
      %get3A_557 = arith.index_cast %get3A_556 : i32 to index
      %get3A_558 = arith.index_cast %mul3A_516 : i32 to index
      %get3A_559 = tpu.vector_load %arg5[%get3A_557, %get3A_558] {strides = array<i32>} : memref<168x512xf32, #tpu.memory_space<vmem>>, vector<16xf32>,
      %max3A_560 = arith.maximumf %max3A_549, %get3A_559 : vector<16xf32>
      %exp3A_561 = math.exp %get3A_559 : vector<16xf32>
      %add3A_562 = arith.addf %add3A_551, %exp3A_561 : vector<16xf32>
      %eq3A_563 = arith.constant 4 : i32
      %eq3A_564 = vector.broadcast %eq3A_563 : i32 to vector<16xi32>
      %eq3A_565 = arith.cmpi eq, %get3A_519, %eq3A_564 : vector<16xi32>
      %select_n3A_566 = arith.select %eq3A_565, %get3A_559, %select_n3A_555 : vector<16xi1>, vector<16xf32>
      %get3A_567 = arith.constant 47 : i32
      %get3A_568 = arith.index_cast %get3A_567 : i32 to index
      %get3A_569 = arith.index_cast %mul3A_516 : i32 to index
      %get3A_570 = tpu.vector_load %arg5[%get3A_568, %get3A_569] {strides = array<i32>} : memref<168x512xf32, #tpu.memory_space<vmem>>, vector<16xf32>,
      %max3A_571 = arith.maximumf %max3A_560, %get3A_570 : vector<16xf32>
      %exp3A_572 = math.exp %get3A_570 : vector<16xf32>
      %add3A_573 = arith.addf %add3A_562, %exp3A_572 : vector<16xf32>
      %eq3A_574 = arith.constant 5 : i32
      %eq3A_575 = vector.broadcast %eq3A_574 : i32 to vector<16xi32>
      %eq3A_576 = arith.cmpi eq, %get3A_519, %eq3A_575 : vector<16xi32>
      %select_n3A_577 = arith.select %eq3A_576, %get3A_570, %select_n3A_566 : vector<16xi1>, vector<16xf32>
      %get3A_578 = arith.constant 55 : i32
      %get3A_579 = arith.index_cast %get3A_578 : i32 to index
      %get3A_580 = arith.index_cast %mul3A_516 : i32 to index
      %get3A_581 = tpu.vector_load %arg5[%get3A_579, %get3A_580] {strides = array<i32>} : memref<168x512xf32, #tpu.memory_space<vmem>>, vector<16xf32>,
      %max3A_582 = arith.maximumf %max3A_571, %get3A_581 : vector<16xf32>
      %exp3A_583 = math.exp %get3A_581 : vector<16xf32>
      %add3A_584 = arith.addf %add3A_573, %exp3A_583 : vector<16xf32>
      %eq3A_585 = arith.constant 6 : i32
      %eq3A_586 = vector.broadcast %eq3A_585 : i32 to vector<16xi32>
      %eq3A_587 = arith.cmpi eq, %get3A_519, %eq3A_586 : vector<16xi32>
      %select_n3A_588 = arith.select %eq3A_587, %get3A_581, %select_n3A_577 : vector<16xi1>, vector<16xf32>
      %get3A_589 = arith.constant 63 : i32
      %get3A_590 = arith.index_cast %get3A_589 : i32 to index
      %get3A_591 = arith.index_cast %mul3A_516 : i32 to index
      %get3A_592 = tpu.vector_load %arg5[%get3A_590, %get3A_591] {strides = array<i32>} : memref<168x512xf32, #tpu.memory_space<vmem>>, vector<16xf32>,
      %max3A_593 = arith.maximumf %max3A_582, %get3A_592 : vector<16xf32>
      %exp3A_594 = math.exp %get3A_592 : vector<16xf32>
      %add3A_595 = arith.addf %add3A_584, %exp3A_594 : vector<16xf32>
      %eq3A_596 = arith.constant 7 : i32
      %eq3A_597 = vector.broadcast %eq3A_596 : i32 to vector<16xi32>
      %eq3A_598 = arith.cmpi eq, %get3A_519, %eq3A_597 : vector<16xi32>
      %select_n3A_599 = arith.select %eq3A_598, %get3A_592, %select_n3A_588 : vector<16xi1>, vector<16xf32>
      %get3A_600 = arith.constant 71 : i32
      %get3A_601 = arith.index_cast %get3A_600 : i32 to index
      %get3A_602 = arith.index_cast %mul3A_516 : i32 to index
      %get3A_603 = tpu.vector_load %arg5[%get3A_601, %get3A_602] {strides = array<i32>} : memref<168x512xf32, #tpu.memory_space<vmem>>, vector<16xf32>,
      %max3A_604 = arith.maximumf %max3A_593, %get3A_603 : vector<16xf32>
      %exp3A_605 = math.exp %get3A_603 : vector<16xf32>
      %add3A_606 = arith.addf %add3A_595, %exp3A_605 : vector<16xf32>
      %eq3A_607 = arith.constant 8 : i32
      %eq3A_608 = vector.broadcast %eq3A_607 : i32 to vector<16xi32>
      %eq3A_609 = arith.cmpi eq, %get3A_519, %eq3A_608 : vector<16xi32>
      %select_n3A_610 = arith.select %eq3A_609, %get3A_603, %select_n3A_599 : vector<16xi1>, vector<16xf32>
      %get3A_611 = arith.constant 79 : i32
      %get3A_612 = arith.index_cast %get3A_611 : i32 to index
      %get3A_613 = arith.index_cast %mul3A_516 : i32 to index
      %get3A_614 = tpu.vector_load %arg5[%get3A_612, %get3A_613] {strides = array<i32>} : memref<168x512xf32, #tpu.memory_space<vmem>>, vector<16xf32>,
      %max3A_615 = arith.maximumf %max3A_604, %get3A_614 : vector<16xf32>
      %exp3A_616 = math.exp %get3A_614 : vector<16xf32>
      %add3A_617 = arith.addf %add3A_606, %exp3A_616 : vector<16xf32>
      %eq3A_618 = arith.constant 9 : i32
      %eq3A_619 = vector.broadcast %eq3A_618 : i32 to vector<16xi32>
      %eq3A_620 = arith.cmpi eq, %get3A_519, %eq3A_619 : vector<16xi32>
      %select_n3A_621 = arith.select %eq3A_620, %get3A_614, %select_n3A_610 : vector<16xi1>, vector<16xf32>
      %get3A_622 = arith.constant 87 : i32
      %get3A_623 = arith.index_cast %get3A_622 : i32 to index
      %get3A_624 = arith.index_cast %mul3A_516 : i32 to index
      %get3A_625 = tpu.vector_load %arg5[%get3A_623, %get3A_624] {strides = array<i32>} : memref<168x512xf32, #tpu.memory_space<vmem>>, vector<16xf32>,
      %max3A_626 = arith.maximumf %max3A_615, %get3A_625 : vector<16xf32>
      %exp3A_627 = math.exp %get3A_625 : vector<16xf32>
      %add3A_628 = arith.addf %add3A_617, %exp3A_627 : vector<16xf32>
      %eq3A_629 = arith.constant 10 : i32
      %eq3A_630 = vector.broadcast %eq3A_629 : i32 to vector<16xi32>
      %eq3A_631 = arith.cmpi eq, %get3A_519, %eq3A_630 : vector<16xi32>
      %select_n3A_632 = arith.select %eq3A_631, %get3A_625, %select_n3A_621 : vector<16xi1>, vector<16xf32>
      %get3A_633 = arith.constant 95 : i32
      %get3A_634 = arith.index_cast %get3A_633 : i32 to index
      %get3A_635 = arith.index_cast %mul3A_516 : i32 to index
      %get3A_636 = tpu.vector_load %arg5[%get3A_634, %get3A_635] {strides = array<i32>} : memref<168x512xf32, #tpu.memory_space<vmem>>, vector<16xf32>,
      %max3A_637 = arith.maximumf %max3A_626, %get3A_636 : vector<16xf32>
      %exp3A_638 = math.exp %get3A_636 : vector<16xf32>
      %add3A_639 = arith.addf %add3A_628, %exp3A_638 : vector<16xf32>
      %eq3A_640 = arith.constant 11 : i32
      %eq3A_641 = vector.broadcast %eq3A_640 : i32 to vector<16xi32>
      %eq3A_642 = arith.cmpi eq, %get3A_519, %eq3A_641 : vector<16xi32>
      %select_n3A_643 = arith.select %eq3A_642, %get3A_636, %select_n3A_632 : vector<16xi1>, vector<16xf32>
      %get3A_644 = arith.constant 103 : i32
      %get3A_645 = arith.index_cast %get3A_644 : i32 to index
      %get3A_646 = arith.index_cast %mul3A_516 : i32 to index
      %get3A_647 = tpu.vector_load %arg5[%get3A_645, %get3A_646] {strides = array<i32>} : memref<168x512xf32, #tpu.memory_space<vmem>>, vector<16xf32>,
      %max3A_648 = arith.maximumf %max3A_637, %get3A_647 : vector<16xf32>
      %exp3A_649 = math.exp %get3A_647 : vector<16xf32>
      %add3A_650 = arith.addf %add3A_639, %exp3A_649 : vector<16xf32>
      %eq3A_651 = arith.constant 12 : i32
      %eq3A_652 = vector.broadcast %eq3A_651 : i32 to vector<16xi32>
      %eq3A_653 = arith.cmpi eq, %get3A_519, %eq3A_652 : vector<16xi32>
      %select_n3A_654 = arith.select %eq3A_653, %get3A_647, %select_n3A_643 : vector<16xi1>, vector<16xf32>
      %get3A_655 = arith.constant 111 : i32
      %get3A_656 = arith.index_cast %get3A_655 : i32 to index
      %get3A_657 = arith.index_cast %mul3A_516 : i32 to index
      %get3A_658 = tpu.vector_load %arg5[%get3A_656, %get3A_657] {strides = array<i32>} : memref<168x512xf32, #tpu.memory_space<vmem>>, vector<16xf32>,
      %max3A_659 = arith.maximumf %max3A_648, %get3A_658 : vector<16xf32>
      %exp3A_660 = math.exp %get3A_658 : vector<16xf32>
      %add3A_661 = arith.addf %add3A_650, %exp3A_660 : vector<16xf32>
      %eq3A_662 = arith.constant 13 : i32
      %eq3A_663 = vector.broadcast %eq3A_662 : i32 to vector<16xi32>
      %eq3A_664 = arith.cmpi eq, %get3A_519, %eq3A_663 : vector<16xi32>
      %select_n3A_665 = arith.select %eq3A_664, %get3A_658, %select_n3A_654 : vector<16xi1>, vector<16xf32>
      %get3A_666 = arith.constant 119 : i32
      %get3A_667 = arith.index_cast %get3A_666 : i32 to index
      %get3A_668 = arith.index_cast %mul3A_516 : i32 to index
      %get3A_669 = tpu.vector_load %arg5[%get3A_667, %get3A_668] {strides = array<i32>} : memref<168x512xf32, #tpu.memory_space<vmem>>, vector<16xf32>,
      %max3A_670 = arith.maximumf %max3A_659, %get3A_669 : vector<16xf32>
      %exp3A_671 = math.exp %get3A_669 : vector<16xf32>
      %add3A_672 = arith.addf %add3A_661, %exp3A_671 : vector<16xf32>
      %eq3A_673 = arith.constant 14 : i32
      %eq3A_674 = vector.broadcast %eq3A_673 : i32 to vector<16xi32>
      %eq3A_675 = arith.cmpi eq, %get3A_519, %eq3A_674 : vector<16xi32>
      %select_n3A_676 = arith.select %eq3A_675, %get3A_669, %select_n3A_665 : vector<16xi1>, vector<16xf32>
      %get3A_677 = arith.constant 127 : i32
      %get3A_678 = arith.index_cast %get3A_677 : i32 to index
      %get3A_679 = arith.index_cast %mul3A_516 : i32 to index
      %get3A_680 = tpu.vector_load %arg5[%get3A_678, %get3A_679] {strides = array<i32>} : memref<168x512xf32, #tpu.memory_space<vmem>>, vector<16xf32>,
      %max3A_681 = arith.maximumf %max3A_670, %get3A_680 : vector<16xf32>
      %exp3A_682 = math.exp %get3A_680 : vector<16xf32>
      %add3A_683 = arith.addf %add3A_672, %exp3A_682 : vector<16xf32>
      %eq3A_684 = arith.constant 15 : i32
      %eq3A_685 = vector.broadcast %eq3A_684 : i32 to vector<16xi32>
      %eq3A_686 = arith.cmpi eq, %get3A_519, %eq3A_685 : vector<16xi32>
      %select_n3A_687 = arith.select %eq3A_686, %get3A_680, %select_n3A_676 : vector<16xi1>, vector<16xf32>
      %get3A_688 = arith.constant 135 : i32
      %get3A_689 = arith.index_cast %get3A_688 : i32 to index
      %get3A_690 = arith.index_cast %mul3A_516 : i32 to index
      %get3A_691 = tpu.vector_load %arg5[%get3A_689, %get3A_690] {strides = array<i32>} : memref<168x512xf32, #tpu.memory_space<vmem>>, vector<16xf32>,
      %max3A_692 = arith.maximumf %max3A_681, %get3A_691 : vector<16xf32>
      %exp3A_693 = math.exp %get3A_691 : vector<16xf32>
      %add3A_694 = arith.addf %add3A_683, %exp3A_693 : vector<16xf32>
      %eq3A_695 = arith.constant 16 : i32
      %eq3A_696 = vector.broadcast %eq3A_695 : i32 to vector<16xi32>
      %eq3A_697 = arith.cmpi eq, %get3A_519, %eq3A_696 : vector<16xi32>
      %select_n3A_698 = arith.select %eq3A_697, %get3A_691, %select_n3A_687 : vector<16xi1>, vector<16xf32>
      %get3A_699 = arith.constant 143 : i32
      %get3A_700 = arith.index_cast %get3A_699 : i32 to index
      %get3A_701 = arith.index_cast %mul3A_516 : i32 to index
      %get3A_702 = tpu.vector_load %arg5[%get3A_700, %get3A_701] {strides = array<i32>} : memref<168x512xf32, #tpu.memory_space<vmem>>, vector<16xf32>,
      %max3A_703 = arith.maximumf %max3A_692, %get3A_702 : vector<16xf32>
      %exp3A_704 = math.exp %get3A_702 : vector<16xf32>
      %add3A_705 = arith.addf %add3A_694, %exp3A_704 : vector<16xf32>
      %eq3A_706 = arith.constant 17 : i32
      %eq3A_707 = vector.broadcast %eq3A_706 : i32 to vector<16xi32>
      %eq3A_708 = arith.cmpi eq, %get3A_519, %eq3A_707 : vector<16xi32>
      %select_n3A_709 = arith.select %eq3A_708, %get3A_702, %select_n3A_698 : vector<16xi1>, vector<16xf32>
      %get3A_710 = arith.constant 151 : i32
      %get3A_711 = arith.index_cast %get3A_710 : i32 to index
      %get3A_712 = arith.index_cast %mul3A_516 : i32 to index
      %get3A_713 = tpu.vector_load %arg5[%get3A_711, %get3A_712] {strides = array<i32>} : memref<168x512xf32, #tpu.memory_space<vmem>>, vector<16xf32>,
      %max3A_714 = arith.maximumf %max3A_703, %get3A_713 : vector<16xf32>
      %exp3A_715 = math.exp %get3A_713 : vector<16xf32>
      %add3A_716 = arith.addf %add3A_705, %exp3A_715 : vector<16xf32>
      %eq3A_717 = arith.constant 18 : i32
      %eq3A_718 = vector.broadcast %eq3A_717 : i32 to vector<16xi32>
      %eq3A_719 = arith.cmpi eq, %get3A_519, %eq3A_718 : vector<16xi32>
      %select_n3A_720 = arith.select %eq3A_719, %get3A_713, %select_n3A_709 : vector<16xi1>, vector<16xf32>
      %get3A_721 = arith.constant 159 : i32
      %get3A_722 = arith.index_cast %get3A_721 : i32 to index
      %get3A_723 = arith.index_cast %mul3A_516 : i32 to index
      %get3A_724 = tpu.vector_load %arg5[%get3A_722, %get3A_723] {strides = array<i32>} : memref<168x512xf32, #tpu.memory_space<vmem>>, vector<16xf32>,
      %max3A_725 = arith.maximumf %max3A_714, %get3A_724 : vector<16xf32>
      %exp3A_726 = math.exp %get3A_724 : vector<16xf32>
      %add3A_727 = arith.addf %add3A_716, %exp3A_726 : vector<16xf32>
      %eq3A_728 = arith.constant 19 : i32
      %eq3A_729 = vector.broadcast %eq3A_728 : i32 to vector<16xi32>
      %eq3A_730 = arith.cmpi eq, %get3A_519, %eq3A_729 : vector<16xi32>
      %select_n3A_731 = arith.select %eq3A_730, %get3A_724, %select_n3A_720 : vector<16xi1>, vector<16xf32>
      %get3A_732 = arith.constant 167 : i32
      %get3A_733 = arith.index_cast %get3A_732 : i32 to index
      %get3A_734 = arith.index_cast %mul3A_516 : i32 to index
      %get3A_735 = tpu.vector_load %arg5[%get3A_733, %get3A_734] {strides = array<i32>} : memref<168x512xf32, #tpu.memory_space<vmem>>, vector<16xf32>,
      %max3A_736 = arith.maximumf %max3A_725, %get3A_735 : vector<16xf32>
      %exp3A_737 = math.exp %get3A_735 : vector<16xf32>
      %add3A_738 = arith.addf %add3A_727, %exp3A_737 : vector<16xf32>
      %eq3A_739 = arith.constant 20 : i32
      %eq3A_740 = vector.broadcast %eq3A_739 : i32 to vector<16xi32>
      %eq3A_741 = arith.cmpi eq, %get3A_519, %eq3A_740 : vector<16xi32>
      %select_n3A_742 = arith.select %eq3A_741, %get3A_735, %select_n3A_731 : vector<16xi1>, vector<16xf32>
      %eq3A_743 = arith.cmpf oeq, %select_n3A_742, %max3A_736 : vector<16xf32>
      %convert_element_type3A = arith.extui %eq3A_743 : vector<16xi1> to vector<16xi32>
      %convert_element_type3A_744 = arith.sitofp %convert_element_type3A : vector<16xi32> to vector<16xf32>
      %bitcast3A = vector.bitcast %add3A_738 : vector<16xf32> to vector<16xi32>
      %shift_right_logical3A = arith.constant 23 : i32
      %shift_right_logical3A_745 = vector.broadcast %shift_right_logical3A : i32 to vector<16xi32>
      %shift_right_logical3A_746 = arith.shrui %bitcast3A, %shift_right_logical3A_745 : vector<16xi32>
      %sub3A_747 = arith.constant 127 : i32
      %sub3A_748 = vector.broadcast %sub3A_747 : i32 to vector<16xi32>
      %sub3A_749 = arith.subi %shift_right_logical3A_746, %sub3A_748 : vector<16xi32>
      %and3A_750 = arith.constant 8388607 : i32
      %and3A_751 = vector.broadcast %and3A_750 : i32 to vector<16xi32>
      %and3A_752 = arith.andi %bitcast3A, %and3A_751 : vector<16xi32>
      %or3A = arith.constant 1065353216 : i32
      %or3A_753 = vector.broadcast %or3A : i32 to vector<16xi32>
      %or3A_754 = arith.ori %and3A_752, %or3A_753 : vector<16xi32>
      %bitcast3A_755 = vector.bitcast %or3A_754 : vector<16xi32> to vector<16xf32>
      %sub3A_756 = arith.constant 1.000000e+00 : f32
      %sub3A_757 = vector.broadcast %sub3A_756 : f32 to vector<16xf32>
      %sub3A_758 = arith.subf %bitcast3A_755, %sub3A_757 : vector<16xf32>
      %add3A_759 = arith.constant 1.000000e+00 : f32
      %add3A_760 = vector.broadcast %add3A_759 : f32 to vector<16xf32>
      %add3A_761 = arith.addf %bitcast3A_755, %add3A_760 : vector<16xf32>
      %div3A_762 = arith.divf %sub3A_758, %add3A_761 : vector<16xf32>
      %mul3A_763 = arith.mulf %div3A_762, %div3A_762 : vector<16xf32>
      %mul3A_764 = arith.constant 2.000000e+00 : f32
      %mul3A_765 = vector.broadcast %mul3A_764 : f32 to vector<16xf32>
      %mul3A_766 = arith.mulf %mul3A_765, %div3A_762 : vector<16xf32>
      %mul3A_767 = arith.constant 0.111111112 : f32
      %mul3A_768 = vector.broadcast %mul3A_767 : f32 to vector<16xf32>
      %mul3A_769 = arith.mulf %mul3A_763, %mul3A_768 : vector<16xf32>
      %add3A_770 = arith.constant 0.142857149 : f32
      %add3A_771 = vector.broadcast %add3A_770 : f32 to vector<16xf32>
      %add3A_772 = arith.addf %add3A_771, %mul3A_769 : vector<16xf32>
      %mul3A_773 = arith.mulf %mul3A_763, %add3A_772 : vector<16xf32>
      %add3A_774 = arith.constant 2.000000e-01 : f32
      %add3A_775 = vector.broadcast %add3A_774 : f32 to vector<16xf32>
      %add3A_776 = arith.addf %add3A_775, %mul3A_773 : vector<16xf32>
      %mul3A_777 = arith.mulf %mul3A_763, %add3A_776 : vector<16xf32>
      %add3A_778 = arith.constant 0.333333343 : f32
      %add3A_779 = vector.broadcast %add3A_778 : f32 to vector<16xf32>
      %add3A_780 = arith.addf %add3A_779, %mul3A_777 : vector<16xf32>
      %mul3A_781 = arith.mulf %mul3A_763, %add3A_780 : vector<16xf32>
      %add3A_782 = arith.constant 1.000000e+00 : f32
      %add3A_783 = vector.broadcast %add3A_782 : f32 to vector<16xf32>
      %add3A_784 = arith.addf %add3A_783, %mul3A_781 : vector<16xf32>
      %mul3A_785 = arith.mulf %mul3A_766, %add3A_784 : vector<16xf32>
      %convert_element_type3A_786 = arith.sitofp %sub3A_749 : vector<16xi32> to vector<16xf32>
      %mul3A_787 = arith.constant 0.693147182 : f32
      %mul3A_788 = vector.broadcast %mul3A_787 : f32 to vector<16xf32>
      %mul3A_789 = arith.mulf %convert_element_type3A_786, %mul3A_788 : vector<16xf32>
      %add3A_790 = arith.addf %mul3A_789, %mul3A_785 : vector<16xf32>
      %sub3A_791 = arith.subf %select_n3A_742, %add3A_790 : vector<16xf32>
      tpu.vector_store_idx %arg7[%get3A_519, %iota3A], %broadcast_in_dim3A_463 {add = true} : memref<64x16xf32, #tpu.memory_space<vmem>>[vector<16xi32>, vector<16xi32>], vector<16xf32>,
      %add3A_792 = arith.constant 21 : i32
      %add3A_793 = vector.broadcast %add3A_792 : i32 to vector<16xi32>
      %add3A_794 = arith.addi %get3A_519, %add3A_793 : vector<16xi32>
      tpu.vector_store_idx %arg7[%add3A_794, %iota3A], %convert_element_type3A_744 {add = true} : memref<64x16xf32, #tpu.memory_space<vmem>>[vector<16xi32>, vector<16xi32>], vector<16xf32>,
      %add3A_795 = arith.constant 42 : i32
      %add3A_796 = vector.broadcast %add3A_795 : i32 to vector<16xi32>
      %add3A_797 = arith.addi %get3A_519, %add3A_796 : vector<16xi32>
      tpu.vector_store_idx %arg7[%add3A_797, %iota3A], %sub3A_791 {add = true} : memref<64x16xf32, #tpu.memory_space<vmem>>[vector<16xi32>, vector<16xi32>], vector<16xf32>,
    }
    %scan3A_510 = arith.constant 32 : i32
    %mul3A_511 = arith.constant 64 : i32
    %mul3A_512 = arith.muli %add3A, %mul3A_511 : i32
    %multiple_of3A_513 = tpu.assume_multiple %mul3A_512, 8 : i32
    "tpu.region"() ({
      %run_scoped3A = tpu.sem_alloc : memref<!tpu.dma_semaphore, #tpu.memory_space<semaphore_mem>>
      %dma_start3A = arith.constant 0 : i32
      %dma_start3A_514 = tpu.memref_slice %arg4[%multiple_of3A_513, %dma_start3A] : memref<2048x16xf32, #tpu.memory_space<hbm>> -> memref<64x16xf32, #tpu.memory_space<hbm>>
      %dma_start3A_515 = arith.constant 0 : i32
      %dma_start3A_516 = tpu.memref_slice %arg4[%multiple_of3A_513, %dma_start3A_515] : memref<2048x16xf32, #tpu.memory_space<hbm>> -> memref<64x16xf32, #tpu.memory_space<hbm>>
      tpu.enqueue_dma source(%arg7 : memref<64x16xf32, #tpu.memory_space<vmem>>) target(%dma_start3A_516 : memref<64x16xf32, #tpu.memory_space<hbm>>) target_semaphore(%run_scoped3A : memref<!tpu.dma_semaphore, #tpu.memory_space<semaphore_mem>>)
      %dma_wait3A = arith.constant 0 : i32
      %dma_wait3A_517 = tpu.memref_slice %arg4[%multiple_of3A_513, %dma_wait3A] : memref<2048x16xf32, #tpu.memory_space<hbm>> -> memref<64x16xf32, #tpu.memory_space<hbm>>
      %dma_wait3A_518 = arith.constant 0 : i32
      %dma_wait3A_519 = tpu.memref_slice %arg4[%multiple_of3A_513, %dma_wait3A_518] : memref<2048x16xf32, #tpu.memory_space<hbm>> -> memref<64x16xf32, #tpu.memory_space<hbm>>
      tpu.wait_dma2 semaphore(%run_scoped3A : memref<!tpu.dma_semaphore, #tpu.memory_space<semaphore_mem>>) src(%arg7 : memref<64x16xf32, #tpu.memory_space<vmem>>) dst(%dma_wait3A_519 : memref<64x16xf32, #tpu.memory_space<hbm>>)
      tpu.yield
    }) : () -> ()
    return
  }
}

module attributes {stable_mosaic.version = 14 : i64} {
  func.func @_tc_stats_kernel(%arg0: i32, %arg1: i32, %arg2: memref<1x21x64x512xf32, #tpu.memory_space<vmem>>, %arg3: memref<1x64x512xi32, #tpu.memory_space<vmem>>, %arg4: memref<1x21x3xf32, #tpu.memory_space<vmem>>, %arg5: memref<21x8x512xf32, #tpu.memory_space<vmem>>, %arg6: memref<21x8x512xf32, #tpu.memory_space<vmem>>, %arg7: memref<21x8x512xf32, #tpu.memory_space<vmem>>) attributes {dimension_semantics = [#tpu.dimension_semantics<arbitrary>, #tpu.dimension_semantics<arbitrary>], iteration_bounds = array<i64: 4, 7>, scalar_prefetch = 0 : i64, scratch_operands = 3 : i64, tpu.core_type = #tpu.core_type<tc>, window_params = [{transform_indices = @transform_0, window_bounds = array<i64: 1, 21, 64, 512>}, {transform_indices = @transform_1, window_bounds = array<i64: 1, 64, 512>}, {transform_indices = @transform_2, window_bounds = array<i64: 1, 21, 3>}]} {
    %get3A = arith.constant 0 : index
    %get3A_0 = arith.constant 0 : index
    %get3A_1 = arith.constant 0 : index
    %get3A_2 = arith.constant 0 : index
    %get3A_3 = vector.load %arg2[%get3A, %get3A_0, %get3A_1, %get3A_2] : memref<1x21x64x512xf32, #tpu.memory_space<vmem>>, vector<1x21x64x512xf32>
    %get3A_4 = vector.shape_cast %get3A_3 : vector<1x21x64x512xf32> to vector<21x64x512xf32>
    %get3A_5 = arith.constant 0 : index
    %get3A_6 = arith.constant 0 : index
    %get3A_7 = arith.constant 0 : index
    %get3A_8 = vector.load %arg3[%get3A_5, %get3A_6, %get3A_7] : memref<1x64x512xi32, #tpu.memory_space<vmem>>, vector<1x64x512xi32>
    %get3A_9 = vector.shape_cast %get3A_8 : vector<1x64x512xi32> to vector<64x512xi32>
    %reduce_max3A = arith.constant dense<0xFF800000> : vector<64x512xf32>
    %reduce_max3A_10 = vector.multi_reduction <maximumf>, %get3A_4, %reduce_max3A [0] : vector<21x64x512xf32> to vector<64x512xf32>
    %exp3A = math.exp %get3A_4 : vector<21x64x512xf32>
    %reduce_sum3A = arith.constant dense<0.000000e+00> : vector<64x512xf32>
    %reduce_sum3A_11 = vector.multi_reduction <add>, %exp3A, %reduce_sum3A [0] : vector<21x64x512xf32> to vector<64x512xf32>
    %log3A = math.log %reduce_sum3A_11 : vector<64x512xf32>
    %iota3A = tpu.iota {dimensions = array<i32: 0>} : vector<21x64x512xi32>
    %broadcast_in_dim3A = vector.shape_cast %get3A_9 : vector<64x512xi32> to vector<1x64x512xi32>
    %eq3A = vector.broadcast %broadcast_in_dim3A : vector<1x64x512xi32> to vector<21x64x512xi32>
    %eq3A_12 = arith.cmpi eq, %eq3A, %iota3A : vector<21x64x512xi32>
    %convert_element_type3A = arith.extui %eq3A_12 : vector<21x64x512xi1> to vector<21x64x512xi32>
    %convert_element_type3A_13 = arith.sitofp %convert_element_type3A : vector<21x64x512xi32> to vector<21x64x512xf32>
    %broadcast_in_dim3A_14 = vector.shape_cast %reduce_max3A_10 : vector<64x512xf32> to vector<1x64x512xf32>
    %eq3A_15 = vector.broadcast %broadcast_in_dim3A_14 : vector<1x64x512xf32> to vector<21x64x512xf32>
    %eq3A_16 = arith.cmpf oeq, %get3A_4, %eq3A_15 : vector<21x64x512xf32>
    %convert_element_type3A_17 = arith.extui %eq3A_16 : vector<21x64x512xi1> to vector<21x64x512xi32>
    %convert_element_type3A_18 = arith.sitofp %convert_element_type3A_17 : vector<21x64x512xi32> to vector<21x64x512xf32>
    %mul3A = arith.mulf %convert_element_type3A_13, %convert_element_type3A_18 : vector<21x64x512xf32>
    %broadcast_in_dim3A_19 = vector.shape_cast %log3A : vector<64x512xf32> to vector<1x64x512xf32>
    %sub3A = vector.broadcast %broadcast_in_dim3A_19 : vector<1x64x512xf32> to vector<21x64x512xf32>
    %sub3A_20 = arith.subf %get3A_4, %sub3A : vector<21x64x512xf32>
    %mul3A_21 = arith.mulf %convert_element_type3A_13, %sub3A_20 : vector<21x64x512xf32>
    %eq3A_22 = arith.constant 0 : i32
    %eq3A_23 = arith.cmpi eq, %arg1, %eq3A_22 : i32
    %convert_element_type3A_24 = arith.extui %eq3A_23 : i1 to i32
    %cond3A = arith.constant 0 : i32
    %cond3A_25 = arith.cmpi ne, %convert_element_type3A_24, %cond3A : i32
    scf.if %cond3A_25 {
      %reshape3A = vector.shape_cast %convert_element_type3A_13 : vector<21x64x512xf32> to vector<21x8x8x512xf32>
      %reduce_sum3A_35 = arith.constant dense<0.000000e+00> : vector<21x8x512xf32>
      %reduce_sum3A_36 = vector.multi_reduction <add>, %reshape3A, %reduce_sum3A_35 [1] : vector<21x8x8x512xf32> to vector<21x8x512xf32>
      %swap3A = arith.constant 0 : index
      %swap3A_37 = arith.constant 0 : index
      %swap3A_38 = arith.constant 0 : index
      %swap3A_39 = vector.load %arg5[%swap3A, %swap3A_37, %swap3A_38] : memref<21x8x512xf32, #tpu.memory_space<vmem>>, vector<21x8x512xf32>
      tpu.vector_store %arg5[%swap3A, %swap3A_37, %swap3A_38], %reduce_sum3A_36 {strides = array<i32>} : memref<21x8x512xf32, #tpu.memory_space<vmem>>, vector<21x8x512xf32>,
      %reshape3A_40 = vector.shape_cast %mul3A : vector<21x64x512xf32> to vector<21x8x8x512xf32>
      %reduce_sum3A_41 = arith.constant dense<0.000000e+00> : vector<21x8x512xf32>
      %reduce_sum3A_42 = vector.multi_reduction <add>, %reshape3A_40, %reduce_sum3A_41 [1] : vector<21x8x8x512xf32> to vector<21x8x512xf32>
      %swap3A_43 = arith.constant 0 : index
      %swap3A_44 = arith.constant 0 : index
      %swap3A_45 = arith.constant 0 : index
      %swap3A_46 = vector.load %arg6[%swap3A_43, %swap3A_44, %swap3A_45] : memref<21x8x512xf32, #tpu.memory_space<vmem>>, vector<21x8x512xf32>
      tpu.vector_store %arg6[%swap3A_43, %swap3A_44, %swap3A_45], %reduce_sum3A_42 {strides = array<i32>} : memref<21x8x512xf32, #tpu.memory_space<vmem>>, vector<21x8x512xf32>,
      %reshape3A_47 = vector.shape_cast %mul3A_21 : vector<21x64x512xf32> to vector<21x8x8x512xf32>
      %reduce_sum3A_48 = arith.constant dense<0.000000e+00> : vector<21x8x512xf32>
      %reduce_sum3A_49 = vector.multi_reduction <add>, %reshape3A_47, %reduce_sum3A_48 [1] : vector<21x8x8x512xf32> to vector<21x8x512xf32>
      %swap3A_50 = arith.constant 0 : index
      %swap3A_51 = arith.constant 0 : index
      %swap3A_52 = arith.constant 0 : index
      %swap3A_53 = vector.load %arg7[%swap3A_50, %swap3A_51, %swap3A_52] : memref<21x8x512xf32, #tpu.memory_space<vmem>>, vector<21x8x512xf32>
      tpu.vector_store %arg7[%swap3A_50, %swap3A_51, %swap3A_52], %reduce_sum3A_49 {strides = array<i32>} : memref<21x8x512xf32, #tpu.memory_space<vmem>>, vector<21x8x512xf32>,
    } else {
    }
    %ne3A = arith.constant 0 : i32
    %ne3A_26 = arith.cmpi ne, %arg1, %ne3A : i32
    %convert_element_type3A_27 = arith.extui %ne3A_26 : i1 to i32
    %cond3A_28 = arith.constant 0 : i32
    %cond3A_29 = arith.cmpi ne, %convert_element_type3A_27, %cond3A_28 : i32
    scf.if %cond3A_29 {
      %get3A_35 = arith.constant 0 : index
      %get3A_36 = arith.constant 0 : index
      %get3A_37 = arith.constant 0 : index
      %get3A_38 = vector.load %arg5[%get3A_35, %get3A_36, %get3A_37] : memref<21x8x512xf32, #tpu.memory_space<vmem>>, vector<21x8x512xf32>
      %reshape3A = vector.shape_cast %convert_element_type3A_13 : vector<21x64x512xf32> to vector<21x8x8x512xf32>
      %reduce_sum3A_39 = arith.constant dense<0.000000e+00> : vector<21x8x512xf32>
      %reduce_sum3A_40 = vector.multi_reduction <add>, %reshape3A, %reduce_sum3A_39 [1] : vector<21x8x8x512xf32> to vector<21x8x512xf32>
      %add3A = arith.addf %get3A_38, %reduce_sum3A_40 : vector<21x8x512xf32>
      %swap3A = arith.constant 0 : index
      %swap3A_41 = arith.constant 0 : index
      %swap3A_42 = arith.constant 0 : index
      %swap3A_43 = vector.load %arg5[%swap3A, %swap3A_41, %swap3A_42] : memref<21x8x512xf32, #tpu.memory_space<vmem>>, vector<21x8x512xf32>
      tpu.vector_store %arg5[%swap3A, %swap3A_41, %swap3A_42], %add3A {strides = array<i32>} : memref<21x8x512xf32, #tpu.memory_space<vmem>>, vector<21x8x512xf32>,
      %get3A_44 = arith.constant 0 : index
      %get3A_45 = arith.constant 0 : index
      %get3A_46 = arith.constant 0 : index
      %get3A_47 = vector.load %arg6[%get3A_44, %get3A_45, %get3A_46] : memref<21x8x512xf32, #tpu.memory_space<vmem>>, vector<21x8x512xf32>
      %reshape3A_48 = vector.shape_cast %mul3A : vector<21x64x512xf32> to vector<21x8x8x512xf32>
      %reduce_sum3A_49 = arith.constant dense<0.000000e+00> : vector<21x8x512xf32>
      %reduce_sum3A_50 = vector.multi_reduction <add>, %reshape3A_48, %reduce_sum3A_49 [1] : vector<21x8x8x512xf32> to vector<21x8x512xf32>
      %add3A_51 = arith.addf %get3A_47, %reduce_sum3A_50 : vector<21x8x512xf32>
      %swap3A_52 = arith.constant 0 : index
      %swap3A_53 = arith.constant 0 : index
      %swap3A_54 = arith.constant 0 : index
      %swap3A_55 = vector.load %arg6[%swap3A_52, %swap3A_53, %swap3A_54] : memref<21x8x512xf32, #tpu.memory_space<vmem>>, vector<21x8x512xf32>
      tpu.vector_store %arg6[%swap3A_52, %swap3A_53, %swap3A_54], %add3A_51 {strides = array<i32>} : memref<21x8x512xf32, #tpu.memory_space<vmem>>, vector<21x8x512xf32>,
      %get3A_56 = arith.constant 0 : index
      %get3A_57 = arith.constant 0 : index
      %get3A_58 = arith.constant 0 : index
      %get3A_59 = vector.load %arg7[%get3A_56, %get3A_57, %get3A_58] : memref<21x8x512xf32, #tpu.memory_space<vmem>>, vector<21x8x512xf32>
      %reshape3A_60 = vector.shape_cast %mul3A_21 : vector<21x64x512xf32> to vector<21x8x8x512xf32>
      %reduce_sum3A_61 = arith.constant dense<0.000000e+00> : vector<21x8x512xf32>
      %reduce_sum3A_62 = vector.multi_reduction <add>, %reshape3A_60, %reduce_sum3A_61 [1] : vector<21x8x8x512xf32> to vector<21x8x512xf32>
      %add3A_63 = arith.addf %get3A_59, %reduce_sum3A_62 : vector<21x8x512xf32>
      %swap3A_64 = arith.constant 0 : index
      %swap3A_65 = arith.constant 0 : index
      %swap3A_66 = arith.constant 0 : index
      %swap3A_67 = vector.load %arg7[%swap3A_64, %swap3A_65, %swap3A_66] : memref<21x8x512xf32, #tpu.memory_space<vmem>>, vector<21x8x512xf32>
      tpu.vector_store %arg7[%swap3A_64, %swap3A_65, %swap3A_66], %add3A_63 {strides = array<i32>} : memref<21x8x512xf32, #tpu.memory_space<vmem>>, vector<21x8x512xf32>,
    } else {
    }
    %eq3A_30 = arith.constant 6 : i32
    %eq3A_31 = arith.cmpi eq, %arg1, %eq3A_30 : i32
    %convert_element_type3A_32 = arith.extui %eq3A_31 : i1 to i32
    %cond3A_33 = arith.constant 0 : i32
    %cond3A_34 = arith.cmpi ne, %convert_element_type3A_32, %cond3A_33 : i32
    scf.if %cond3A_34 {
      %get3A_35 = arith.constant 0 : index
      %get3A_36 = arith.constant 0 : index
      %get3A_37 = arith.constant 0 : index
      %get3A_38 = vector.load %arg5[%get3A_35, %get3A_36, %get3A_37] : memref<21x8x512xf32, #tpu.memory_space<vmem>>, vector<21x8x512xf32>
      %reduce_sum3A_39 = arith.constant dense<0.000000e+00> : vector<21x8xf32>
      %reduce_sum3A_40 = vector.multi_reduction <add>, %get3A_38, %reduce_sum3A_39 [2] : vector<21x8x512xf32> to vector<21x8xf32>
      %reduce_sum3A_41 = arith.constant dense<0.000000e+00> : vector<21xf32>
      %reduce_sum3A_42 = vector.multi_reduction <add>, %reduce_sum3A_40, %reduce_sum3A_41 [1] : vector<21x8xf32> to vector<21xf32>
      %broadcast_in_dim3A_43 = vector.shape_cast %reduce_sum3A_42 : vector<21xf32> to vector<21x1xf32>
      %get3A_44 = arith.constant 0 : index
      %get3A_45 = arith.constant 0 : index
      %get3A_46 = arith.constant 0 : index
      %get3A_47 = vector.load %arg6[%get3A_44, %get3A_45, %get3A_46] : memref<21x8x512xf32, #tpu.memory_space<vmem>>, vector<21x8x512xf32>
      %reduce_sum3A_48 = arith.constant dense<0.000000e+00> : vector<21x8xf32>
      %reduce_sum3A_49 = vector.multi_reduction <add>, %get3A_47, %reduce_sum3A_48 [2] : vector<21x8x512xf32> to vector<21x8xf32>
      %reduce_sum3A_50 = arith.constant dense<0.000000e+00> : vector<21xf32>
      %reduce_sum3A_51 = vector.multi_reduction <add>, %reduce_sum3A_49, %reduce_sum3A_50 [1] : vector<21x8xf32> to vector<21xf32>
      %broadcast_in_dim3A_52 = vector.shape_cast %reduce_sum3A_51 : vector<21xf32> to vector<21x1xf32>
      %get3A_53 = arith.constant 0 : index
      %get3A_54 = arith.constant 0 : index
      %get3A_55 = arith.constant 0 : index
      %get3A_56 = vector.load %arg7[%get3A_53, %get3A_54, %get3A_55] : memref<21x8x512xf32, #tpu.memory_space<vmem>>, vector<21x8x512xf32>
      %reduce_sum3A_57 = arith.constant dense<0.000000e+00> : vector<21x8xf32>
      %reduce_sum3A_58 = vector.multi_reduction <add>, %get3A_56, %reduce_sum3A_57 [2] : vector<21x8x512xf32> to vector<21x8xf32>
      %reduce_sum3A_59 = arith.constant dense<0.000000e+00> : vector<21xf32>
      %reduce_sum3A_60 = vector.multi_reduction <add>, %reduce_sum3A_58, %reduce_sum3A_59 [1] : vector<21x8xf32> to vector<21xf32>
      %broadcast_in_dim3A_61 = vector.shape_cast %reduce_sum3A_60 : vector<21xf32> to vector<21x1xf32>
      %concatenate3A = tpu.concatenate %broadcast_in_dim3A_43, %broadcast_in_dim3A_52, %broadcast_in_dim3A_61 in 1 : vector<21x1xf32>, vector<21x1xf32>, vector<21x1xf32> -> vector<21x3xf32>
      %swap3A = arith.constant 0 : index
      %swap3A_62 = arith.constant 0 : index
      %swap3A_63 = arith.constant 0 : index
      %swap3A_64 = vector.load %arg4[%swap3A, %swap3A_62, %swap3A_63] : memref<1x21x3xf32, #tpu.memory_space<vmem>>, vector<1x21x3xf32>
      %swap3A_65 = vector.shape_cast %swap3A_64 : vector<1x21x3xf32> to vector<21x3xf32>
      %swap3A_66 = vector.shape_cast %concatenate3A : vector<21x3xf32> to vector<1x21x3xf32>
      tpu.vector_store %arg4[%swap3A, %swap3A_62, %swap3A_63], %swap3A_66 {strides = array<i32>} : memref<1x21x3xf32, #tpu.memory_space<vmem>>, vector<1x21x3xf32>,
    } else {
    }
    return
  }
  func.func @transform_0(%arg0: i32, %arg1: i32) -> (i32, i32, i32, i32) {
    %c0_i32 = arith.constant 0 : i32
    %c0_i32_0 = arith.constant 0 : i32
    %c0_i32_1 = arith.constant 0 : i32
    return %arg0, %c0_i32, %arg1, %c0_i32_0 : i32, i32, i32, i32
  }
  func.func @transform_1(%arg0: i32, %arg1: i32) -> (i32, i32, i32) {
    %c0_i32 = arith.constant 0 : i32
    %c0_i32_0 = arith.constant 0 : i32
    return %arg0, %arg1, %c0_i32 : i32, i32, i32
  }
  func.func @transform_2(%arg0: i32, %arg1: i32) -> (i32, i32, i32) {
    %c0_i32 = arith.constant 0 : i32
    %c0_i32_0 = arith.constant 0 : i32
    %c0_i32_1 = arith.constant 0 : i32
    return %arg0, %c0_i32, %c0_i32_0 : i32, i32, i32
  }
}

</mosaic_0001>

<sc_bundles>
// kernel: kernel.4.cloned.1.call-start
scs
__scs_entry_jumppad:
0x0: {  	(pc) =	sbr.rel $0x88, $3  }
0x1: {  	(tag) =	ssettag $0x0;
	lr =	simm.s32 $0x1  }
0x2: {  	[smem:$0x3F9F] =	sst lr;
	_ =	strace $0xD0000000  }
0x3: {  	_ = 	snop  }
0x4: {  	_ = 	snop  }
0x5: {  	_ = 	snop  }
0x6: {  	_ = 	snop  }
0x7: {  	_ = 	snop  }
__scs_overlays_trampoline_lowered:
0x8: {  	[smem:$0x3FAE] =	sst s0  }
0x9: {  	[smem:$0x3FAF] =	sst s1  }
0xa: {  	[smem:$0x3FB0] =	sst s2  }
0xb: {  	[smem:$0x3FB1] =	sst s3  }
0xc: {  	[smem:$0x3FB2] =	sst s4  }
0xd: {  	[smem:$0x3FB3] =	sst s5  }
0xe: {  	[smem:$0x3FB4] =	sst s6  }
0xf: {  	[smem:$0x3FB5] =	sst s7  }
0x10: {  	[smem:$0x3FB6] =	sst s8  }
0x11: {  	[smem:$0x3FB7] =	sst s9;
	s0 =	simm.s32 @!p0 $0x0  }
0x12: {  	s1 =	sld [smem:$0x3F9D];
	s0 =	simm.s32 @p0 $0x1  }
0x13: {  	[smem:$0x3FB8] =	sst s0;
	s0 =	simm.s32 @!p1 $0x0  }
0x14: {  	s2 =	sld [smem:$0x3F9C];
	s0 =	simm.s32 @p1 $0x1  }
0x15: {  	[smem:$0x3FB9] =	sst s0;
	s0 =	simm.s32 @!p2 $0x0  }
0x16: {  	s3 =	sld [smem:$0x3FDB];
	s0 =	simm.s32 @p2 $0x1  }
0x17: {  	s4 =	simm.s32 $0x1BF5;
	[smem:$0x3FBB] =	sst s0  }
0x18: {  	s0 =	sld [smem:$0x3F9E];
	_ =	swait.ge [sflag:s4], $0x0  }
0x19: {  	s7 =	sld [smem:$0x3F9F]  }
0x1a: {  	s8 =	sadd.s32 $0xFFFFE003, lr  }
0x1b: {  	s9 =	sadd.s32 $0xFFFFFEF7, lr;
	s5 =	simm.s32 $0xFFFFFFFF;
	p2 =	slt.u32 s8, $0xFFFFF086  }
0x1c: {  	p1 =	slt.u32 s9, $0xF7A;
	s5 =	simm.s32 @!p2 $0x0  }
0x1d: {  	s5 =	simm.s32 @p1 $0x1;
	p0 =	seq.s32 s7, s2  }
0x1e: {  	s7 =	smul.u32 @!p0 $0xF7A, s2;
	p2 =	seq.s32 @!p0 s5, $0x0  }
0x1f: {  	s9 =	smul.u32 $0xF7A, s1;
	s8 =	simm.s32 @!p0 $0x1BF5;
	p2 =	por !p2, p0  }
0x20: {  	[sflag:s8] =	ssyncset.s32 @!p0 $0xFFFFF086;
	s6 =	sadd.s32 @!p0 s3, s7;
	s7 =	simm.s32 @!p0 $0x108  }
0x21: {  	s3 =	sadd.s32 s3, s9;
	s6 =	sadd.s32 @!p0 $0x88, s6;
	s7 =	simm.s32 @p2 $0x1082  }
0x22: {  	[simem:s7], [sflag:s8] =	dma.local @!p0 [hbm:s6], $0xF7A  }
0x23: {  	s9 =	sor.u32 $0xD0000000, s2;
	s6 =	simm.s32 $0x108;
	_ =	swait.ge @!p0 [sflag:s8], $0x0  }
0x24: {  	s3 =	sadd.s32 $0x88, s3;
	s6 =	simm.s32 @!p1 $0x1082;
	[sflag:s4] =	ssyncset.s32 $0xFFFFF086  }
0x25: {  	[simem:s6], [sflag:s4] =	dma.local [hbm:s3], $0xF7A  }
0x26: {  	[smem:$0x3F9F] =	sst s1;
	(tag) =	ssettag s2;
	_ =	strace s9  }
0x27: {  	s1 =	sld [smem:$0x3FAF]  }
0x28: {  	s2 =	sld [smem:$0x3FB0]  }
0x29: {  	s4 =	sld [smem:$0x3FB2]  }
0x2a: {  	p0 =	seq.s32 s5, $0x0;
	s5 =	sld [smem:$0x3FB3]  }
0x2b: {  	s6 =	sld [smem:$0x3FB4]  }
0x2c: {  	s7 =	sld [smem:$0x3FB5]  }
0x2d: {  	s3 =	simm.s32 $0x108;
	s8 =	sld [smem:$0x3FB6]  }
0x2e: {  	s3 =	simm.s32 @!p0 $0x1082;
	s9 =	sld [smem:$0x3FB7]  }
0x2f: {  	lr =	sadd.s32 s0, s3;
	s0 =	sld [smem:$0x3FAE]  }
0x30: {  	s3 =	sld [smem:$0x3FB1]  }
0x31: {  	[smem:$0x3FBA] =	sst s10  }
0x32: {  	s10 =	sld [smem:$0x3FB8];
	_ =	sdelay $0x3  }
0x33: {  	p0 =	seq.s32 s10, $0x1;
	s10 =	sld [smem:$0x3FBA];
	_ =	sdelay $0x3  }
0x34: {  	[smem:$0x3FBA] =	sst s10  }
0x35: {  	s10 =	sld [smem:$0x3FB9];
	_ =	sdelay $0x3  }
0x36: {  	p1 =	seq.s32 s10, $0x1;
	s10 =	sld [smem:$0x3FBA];
	_ =	sdelay $0x3  }
0x37: {  	[smem:$0x3FBA] =	sst s10  }
0x38: {  	s10 =	sld [smem:$0x3FBB]  }
0x39: {  	_ = 	snop;
	(pc) =	sbr.ind lr, $3  }
0x3a: {  	_ = 	snop  }
0x3b: {  	_ = 	snop  }
0x3c: {  	p2 =	seq.s32 s10, $0x1;
	s10 =	sld [smem:$0x3FBA]  }
0x3d: {  	_ =	shalt  }
0x3e: {  	_ =	shalt  }
0x3f: {  	_ =	shalt  }
0x40: {  	_ =	shalt  }
0x41: {  	_ =	shalt  }
0x42: {  	_ =	shalt  }
0x43: {  	_ =	shalt  }
0x44: {  	_ =	shalt  }
0x45: {  	_ =	shalt  }
0x46: {  	_ =	shalt  }
0x47: {  	_ =	shalt  }
0x48: {  	_ =	shalt  }
0x49: {  	_ =	shalt  }
0x4a: {  	_ =	shalt  }
0x4b: {  	_ =	shalt  }
0x4c: {  	_ =	shalt  }
0x4d: {  	_ =	shalt  }
0x4e: {  	_ =	shalt  }
0x4f: {  	_ =	shalt  }
0x50: {  	_ =	shalt  }
0x51: {  	_ =	shalt  }
0x52: {  	_ =	shalt  }
0x53: {  	_ =	shalt  }
0x54: {  	_ =	shalt  }
0x55: {  	_ =	shalt  }
0x56: {  	_ =	shalt  }
0x57: {  	_ =	shalt  }
0x58: {  	_ =	shalt  }
0x59: {  	_ =	shalt  }
0x5a: {  	_ =	shalt  }
0x5b: {  	_ =	shalt  }
0x5c: {  	_ =	shalt  }
0x5d: {  	_ =	shalt  }
0x5e: {  	_ =	shalt  }
0x5f: {  	_ =	shalt  }
0x60: {  	_ =	shalt  }
0x61: {  	_ =	shalt  }
0x62: {  	_ =	shalt  }
0x63: {  	_ =	shalt  }
0x64: {  	_ =	shalt  }
0x65: {  	_ =	shalt  }
0x66: {  	_ =	shalt  }
0x67: {  	_ =	shalt  }
0x68: {  	_ =	shalt  }
0x69: {  	_ =	shalt  }
0x6a: {  	_ =	shalt  }
0x6b: {  	_ =	shalt  }
0x6c: {  	_ =	shalt  }
0x6d: {  	_ =	shalt  }
0x6e: {  	_ =	shalt  }
0x6f: {  	_ =	shalt  }
0x70: {  	_ =	shalt  }
0x71: {  	_ =	shalt  }
0x72: {  	_ =	shalt  }
0x73: {  	_ =	shalt  }
0x74: {  	_ =	shalt  }
0x75: {  	_ =	shalt  }
0x76: {  	_ =	shalt  }
0x77: {  	_ =	shalt  }
0x78: {  	_ =	shalt  }
0x79: {  	_ =	shalt  }
0x7a: {  	_ =	shalt  }
0x7b: {  	_ =	shalt  }
0x7c: {  	_ =	shalt  }
0x7d: {  	_ =	shalt  }
0x7e: {  	_ =	shalt  }
0x7f: {  	_ =	shalt  }
0x80: {  	_ =	shalt  }
0x81: {  	_ =	shalt  }
0x82: {  	_ =	shalt  }
0x83: {  	_ =	shalt  }
0x84: {  	_ =	shalt  }
0x85: {  	_ =	shalt  }
0x86: {  	_ =	shalt  }
0x87: {  	_ =	shalt  }
.Lfunc_end0:
.L_simem_size_0:
called_computation_lowered:
.L_overlay_start_0:
0x88: {  	s2 =	sld [smem:$0x3FD9]  }
0x89: {  	s3 =	sld [smem:$0x3FFE];
	_ =	sdelay $0x1  }
0x8a: {  	s1 =	srdreg.scid  }
0x8b: {  	s0 =	sand.u32 $0x1, s1  }
0x8c: {  	s17 =	sshll.u32 s0, $0xA;
	s2 =	sadd.s32 s3, s2  }
0x8d: {  	s2 =	sadd.s32 s2, s17  }
0x8e: {  	[smem:$0x3FC6] =	sst s2  }
0x8f: {  	_ = 	snop  }
0x90: {  	s2 =	sld [smem:$0x3FC9]  }
0x91: {  	s18 =	sld [smem:$0x3FC8];
	(tm) =	ssettm $0x1  }
0x92: {  	s4 =	sld [smem:$0x3FFB];
	_ =	sdelay $0x3  }
0x93: {  	_ =	strace s4  }
0x94: {  	s4 =	sld [smem:$0x3FFC];
	_ =	sdelay $0x3  }
0x95: {  	_ =	strace s4  }
0x96: {  	s4 =	sld [smem:$0x3FFD];
	_ =	sdelay $0x3  }
0x97: {  	_ =	strace s4  }
0x98: {  	_ =	strace $0x8FFFFFFF  }
0x99: {  	s19 =	sld [smem:$0x3FDB];
	_ =	sdelay $0x1  }
0x9a: {  	s5 =	simm.s32 $_scs_section_size  }
0x9b: {  	s6 =	simm.s32 $_size__tile_overlayer_lowered;
	s7 =	simm.s32 $_tile_overlayer_lowered  }
0x9c: {  	s22 =	simm.s32 $0x1BFF;
	s21 =	sshll.u32 s7, $0x1;
	s4 =	sadd.s32 s5, s19  }
0x9d: {  	s8 =	simm.s32 $0x0;
	s20 =	sshll.u32 s6, $0x1;
	s6 =	sadd.s32 s21, s4  }
0x9e: {  	[timem:s8], [sflag:s22] =	dma.local [hbm:s6], s20  }
0x9f: {  	_ =	swait.ge [sflag:s22], s20  }
0xa0: {  	s5 =	ssub.s32 $0x0, s20;
	[sflag:s22] =	ssyncset.done $0x0  }
0xa1: {  	[sflag:s22] =	ssyncadd.s32 s5;
	_ =	sdelay $0x1  }
0xa2: {  	s23 =	simm.s32 $0x1B8B  }
0xa3: {  	_ =	swait.ge [sflag:s23], $0x1  }
0xa4: {  	[sflag:s23] =	ssyncset.done $0x0  }
0xa5: {  	s25 =	simm.s32 $0x1B8E;
	s24 =	sld [smem:$0x3FFE];
	[sflag:s23] =	ssyncadd.s32 $0xFFFFFFFF  }
0xa6: {  	s26 =	simm.s32 $execute0_lowered;
	[smem:$0x3FD2] =	sst s25  }
0xa7: {  	s6 =	sshll.u32 s26, $0x1;
	_ =	strace $0x80000046;
	[dreg:$0x1] =	wrdreg $0xFFFFFFFF  }
0xa8: {  	s28 =	simm.s32 $_size_execute0_lowered;
	s4 =	sadd.s32 s4, s6;
	[dreg:$0x0] =	wrdreg $0x0  }
0xa9: {  	s6 =	sshll.u32 s28, $0x1;
	[dreg:$0x2] =	wrdreg s4  }
0xaa: {  	[dreg:$0x3] =	wrdreg s6  }
0xab: {  	[dreg:$0x4] =	wrdreg $0xC0  }
0xac: {  	_ =	task [dreg:s8], $0x5FFFF  }
0xad: {  	[dreg:$0x1] =	wrdreg $0xFFFFFFFF  }
0xae: {  	[dreg:$0x0] =	wrdreg $0x60  }
0xaf: {  	[dreg:$0x2] =	wrdreg s2  }
0xb0: {  	[dreg:$0x3] =	wrdreg s18  }
0xb1: {  	[dreg:$0x4] =	wrdreg s24  }
0xb2: {  	[dreg:$0x5] =	wrdreg $0x9  }
0xb3: {  	_ =	task.clear_ibuf [dreg:s8], $0x6FFFF;
	_ =	strace $0x90000046  }
0xb4: {  	s29 =	simm.s32 $0x9;
	_ =	strace $0x80000048  }
0xb5: {  	_ =	swait.ge [sflag:s29], $0x1  }
0xb6: {  	[sflag:s29] =	ssyncadd.s32 $0xFFFFFFFF  }
0xb7: {  	_ =	strace $0x90000048  }
0xb8: {  	_ =	sfence  }
0xb9: {  	s30 =	sld [smem:$0x0];
	_ =	sdelay $0x2  }
0xba: {  	s31 =	sshll.u32 s1, $0xD;
	s1 =	sshrl.u32 s1, $0x2  }
0xbb: {  	s3 =	sand.u32 $0x4000, s31;
	s1 =	sadd.s32 s1, s30  }
0xbc: {  	s0 =	sor.u32 s3, s0;
	s1 =	sshll.u32 s1, $0x11  }
0xbd: {  	s0 =	sor.u32 s1, s0  }
0xbe: {  	s0 =	sadd.s32 $0x8F2B, s0  }
0xbf: {  	[sflag:s0] =	ssyncadd.remote.s32 $0x1  }
0xc0: {  	_ =	sfence.sel $0xFFFF  }
0xc1: {  	[dreg:$0x0] =	wrdreg $0xFFFFFFFF;
	(pc) =	sbr.abs _section_cstart, $3  }
0xc2: {  	[dreg:$0x1] =	wrdreg $0xFFFFFFFF  }
0xc3: {  	_ =	task.clear_ibuf [dreg:s8], $0x2FFFF;
	_ =	strace $0x9FFFFFFF  }
0xc4: {  	(tm) =	ssettm $0x7FFFFFFF  }
0xc5: {  	_ =	shalt  }
tec
execute0_lowered:
.L_overlay_start_1:
0x0: {  	(tag) =	ssettag $0x1  }
0x1: {  	s0 =	srdreg.scid;
	s3 =	stileid.u32  }
0x2: {  	s0 =	sand.u32 $0x1, s0;
	s2 =	sshll.u32 s3, $0x1  }
0x3: {  	s1 =	rddreg [dreg:$0x0];
	s6 =	sshrl.u32 s3, $0x2;
	s5 =	sor.u32 s0, s2  }
0x4: {  	s4 =	rddreg [dreg:$0x1];
	s3 =	smul.u32 $0x2A00, s6;
	s2 =	sshll.u32 s5, $0x3  }
0x5: {  	s7 =	rddreg [dreg:$0x2];
	s28 =	simm.s32 $0x1;
	s8 =	sor.u32 $0x1C0, s2  }
0x6: {  	s30 =	simm.s32 $0x16000;
	s31 =	simm.s32 $0x0;
	s3 =	sor.u32 s3, s8  }
0x7: {  	s29 =	simm.s32 $0x10;
	s0 =	ssub.s32 $0x2, s0;
	s3 =	sshll.u32 s3, $0x6  }
0x8: {  	s25 =	sshll.u32 s6, $0xF;
	s2 =	simm.s32 $0x0;
	s3 =	sadd.s32 s1, s3  }
0x9: {  	s9 =	sshrl.u32 s0, $0x1;
	[smem:$0x7FF] =	sst s2;
	s1 =	sadd.s32 $0x8000, s3  }
0xa: {  	_ =	strace $0x80000047;
	s17 =	sadd.s32 $0x10000, s3;
	[dreg:$0x4] =	wrdreg s1  }
0xb: {  	s5 =	sshll.u32 s5, $0xA;
	s18 =	sadd.s32 $0x18000, s3;
	[dreg:$0x5] =	wrdreg s17  }
0xc: {  	s0 =	ssub.s32 s0, s9;
	s19 =	sadd.s32 $0x20000, s3;
	[dreg:$0x6] =	wrdreg s18  }
0xd: {  	s26 =	sshll.u32 s8, $0x6;
	s20 =	sadd.s32 $0x28000, s3;
	[dreg:$0x7] =	wrdreg s19  }
0xe: {  	s21 =	sadd.s32 $0x30000, s3;
	s22 =	sadd.s32 $0x38000, s3;
	[dreg:$0x8] =	wrdreg s20  }
0xf: {  	s23 =	sadd.s32 $0x40000, s3;
	s24 =	sadd.s32 $0x48000, s3;
	[dreg:$0x9] =	wrdreg s21  }
0x10: {  	s13 =	sadd.s32 $0x50000, s3;
	s14 =	sadd.s32 $0x58000, s3;
	[dreg:$0xa] =	wrdreg s22  }
0x11: {  	s15 =	sadd.s32 $0x60000, s3;
	s16 =	sadd.s32 $0x68000, s3;
	[dreg:$0xb] =	wrdreg s23  }
0x12: {  	[dreg:$0xc] =	wrdreg s24;
	s17 =	sadd.s32 $0x70000, s3;
	s18 =	sadd.s32 $0x78000, s3  }
0x13: {  	s19 =	sadd.s32 $0x80000, s3;
	s1 =	sadd.s32 s4, s25;
	s20 =	sadd.s32 $0x88000, s3  }
0x14: {  	v0 =	vimm.f32 $0.0e+00;
	v1 =	vimm.s32 $0x0;
	v2 =	vlaneseq.u32;
	s22 =	sadd.s32 $0x90000, s3;
	s23 =	sadd.s32 s7, s5;
	s24 =	sadd.s32 $0x98000, s3  }
0x15: {  	v3 =	vimm.f32 $1.000000000e+00;
	v4 =	vor.u32 $0xA80, v2;
	v5 =	vor.u32 $0x1500, v2;
	s25 =	smax.u32 s0, $0x1;
	s21 =	sadd.s32 s26, s1;
	s26 =	sadd.s32 $0xA0000, s3  }
.LBB2_1:
0x16: {  	[tilespmem:s2], [sflag:$0x1] =	stream.linear.gather [hbm4b:s3+s2], $0x1000, $0x38;
	[tilespmem:$0x18000] =	vst v63  }
0x17: {  	_ =	swait.ge [sflag:s28], $0x1000  }
0x18: {  	[sflag:s28] =	ssyncset.done $0x0  }
0x19: {  	s1 =	simm.s32 $0x1000;
	s0 =	rddreg [dreg:$0x4];
	[sflag:s28] =	ssyncadd.s32 $0xFFFFF000  }
0x1a: {  	[tilespmem:s1], [sflag:$0x1] =	stream.linear.gather [hbm4b:s0+s2], $0x1000, $0x38;
	[tilespmem:$0x18000] =	vst v63  }
0x1b: {  	_ =	swait.ge [sflag:s28], $0x1000  }
0x1c: {  	[sflag:s28] =	ssyncset.done $0x0  }
0x1d: {  	s12 =	simm.s32 $0x2000;
	s11 =	rddreg [dreg:$0x5];
	[sflag:s28] =	ssyncadd.s32 $0xFFFFF000  }
0x1e: {  	[tilespmem:s12], [sflag:$0x1] =	stream.linear.gather [hbm4b:s11+s2], $0x1000, $0x38;
	[tilespmem:$0x18000] =	vst v63  }
0x1f: {  	_ =	swait.ge [sflag:s28], $0x1000  }
0x20: {  	[sflag:s28] =	ssyncset.done $0x0  }
0x21: {  	s4 =	simm.s32 $0x3000;
	s1 =	rddreg [dreg:$0x6];
	[sflag:s28] =	ssyncadd.s32 $0xFFFFF000  }
0x22: {  	[tilespmem:s4], [sflag:$0x1] =	stream.linear.gather [hbm4b:s1+s2], $0x1000, $0x38;
	[tilespmem:$0x18000] =	vst v63  }
0x23: {  	_ =	swait.ge [sflag:s28], $0x1000  }
0x24: {  	[sflag:s28] =	ssyncset.done $0x0  }
0x25: {  	s6 =	simm.s32 $0x4000;
	s5 =	rddreg [dreg:$0x7];
	[sflag:s28] =	ssyncadd.s32 $0xFFFFF000  }
0x26: {  	[tilespmem:s6], [sflag:$0x1] =	stream.linear.gather [hbm4b:s5+s2], $0x1000, $0x38;
	[tilespmem:$0x18000] =	vst v63  }
0x27: {  	_ =	swait.ge [sflag:s28], $0x1000  }
0x28: {  	[sflag:s28] =	ssyncset.done $0x0  }
0x29: {  	s8 =	simm.s32 $0x5000;
	s7 =	rddreg [dreg:$0x8];
	[sflag:s28] =	ssyncadd.s32 $0xFFFFF000  }
0x2a: {  	[tilespmem:s8], [sflag:$0x1] =	stream.linear.gather [hbm4b:s7+s2], $0x1000, $0x38;
	[tilespmem:$0x18000] =	vst v63  }
0x2b: {  	_ =	swait.ge [sflag:s28], $0x1000  }
0x2c: {  	[sflag:s28] =	ssyncset.done $0x0  }
0x2d: {  	s10 =	simm.s32 $0x6000;
	s9 =	rddreg [dreg:$0x9];
	[sflag:s28] =	ssyncadd.s32 $0xFFFFF000  }
0x2e: {  	[tilespmem:s10], [sflag:$0x1] =	stream.linear.gather [hbm4b:s9+s2], $0x1000, $0x38;
	[tilespmem:$0x18000] =	vst v63  }
0x2f: {  	_ =	swait.ge [sflag:s28], $0x1000  }
0x30: {  	[sflag:s28] =	ssyncset.done $0x0  }
0x31: {  	s12 =	simm.s32 $0x7000;
	s11 =	rddreg [dreg:$0xa];
	[sflag:s28] =	ssyncadd.s32 $0xFFFFF000  }
0x32: {  	[tilespmem:s12], [sflag:$0x1] =	stream.linear.gather [hbm4b:s11+s2], $0x1000, $0x38;
	[tilespmem:$0x18000] =	vst v63  }
0x33: {  	_ =	swait.ge [sflag:s28], $0x1000  }
0x34: {  	[sflag:s28] =	ssyncset.done $0x0  }
0x35: {  	s5 =	simm.s32 $0x8000;
	s4 =	rddreg [dreg:$0xb];
	[sflag:s28] =	ssyncadd.s32 $0xFFFFF000  }
0x36: {  	[tilespmem:s5], [sflag:$0x1] =	stream.linear.gather [hbm4b:s4+s2], $0x1000, $0x38;
	[tilespmem:$0x18000] =	vst v63  }
0x37: {  	_ =	swait.ge [sflag:s28], $0x1000  }
0x38: {  	[sflag:s28] =	ssyncset.done $0x0  }
0x39: {  	s7 =	simm.s32 $0x9000;
	s6 =	rddreg [dreg:$0xc];
	[sflag:s28] =	ssyncadd.s32 $0xFFFFF000  }
0x3a: {  	[tilespmem:s7], [sflag:$0x1] =	stream.linear.gather [hbm4b:s6+s2], $0x1000, $0x38;
	[tilespmem:$0x18000] =	vst v63  }
0x3b: {  	_ =	swait.ge [sflag:s28], $0x1000  }
0x3c: {  	[sflag:s28] =	ssyncset.done $0x0  }
0x3d: {  	s8 =	simm.s32 $0xA000;
	[sflag:s28] =	ssyncadd.s32 $0xFFFFF000  }
0x3e: {  	[tilespmem:s8], [sflag:$0x1] =	stream.linear.gather [hbm4b:s13+s2], $0x1000, $0x38;
	[tilespmem:$0x18000] =	vst v63  }
0x3f: {  	_ =	swait.ge [sflag:s28], $0x1000  }
0x40: {  	[sflag:s28] =	ssyncset.done $0x0  }
0x41: {  	s9 =	simm.s32 $0xB000;
	[sflag:s28] =	ssyncadd.s32 $0xFFFFF000  }
0x42: {  	[tilespmem:s9], [sflag:$0x1] =	stream.linear.gather [hbm4b:s14+s2], $0x1000, $0x38;
	[tilespmem:$0x18000] =	vst v63  }
0x43: {  	_ =	swait.ge [sflag:s28], $0x1000  }
0x44: {  	[sflag:s28] =	ssyncset.done $0x0  }
0x45: {  	s10 =	simm.s32 $0xC000;
	[sflag:s28] =	ssyncadd.s32 $0xFFFFF000  }
0x46: {  	[tilespmem:s10], [sflag:$0x1] =	stream.linear.gather [hbm4b:s15+s2], $0x1000, $0x38;
	[tilespmem:$0x18000] =	vst v63  }
0x47: {  	_ =	swait.ge [sflag:s28], $0x1000  }
0x48: {  	[sflag:s28] =	ssyncset.done $0x0  }
0x49: {  	s11 =	simm.s32 $0xD000;
	[sflag:s28] =	ssyncadd.s32 $0xFFFFF000  }
0x4a: {  	[tilespmem:s11], [sflag:$0x1] =	stream.linear.gather [hbm4b:s16+s2], $0x1000, $0x38;
	[tilespmem:$0x18000] =	vst v63  }
0x4b: {  	_ =	swait.ge [sflag:s28], $0x1000  }
0x4c: {  	[sflag:s28] =	ssyncset.done $0x0  }
0x4d: {  	s12 =	simm.s32 $0xE000;
	[sflag:s28] =	ssyncadd.s32 $0xFFFFF000  }
0x4e: {  	[tilespmem:s12], [sflag:$0x1] =	stream.linear.gather [hbm4b:s17+s2], $0x1000, $0x38;
	[tilespmem:$0x18000] =	vst v63  }
0x4f: {  	_ =	swait.ge [sflag:s28], $0x1000  }
0x50: {  	[sflag:s28] =	ssyncset.done $0x0  }
0x51: {  	s1 =	simm.s32 $0xF000;
	[sflag:s28] =	ssyncadd.s32 $0xFFFFF000  }
0x52: {  	[tilespmem:s1], [sflag:$0x1] =	stream.linear.gather [hbm4b:s18+s2], $0x1000, $0x38;
	[tilespmem:$0x18000] =	vst v63  }
0x53: {  	_ =	swait.ge [sflag:s28], $0x1000  }
0x54: {  	[sflag:s28] =	ssyncset.done $0x0  }
0x55: {  	s4 =	simm.s32 $0x10000;
	[sflag:s28] =	ssyncadd.s32 $0xFFFFF000  }
0x56: {  	[tilespmem:s4], [sflag:$0x1] =	stream.linear.gather [hbm4b:s19+s2], $0x1000, $0x38;
	[tilespmem:$0x18000] =	vst v63  }
0x57: {  	_ =	swait.ge [sflag:s28], $0x1000  }
0x58: {  	[sflag:s28] =	ssyncset.done $0x0  }
0x59: {  	s5 =	simm.s32 $0x11000;
	[sflag:s28] =	ssyncadd.s32 $0xFFFFF000  }
0x5a: {  	[tilespmem:s5], [sflag:$0x1] =	stream.linear.gather [hbm4b:s20+s2], $0x1000, $0x38;
	[tilespmem:$0x18000] =	vst v63  }
0x5b: {  	_ =	swait.ge [sflag:s28], $0x1000  }
0x5c: {  	[sflag:s28] =	ssyncset.done $0x0  }
0x5d: {  	s6 =	simm.s32 $0x12000;
	[sflag:s28] =	ssyncadd.s32 $0xFFFFF000  }
0x5e: {  	[tilespmem:s6], [sflag:$0x1] =	stream.linear.gather [hbm4b:s22+s2], $0x1000, $0x38;
	[tilespmem:$0x18000] =	vst v63  }
0x5f: {  	_ =	swait.ge [sflag:s28], $0x1000  }
0x60: {  	[sflag:s28] =	ssyncset.done $0x0  }
0x61: {  	s7 =	simm.s32 $0x13000;
	[sflag:s28] =	ssyncadd.s32 $0xFFFFF000  }
0x62: {  	[tilespmem:s7], [sflag:$0x1] =	stream.linear.gather [hbm4b:s24+s2], $0x1000, $0x38;
	[tilespmem:$0x18000] =	vst v63  }
0x63: {  	_ =	swait.ge [sflag:s28], $0x1000  }
0x64: {  	[sflag:s28] =	ssyncset.done $0x0  }
0x65: {  	s8 =	simm.s32 $0x14000;
	[sflag:s28] =	ssyncadd.s32 $0xFFFFF000  }
0x66: {  	[tilespmem:s8], [sflag:$0x1] =	stream.linear.gather [hbm4b:s26+s2], $0x1000, $0x38;
	[tilespmem:$0x18000] =	vst v63  }
0x67: {  	_ =	swait.ge [sflag:s28], $0x1000  }
0x68: {  	[sflag:s28] =	ssyncset.done $0x0  }
0x69: {  	s9 =	simm.s32 $0x15000;
	[sflag:s28] =	ssyncadd.s32 $0xFFFFF000  }
0x6a: {  	[tilespmem:s9], [sflag:$0x1] =	stream.linear.gather [hbm4b:s21+s2], $0x1000, $0x38;
	[tilespmem:$0x18000] =	vst v63  }
0x6b: {  	_ =	swait.ge [sflag:s28], $0x1000  }
0x6c: {  	[sflag:s28] =	ssyncset.done $0x0  }
0x6d: {  	[sflag:s28] =	ssyncadd.s32 $0xFFFFF000  }
0x6e: {  	[tilespmem:$0x16000] =	vst v0  }
0x6f: {  	[tilespmem:$0x16080] =	vst v0  }
0x70: {  	[tilespmem:$0x16100] =	vst v0  }
0x71: {  	[tilespmem:$0x16180] =	vst v0  }
0x72: {  	[tilespmem:$0x16200] =	vst v0  }
0x73: {  	[tilespmem:$0x16280] =	vst v0  }
0x74: {  	[tilespmem:$0x16300] =	vst v0  }
0x75: {  	[tilespmem:$0x16380] =	vst v0  }
0x76: {  	[tilespmem:$0x16400] =	vst v0  }
0x77: {  	[tilespmem:$0x16480] =	vst v0  }
0x78: {  	[tilespmem:$0x16500] =	vst v0  }
0x79: {  	[tilespmem:$0x16580] =	vst v0  }
0x7a: {  	[tilespmem:$0x16600] =	vst v0  }
0x7b: {  	[tilespmem:$0x16680] =	vst v0  }
0x7c: {  	[tilespmem:$0x16700] =	vst v0  }
0x7d: {  	[tilespmem:$0x16780] =	vst v0  }
0x7e: {  	[tilespmem:$0x16800] =	vst v0  }
0x7f: {  	[tilespmem:$0x16880] =	vst v0  }
0x80: {  	[tilespmem:$0x16900] =	vst v0  }
0x81: {  	[tilespmem:$0x16980] =	vst v0  }
0x82: {  	[tilespmem:$0x16A00] =	vst v0  }
0x83: {  	[tilespmem:$0x16A80] =	vst v0  }
0x84: {  	[tilespmem:$0x16B00] =	vst v0  }
0x85: {  	[tilespmem:$0x16B80] =	vst v0  }
0x86: {  	[tilespmem:$0x16C00] =	vst v0  }
0x87: {  	[tilespmem:$0x16C80] =	vst v0  }
0x88: {  	[tilespmem:$0x16D00] =	vst v0  }
0x89: {  	[tilespmem:$0x16D80] =	vst v0  }
0x8a: {  	[tilespmem:$0x16E00] =	vst v0  }
0x8b: {  	[tilespmem:$0x16E80] =	vst v0  }
0x8c: {  	[tilespmem:$0x16F00] =	vst v0  }
0x8d: {  	[tilespmem:$0x16F80] =	vst v0  }
0x8e: {  	[tilespmem:$0x17000] =	vst v0  }
0x8f: {  	[tilespmem:$0x17080] =	vst v0  }
0x90: {  	[tilespmem:$0x17100] =	vst v0  }
0x91: {  	[tilespmem:$0x17180] =	vst v0  }
0x92: {  	[tilespmem:$0x17200] =	vst v0  }
0x93: {  	[tilespmem:$0x17280] =	vst v0  }
0x94: {  	[tilespmem:$0x17300] =	vst v0  }
0x95: {  	[tilespmem:$0x17380] =	vst v0  }
0x96: {  	[tilespmem:$0x17400] =	vst v0  }
0x97: {  	[tilespmem:$0x17480] =	vst v0  }
0x98: {  	[tilespmem:$0x17500] =	vst v0  }
0x99: {  	[tilespmem:$0x17580] =	vst v0  }
0x9a: {  	[tilespmem:$0x17600] =	vst v0  }
0x9b: {  	[tilespmem:$0x17680] =	vst v0  }
0x9c: {  	[tilespmem:$0x17700] =	vst v0  }
0x9d: {  	[tilespmem:$0x17780] =	vst v0  }
0x9e: {  	[tilespmem:$0x17800] =	vst v0  }
0x9f: {  	[tilespmem:$0x17880] =	vst v0  }
0xa0: {  	[tilespmem:$0x17900] =	vst v0  }
0xa1: {  	[tilespmem:$0x17980] =	vst v0  }
0xa2: {  	[tilespmem:$0x17A00] =	vst v0  }
0xa3: {  	[tilespmem:$0x17A80] =	vst v0  }
0xa4: {  	[tilespmem:$0x17B00] =	vst v0  }
0xa5: {  	[tilespmem:$0x17B80] =	vst v0  }
0xa6: {  	[tilespmem:$0x17C00] =	vst v0  }
0xa7: {  	[tilespmem:$0x17C80] =	vst v0  }
0xa8: {  	[tilespmem:$0x17D00] =	vst v0  }
0xa9: {  	[tilespmem:$0x17D80] =	vst v0  }
0xaa: {  	[tilespmem:$0x17E00] =	vst v0  }
0xab: {  	[tilespmem:$0x17E80] =	vst v0  }
0xac: {  	s10 =	sand.u32 $0x70, s2;
	s11 =	sand.u32 $0xC00, s2;
	[tilespmem:$0x17F00] =	vst v0  }
0xad: {  	s4 =	sor.u32 s10, s11;
	[tilespmem:$0x17F80] =	vst v0  }
0xae: {  	v8 =	vld [tilespmem:s4+$0x1000]  }
0xaf: {  	v9 =	vld [tilespmem:s4+$0x0]  }
0xb0: {  	s12 =	simm.s32 $0x10;
	v7 =	vld [tilespmem:s4+$0x2000]  }
0xb1: {  	s0 =	sand.u32 $0x70, s12;
	s1 =	simm.s32 $0x80;
	s6 =	simm.s32 $0x20;
	v6 =	vld [tilespmem:s4+$0x3000]  }
.LBB2_2:
0xb2: {  	s5 =	smov.u32 s6  }
0xb3: {  	s7 =	sand.u32 $0x70, s6;
	s8 =	sand.u32 $0xC00, s1;
	s5 =	sadd.s32 $0x10, s6  }
0xb4: {  	p0 =	sne.s32 s6, $0x1F0;
	s6 =	sor.u32 s0, s8;
	v10 =	vmul.f32 $1.442695020e+00, v8;
	s0 =	smov.u32 s7;
	v11 =	vld [tilespmem:s4+$0x4000]  }
0xb5: {  	v12 =	vmul.f32 $1.442695020e+00, v9;
	v13 =	vmax.f32 v9, v8  }
0xb6: {  	v14 =	vmax.f32 v13, v7;
	v15 =	vmul.f32 $1.442695020e+00, v7;
	v13 =	vld [tilespmem:s4+$0x5000];
	(erf) = vpow2.f32 v10  }
0xb7: {  	v10 =	vmax.f32 v14, v6;
	v17 =	vmul.f32 $1.442695020e+00, v6;
	(erf) = vpow2.f32 v12  }
0xb8: {  	v16 =	vld [tilespmem:s4+$0x6000];
	(erf) = vpow2.f32 v15  }
0xb9: {  	v10 =	vmax.f32 v10, v11;
	v12 =	vmul.f32 $1.442695020e+00, v11  }
0xba: {  	v14 =	vld [tilespmem:s4+$0x7000];
	(erf) = vpow2.f32 v17  }
0xbb: {  	v10 =	vmax.f32 v10, v13;
	v18 =	vmul.f32 $1.442695020e+00, v13  }
0xbc: {  	v15 =	vld [tilespmem:s4+$0x8000];
	(erf) = vpow2.f32 v12  }
0xbd: {  	v12 =	vmul.f32 $1.442695020e+00, v16  }
0xbe: {  	v10 =	vmax.f32 v10, v16;
	v17 =	vld [tilespmem:s4+$0x9000];
	(erf) = vpow2.f32 v18  }
0xbf: {  	v10 =	vmax.f32 v10, v14;
	v20 =	vmul.f32 $1.442695020e+00, v14;
	v19 =	vpop (erf)  }
0xc0: {  	v18 =	vld [tilespmem:s4+$0xA000];
	v21 =	vpop (erf);
	(erf) = vpow2.f32 v12  }
0xc1: {  	v12 =	vadd.f32 v19, v21;
	v10 =	vmax.f32 v10, v15;
	v21 =	vmul.f32 $1.442695020e+00, v15;
	v22 =	vpop (erf)  }
0xc2: {  	v19 =	vld [tilespmem:s4+$0xB000];
	(erf) = vpow2.f32 v20  }
0xc3: {  	v12 =	vadd.f32 v22, v12;
	v10 =	vmax.f32 v10, v17;
	v20 =	vmul.f32 $1.442695020e+00, v17;
	v22 =	vpop (erf)  }
0xc4: {  	v23 =	vld [tilespmem:s4+$0xC000];
	(erf) = vpow2.f32 v21  }
0xc5: {  	v12 =	vadd.f32 v22, v12;
	v10 =	vmax.f32 v10, v18;
	v21 =	vmul.f32 $1.442695020e+00, v18;
	v22 =	vpop (erf)  }
0xc6: {  	v24 =	vld [tilespmem:s4+$0xD000];
	(erf) = vpow2.f32 v20  }
0xc7: {  	v20 =	vadd.f32 v22, v12;
	v10 =	vmax.f32 v10, v19;
	v22 =	vmul.f32 $1.442695020e+00, v19;
	v25 =	vpop (erf)  }
0xc8: {  	v26 =	vld [tilespmem:s4+$0xE000];
	(erf) = vpow2.f32 v21  }
0xc9: {  	v12 =	vld [tilespmem:s4+$0x15000];
	v20 =	vadd.f32 v25, v20;
	v21 =	vmax.f32 v10, v23;
	v10 =	vmul.f32 $1.442695020e+00, v23;
	v25 =	vpop (erf)  }
0xca: {  	v27 =	vld [tilespmem:s4+$0xF000];
	(erf) = vpow2.f32 v22  }
0xcb: {  	v20 =	vadd.f32 v25, v20;
	v22 =	vmul.f32 $1.442695020e+00, v24;
	v25 =	vpop (erf)  }
0xcc: {  	v28 =	vld [tilespmem:s4+$0x10000];
	(erf) = vpow2.f32 v10  }
0xcd: {  	v20 =	vadd.f32 v25, v20;
	v25 =	vmul.f32 $1.442695020e+00, v26;
	v29 =	vpop (erf)  }
0xce: {  	vm0 =	veq.s32 v12, $0x5;
	v30 =	vld [tilespmem:s4+$0x11000];
	v10 =	vshll.u32 v12, $0x7;
	(erf) = vpow2.f32 v22  }
0xcf: {  	vm1 =	veq.s32 v12, $0x4;
	v20 =	vadd.f32 v29, v20;
	v22 =	vmul.f32 $1.442695020e+00, v27;
	v29 =	vpop (erf)  }
0xd0: {  	vm2 =	veq.s32 v12, $0x2;
	vm3 =	veq.s32 v12, $0x3;
	v31 =	vld [tilespmem:s4+$0x12000];
	(erf) = vpow2.f32 v25  }
0xd1: {  	v20 =	vadd.f32 v29, v20;
	v25 =	vmul.f32 $1.442695020e+00, v28;
	v29 =	vor.u32 v2, v10;
	v32 =	vpop (erf)  }
0xd2: {  	v21 =	vmax.f32 v21, v24;
	vm4 =	veq.s32 v12, $0x1;
	v33 =	vld [tilespmem:s4+$0x13000];
	(erf) = vpow2.f32 v22  }
0xd3: {  	v21 =	vmax.f32 v21, v26;
	v20 =	vadd.f32 v32, v20;
	v22 =	vmul.f32 $1.442695020e+00, v30;
	v32 =	vpop (erf)  }
0xd4: {  	v8 =	vsel vm4, v8, v9;
	v9 =	vmax.f32 v21, v27;
	v21 =	vld [tilespmem:s4+$0x14000];
	(erf) = vpow2.f32 v25;
	s4 =	smov.u32 s6  }
0xd5: {  	v7 =	vsel vm2, v7, v8;
	v8 =	vadd.f32 v32, v20;
	v20 =	vmul.f32 $1.442695020e+00, v31;
	v25 =	vpop (erf)  }
0xd6: {  	v6 =	vsel vm3, v6, v7;
	v7 =	vmax.f32 v9, v28;
	[tilespmem:v29+s30+$0x0] =	vst.idx.add.f32.msk $0xffff, v3;
	(erf) = vpow2.f32 v22  }
0xd7: {  	v6 =	vsel vm1, v11, v6;
	v8 =	vadd.f32 v25, v8;
	v9 =	vmul.f32 $1.442695020e+00, v33;
	v11 =	vpop (erf)  }
0xd8: {  	v6 =	vsel vm0, v13, v6;
	vm0 =	veq.s32 v12, $0x6;
	(erf) = vpow2.f32 v20  }
0xd9: {  	v6 =	vsel vm0, v16, v6;
	v8 =	vadd.f32 v11, v8;
	v11 =	vmul.f32 $1.442695020e+00, v21;
	v13 =	vpop (erf)  }
0xda: {  	v7 =	vmax.f32 v7, v30;
	vm0 =	veq.s32 v12, $0x7;
	(erf) = vpow2.f32 v9  }
0xdb: {  	v6 =	vsel vm0, v14, v6;
	vm0 =	veq.s32 v12, $0x8;
	v8 =	vadd.f32 v13, v8;
	v9 =	vpop (erf)  }
0xdc: {  	v6 =	vsel vm0, v15, v6;
	vm0 =	veq.s32 v12, $0x9;
	(erf) = vpow2.f32 v11  }
0xdd: {  	v6 =	vsel vm0, v17, v6;
	vm0 =	veq.s32 v12, $0xA;
	v8 =	vadd.f32 v9, v8;
	v9 =	vpop (erf)  }
0xde: {  	v7 =	vmax.f32 v7, v31;
	v6 =	vsel vm0, v18, v6;
	vm0 =	veq.s32 v12, $0xB  }
0xdf: {  	v6 =	vsel vm0, v19, v6;
	vm0 =	veq.s32 v12, $0xC;
	v8 =	vadd.f32 v9, v8;
	v9 =	vpop (erf)  }
0xe0: {  	v7 =	vmax.f32 v7, v33;
	v6 =	vsel vm0, v23, v6;
	vm0 =	veq.s32 v12, $0xD  }
0xe1: {  	v6 =	vsel vm0, v24, v6;
	vm0 =	veq.s32 v12, $0xE;
	v8 =	vadd.f32 v9, v8;
	v9 =	vpop (erf)  }
0xe2: {  	v7 =	vmax.f32 v7, v21;
	v6 =	vsel vm0, v26, v6;
	vm0 =	veq.s32 v12, $0xF  }
0xe3: {  	v6 =	vsel vm0, v27, v6;
	vm0 =	veq.s32 v12, $0x10;
	v8 =	vadd.f32 v9, v8;
	v9 =	vpop (erf)  }
0xe4: {  	v6 =	vsel vm0, v28, v6;
	vm0 =	veq.s32 v12, $0x11  }
0xe5: {  	v6 =	vsel vm0, v30, v6;
	vm0 =	veq.s32 v12, $0x12;
	v8 =	vadd.f32 v9, v8;
	v9 =	vpop (erf)  }
0xe6: {  	v11 =	vadd.s32 v4, v10;
	v6 =	vsel vm0, v31, v6;
	vm0 =	veq.s32 v12, $0x13  }
0xe7: {  	v6 =	vsel vm0, v33, v6;
	vm0 =	veq.s32 v12, $0x14;
	v8 =	vadd.f32 v9, v8  }
0xe8: {  	v6 =	vsel vm0, v21, v6  }
0xe9: {  	vm0 =	veq.f32 v6, v7;
	v7 =	vshrl.u32 v8, $0x17;
	v8 =	vand.u32 $0x7FFFFF, v8  }
0xea: {  	v9 =	vsel vm0, $0x3F800000, v1;
	v7 =	vadd.s32 $0xFFFFFF81, v7;
	v8 =	vor.u32 $0x3F800000, v8  }
0xeb: {  	v12 =	vadd.f32 $1.000000000e+00, v8;
	v7 =	vcvt.s32.f32 v7;
	[tilespmem:v11+s30+$0x0] =	vst.idx.add.f32.msk $0xffff, v9;
	_ =	sdelay $0x1  }
0xec: {  	(erf) = vrcp.f32 v12;
	_ =	sdelay $0x6  }
0xed: {  	v8 =	vadd.f32 $-1.000000000e+00, v8;
	_ =	sdelay $0x1  }
0xee: {  	v9 =	vpop (erf)  }
0xef: {  	v8 =	vmul.f32 v9, v8;
	_ =	sdelay $0x1  }
0xf0: {  	v9 =	vmul.f32 v8, v8;
	_ =	sdelay $0x1  }
0xf1: {  	v11 =	vmul.f32 $1.111111120e-01, v9;
	_ =	sdelay $0x1  }
0xf2: {  	v11 =	vadd.f32 $1.428571490e-01, v11;
	_ =	sdelay $0x1  }
0xf3: {  	v11 =	vmul.f32 v11, v9;
	_ =	sdelay $0x1  }
0xf4: {  	v11 =	vadd.f32 $2.000000030e-01, v11;
	_ =	sdelay $0x1  }
0xf5: {  	v11 =	vmul.f32 v11, v9;
	_ =	sdelay $0x1  }
0xf6: {  	v11 =	vadd.f32 $3.333333430e-01, v11;
	_ =	sdelay $0x1  }
0xf7: {  	v9 =	vmul.f32 v11, v9  }
0xf8: {  	v8 =	vadd.f32 v8, v8  }
0xf9: {  	v9 =	vadd.f32 $1.000000000e+00, v9  }
0xfa: {  	v7 =	vmul.f32 $6.931471820e-01, v7  }
0xfb: {  	v8 =	vmul.f32 v9, v8  }
0xfc: {  	v9 =	vadd.s32 v5, v10  }
0xfd: {  	v7 =	vadd.f32 v8, v7;
	_ =	sdelay $0x1  }
0xfe: {  	v6 =	vsub.f32 v6, v7;
	_ =	sdelay $0x1  }
.Ltmp0:
0xff: {  	[tilespmem:v9+s30+$0x0] =	vst.idx.add.f32.msk $0xffff, v6;
	(pc) =	sbr.rel @p0 .LBB2_2-.Ltmp0, $4  }
0x100: {  	v8 =	vld [tilespmem:s4+$0x1000]  }
0x101: {  	v9 =	vld [tilespmem:s4+$0x0]  }
0x102: {  	v7 =	vld [tilespmem:s4+$0x2000]  }
0x103: {  	s1 =	sadd.s32 $0x80, s1;
	s6 =	smov.u32 s5;
	v6 =	vld [tilespmem:s4+$0x3000]  }
0x104: {  	_ = 	snop  }
0x105: {  	v10 =	vmul.f32 $1.442695020e+00, v8  }
0x106: {  	v11 =	vmul.f32 $1.442695020e+00, v9  }
0x107: {  	v12 =	vld [tilespmem:s4+$0x4000];
	(erf) = vpow2.f32 v10  }
0x108: {  	v10 =	vmul.f32 $1.442695020e+00, v7;
	(erf) = vpow2.f32 v11  }
0x109: {  	v11 =	vld [tilespmem:s4+$0x5000]  }
0x10a: {  	v13 =	vmul.f32 $1.442695020e+00, v6;
	(erf) = vpow2.f32 v10  }
0x10b: {  	v10 =	vld [tilespmem:s4+$0x6000]  }
0x10c: {  	v14 =	vmul.f32 $1.442695020e+00, v12;
	(erf) = vpow2.f32 v13  }
0x10d: {  	v13 =	vld [tilespmem:s4+$0x7000]  }
0x10e: {  	(erf) = vpow2.f32 v14;
	v15 =	vmul.f32 $1.442695020e+00, v11  }
0x10f: {  	v14 =	vld [tilespmem:s4+$0x8000]  }
0x110: {  	v16 =	vmul.f32 $1.442695020e+00, v10;
	(erf) = vpow2.f32 v15;
	v29 =	vpop (erf)  }
0x111: {  	v17 =	vld [tilespmem:s4+$0x9000];
	v18 =	vpop (erf)  }
0x112: {  	v19 =	vmul.f32 $1.442695020e+00, v13;
	(erf) = vpow2.f32 v16;
	v15 =	vadd.f32 v29, v18  }
0x113: {  	v16 =	vld [tilespmem:s4+$0xA000];
	v30 =	vpop (erf)  }
0x114: {  	v20 =	vmul.f32 $1.442695020e+00, v14;
	(erf) = vpow2.f32 v19;
	v15 =	vadd.f32 v30, v15  }
0x115: {  	v18 =	vld [tilespmem:s4+$0xB000];
	v31 =	vpop (erf)  }
0x116: {  	v21 =	vmul.f32 $1.442695020e+00, v17;
	(erf) = vpow2.f32 v20;
	v15 =	vadd.f32 v31, v15  }
0x117: {  	v19 =	vld [tilespmem:s4+$0xC000];
	v32 =	vpop (erf)  }
0x118: {  	(erf) = vpow2.f32 v21;
	v22 =	vmul.f32 $1.442695020e+00, v16;
	v15 =	vadd.f32 v32, v15  }
0x119: {  	v20 =	vld [tilespmem:s4+$0xD000];
	v33 =	vpop (erf)  }
0x11a: {  	v23 =	vmul.f32 $1.442695020e+00, v18;
	(erf) = vpow2.f32 v22;
	v15 =	vadd.f32 v33, v15  }
0x11b: {  	v34 =	vld [tilespmem:s4+$0xE000];
	v35 =	vpop (erf)  }
0x11c: {  	v24 =	vmul.f32 $1.442695020e+00, v19;
	(erf) = vpow2.f32 v23;
	v15 =	vadd.f32 v35, v15  }
0x11d: {  	v36 =	vld [tilespmem:s4+$0xF000];
	v37 =	vpop (erf)  }
0x11e: {  	v25 =	vmul.f32 $1.442695020e+00, v20;
	(erf) = vpow2.f32 v24;
	v15 =	vadd.f32 v37, v15  }
0x11f: {  	v38 =	vld [tilespmem:s4+$0x10000];
	v39 =	vpop (erf)  }
0x120: {  	v26 =	vmul.f32 $1.442695020e+00, v34;
	(erf) = vpow2.f32 v25;
	v15 =	vadd.f32 v39, v15  }
0x121: {  	v40 =	vld [tilespmem:s4+$0x11000];
	v41 =	vpop (erf)  }
0x122: {  	v27 =	vmul.f32 $1.442695020e+00, v36;
	(erf) = vpow2.f32 v26;
	v15 =	vadd.f32 v41, v15  }
0x123: {  	v42 =	vld [tilespmem:s4+$0x12000];
	v43 =	vpop (erf)  }
0x124: {  	v28 =	vmul.f32 $1.442695020e+00, v38;
	(erf) = vpow2.f32 v27;
	v15 =	vadd.f32 v43, v15  }
0x125: {  	v44 =	vld [tilespmem:s4+$0x13000];
	v45 =	vpop (erf)  }
0x126: {  	v29 =	vmul.f32 $1.442695020e+00, v40;
	(erf) = vpow2.f32 v28;
	v15 =	vadd.f32 v45, v15  }
0x127: {  	v46 =	vld [tilespmem:s4+$0x14000];
	v47 =	vpop (erf)  }
0x128: {  	v30 =	vmul.f32 $1.442695020e+00, v42;
	(erf) = vpow2.f32 v29;
	v15 =	vadd.f32 v47, v15  }
0x129: {  	v48 =	vpop (erf)  }
0x12a: {  	v49 =	vmul.f32 $1.442695020e+00, v44;
	(erf) = vpow2.f32 v30;
	v15 =	vadd.f32 v48, v15  }
0x12b: {  	v50 =	vpop (erf)  }
0x12c: {  	v51 =	vmul.f32 $1.442695020e+00, v46;
	(erf) = vpow2.f32 v49;
	v15 =	vadd.f32 v50, v15  }
0x12d: {  	v52 =	vpop (erf)  }
0x12e: {  	(erf) = vpow2.f32 v51;
	v15 =	vadd.f32 v52, v15  }
0x12f: {  	v53 =	vpop (erf)  }
0x130: {  	v15 =	vadd.f32 v53, v15  }
0x131: {  	v54 =	vpop (erf)  }
0x132: {  	v15 =	vadd.f32 v54, v15  }
0x133: {  	v55 =	vpop (erf)  }
0x134: {  	v15 =	vadd.f32 v55, v15  }
0x135: {  	v56 =	vpop (erf)  }
0x136: {  	v15 =	vadd.f32 v56, v15  }
0x137: {  	v57 =	vpop (erf)  }
0x138: {  	v15 =	vadd.f32 v57, v15;
	_ =	sdelay $0x1  }
0x139: {  	v28 =	vand.u32 $0x7FFFFF, v15  }
0x13a: {  	v28 =	vor.u32 $0x3F800000, v28  }
0x13b: {  	v58 =	vadd.f32 $1.000000000e+00, v28;
	_ =	sdelay $0x1  }
0x13c: {  	(erf) = vrcp.f32 v58  }
0x13d: {  	v61 =	vld [tilespmem:s4+$0x15000];
	_ =	sdelay $0x3  }
0x13e: {  	v59 =	vmax.f32 v9, v8  }
0x13f: {  	vm0 =	veq.s32 v61, $0x1;
	vm1 =	veq.s32 v61, $0x2;
	vm7 =	veq.s32 v61, $0x3  }
0x140: {  	vm8 =	veq.s32 v61, $0x4;
	vm9 =	veq.s32 v61, $0x5;
	vm10 =	veq.s32 v61, $0x6  }
0x141: {  	vm11 =	veq.s32 v61, $0x7;
	vm12 =	veq.s32 v61, $0x8;
	v28 =	vadd.f32 $-1.000000000e+00, v28  }
0x142: {  	vm13 =	veq.s32 v61, $0x9;
	vm14 =	veq.s32 v61, $0xA;
	v8 =	vsel vm0, v8, v9;
	v31 =	vpop (erf)  }
0x143: {  	v30 =	vmax.f32 v59, v7;
	v7 =	vsel vm1, v7, v8;
	v9 =	vmul.f32 v31, v28  }
0x144: {  	vm15 =	veq.s32 v61, $0xB;
	v60 =	vmax.f32 v30, v6;
	v6 =	vsel vm7, v6, v7  }
0x145: {  	vm4 =	veq.s32 v61, $0xC;
	v6 =	vsel vm8, v12, v6;
	v7 =	vmul.f32 v9, v9  }
0x146: {  	vm5 =	veq.s32 v61, $0xD;
	v29 =	vmax.f32 v60, v12;
	v6 =	vsel vm9, v11, v6  }
0x147: {  	v29 =	vmax.f32 v29, v11;
	v6 =	vsel vm10, v10, v6;
	v11 =	vmul.f32 $1.111111120e-01, v7  }
0x148: {  	vm6 =	veq.s32 v61, $0xE;
	v8 =	vshll.u32 v61, $0x7;
	v6 =	vsel vm11, v13, v6  }
0x149: {  	v29 =	vmax.f32 v29, v10;
	v6 =	vsel vm12, v14, v6;
	v10 =	vadd.f32 $1.428571490e-01, v11  }
0x14a: {  	vm7 =	veq.s32 v61, $0xF;
	v22 =	vor.u32 v2, v8;
	v6 =	vsel vm13, v17, v6  }
0x14b: {  	vm8 =	veq.s32 v61, $0x10;
	v6 =	vsel vm14, v16, v6;
	v10 =	vmul.f32 v10, v7  }
0x14c: {  	vm9 =	veq.s32 v61, $0x11;
	v29 =	vmax.f32 v29, v13;
	v6 =	vsel vm15, v18, v6  }
0x14d: {  	v29 =	vmax.f32 v29, v14;
	v6 =	vsel vm4, v19, v6;
	v10 =	vadd.f32 $2.000000030e-01, v10  }
0x14e: {  	vm10 =	veq.s32 v61, $0x12;
	v29 =	vmax.f32 v29, v17;
	v6 =	vsel vm5, v20, v6  }
0x14f: {  	v29 =	vmax.f32 v29, v16;
	v6 =	vsel vm6, v34, v6;
	v10 =	vmul.f32 v10, v7  }
0x150: {  	vm11 =	veq.s32 v61, $0x13;
	v29 =	vmax.f32 v29, v18;
	v6 =	vsel vm7, v36, v6  }
0x151: {  	v62 =	vmax.f32 v29, v19;
	v6 =	vsel vm8, v38, v6;
	v10 =	vadd.f32 $3.333333430e-01, v10  }
0x152: {  	vm12 =	veq.s32 v61, $0x14;
	v63 =	vmax.f32 v62, v20;
	v6 =	vsel vm9, v40, v6  }
0x153: {  	v23 =	vshrl.u32 v15, $0x17;
	v11 =	vmax.f32 v63, v34;
	v7 =	vmul.f32 v10, v7  }
0x154: {  	v9 =	vadd.f32 v9, v9;
	v11 =	vmax.f32 v11, v36;
	v10 =	vadd.s32 $0xFFFFFF81, v23  }
0x155: {  	v11 =	vmax.f32 v11, v38;
	v10 =	vcvt.s32.f32 v10;
	v7 =	vadd.f32 $1.000000000e+00, v7  }
0x156: {  	v6 =	vsel vm10, v42, v6;
	v28 =	vadd.s32 v4, v8;
	v11 =	vmax.f32 v11, v40  }
0x157: {  	v11 =	vmax.f32 v11, v42;
	v10 =	vmul.f32 $6.931471820e-01, v10;
	v7 =	vmul.f32 v7, v9  }
0x158: {  	v6 =	vsel vm11, v44, v6;
	v8 =	vadd.s32 v5, v8;
	v11 =	vmax.f32 v11, v44  }
0x159: {  	v6 =	vsel vm12, v46, v6;
	v9 =	vmax.f32 v11, v46;
	v7 =	vadd.f32 v7, v10  }
0x15a: {  	vm0 =	veq.f32 v6, v9  }
0x15b: {  	[tilespmem:v22+s30+$0x0] =	vst.idx.add.f32.msk $0xffff, v3;
	v9 =	vsel vm0, $0x3F800000, v1;
	v6 =	vsub.f32 v6, v7  }
0x15c: {  	s1 =	sand.u32 $0xC00, s1;
	[tilespmem:v28+s30+$0x0] =	vst.idx.add.f32.msk $0xffff, v9  }
0x15d: {  	s0 =	sor.u32 s0, s1;
	[tilespmem:v8+s30+$0x0] =	vst.idx.add.f32.msk $0xffff, v6  }
0x15e: {  	v6 =	vld [tilespmem:s0+$0x1000]  }
0x15f: {  	v7 =	vld [tilespmem:s0+$0x0];
	_ =	sdelay $0x1  }
0x160: {  	v8 =	vld [tilespmem:s0+$0x2000];
	_ =	sdelay $0x1  }
0x161: {  	v9 =	vld [tilespmem:s0+$0x3000];
	v10 =	vmul.f32 $1.442695020e+00, v6  }
0x162: {  	v11 =	vmul.f32 $1.442695020e+00, v7  }
0x163: {  	v12 =	vld [tilespmem:s0+$0x4000];
	(erf) = vpow2.f32 v10  }
0x164: {  	v10 =	vmul.f32 $1.442695020e+00, v8;
	(erf) = vpow2.f32 v11  }
0x165: {  	v11 =	vld [tilespmem:s0+$0x5000]  }
0x166: {  	v29 =	vmul.f32 $1.442695020e+00, v9;
	(erf) = vpow2.f32 v10  }
0x167: {  	v10 =	vld [tilespmem:s0+$0x6000]  }
0x168: {  	v30 =	vmul.f32 $1.442695020e+00, v12;
	(erf) = vpow2.f32 v29  }
0x169: {  	v13 =	vld [tilespmem:s0+$0x7000]  }
0x16a: {  	(erf) = vpow2.f32 v30;
	v31 =	vmul.f32 $1.442695020e+00, v11  }
0x16b: {  	v14 =	vld [tilespmem:s0+$0x8000]  }
0x16c: {  	v32 =	vmul.f32 $1.442695020e+00, v10;
	(erf) = vpow2.f32 v31;
	v33 =	vpop (erf)  }
0x16d: {  	v17 =	vld [tilespmem:s0+$0x9000];
	v34 =	vpop (erf)  }
0x16e: {  	v35 =	vmul.f32 $1.442695020e+00, v13;
	(erf) = vpow2.f32 v32;
	v15 =	vadd.f32 v33, v34  }
0x16f: {  	v16 =	vld [tilespmem:s0+$0xA000];
	v36 =	vpop (erf)  }
0x170: {  	v37 =	vmul.f32 $1.442695020e+00, v14;
	(erf) = vpow2.f32 v35;
	v15 =	vadd.f32 v36, v15  }
0x171: {  	v18 =	vld [tilespmem:s0+$0xB000];
	v38 =	vpop (erf)  }
0x172: {  	v39 =	vmul.f32 $1.442695020e+00, v17;
	(erf) = vpow2.f32 v37;
	v15 =	vadd.f32 v38, v15  }
0x173: {  	v19 =	vld [tilespmem:s0+$0xC000];
	v40 =	vpop (erf)  }
0x174: {  	v41 =	vmul.f32 $1.442695020e+00, v16;
	(erf) = vpow2.f32 v39;
	v15 =	vadd.f32 v40, v15  }
0x175: {  	v20 =	vld [tilespmem:s0+$0xD000];
	v42 =	vpop (erf)  }
0x176: {  	v43 =	vmul.f32 $1.442695020e+00, v18;
	(erf) = vpow2.f32 v41;
	v15 =	vadd.f32 v42, v15  }
0x177: {  	v21 =	vld [tilespmem:s0+$0xE000];
	v44 =	vpop (erf)  }
0x178: {  	v45 =	vmul.f32 $1.442695020e+00, v19;
	(erf) = vpow2.f32 v43;
	v15 =	vadd.f32 v44, v15  }
0x179: {  	v22 =	vld [tilespmem:s0+$0xF000];
	v46 =	vpop (erf)  }
0x17a: {  	v47 =	vmul.f32 $1.442695020e+00, v20;
	(erf) = vpow2.f32 v45;
	v15 =	vadd.f32 v46, v15  }
0x17b: {  	v23 =	vld [tilespmem:s0+$0x10000];
	v48 =	vpop (erf)  }
0x17c: {  	v49 =	vmul.f32 $1.442695020e+00, v21;
	(erf) = vpow2.f32 v47;
	v15 =	vadd.f32 v48, v15  }
0x17d: {  	v50 =	vld [tilespmem:s0+$0x11000];
	v51 =	vpop (erf)  }
0x17e: {  	v52 =	vmul.f32 $1.442695020e+00, v22;
	(erf) = vpow2.f32 v49;
	v15 =	vadd.f32 v51, v15  }
0x17f: {  	v53 =	vld [tilespmem:s0+$0x12000];
	v54 =	vpop (erf)  }
0x180: {  	v55 =	vmul.f32 $1.442695020e+00, v23;
	(erf) = vpow2.f32 v52;
	v15 =	vadd.f32 v54, v15  }
0x181: {  	v56 =	vld [tilespmem:s0+$0x13000];
	v57 =	vpop (erf)  }
0x182: {  	v58 =	vmul.f32 $1.442695020e+00, v50;
	(erf) = vpow2.f32 v55;
	v15 =	vadd.f32 v57, v15  }
0x183: {  	v59 =	vld [tilespmem:s0+$0x14000];
	v60 =	vpop (erf)  }
0x184: {  	v61 =	vmul.f32 $1.442695020e+00, v53;
	(erf) = vpow2.f32 v58;
	v15 =	vadd.f32 v60, v15  }
0x185: {  	v62 =	vpop (erf)  }
0x186: {  	v63 =	vmul.f32 $1.442695020e+00, v56;
	(erf) = vpow2.f32 v61;
	v15 =	vadd.f32 v62, v15  }
0x187: {  	v33 =	vpop (erf)  }
0x188: {  	v34 =	vmul.f32 $1.442695020e+00, v59;
	(erf) = vpow2.f32 v63;
	v15 =	vadd.f32 v33, v15  }
0x189: {  	v35 =	vpop (erf)  }
0x18a: {  	(erf) = vpow2.f32 v34;
	v15 =	vadd.f32 v35, v15  }
0x18b: {  	v36 =	vpop (erf)  }
0x18c: {  	v15 =	vadd.f32 v36, v15  }
0x18d: {  	v37 =	vpop (erf)  }
0x18e: {  	v15 =	vadd.f32 v37, v15  }
0x18f: {  	v38 =	vpop (erf)  }
0x190: {  	v15 =	vadd.f32 v38, v15  }
0x191: {  	v39 =	vpop (erf)  }
0x192: {  	v15 =	vadd.f32 v39, v15  }
0x193: {  	v40 =	vpop (erf)  }
0x194: {  	v15 =	vadd.f32 v40, v15;
	_ =	sdelay $0x1  }
0x195: {  	v28 =	vand.u32 $0x7FFFFF, v15  }
0x196: {  	v28 =	vor.u32 $0x3F800000, v28  }
0x197: {  	v41 =	vadd.f32 $1.000000000e+00, v28;
	_ =	sdelay $0x1  }
0x198: {  	(erf) = vrcp.f32 v41  }
0x199: {  	v42 =	vmax.f32 v7, v6  }
0x19a: {  	v30 =	vmax.f32 v42, v8  }
0x19b: {  	v43 =	vmax.f32 v30, v9;
	v44 =	vld [tilespmem:s0+$0x15000]  }
0x19c: {  	v29 =	vmax.f32 v43, v12  }
0x19d: {  	v29 =	vmax.f32 v29, v11  }
0x19e: {  	v29 =	vmax.f32 v29, v10  }
0x19f: {  	v29 =	vmax.f32 v29, v13  }
0x1a0: {  	v29 =	vmax.f32 v29, v14;
	vm13 =	veq.s32 v44, $0x1;
	v28 =	vadd.f32 $-1.000000000e+00, v28  }
0x1a1: {  	vm14 =	veq.s32 v44, $0x2;
	vm15 =	veq.s32 v44, $0x3;
	v6 =	vsel vm13, v6, v7;
	v45 =	vpop (erf)  }
0x1a2: {  	vm4 =	veq.s32 v44, $0x4;
	v6 =	vsel vm14, v8, v6;
	v7 =	vmul.f32 v45, v28  }
0x1a3: {  	vm5 =	veq.s32 v44, $0x5;
	vm6 =	veq.s32 v44, $0x6;
	v6 =	vsel vm15, v9, v6  }
0x1a4: {  	vm7 =	veq.s32 v44, $0x7;
	v6 =	vsel vm4, v12, v6;
	v8 =	vmul.f32 v7, v7  }
0x1a5: {  	vm8 =	veq.s32 v44, $0x8;
	vm9 =	veq.s32 v44, $0x9;
	v6 =	vsel vm5, v11, v6  }
0x1a6: {  	vm10 =	veq.s32 v44, $0xA;
	v6 =	vsel vm6, v10, v6;
	v11 =	vmul.f32 $1.111111120e-01, v8  }
0x1a7: {  	vm11 =	veq.s32 v44, $0xB;
	vm12 =	veq.s32 v44, $0xC;
	v6 =	vsel vm7, v13, v6  }
0x1a8: {  	v29 =	vmax.f32 v29, v17;
	v6 =	vsel vm8, v14, v6;
	v10 =	vadd.f32 $1.428571490e-01, v11  }
0x1a9: {  	vm13 =	veq.s32 v44, $0xD;
	v29 =	vmax.f32 v29, v16;
	v6 =	vsel vm9, v17, v6  }
0x1aa: {  	vm14 =	veq.s32 v44, $0xE;
	v6 =	vsel vm10, v16, v6;
	v10 =	vmul.f32 v10, v8  }
0x1ab: {  	v29 =	vmax.f32 v29, v18;
	v9 =	vshll.u32 v44, $0x7;
	v6 =	vsel vm11, v18, v6  }
0x1ac: {  	vm15 =	veq.s32 v44, $0xF;
	v6 =	vsel vm12, v19, v6;
	v10 =	vadd.f32 $2.000000030e-01, v10  }
0x1ad: {  	v46 =	vmax.f32 v29, v19;
	vm4 =	veq.s32 v44, $0x10;
	v6 =	vsel vm13, v20, v6  }
0x1ae: {  	v48 =	vor.u32 v2, v9;
	v6 =	vsel vm14, v21, v6;
	v10 =	vmul.f32 v10, v8  }
0x1af: {  	v47 =	vmax.f32 v46, v20;
	vm5 =	veq.s32 v44, $0x11;
	v6 =	vsel vm15, v22, v6  }
0x1b0: {  	vm6 =	veq.s32 v44, $0x12;
	v6 =	vsel vm4, v23, v6;
	v10 =	vadd.f32 $3.333333430e-01, v10  }
0x1b1: {  	vm7 =	veq.s32 v44, $0x13;
	vm8 =	veq.s32 v44, $0x14;
	v6 =	vsel vm5, v50, v6  }
0x1b2: {  	v49 =	vshrl.u32 v15, $0x17;
	v11 =	vmax.f32 v47, v21;
	v8 =	vmul.f32 v10, v8  }
0x1b3: {  	v7 =	vadd.f32 v7, v7;
	v11 =	vmax.f32 v11, v22;
	v10 =	vadd.s32 $0xFFFFFF81, v49  }
0x1b4: {  	v11 =	vmax.f32 v11, v23;
	v10 =	vcvt.s32.f32 v10;
	v8 =	vadd.f32 $1.000000000e+00, v8  }
0x1b5: {  	v6 =	vsel vm6, v53, v6;
	v11 =	vmax.f32 v11, v50;
	v50 =	vadd.s32 v4, v9  }
0x1b6: {  	v11 =	vmax.f32 v11, v53;
	v10 =	vmul.f32 $6.931471820e-01, v10;
	v7 =	vmul.f32 v8, v7  }
0x1b7: {  	v6 =	vsel vm7, v56, v6;
	v11 =	vmax.f32 v11, v56;
	v8 =	vadd.s32 v5, v9  }
0x1b8: {  	v6 =	vsel vm8, v59, v6;
	v9 =	vmax.f32 v11, v59;
	v7 =	vadd.f32 v7, v10  }
0x1b9: {  	vm0 =	veq.f32 v6, v9  }
0x1ba: {  	s1 =	simm.s32 $0x0;
	[tilespmem:v48+s30+$0x0] =	vst.idx.add.f32.msk $0xffff, v3;
	v9 =	vsel vm0, $0x3F800000, v1;
	v6 =	vsub.f32 v6, v7  }
0x1bb: {  	s12 =	sand.u32 $0x70, s1;
	s0 =	sand.u32 $0xC00, s1;
	[tilespmem:v50+s30+$0x0] =	vst.idx.add.f32.msk $0xffff, v9  }
0x1bc: {  	s4 =	sor.u32 s0, s12;
	[tilespmem:v8+s30+$0x0] =	vst.idx.add.f32.msk $0xffff, v6  }
0x1bd: {  	v13 =	vld [tilespmem:s4+$0x80]  }
0x1be: {  	v14 =	vld [tilespmem:s4+$0x1080];
	_ =	sdelay $0x1  }
0x1bf: {  	v15 =	vld [tilespmem:s4+$0x2080];
	_ =	sdelay $0x1  }
0x1c0: {  	v16 =	vld [tilespmem:s4+$0x3080];
	v6 =	vmul.f32 $1.442695020e+00, v13  }
0x1c1: {  	v7 =	vmul.f32 $1.442695020e+00, v14  }
0x1c2: {  	v8 =	vld [tilespmem:s4+$0x4080];
	(erf) = vpow2.f32 v6  }
0x1c3: {  	v6 =	vmul.f32 $1.442695020e+00, v15;
	(erf) = vpow2.f32 v7  }
0x1c4: {  	v9 =	vld [tilespmem:s4+$0x5080]  }
0x1c5: {  	v7 =	vmul.f32 $1.442695020e+00, v16;
	(erf) = vpow2.f32 v6  }
0x1c6: {  	v10 =	vld [tilespmem:s4+$0x6080]  }
0x1c7: {  	v6 =	vmul.f32 $1.442695020e+00, v8;
	(erf) = vpow2.f32 v7  }
0x1c8: {  	v11 =	vld [tilespmem:s4+$0x7080]  }
0x1c9: {  	v7 =	vmul.f32 $1.442695020e+00, v9;
	(erf) = vpow2.f32 v6  }
0x1ca: {  	v6 =	vld [tilespmem:s4+$0x8080]  }
0x1cb: {  	v51 =	vmul.f32 $1.442695020e+00, v10;
	(erf) = vpow2.f32 v7;
	v52 =	vpop (erf)  }
0x1cc: {  	v7 =	vld [tilespmem:s4+$0x9080];
	v53 =	vpop (erf)  }
0x1cd: {  	v54 =	vmul.f32 $1.442695020e+00, v11;
	(erf) = vpow2.f32 v51;
	v17 =	vadd.f32 v53, v52  }
0x1ce: {  	v12 =	vld [tilespmem:s4+$0xA080];
	v55 =	vpop (erf)  }
0x1cf: {  	v56 =	vmul.f32 $1.442695020e+00, v6;
	(erf) = vpow2.f32 v54;
	v17 =	vadd.f32 v55, v17  }
0x1d0: {  	v18 =	vld [tilespmem:s4+$0xB080];
	v57 =	vpop (erf)  }
0x1d1: {  	v58 =	vmul.f32 $1.442695020e+00, v7;
	(erf) = vpow2.f32 v56;
	v17 =	vadd.f32 v57, v17  }
0x1d2: {  	v19 =	vld [tilespmem:s4+$0xC080];
	v59 =	vpop (erf)  }
0x1d3: {  	v60 =	vmul.f32 $1.442695020e+00, v12;
	(erf) = vpow2.f32 v58;
	v17 =	vadd.f32 v59, v17  }
0x1d4: {  	v20 =	vld [tilespmem:s4+$0xD080];
	v61 =	vpop (erf)  }
0x1d5: {  	v62 =	vmul.f32 $1.442695020e+00, v18;
	(erf) = vpow2.f32 v60;
	v17 =	vadd.f32 v61, v17  }
0x1d6: {  	v21 =	vld [tilespmem:s4+$0xE080];
	v63 =	vpop (erf)  }
0x1d7: {  	v28 =	vmul.f32 $1.442695020e+00, v19;
	(erf) = vpow2.f32 v62;
	v17 =	vadd.f32 v63, v17  }
0x1d8: {  	v22 =	vld [tilespmem:s4+$0xF080];
	v29 =	vpop (erf)  }
0x1d9: {  	v30 =	vmul.f32 $1.442695020e+00, v20;
	(erf) = vpow2.f32 v28;
	v17 =	vadd.f32 v29, v17  }
0x1da: {  	v23 =	vld [tilespmem:s4+$0x10080];
	v31 =	vpop (erf)  }
0x1db: {  	v32 =	vmul.f32 $1.442695020e+00, v21;
	(erf) = vpow2.f32 v30;
	v17 =	vadd.f32 v31, v17  }
0x1dc: {  	v24 =	vld [tilespmem:s4+$0x11080];
	v33 =	vpop (erf)  }
0x1dd: {  	v34 =	vmul.f32 $1.442695020e+00, v22;
	(erf) = vpow2.f32 v32;
	v17 =	vadd.f32 v33, v17  }
0x1de: {  	v35 =	vld [tilespmem:s4+$0x12080];
	v36 =	vpop (erf)  }
0x1df: {  	v37 =	vmul.f32 $1.442695020e+00, v23;
	(erf) = vpow2.f32 v34;
	v17 =	vadd.f32 v36, v17  }
0x1e0: {  	v38 =	vld [tilespmem:s4+$0x13080];
	v39 =	vpop (erf)  }
0x1e1: {  	v40 =	vmul.f32 $1.442695020e+00, v24;
	(erf) = vpow2.f32 v37;
	v17 =	vadd.f32 v39, v17  }
0x1e2: {  	v41 =	vld [tilespmem:s4+$0x14080];
	v42 =	vpop (erf)  }
0x1e3: {  	v43 =	vmul.f32 $1.442695020e+00, v35;
	(erf) = vpow2.f32 v40;
	v17 =	vadd.f32 v42, v17  }
0x1e4: {  	v44 =	vpop (erf)  }
0x1e5: {  	v45 =	vmul.f32 $1.442695020e+00, v38;
	(erf) = vpow2.f32 v43;
	v17 =	vadd.f32 v44, v17  }
0x1e6: {  	v46 =	vpop (erf)  }
0x1e7: {  	v47 =	vmul.f32 $1.442695020e+00, v41;
	(erf) = vpow2.f32 v45;
	v17 =	vadd.f32 v46, v17  }
0x1e8: {  	v48 =	vpop (erf)  }
0x1e9: {  	(erf) = vpow2.f32 v47;
	v17 =	vadd.f32 v48, v17  }
0x1ea: {  	v49 =	vpop (erf)  }
0x1eb: {  	v17 =	vadd.f32 v49, v17  }
0x1ec: {  	v50 =	vpop (erf)  }
0x1ed: {  	v17 =	vadd.f32 v50, v17  }
0x1ee: {  	v51 =	vpop (erf)  }
0x1ef: {  	v17 =	vadd.f32 v51, v17  }
0x1f0: {  	v52 =	vpop (erf)  }
0x1f1: {  	v17 =	vadd.f32 v52, v17  }
0x1f2: {  	v53 =	vpop (erf)  }
0x1f3: {  	v17 =	vadd.f32 v53, v17;
	_ =	sdelay $0x1  }
0x1f4: {  	v28 =	vand.u32 $0x7FFFFF, v17  }
0x1f5: {  	v28 =	vor.u32 $0x3F800000, v28  }
0x1f6: {  	v54 =	vadd.f32 $1.000000000e+00, v28;
	_ =	sdelay $0x1  }
0x1f7: {  	(erf) = vrcp.f32 v54;
	_ =	sdelay $0x1  }
0x1f8: {  	v56 =	vld [tilespmem:s4+$0x15080];
	_ =	sdelay $0x3  }
0x1f9: {  	v55 =	vmax.f32 v13, v14  }
0x1fa: {  	vm9 =	veq.s32 v56, $0x1;
	vm10 =	veq.s32 v56, $0x2;
	vm2 =	veq.s32 v56, $0x4  }
0x1fb: {  	vm11 =	veq.s32 v56, $0x3;
	v60 =	vshll.u32 v56, $0x7;
	v28 =	vadd.f32 $-1.000000000e+00, v28  }
0x1fc: {  	vm12 =	veq.s32 v56, $0x5;
	vm13 =	veq.s32 v56, $0x6;
	vm14 =	veq.s32 v56, $0x7;
	v57 =	vpop (erf)  }
0x1fd: {  	vm15 =	veq.s32 v56, $0x8;
	vm4 =	veq.s32 v56, $0x9;
	v28 =	vmul.f32 v57, v28  }
0x1fe: {  	vm5 =	veq.s32 v56, $0xA;
	vm6 =	veq.s32 v56, $0xB;
	vm7 =	veq.s32 v56, $0xC  }
0x1ff: {  	v13 =	vsel vm9, v14, v13;
	v29 =	vmax.f32 v55, v15;
	v59 =	vmul.f32 v28, v28  }
0x200: {  	vm8 =	veq.s32 v56, $0xD;
	v13 =	vsel vm10, v15, v13;
	v29 =	vmax.f32 v29, v16  }
0x201: {  	v13 =	vsel vm11, v16, v13;
	v29 =	vmax.f32 v29, v8;
	v61 =	vmul.f32 $1.111111120e-01, v59  }
0x202: {  	vm9 =	veq.s32 v56, $0xE;
	v8 =	vsel vm2, v8, v13;
	v29 =	vmax.f32 v29, v9  }
0x203: {  	v8 =	vsel vm12, v9, v8;
	v29 =	vmax.f32 v29, v10;
	v63 =	vadd.f32 $1.428571490e-01, v61  }
0x204: {  	vm10 =	veq.s32 v56, $0xF;
	v8 =	vsel vm13, v10, v8;
	v29 =	vmax.f32 v29, v11  }
0x205: {  	v8 =	vsel vm14, v11, v8;
	v29 =	vmax.f32 v29, v6;
	v10 =	vmul.f32 v63, v59  }
0x206: {  	vm11 =	veq.s32 v56, $0x10;
	v6 =	vsel vm15, v6, v8;
	v29 =	vmax.f32 v29, v7  }
0x207: {  	v6 =	vsel vm4, v7, v6;
	v58 =	vmax.f32 v29, v12;
	v8 =	vadd.f32 $2.000000030e-01, v10  }
0x208: {  	vm12 =	veq.s32 v56, $0x11;
	v6 =	vsel vm5, v12, v6;
	v14 =	vmax.f32 v58, v18  }
0x209: {  	v6 =	vsel vm6, v18, v6;
	v14 =	vmax.f32 v14, v19;
	v7 =	vmul.f32 v8, v59  }
0x20a: {  	vm13 =	veq.s32 v56, $0x13;
	v6 =	vsel vm7, v19, v6;
	v14 =	vmax.f32 v14, v20  }
0x20b: {  	v6 =	vsel vm8, v20, v6;
	v62 =	vmax.f32 v14, v21;
	v7 =	vadd.f32 $3.333333430e-01, v7  }
0x20c: {  	v11 =	vor.u32 v2, v60;
	v6 =	vsel vm9, v21, v6;
	v9 =	vmax.f32 v62, v22  }
0x20d: {  	v6 =	vsel vm10, v22, v6;
	v10 =	vshrl.u32 v17, $0x17;
	v7 =	vmul.f32 v7, v59  }
0x20e: {  	v9 =	vmax.f32 v9, v23;
	v6 =	vsel vm11, v23, v6;
	v8 =	vadd.s32 $0xFFFFFF81, v10  }
0x20f: {  	v10 =	vadd.f32 v28, v28;
	v8 =	vcvt.s32.f32 v8;
	v7 =	vadd.f32 $1.000000000e+00, v7  }
0x210: {  	vm14 =	veq.s32 v56, $0x12;
	v9 =	vmax.f32 v9, v24;
	v6 =	vsel vm12, v24, v6  }
0x211: {  	p1 =	por $0x1, $0x1;
	v9 =	vmax.f32 v9, v35;
	v8 =	vmul.f32 $6.931471820e-01, v8;
	v7 =	vmul.f32 v7, v10  }
.Ltmp1:
0x212: {  	vm15 =	veq.s32 v56, $0x14;
	v6 =	vsel vm14, v35, v6;
	v9 =	vmax.f32 v9, v38;
	(pc) =	sbr.rel @!p1 .LBB2_5-.Ltmp1, $4  }
0x213: {  	v6 =	vsel vm13, v38, v6;
	v7 =	vadd.f32 v7, v8;
	v8 =	vadd.s32 v4, v60  }
0x214: {  	v9 =	vmax.f32 v9, v41;
	v10 =	vsel vm15, v41, v6;
	v6 =	vadd.s32 v5, v60  }
0x215: {  	vm0 =	veq.f32 v10, v9  }
0x216: {  	s5 =	simm.s32 $0x0;
	s4 =	simm.s32 $0x10;
	[tilespmem:v11+s30+$0x0] =	vst.idx.add.f32.msk $0xffff, v3;
	v9 =	vsel vm0, $0x3F800000, v1;
	v7 =	vsub.f32 v10, v7  }
.LBB2_4:
0x217: {  	p0 =	sne.s32 s4, $0x1F0  }
0x218: {  	[tilespmem:v8+s30+$0x0] =	vst.idx.add.f32.msk $0xffff, v9;
	s5 =	sadd.s32 $0x80, s5;
	s6 =	smov.u32 s4;
	s4 =	sadd.s32 $0x10, s4  }
0x219: {  	s6 =	sand.u32 $0x70, s6;
	s7 =	sand.u32 $0xC00, s5;
	[tilespmem:v6+s30+$0x0] =	vst.idx.add.f32.msk $0xffff, v7  }
0x21a: {  	s6 =	sor.u32 s7, s6  }
0x21b: {  	v7 =	vld [tilespmem:s6+$0x80]  }
0x21c: {  	v8 =	vld [tilespmem:s6+$0x1080]  }
0x21d: {  	v9 =	vld [tilespmem:s6+$0x2080]  }
0x21e: {  	v6 =	vld [tilespmem:s6+$0x15080]  }
0x21f: {  	v10 =	vld [tilespmem:s6+$0x3080]  }
0x220: {  	v11 =	vmul.f32 $1.442695020e+00, v7  }
0x221: {  	v12 =	vmax.f32 v7, v8;
	v13 =	vmul.f32 $1.442695020e+00, v8;
	v14 =	vld [tilespmem:s6+$0x4080]  }
0x222: {  	v12 =	vmax.f32 v12, v9;
	v15 =	vmul.f32 $1.442695020e+00, v9;
	(erf) = vpow2.f32 v11  }
0x223: {  	vm0 =	veq.s32 v6, $0x1;
	vm1 =	veq.s32 v6, $0x2;
	v11 =	vld [tilespmem:s6+$0x5080];
	(erf) = vpow2.f32 v13  }
0x224: {  	vm2 =	veq.s32 v6, $0x4;
	v13 =	vmul.f32 $1.442695020e+00, v10;
	(erf) = vpow2.f32 v15  }
0x225: {  	v7 =	vsel vm0, v8, v7;
	v8 =	vmax.f32 v12, v10;
	vm0 =	veq.s32 v6, $0x3;
	v12 =	vld [tilespmem:s6+$0x6080]  }
0x226: {  	v7 =	vsel vm1, v9, v7;
	v9 =	vmul.f32 $1.442695020e+00, v14;
	(erf) = vpow2.f32 v13  }
0x227: {  	v10 =	vsel vm0, v10, v7;
	v8 =	vmax.f32 v8, v14;
	v7 =	vshll.u32 v6, $0x7;
	v13 =	vld [tilespmem:s6+$0x7080]  }
0x228: {  	vm0 =	veq.s32 v6, $0x5;
	v15 =	vmul.f32 $1.442695020e+00, v11;
	(erf) = vpow2.f32 v9  }
0x229: {  	vm1 =	veq.s32 v6, $0x6;
	v9 =	vsel vm2, v14, v10;
	v10 =	vmax.f32 v8, v11;
	v8 =	vld [tilespmem:s6+$0x8080]  }
0x22a: {  	v9 =	vsel vm0, v11, v9;
	v17 =	vmul.f32 $1.442695020e+00, v12;
	(erf) = vpow2.f32 v15  }
0x22b: {  	vm0 =	veq.s32 v6, $0x7;
	v10 =	vmax.f32 v10, v12;
	v11 =	vsel vm1, v12, v9;
	v9 =	vld [tilespmem:s6+$0x9080];
	v12 =	vpop (erf)  }
0x22c: {  	v18 =	vmul.f32 $1.442695020e+00, v13;
	v11 =	vsel vm0, v13, v11;
	v16 =	vpop (erf);
	(erf) = vpow2.f32 v17  }
0x22d: {  	v13 =	vmax.f32 v10, v13;
	v12 =	vadd.f32 v16, v12;
	v10 =	vld [tilespmem:s6+$0xA080];
	v14 =	vpop (erf)  }
0x22e: {  	v16 =	vmax.f32 v13, v8;
	v13 =	vmul.f32 $1.442695020e+00, v8;
	(erf) = vpow2.f32 v18  }
0x22f: {  	v14 =	vadd.f32 v14, v12;
	v12 =	vld [tilespmem:s6+$0xB080];
	v15 =	vpop (erf)  }
0x230: {  	v19 =	vmul.f32 $1.442695020e+00, v9;
	(erf) = vpow2.f32 v13  }
0x231: {  	v14 =	vadd.f32 v15, v14;
	v13 =	vld [tilespmem:s6+$0xC080];
	v15 =	vpop (erf)  }
0x232: {  	v20 =	vmul.f32 $1.442695020e+00, v10;
	(erf) = vpow2.f32 v19  }
0x233: {  	v15 =	vadd.f32 v15, v14;
	v14 =	vld [tilespmem:s6+$0xD080];
	v17 =	vpop (erf)  }
0x234: {  	v21 =	vmul.f32 $1.442695020e+00, v12;
	(erf) = vpow2.f32 v20  }
0x235: {  	v16 =	vmax.f32 v16, v9;
	v17 =	vadd.f32 v17, v15;
	v15 =	vld [tilespmem:s6+$0xE080];
	v18 =	vpop (erf)  }
0x236: {  	v22 =	vmul.f32 $1.442695020e+00, v13;
	(erf) = vpow2.f32 v21  }
0x237: {  	v17 =	vadd.f32 v18, v17;
	v18 =	vmax.f32 v16, v10;
	v16 =	vld [tilespmem:s6+$0xF080];
	v19 =	vpop (erf)  }
0x238: {  	v18 =	vmax.f32 v18, v12;
	v23 =	vmul.f32 $1.442695020e+00, v14;
	(erf) = vpow2.f32 v22  }
0x239: {  	v19 =	vadd.f32 v19, v17;
	v18 =	vmax.f32 v18, v13;
	v17 =	vld [tilespmem:s6+$0x10080];
	v20 =	vpop (erf)  }
0x23a: {  	v18 =	vmax.f32 v18, v14;
	v22 =	vmul.f32 $1.442695020e+00, v15;
	(erf) = vpow2.f32 v23  }
0x23b: {  	v19 =	vadd.f32 v20, v19;
	v20 =	vmax.f32 v18, v15;
	v18 =	vld [tilespmem:s6+$0x11080];
	v21 =	vpop (erf)  }
0x23c: {  	v27 =	vmul.f32 $1.442695020e+00, v16;
	(erf) = vpow2.f32 v22  }
0x23d: {  	v20 =	vmax.f32 v20, v16;
	v22 =	vor.u32 v2, v7;
	v21 =	vadd.f32 v21, v19;
	v19 =	vld [tilespmem:s6+$0x12080];
	v24 =	vpop (erf)  }
0x23e: {  	v25 =	vmax.f32 v20, v17;
	v28 =	vmul.f32 $1.442695020e+00, v17;
	(erf) = vpow2.f32 v27  }
0x23f: {  	v21 =	vadd.f32 v24, v21;
	v20 =	vld [tilespmem:s6+$0x13080];
	v23 =	vpop (erf)  }
0x240: {  	v29 =	vmul.f32 $1.442695020e+00, v18;
	(erf) = vpow2.f32 v28  }
0x241: {  	v25 =	vmax.f32 v25, v18;
	v23 =	vadd.f32 v23, v21;
	v21 =	vld [tilespmem:s6+$0x14080];
	v26 =	vpop (erf)  }
0x242: {  	v27 =	vmul.f32 $1.442695020e+00, v19;
	[tilespmem:v22+s30+$0x0] =	vst.idx.add.f32.msk $0xffff, v3;
	(erf) = vpow2.f32 v29  }
0x243: {  	v22 =	vadd.f32 v26, v23;
	v23 =	vmax.f32 v25, v19;
	v24 =	vpop (erf)  }
0x244: {  	v23 =	vmax.f32 v23, v20;
	v25 =	vmul.f32 $1.442695020e+00, v20;
	(erf) = vpow2.f32 v27  }
0x245: {  	v22 =	vadd.f32 v24, v22;
	v24 =	vpop (erf)  }
0x246: {  	v23 =	vmax.f32 v23, v21;
	v26 =	vmul.f32 $1.442695020e+00, v21;
	(erf) = vpow2.f32 v25  }
0x247: {  	v22 =	vadd.f32 v24, v22;
	v24 =	vpop (erf)  }
0x248: {  	(erf) = vpow2.f32 v26  }
0x249: {  	v22 =	vadd.f32 v24, v22;
	v24 =	vpop (erf);
	_ =	sdelay $0x1  }
0x24a: {  	v22 =	vadd.f32 v24, v22;
	v24 =	vpop (erf);
	_ =	sdelay $0x1  }
0x24b: {  	v22 =	vadd.f32 v24, v22;
	v24 =	vpop (erf);
	_ =	sdelay $0x1  }
0x24c: {  	v22 =	vadd.f32 v24, v22;
	v24 =	vpop (erf);
	_ =	sdelay $0x1  }
0x24d: {  	v22 =	vadd.f32 v24, v22;
	v24 =	vpop (erf);
	_ =	sdelay $0x1  }
0x24e: {  	v22 =	vadd.f32 v24, v22;
	_ =	sdelay $0x1  }
0x24f: {  	v24 =	vshrl.u32 v22, $0x17;
	v22 =	vand.u32 $0x7FFFFF, v22  }
0x250: {  	v24 =	vadd.s32 $0xFFFFFF81, v24;
	v22 =	vor.u32 $0x3F800000, v22  }
0x251: {  	v25 =	vadd.f32 $1.000000000e+00, v22;
	v24 =	vcvt.s32.f32 v24;
	_ =	sdelay $0x1  }
0x252: {  	(erf) = vrcp.f32 v25;
	_ =	sdelay $0x6  }
0x253: {  	v22 =	vadd.f32 $-1.000000000e+00, v22;
	_ =	sdelay $0x1  }
0x254: {  	v25 =	vpop (erf)  }
0x255: {  	v22 =	vmul.f32 v25, v22;
	_ =	sdelay $0x1  }
0x256: {  	v25 =	vmul.f32 v22, v22;
	_ =	sdelay $0x1  }
0x257: {  	v26 =	vmul.f32 $1.111111120e-01, v25;
	_ =	sdelay $0x1  }
0x258: {  	v26 =	vadd.f32 $1.428571490e-01, v26;
	_ =	sdelay $0x1  }
0x259: {  	v26 =	vmul.f32 v26, v25  }
0x25a: {  	vm0 =	veq.s32 v6, $0x8  }
0x25b: {  	v8 =	vsel vm0, v8, v11;
	vm0 =	veq.s32 v6, $0x9;
	v11 =	vadd.f32 $2.000000030e-01, v26  }
0x25c: {  	v8 =	vsel vm0, v9, v8;
	vm0 =	veq.s32 v6, $0xA  }
0x25d: {  	v8 =	vsel vm0, v10, v8;
	vm0 =	veq.s32 v6, $0xB;
	v9 =	vmul.f32 v11, v25  }
0x25e: {  	v8 =	vsel vm0, v12, v8;
	vm0 =	veq.s32 v6, $0xC  }
0x25f: {  	v8 =	vsel vm0, v13, v8;
	vm0 =	veq.s32 v6, $0xD;
	v9 =	vadd.f32 $3.333333430e-01, v9  }
0x260: {  	vm1 =	veq.s32 v6, $0x13;
	v8 =	vsel vm0, v14, v8;
	vm0 =	veq.s32 v6, $0xE  }
0x261: {  	v8 =	vsel vm0, v15, v8;
	vm0 =	veq.s32 v6, $0xF;
	v9 =	vmul.f32 v9, v25  }
0x262: {  	v8 =	vsel vm0, v16, v8;
	vm0 =	veq.s32 v6, $0x10;
	v10 =	vadd.f32 v22, v22  }
0x263: {  	v8 =	vsel vm0, v17, v8;
	vm0 =	veq.s32 v6, $0x11;
	v9 =	vadd.f32 $1.000000000e+00, v9  }
0x264: {  	v8 =	vsel vm0, v18, v8;
	vm0 =	veq.s32 v6, $0x12;
	v11 =	vmul.f32 $6.931471820e-01, v24  }
.Ltmp2:
0x265: {  	v12 =	vsel vm0, v19, v8;
	v8 =	vadd.s32 v4, v7;
	v9 =	vmul.f32 v9, v10;
	(pc) =	sbr.rel @p0 .LBB2_4-.Ltmp2, $4  }
0x266: {  	vm0 =	veq.s32 v6, $0x14;
	v6 =	vadd.s32 v5, v7;
	v10 =	vsel vm1, v20, v12  }
0x267: {  	v7 =	vsel vm0, v21, v10;
	v10 =	vadd.f32 v9, v11  }
0x268: {  	vm0 =	veq.f32 v7, v23  }
0x269: {  	v9 =	vsel vm0, $0x3F800000, v1;
	v7 =	vsub.f32 v7, v10  }
.LBB2_5:
0x26a: {  	_ = 	snop  }
.Ltmp3:
0x26b: {  	_ = 	snop;
	(pc) =	sbr.rel @!p1 .LBB2_6-.Ltmp3, $3  }
0x26c: {  	_ =	sdelay $0x1  }
0x26d: {  	[tilespmem:v8+s30+$0x0] =	vst.idx.add.f32.msk $0xffff, v9  }
0x26e: {  	s4 =	sand.u32 $0x70, s1;
	s5 =	simm.s32 $0x10;
	p0 =	por $0x0, $0x0;
	[tilespmem:v6+s30+$0x0] =	vst.idx.add.f32.msk $0xffff, v7  }
0x26f: {  	p2 =	por $0x1, $0x1  }
.Ltmp4:
0x270: {  	s0 =	sor.u32 s0, s4;
	(pc) =	sbr.rel @!p2 .LBB2_9-.Ltmp4, $4  }
0x271: {  	v7 =	vld [tilespmem:s0+$0x1100]  }
0x272: {  	v9 =	vld [tilespmem:s0+$0x100]  }
0x273: {  	s4 =	sand.u32 $0x70, s5;
	v8 =	vld [tilespmem:s0+$0x2100]  }
0x274: {  	s6 =	simm.s32 $0x20;
	s1 =	simm.s32 $0x80;
	p1 =	por $0x1, $0x1;
	v6 =	vld [tilespmem:s0+$0x3100]  }
.LBB2_8:
0x275: {  	s5 =	smov.u32 s6  }
0x276: {  	s7 =	sand.u32 $0x70, s6;
	s8 =	sand.u32 $0xC00, s1;
	s5 =	sadd.s32 $0x10, s6  }
0x277: {  	p2 =	sne.s32 s6, $0x1F0;
	s6 =	sor.u32 s8, s4;
	v10 =	vmul.f32 $1.442695020e+00, v7;
	s4 =	smov.u32 s7;
	v11 =	vld [tilespmem:s0+$0x4100]  }
0x278: {  	v12 =	vmul.f32 $1.442695020e+00, v9;
	v13 =	vmax.f32 v9, v7  }
0x279: {  	v14 =	vmax.f32 v13, v8;
	v15 =	vmul.f32 $1.442695020e+00, v8;
	v13 =	vld [tilespmem:s0+$0x5100];
	(erf) = vpow2.f32 v10  }
0x27a: {  	v10 =	vmax.f32 v14, v6;
	v17 =	vmul.f32 $1.442695020e+00, v6;
	(erf) = vpow2.f32 v12  }
0x27b: {  	v16 =	vld [tilespmem:s0+$0x6100];
	(erf) = vpow2.f32 v15  }
0x27c: {  	v10 =	vmax.f32 v10, v11;
	v12 =	vmul.f32 $1.442695020e+00, v11  }
0x27d: {  	v14 =	vld [tilespmem:s0+$0x7100];
	(erf) = vpow2.f32 v17  }
0x27e: {  	v10 =	vmax.f32 v10, v13;
	v18 =	vmul.f32 $1.442695020e+00, v13  }
0x27f: {  	v15 =	vld [tilespmem:s0+$0x8100];
	(erf) = vpow2.f32 v12  }
0x280: {  	v12 =	vmul.f32 $1.442695020e+00, v16  }
0x281: {  	v10 =	vmax.f32 v10, v16;
	v17 =	vld [tilespmem:s0+$0x9100];
	(erf) = vpow2.f32 v18  }
0x282: {  	v10 =	vmax.f32 v10, v14;
	v20 =	vmul.f32 $1.442695020e+00, v14;
	v19 =	vpop (erf)  }
0x283: {  	v18 =	vld [tilespmem:s0+$0xA100];
	v21 =	vpop (erf);
	(erf) = vpow2.f32 v12  }
0x284: {  	v12 =	vadd.f32 v19, v21;
	v10 =	vmax.f32 v10, v15;
	v21 =	vmul.f32 $1.442695020e+00, v15;
	v22 =	vpop (erf)  }
0x285: {  	v19 =	vld [tilespmem:s0+$0xB100];
	(erf) = vpow2.f32 v20  }
0x286: {  	v12 =	vadd.f32 v22, v12;
	v10 =	vmax.f32 v10, v17;
	v20 =	vmul.f32 $1.442695020e+00, v17;
	v22 =	vpop (erf)  }
0x287: {  	v23 =	vld [tilespmem:s0+$0xC100];
	(erf) = vpow2.f32 v21  }
0x288: {  	v12 =	vadd.f32 v22, v12;
	v10 =	vmax.f32 v10, v18;
	v21 =	vmul.f32 $1.442695020e+00, v18;
	v22 =	vpop (erf)  }
0x289: {  	v24 =	vld [tilespmem:s0+$0xD100];
	(erf) = vpow2.f32 v20  }
0x28a: {  	v20 =	vadd.f32 v22, v12;
	v10 =	vmax.f32 v10, v19;
	v22 =	vmul.f32 $1.442695020e+00, v19;
	v25 =	vpop (erf)  }
0x28b: {  	v26 =	vld [tilespmem:s0+$0xE100];
	(erf) = vpow2.f32 v21  }
0x28c: {  	v12 =	vld [tilespmem:s0+$0x15100];
	v20 =	vadd.f32 v25, v20;
	v21 =	vmax.f32 v10, v23;
	v10 =	vmul.f32 $1.442695020e+00, v23;
	v25 =	vpop (erf)  }
0x28d: {  	v27 =	vld [tilespmem:s0+$0xF100];
	(erf) = vpow2.f32 v22  }
0x28e: {  	v20 =	vadd.f32 v25, v20;
	v22 =	vmul.f32 $1.442695020e+00, v24;
	v25 =	vpop (erf)  }
0x28f: {  	v28 =	vld [tilespmem:s0+$0x10100];
	(erf) = vpow2.f32 v10  }
0x290: {  	v20 =	vadd.f32 v25, v20;
	v25 =	vmul.f32 $1.442695020e+00, v26;
	v29 =	vpop (erf)  }
0x291: {  	vm0 =	veq.s32 v12, $0x5;
	v30 =	vld [tilespmem:s0+$0x11100];
	v10 =	vshll.u32 v12, $0x7;
	(erf) = vpow2.f32 v22  }
0x292: {  	vm1 =	veq.s32 v12, $0x4;
	v20 =	vadd.f32 v29, v20;
	v22 =	vmul.f32 $1.442695020e+00, v27;
	v29 =	vpop (erf)  }
0x293: {  	vm2 =	veq.s32 v12, $0x2;
	vm3 =	veq.s32 v12, $0x3;
	v31 =	vld [tilespmem:s0+$0x12100];
	(erf) = vpow2.f32 v25  }
0x294: {  	v20 =	vadd.f32 v29, v20;
	v25 =	vmul.f32 $1.442695020e+00, v28;
	v29 =	vor.u32 v2, v10;
	v32 =	vpop (erf)  }
0x295: {  	v21 =	vmax.f32 v21, v24;
	vm4 =	veq.s32 v12, $0x1;
	v33 =	vld [tilespmem:s0+$0x13100];
	(erf) = vpow2.f32 v22  }
0x296: {  	v21 =	vmax.f32 v21, v26;
	v20 =	vadd.f32 v32, v20;
	v22 =	vmul.f32 $1.442695020e+00, v30;
	v32 =	vpop (erf)  }
0x297: {  	v7 =	vsel vm4, v7, v9;
	v9 =	vmax.f32 v21, v27;
	v21 =	vld [tilespmem:s0+$0x14100];
	(erf) = vpow2.f32 v25;
	s0 =	smov.u32 s6  }
0x298: {  	v7 =	vsel vm2, v8, v7;
	v8 =	vadd.f32 v32, v20;
	v20 =	vmul.f32 $1.442695020e+00, v31;
	v25 =	vpop (erf)  }
0x299: {  	v6 =	vsel vm3, v6, v7;
	v7 =	vmax.f32 v9, v28;
	[tilespmem:v29+s30+$0x0] =	vst.idx.add.f32.msk $0xffff, v3;
	(erf) = vpow2.f32 v22  }
0x29a: {  	v6 =	vsel vm1, v11, v6;
	v8 =	vadd.f32 v25, v8;
	v9 =	vmul.f32 $1.442695020e+00, v33;
	v11 =	vpop (erf)  }
0x29b: {  	v6 =	vsel vm0, v13, v6;
	vm0 =	veq.s32 v12, $0x6;
	(erf) = vpow2.f32 v20  }
0x29c: {  	v6 =	vsel vm0, v16, v6;
	v8 =	vadd.f32 v11, v8;
	v11 =	vmul.f32 $1.442695020e+00, v21;
	v13 =	vpop (erf)  }
0x29d: {  	v7 =	vmax.f32 v7, v30;
	vm0 =	veq.s32 v12, $0x7;
	(erf) = vpow2.f32 v9  }
0x29e: {  	v6 =	vsel vm0, v14, v6;
	vm0 =	veq.s32 v12, $0x8;
	v8 =	vadd.f32 v13, v8;
	v9 =	vpop (erf)  }
0x29f: {  	v6 =	vsel vm0, v15, v6;
	vm0 =	veq.s32 v12, $0x9;
	(erf) = vpow2.f32 v11  }
0x2a0: {  	v6 =	vsel vm0, v17, v6;
	vm0 =	veq.s32 v12, $0xA;
	v8 =	vadd.f32 v9, v8;
	v9 =	vpop (erf)  }
0x2a1: {  	v7 =	vmax.f32 v7, v31;
	v6 =	vsel vm0, v18, v6;
	vm0 =	veq.s32 v12, $0xB  }
0x2a2: {  	v6 =	vsel vm0, v19, v6;
	vm0 =	veq.s32 v12, $0xC;
	v8 =	vadd.f32 v9, v8;
	v9 =	vpop (erf)  }
0x2a3: {  	v7 =	vmax.f32 v7, v33;
	v6 =	vsel vm0, v23, v6;
	vm0 =	veq.s32 v12, $0xD  }
0x2a4: {  	v6 =	vsel vm0, v24, v6;
	vm0 =	veq.s32 v12, $0xE;
	v8 =	vadd.f32 v9, v8;
	v9 =	vpop (erf)  }
0x2a5: {  	v7 =	vmax.f32 v7, v21;
	v6 =	vsel vm0, v26, v6;
	vm0 =	veq.s32 v12, $0xF  }
0x2a6: {  	v6 =	vsel vm0, v27, v6;
	vm0 =	veq.s32 v12, $0x10;
	v8 =	vadd.f32 v9, v8;
	v9 =	vpop (erf)  }
0x2a7: {  	v6 =	vsel vm0, v28, v6;
	vm0 =	veq.s32 v12, $0x11  }
0x2a8: {  	v6 =	vsel vm0, v30, v6;
	vm0 =	veq.s32 v12, $0x12;
	v8 =	vadd.f32 v9, v8;
	v9 =	vpop (erf)  }
0x2a9: {  	v11 =	vadd.s32 v4, v10;
	v6 =	vsel vm0, v31, v6;
	vm0 =	veq.s32 v12, $0x13  }
0x2aa: {  	v6 =	vsel vm0, v33, v6;
	vm0 =	veq.s32 v12, $0x14;
	v8 =	vadd.f32 v9, v8  }
0x2ab: {  	v6 =	vsel vm0, v21, v6  }
0x2ac: {  	vm0 =	veq.f32 v6, v7;
	v7 =	vshrl.u32 v8, $0x17;
	v8 =	vand.u32 $0x7FFFFF, v8  }
0x2ad: {  	v9 =	vsel vm0, $0x3F800000, v1;
	v7 =	vadd.s32 $0xFFFFFF81, v7;
	v8 =	vor.u32 $0x3F800000, v8  }
0x2ae: {  	v12 =	vadd.f32 $1.000000000e+00, v8;
	v7 =	vcvt.s32.f32 v7;
	[tilespmem:v11+s30+$0x0] =	vst.idx.add.f32.msk $0xffff, v9;
	_ =	sdelay $0x1  }
0x2af: {  	(erf) = vrcp.f32 v12;
	_ =	sdelay $0x6  }
0x2b0: {  	v8 =	vadd.f32 $-1.000000000e+00, v8;
	_ =	sdelay $0x1  }
0x2b1: {  	v9 =	vpop (erf)  }
0x2b2: {  	v8 =	vmul.f32 v9, v8;
	_ =	sdelay $0x1  }
0x2b3: {  	v9 =	vmul.f32 v8, v8;
	_ =	sdelay $0x1  }
0x2b4: {  	v11 =	vmul.f32 $1.111111120e-01, v9;
	_ =	sdelay $0x1  }
0x2b5: {  	v11 =	vadd.f32 $1.428571490e-01, v11;
	_ =	sdelay $0x1  }
0x2b6: {  	v11 =	vmul.f32 v11, v9;
	_ =	sdelay $0x1  }
0x2b7: {  	v11 =	vadd.f32 $2.000000030e-01, v11;
	_ =	sdelay $0x1  }
0x2b8: {  	v11 =	vmul.f32 v11, v9;
	_ =	sdelay $0x1  }
0x2b9: {  	v11 =	vadd.f32 $3.333333430e-01, v11;
	_ =	sdelay $0x1  }
0x2ba: {  	v9 =	vmul.f32 v11, v9  }
0x2bb: {  	v8 =	vadd.f32 v8, v8  }
0x2bc: {  	v9 =	vadd.f32 $1.000000000e+00, v9  }
0x2bd: {  	v7 =	vmul.f32 $6.931471820e-01, v7  }
0x2be: {  	v8 =	vmul.f32 v9, v8  }
0x2bf: {  	v9 =	vadd.s32 v5, v10  }
0x2c0: {  	v7 =	vadd.f32 v8, v7;
	_ =	sdelay $0x1  }
0x2c1: {  	v6 =	vsub.f32 v6, v7;
	_ =	sdelay $0x1  }
.Ltmp5:
0x2c2: {  	[tilespmem:v9+s30+$0x0] =	vst.idx.add.f32.msk $0xffff, v6;
	(pc) =	sbr.rel @p2 .LBB2_8-.Ltmp5, $4  }
0x2c3: {  	v7 =	vld [tilespmem:s0+$0x1100]  }
0x2c4: {  	v9 =	vld [tilespmem:s0+$0x100]  }
0x2c5: {  	v8 =	vld [tilespmem:s0+$0x2100]  }
0x2c6: {  	s1 =	sadd.s32 $0x80, s1;
	s6 =	smov.u32 s5;
	v6 =	vld [tilespmem:s0+$0x3100]  }
.LBB2_9:
0x2c7: {  	_ = 	snop  }
0x2c8: {  	v10 =	vmul.f32 @p1 $1.442695020e+00, v7  }
0x2c9: {  	v11 =	vmul.f32 @p1 $1.442695020e+00, v9  }
0x2ca: {  	v12 =	vld @p1 [tilespmem:s0+$0x4100];
	(erf) = vpow2.f32 @p1 v10  }
0x2cb: {  	(erf) = vpow2.f32 @p1 v11;
	v11 =	vld @p1 [tilespmem:s0+$0x5100]  }
0x2cc: {  	v10 =	vmul.f32 @p1 $1.442695020e+00, v8;
	_ =	sdelay $0x1  }
0x2cd: {  	v13 =	vmul.f32 @p1 $1.442695020e+00, v6;
	(erf) = vpow2.f32 @p1 v10  }
0x2ce: {  	v10 =	vld @p1 [tilespmem:s0+$0x6100];
	v14 =	vmul.f32 @p1 $1.442695020e+00, v12  }
0x2cf: {  	(erf) = vpow2.f32 @p1 v13;
	v13 =	vld @p1 [tilespmem:s0+$0x7100];
	v15 =	vmul.f32 @p1 $1.442695020e+00, v11;
	_ =	sdelay $0x1  }
0x2d0: {  	(erf) = vpow2.f32 @p1 v14;
	v14 =	vld @p1 [tilespmem:s0+$0x8100];
	_ =	sdelay $0x1  }
0x2d1: {  	v17 =	vld @p1 [tilespmem:s0+$0x9100];
	v16 =	vmul.f32 @p1 $1.442695020e+00, v10;
	(erf) = vpow2.f32 @p1 v15;
	v15 =	vpop @p1 (erf)  }
0x2d2: {  	v19 =	vmul.f32 @p1 $1.442695020e+00, v13;
	v18 =	vpop @p1 (erf)  }
0x2d3: {  	(erf) = vpow2.f32 @p1 v16;
	v16 =	vld @p1 [tilespmem:s0+$0xA100];
	v15 =	vadd.f32 @p1 v15, v18  }
0x2d4: {  	v20 =	vmul.f32 @p1 $1.442695020e+00, v14;
	v18 =	vpop @p1 (erf)  }
0x2d5: {  	(erf) = vpow2.f32 @p1 v19;
	v15 =	vadd.f32 @p1 v18, v15;
	v18 =	vld @p1 [tilespmem:s0+$0xB100]  }
0x2d6: {  	v21 =	vmul.f32 @p1 $1.442695020e+00, v17;
	v19 =	vpop @p1 (erf)  }
0x2d7: {  	(erf) = vpow2.f32 @p1 v20;
	v15 =	vadd.f32 @p1 v19, v15;
	v19 =	vld @p1 [tilespmem:s0+$0xC100]  }
0x2d8: {  	v20 =	vpop @p1 (erf);
	v22 =	vmul.f32 @p1 $1.442695020e+00, v16  }
0x2d9: {  	(erf) = vpow2.f32 @p1 v21;
	v15 =	vadd.f32 @p1 v20, v15;
	v20 =	vld @p1 [tilespmem:s0+$0xD100]  }
0x2da: {  	v21 =	vpop @p1 (erf);
	v23 =	vmul.f32 @p1 $1.442695020e+00, v18  }
0x2db: {  	(erf) = vpow2.f32 @p1 v22;
	v15 =	vadd.f32 @p1 v21, v15;
	v21 =	vld @p1 [tilespmem:s0+$0xE100]  }
0x2dc: {  	v22 =	vpop @p1 (erf);
	v24 =	vmul.f32 @p1 $1.442695020e+00, v19  }
0x2dd: {  	(erf) = vpow2.f32 @p1 v23;
	v15 =	vadd.f32 @p1 v22, v15;
	v22 =	vld @p1 [tilespmem:s0+$0xF100]  }
0x2de: {  	v23 =	vpop @p1 (erf);
	v25 =	vmul.f32 @p1 $1.442695020e+00, v20  }
0x2df: {  	(erf) = vpow2.f32 @p1 v24;
	v15 =	vadd.f32 @p1 v23, v15;
	v23 =	vld @p1 [tilespmem:s0+$0x10100]  }
0x2e0: {  	v24 =	vpop @p1 (erf);
	v26 =	vmul.f32 @p1 $1.442695020e+00, v21  }
0x2e1: {  	(erf) = vpow2.f32 @p1 v25;
	v15 =	vadd.f32 @p1 v24, v15  }
0x2e2: {  	v24 =	vld @p1 [tilespmem:s0+$0x11100];
	v25 =	vpop @p1 (erf);
	v27 =	vmul.f32 @p1 $1.442695020e+00, v22  }
0x2e3: {  	(erf) = vpow2.f32 @p1 v26;
	v15 =	vadd.f32 @p1 v25, v15  }
0x2e4: {  	v25 =	vld @p1 [tilespmem:s0+$0x12100];
	v26 =	vpop @p1 (erf);
	v28 =	vmul.f32 @p1 $1.442695020e+00, v23  }
0x2e5: {  	(erf) = vpow2.f32 @p1 v27;
	v15 =	vadd.f32 @p1 v26, v15  }
0x2e6: {  	v26 =	vld @p1 [tilespmem:s0+$0x13100];
	v27 =	vpop @p1 (erf)  }
0x2e7: {  	v29 =	vmul.f32 @p1 $1.442695020e+00, v24;
	(erf) = vpow2.f32 @p1 v28;
	v15 =	vadd.f32 @p1 v27, v15  }
0x2e8: {  	v27 =	vld @p1 [tilespmem:s0+$0x14100];
	v28 =	vpop @p1 (erf)  }
0x2e9: {  	v30 =	vmul.f32 @p1 $1.442695020e+00, v25;
	(erf) = vpow2.f32 @p1 v29;
	v15 =	vadd.f32 @p1 v28, v15  }
0x2ea: {  	v28 =	vpop @p1 (erf)  }
0x2eb: {  	v29 =	vmul.f32 @p1 $1.442695020e+00, v26;
	(erf) = vpow2.f32 @p1 v30;
	v15 =	vadd.f32 @p1 v28, v15  }
0x2ec: {  	v28 =	vpop @p1 (erf)  }
0x2ed: {  	v30 =	vmul.f32 @p1 $1.442695020e+00, v27;
	(erf) = vpow2.f32 @p1 v29;
	v15 =	vadd.f32 @p1 v28, v15  }
0x2ee: {  	v28 =	vpop @p1 (erf)  }
0x2ef: {  	(erf) = vpow2.f32 @p1 v30;
	v15 =	vadd.f32 @p1 v28, v15  }
0x2f0: {  	v28 =	vpop @p1 (erf)  }
0x2f1: {  	v15 =	vadd.f32 @p1 v28, v15  }
0x2f2: {  	v28 =	vpop @p1 (erf)  }
0x2f3: {  	v15 =	vadd.f32 @p1 v28, v15  }
0x2f4: {  	v28 =	vpop @p1 (erf)  }
0x2f5: {  	v15 =	vadd.f32 @p1 v28, v15  }
0x2f6: {  	v28 =	vpop @p1 (erf)  }
0x2f7: {  	v15 =	vadd.f32 @p1 v28, v15  }
0x2f8: {  	v28 =	vpop @p1 (erf)  }
0x2f9: {  	v15 =	vadd.f32 @p1 v28, v15;
	_ =	sdelay $0x1  }
0x2fa: {  	v28 =	vand.u32 @p1 $0x7FFFFF, v15  }
0x2fb: {  	v28 =	vor.u32 @p1 $0x3F800000, v28  }
0x2fc: {  	v29 =	vadd.f32 @p1 $1.000000000e+00, v28;
	_ =	sdelay $0x1  }
0x2fd: {  	(erf) = vrcp.f32 @p1 v29  }
0x2fe: {  	v30 =	vmax.f32 @p1 v9, v7  }
0x2ff: {  	v30 =	vmax.f32 @p1 v30, v8  }
0x300: {  	v29 =	vmax.f32 @p1 v30, v6;
	v30 =	vld @p1 [tilespmem:s0+$0x15100]  }
0x301: {  	v29 =	vmax.f32 @p1 v29, v12  }
0x302: {  	v29 =	vmax.f32 @p1 v29, v11  }
0x303: {  	v29 =	vmax.f32 @p1 v29, v10  }
0x304: {  	v29 =	vmax.f32 @p1 v29, v13  }
0x305: {  	v28 =	vadd.f32 @p1 $-1.000000000e+00, v28;
	v29 =	vmax.f32 @p1 v29, v14;
	vm0 =	veq.s32 @p1 v30, $0x1  }
0x306: {  	vm1 =	veq.s32 @p1 v30, $0x2;
	v29 =	vmax.f32 @p1 v29, v17;
	v7 =	vsel @p1 vm0, v7, v9;
	v31 =	vpop @p1 (erf)  }
0x307: {  	vm0 =	veq.s32 @p1 v30, $0x3;
	v29 =	vmax.f32 @p1 v29, v16;
	v9 =	vmul.f32 @p1 v31, v28  }
0x308: {  	v7 =	vsel @p1 vm1, v8, v7;
	vm1 =	veq.s32 @p1 v30, $0x4;
	v8 =	vshll.u32 @p1 v30, $0x7  }
0x309: {  	v29 =	vmax.f32 @p1 v29, v18;
	v6 =	vsel @p1 vm0, v6, v7;
	v7 =	vmul.f32 @p1 v9, v9  }
0x30a: {  	vm0 =	veq.s32 @p1 v30, $0x5;
	v6 =	vsel @p1 vm1, v12, v6;
	v28 =	vmax.f32 @p1 v29, v19  }
0x30b: {  	v6 =	vsel @p1 vm0, v11, v6;
	vm0 =	veq.s32 @p1 v30, $0x6;
	v11 =	vmul.f32 @p1 $1.111111120e-01, v7  }
0x30c: {  	v12 =	vmax.f32 @p1 v28, v20;
	v6 =	vsel @p1 vm0, v10, v6;
	vm0 =	veq.s32 @p1 v30, $0x7  }
0x30d: {  	v6 =	vsel @p1 vm0, v13, v6;
	vm0 =	veq.s32 @p1 v30, $0x8;
	v10 =	vadd.f32 @p1 $1.428571490e-01, v11  }
0x30e: {  	v13 =	vshrl.u32 @p1 v15, $0x17;
	v6 =	vsel @p1 vm0, v14, v6;
	vm0 =	veq.s32 @p1 v30, $0x9  }
0x30f: {  	v6 =	vsel @p1 vm0, v17, v6;
	vm0 =	veq.s32 @p1 v30, $0xA;
	v10 =	vmul.f32 @p1 v10, v7  }
0x310: {  	v9 =	vadd.f32 @p1 v9, v9;
	v6 =	vsel @p1 vm0, v16, v6;
	vm0 =	veq.s32 @p1 v30, $0xB  }
0x311: {  	v11 =	vmax.f32 @p1 v12, v21;
	v6 =	vsel @p1 vm0, v18, v6;
	v10 =	vadd.f32 @p1 $2.000000030e-01, v10  }
0x312: {  	vm0 =	veq.s32 @p1 v30, $0xC;
	v12 =	vor.u32 @p1 v2, v8;
	v11 =	vmax.f32 @p1 v11, v22  }
0x313: {  	v6 =	vsel @p1 vm0, v19, v6;
	vm0 =	veq.s32 @p1 v30, $0xD;
	v10 =	vmul.f32 @p1 v10, v7  }
0x314: {  	v11 =	vmax.f32 @p1 v11, v23;
	v6 =	vsel @p1 vm0, v20, v6;
	vm0 =	veq.s32 @p1 v30, $0xE  }
0x315: {  	v6 =	vsel @p1 vm0, v21, v6;
	vm0 =	veq.s32 @p1 v30, $0xF;
	v10 =	vadd.f32 @p1 $3.333333430e-01, v10  }
0x316: {  	v11 =	vmax.f32 @p1 v11, v24;
	v6 =	vsel @p1 vm0, v22, v6;
	vm0 =	veq.s32 @p1 v30, $0x10  }
0x317: {  	v6 =	vsel @p1 vm0, v23, v6;
	vm0 =	veq.s32 @p1 v30, $0x11;
	v7 =	vmul.f32 @p1 v10, v7  }
0x318: {  	v11 =	vmax.f32 @p1 v11, v25;
	v6 =	vsel @p1 vm0, v24, v6;
	v10 =	vadd.s32 @p1 $0xFFFFFF81, v13  }
0x319: {  	vm0 =	veq.s32 @p1 v30, $0x12;
	v10 =	vcvt.s32.f32 @p1 v10;
	v7 =	vadd.f32 @p1 $1.000000000e+00, v7  }
0x31a: {  	v11 =	vmax.f32 @p1 v11, v26;
	v6 =	vsel @p1 vm0, v25, v6;
	vm0 =	veq.s32 @p1 v30, $0x13  }
0x31b: {  	v13 =	vadd.s32 @p1 v4, v8;
	v10 =	vmul.f32 @p1 $6.931471820e-01, v10;
	v7 =	vmul.f32 @p1 v7, v9  }
0x31c: {  	v6 =	vsel @p1 vm0, v26, v6;
	vm0 =	veq.s32 @p1 v30, $0x14;
	v8 =	vadd.s32 @p1 v5, v8  }
0x31d: {  	v6 =	vsel @p1 vm0, v27, v6;
	v9 =	vmax.f32 @p1 v11, v27;
	v7 =	vadd.f32 @p1 v7, v10  }
0x31e: {  	vm0 =	veq.f32 @p1 v6, v9  }
0x31f: {  	[tilespmem:v12+s30+$0x0] =	vst.idx.add.f32.msk @p1 $0xffff, v3;
	v9 =	vsel @p1 vm0, $0x3F800000, v1;
	v6 =	vsub.f32 @p1 v6, v7  }
0x320: {  	s12 =	sand.u32 $0xC00, s1;
	[tilespmem:v13+s30+$0x0] =	vst.idx.add.f32.msk @p1 $0xffff, v9  }
0x321: {  	s0 =	sor.u32 s12, s4;
	[tilespmem:v8+s30+$0x0] =	vst.idx.add.f32.msk @p1 $0xffff, v6  }
0x322: {  	v6 =	vld [tilespmem:s0+$0x1100]  }
0x323: {  	v7 =	vld [tilespmem:s0+$0x100];
	_ =	sdelay $0x1  }
0x324: {  	v8 =	vld [tilespmem:s0+$0x2100];
	_ =	sdelay $0x1  }
0x325: {  	v9 =	vld [tilespmem:s0+$0x3100];
	v35 =	vmul.f32 $1.442695020e+00, v6  }
0x326: {  	v36 =	vmul.f32 $1.442695020e+00, v7  }
0x327: {  	v12 =	vld [tilespmem:s0+$0x4100];
	(erf) = vpow2.f32 v35  }
0x328: {  	v37 =	vmul.f32 $1.442695020e+00, v8;
	(erf) = vpow2.f32 v36  }
0x329: {  	v11 =	vld [tilespmem:s0+$0x5100]  }
0x32a: {  	v38 =	vmul.f32 $1.442695020e+00, v9;
	(erf) = vpow2.f32 v37  }
0x32b: {  	v10 =	vld [tilespmem:s0+$0x6100]  }
0x32c: {  	v39 =	vmul.f32 $1.442695020e+00, v12;
	(erf) = vpow2.f32 v38  }
0x32d: {  	v13 =	vld [tilespmem:s0+$0x7100]  }
0x32e: {  	v40 =	vmul.f32 $1.442695020e+00, v11;
	(erf) = vpow2.f32 v39  }
0x32f: {  	v14 =	vld [tilespmem:s0+$0x8100]  }
0x330: {  	v41 =	vmul.f32 $1.442695020e+00, v10;
	(erf) = vpow2.f32 v40;
	v42 =	vpop (erf)  }
0x331: {  	v17 =	vld [tilespmem:s0+$0x9100];
	v43 =	vpop (erf)  }
0x332: {  	v44 =	vmul.f32 $1.442695020e+00, v13;
	(erf) = vpow2.f32 v41;
	v15 =	vadd.f32 v42, v43  }
0x333: {  	v16 =	vld [tilespmem:s0+$0xA100];
	v45 =	vpop (erf)  }
0x334: {  	v46 =	vmul.f32 $1.442695020e+00, v14;
	(erf) = vpow2.f32 v44;
	v15 =	vadd.f32 v45, v15  }
0x335: {  	v18 =	vld [tilespmem:s0+$0xB100];
	v47 =	vpop (erf)  }
0x336: {  	v48 =	vmul.f32 $1.442695020e+00, v17;
	(erf) = vpow2.f32 v46;
	v15 =	vadd.f32 v47, v15  }
0x337: {  	v19 =	vld [tilespmem:s0+$0xC100];
	v49 =	vpop (erf)  }
0x338: {  	v50 =	vmul.f32 $1.442695020e+00, v16;
	(erf) = vpow2.f32 v48;
	v15 =	vadd.f32 v49, v15  }
0x339: {  	v20 =	vld [tilespmem:s0+$0xD100];
	v51 =	vpop (erf)  }
0x33a: {  	v52 =	vmul.f32 $1.442695020e+00, v18;
	(erf) = vpow2.f32 v50;
	v15 =	vadd.f32 v51, v15  }
0x33b: {  	v21 =	vld [tilespmem:s0+$0xE100];
	v53 =	vpop (erf)  }
0x33c: {  	v54 =	vmul.f32 $1.442695020e+00, v19;
	(erf) = vpow2.f32 v52;
	v15 =	vadd.f32 v53, v15  }
0x33d: {  	v22 =	vld [tilespmem:s0+$0xF100];
	v55 =	vpop (erf)  }
0x33e: {  	v56 =	vmul.f32 $1.442695020e+00, v20;
	(erf) = vpow2.f32 v54;
	v15 =	vadd.f32 v55, v15  }
0x33f: {  	v23 =	vld [tilespmem:s0+$0x10100];
	v57 =	vpop (erf)  }
0x340: {  	v58 =	vmul.f32 $1.442695020e+00, v21;
	(erf) = vpow2.f32 v56;
	v15 =	vadd.f32 v57, v15  }
0x341: {  	v24 =	vld [tilespmem:s0+$0x11100];
	v59 =	vpop (erf)  }
0x342: {  	v60 =	vmul.f32 $1.442695020e+00, v22;
	(erf) = vpow2.f32 v58;
	v15 =	vadd.f32 v59, v15  }
0x343: {  	v25 =	vld [tilespmem:s0+$0x12100];
	v61 =	vpop (erf)  }
0x344: {  	v62 =	vmul.f32 $1.442695020e+00, v23;
	(erf) = vpow2.f32 v60;
	v15 =	vadd.f32 v61, v15  }
0x345: {  	v63 =	vld [tilespmem:s0+$0x13100];
	v33 =	vpop (erf)  }
0x346: {  	v34 =	vmul.f32 $1.442695020e+00, v24;
	(erf) = vpow2.f32 v62;
	v15 =	vadd.f32 v33, v15  }
0x347: {  	v35 =	vld [tilespmem:s0+$0x14100];
	v36 =	vpop (erf)  }
0x348: {  	v37 =	vmul.f32 $1.442695020e+00, v25;
	(erf) = vpow2.f32 v34;
	v15 =	vadd.f32 v36, v15  }
0x349: {  	v38 =	vpop (erf)  }
0x34a: {  	v39 =	vmul.f32 $1.442695020e+00, v63;
	(erf) = vpow2.f32 v37;
	v15 =	vadd.f32 v38, v15  }
0x34b: {  	v40 =	vpop (erf)  }
0x34c: {  	v41 =	vmul.f32 $1.442695020e+00, v35;
	(erf) = vpow2.f32 v39;
	v15 =	vadd.f32 v40, v15  }
0x34d: {  	v42 =	vpop (erf)  }
0x34e: {  	(erf) = vpow2.f32 v41;
	v15 =	vadd.f32 v42, v15  }
0x34f: {  	v43 =	vpop (erf)  }
0x350: {  	v15 =	vadd.f32 v43, v15  }
0x351: {  	v44 =	vpop (erf)  }
0x352: {  	v15 =	vadd.f32 v44, v15  }
0x353: {  	v45 =	vpop (erf)  }
0x354: {  	v15 =	vadd.f32 v45, v15  }
0x355: {  	v46 =	vpop (erf)  }
0x356: {  	v15 =	vadd.f32 v46, v15  }
0x357: {  	v47 =	vpop (erf)  }
0x358: {  	v15 =	vadd.f32 v47, v15;
	_ =	sdelay $0x1  }
0x359: {  	v28 =	vand.u32 $0x7FFFFF, v15  }
0x35a: {  	v28 =	vor.u32 $0x3F800000, v28  }
0x35b: {  	v48 =	vadd.f32 $1.000000000e+00, v28;
	_ =	sdelay $0x1  }
0x35c: {  	(erf) = vrcp.f32 v48  }
0x35d: {  	v49 =	vmax.f32 v7, v6  }
0x35e: {  	v30 =	vmax.f32 v49, v8  }
0x35f: {  	v50 =	vmax.f32 v30, v9;
	v51 =	vld [tilespmem:s0+$0x15100]  }
0x360: {  	v29 =	vmax.f32 v50, v12  }
0x361: {  	v29 =	vmax.f32 v29, v11  }
0x362: {  	v29 =	vmax.f32 v29, v10  }
0x363: {  	v29 =	vmax.f32 v29, v13  }
0x364: {  	v29 =	vmax.f32 v29, v14;
	vm8 =	veq.s32 v51, $0x1;
	v28 =	vadd.f32 $-1.000000000e+00, v28  }
0x365: {  	vm9 =	veq.s32 v51, $0x2;
	vm10 =	veq.s32 v51, $0x3;
	vm11 =	veq.s32 v51, $0x4;
	v52 =	vpop (erf)  }
0x366: {  	vm12 =	veq.s32 v51, $0x5;
	v6 =	vsel vm8, v6, v7;
	v7 =	vmul.f32 v52, v28  }
0x367: {  	v54 =	vshll.u32 v51, $0x7;
	vm13 =	veq.s32 v51, $0x6;
	vm14 =	veq.s32 v51, $0x7  }
0x368: {  	vm15 =	veq.s32 v51, $0x8;
	v6 =	vsel vm9, v8, v6;
	v8 =	vmul.f32 v7, v7  }
0x369: {  	vm4 =	veq.s32 v51, $0x9;
	vm5 =	veq.s32 v51, $0xA;
	vm6 =	veq.s32 v51, $0xB  }
0x36a: {  	vm7 =	veq.s32 v51, $0xC;
	v6 =	vsel vm10, v9, v6;
	v55 =	vmul.f32 $1.111111120e-01, v8  }
0x36b: {  	v29 =	vmax.f32 v29, v17;
	vm8 =	veq.s32 v51, $0xD;
	v6 =	vsel vm11, v12, v6  }
0x36c: {  	v29 =	vmax.f32 v29, v16;
	v6 =	vsel vm12, v11, v6;
	v57 =	vadd.f32 $1.428571490e-01, v55  }
0x36d: {  	vm9 =	veq.s32 v51, $0xE;
	v29 =	vmax.f32 v29, v18;
	v6 =	vsel vm13, v10, v6  }
0x36e: {  	vm10 =	veq.s32 v51, $0xF;
	v6 =	vsel vm14, v13, v6;
	v10 =	vmul.f32 v57, v8  }
0x36f: {  	v59 =	vor.u32 v2, v54;
	v62 =	vadd.s32 v4, v54;
	v6 =	vsel vm15, v14, v6  }
0x370: {  	v53 =	vmax.f32 v29, v19;
	v6 =	vsel vm4, v17, v6;
	v10 =	vadd.f32 $2.000000030e-01, v10  }
0x371: {  	vm11 =	veq.s32 v51, $0x10;
	v56 =	vmax.f32 v53, v20;
	v6 =	vsel vm5, v16, v6  }
0x372: {  	vm12 =	veq.s32 v51, $0x11;
	v6 =	vsel vm6, v18, v6;
	v10 =	vmul.f32 v10, v8  }
0x373: {  	v58 =	vmax.f32 v56, v21;
	vm13 =	veq.s32 v51, $0x12;
	v6 =	vsel vm7, v19, v6  }
0x374: {  	v11 =	vmax.f32 v58, v22;
	v6 =	vsel vm8, v20, v6;
	v10 =	vadd.f32 $3.333333430e-01, v10  }
0x375: {  	vm14 =	veq.s32 v51, $0x13;
	v11 =	vmax.f32 v11, v23;
	v6 =	vsel vm9, v21, v6  }
0x376: {  	v6 =	vsel vm10, v22, v6;
	v60 =	vshrl.u32 v15, $0x17;
	v8 =	vmul.f32 v10, v8  }
0x377: {  	v11 =	vmax.f32 v11, v24;
	v6 =	vsel vm11, v23, v6;
	v61 =	vadd.s32 $0xFFFFFF81, v60  }
0x378: {  	v7 =	vadd.f32 v7, v7;
	v10 =	vcvt.s32.f32 v61;
	v8 =	vadd.f32 $1.000000000e+00, v8  }
0x379: {  	vm15 =	veq.s32 v51, $0x14;
	v11 =	vmax.f32 v11, v25;
	v6 =	vsel vm12, v24, v6  }
0x37a: {  	v6 =	vsel vm13, v25, v6;
	v10 =	vmul.f32 $6.931471820e-01, v10;
	v7 =	vmul.f32 v8, v7  }
0x37b: {  	p1 =	por $0x1, $0x1;
	v11 =	vmax.f32 v11, v63;
	v6 =	vsel vm14, v63, v6;
	v8 =	vadd.s32 v5, v54  }
.Ltmp6:
0x37c: {  	v63 =	vmax.f32 v11, v35;
	v6 =	vsel vm15, v35, v6;
	v7 =	vadd.f32 v7, v10;
	(pc) =	sbr.rel @!p1 .LBB2_13-.Ltmp6, $4  }
0x37d: {  	vm0 =	veq.f32 v6, v63  }
0x37e: {  	s1 =	simm.s32 $0x0;
	[tilespmem:v59+s30+$0x0] =	vst.idx.add.f32.msk $0xffff, v3;
	v9 =	vsel vm0, $0x3F800000, v1;
	v6 =	vsub.f32 v6, v7  }
0x37f: {  	s6 =	simm.s32 $0x0;
	s5 =	sand.u32 $0x70, s1;
	[tilespmem:v62+s30+$0x0] =	vst.idx.add.f32.msk $0xffff, v9  }
0x380: {  	s7 =	simm.s32 $0x0;
	s4 =	sand.u32 $0xC00, s1;
	s0 =	smov.u32 s5;
	[tilespmem:v8+s30+$0x0] =	vst.idx.add.f32.msk $0xffff, v6  }
0x381: {  	s0 =	sor.u32 s4, s1;
	s6 =	sor.u32 s5, s4  }
0x382: {  	s0 =	sor.u32 $0x180, s0;
	v6 =	vld [tilespmem:s6+$0x1180]  }
0x383: {  	v7 =	vld [tilespmem:s0+$0x0];
	_ =	sdelay $0x1  }
0x384: {  	v8 =	vld [tilespmem:s6+$0x2180];
	_ =	sdelay $0x1  }
0x385: {  	v10 =	vld [tilespmem:s6+$0x3180];
	v9 =	vmul.f32 $1.442695020e+00, v6  }
0x386: {  	v11 =	vmul.f32 $1.442695020e+00, v7  }
0x387: {  	v12 =	vld [tilespmem:s6+$0x4180];
	(erf) = vpow2.f32 v9  }
0x388: {  	v52 =	vmul.f32 $1.442695020e+00, v8;
	(erf) = vpow2.f32 v11  }
0x389: {  	v11 =	vld [tilespmem:s6+$0x5180]  }
0x38a: {  	v13 =	vmul.f32 $1.442695020e+00, v10;
	(erf) = vpow2.f32 v52  }
0x38b: {  	v9 =	vld [tilespmem:s6+$0x6180]  }
0x38c: {  	v14 =	vmul.f32 $1.442695020e+00, v12;
	(erf) = vpow2.f32 v13  }
0x38d: {  	v13 =	vld [tilespmem:s6+$0x7180]  }
0x38e: {  	(erf) = vpow2.f32 v14;
	v15 =	vmul.f32 $1.442695020e+00, v11  }
0x38f: {  	v14 =	vld [tilespmem:s6+$0x8180]  }
0x390: {  	v16 =	vmul.f32 $1.442695020e+00, v9;
	v17 =	vpop (erf);
	(erf) = vpow2.f32 v15  }
0x391: {  	v15 =	vld [tilespmem:s6+$0x9180];
	v18 =	vpop (erf)  }
0x392: {  	v53 =	vmul.f32 $1.442695020e+00, v13;
	(erf) = vpow2.f32 v16;
	v17 =	vadd.f32 v17, v18  }
0x393: {  	v16 =	vld [tilespmem:s6+$0xA180];
	v19 =	vpop (erf)  }
0x394: {  	v54 =	vmul.f32 $1.442695020e+00, v14;
	(erf) = vpow2.f32 v53;
	v17 =	vadd.f32 v19, v17  }
0x395: {  	v18 =	vld [tilespmem:s6+$0xB180];
	v20 =	vpop (erf)  }
0x396: {  	(erf) = vpow2.f32 v54;
	v55 =	vmul.f32 $1.442695020e+00, v15;
	v17 =	vadd.f32 v20, v17  }
0x397: {  	v19 =	vld [tilespmem:s6+$0xC180];
	v21 =	vpop (erf)  }
0x398: {  	v56 =	vmul.f32 $1.442695020e+00, v16;
	(erf) = vpow2.f32 v55;
	v17 =	vadd.f32 v21, v17  }
0x399: {  	v57 =	vld [tilespmem:s6+$0xD180];
	v22 =	vpop (erf)  }
0x39a: {  	v58 =	vmul.f32 $1.442695020e+00, v18;
	(erf) = vpow2.f32 v56;
	v17 =	vadd.f32 v22, v17  }
0x39b: {  	v59 =	vld [tilespmem:s6+$0xE180];
	v23 =	vpop (erf)  }
0x39c: {  	v60 =	vmul.f32 $1.442695020e+00, v19;
	(erf) = vpow2.f32 v58;
	v17 =	vadd.f32 v23, v17  }
0x39d: {  	v61 =	vld [tilespmem:s6+$0xF180];
	v24 =	vpop (erf)  }
0x39e: {  	v62 =	vmul.f32 $1.442695020e+00, v57;
	(erf) = vpow2.f32 v60;
	v17 =	vadd.f32 v24, v17  }
0x39f: {  	v63 =	vld [tilespmem:s6+$0x10180];
	v25 =	vpop (erf)  }
0x3a0: {  	v33 =	vmul.f32 $1.442695020e+00, v59;
	(erf) = vpow2.f32 v62;
	v17 =	vadd.f32 v25, v17  }
0x3a1: {  	v34 =	vld [tilespmem:s6+$0x11180];
	v26 =	vpop (erf)  }
0x3a2: {  	v35 =	vmul.f32 $1.442695020e+00, v61;
	(erf) = vpow2.f32 v33;
	v17 =	vadd.f32 v26, v17  }
0x3a3: {  	v36 =	vld [tilespmem:s6+$0x12180];
	v27 =	vpop (erf)  }
0x3a4: {  	v37 =	vmul.f32 $1.442695020e+00, v63;
	(erf) = vpow2.f32 v35;
	v17 =	vadd.f32 v27, v17  }
0x3a5: {  	v38 =	vld [tilespmem:s6+$0x13180];
	v28 =	vpop (erf)  }
0x3a6: {  	v39 =	vmul.f32 $1.442695020e+00, v34;
	(erf) = vpow2.f32 v37;
	v17 =	vadd.f32 v28, v17  }
0x3a7: {  	v40 =	vld [tilespmem:s6+$0x14180];
	v29 =	vpop (erf)  }
0x3a8: {  	v41 =	vmul.f32 $1.442695020e+00, v36;
	(erf) = vpow2.f32 v39;
	v17 =	vadd.f32 v29, v17  }
0x3a9: {  	v42 =	vpop (erf)  }
0x3aa: {  	v43 =	vmul.f32 $1.442695020e+00, v38;
	(erf) = vpow2.f32 v41;
	v17 =	vadd.f32 v42, v17  }
0x3ab: {  	v44 =	vpop (erf)  }
0x3ac: {  	v45 =	vmul.f32 $1.442695020e+00, v40;
	(erf) = vpow2.f32 v43;
	v17 =	vadd.f32 v44, v17  }
0x3ad: {  	v46 =	vpop (erf)  }
0x3ae: {  	(erf) = vpow2.f32 v45;
	v17 =	vadd.f32 v46, v17  }
0x3af: {  	v47 =	vpop (erf)  }
0x3b0: {  	v17 =	vadd.f32 v47, v17  }
0x3b1: {  	v48 =	vpop (erf)  }
0x3b2: {  	v17 =	vadd.f32 v48, v17  }
0x3b3: {  	v49 =	vpop (erf)  }
0x3b4: {  	v17 =	vadd.f32 v49, v17  }
0x3b5: {  	v50 =	vpop (erf)  }
0x3b6: {  	v17 =	vadd.f32 v50, v17  }
0x3b7: {  	v51 =	vpop (erf)  }
0x3b8: {  	v17 =	vadd.f32 v51, v17;
	_ =	sdelay $0x1  }
0x3b9: {  	v28 =	vand.u32 $0x7FFFFF, v17  }
0x3ba: {  	v28 =	vor.u32 $0x3F800000, v28  }
0x3bb: {  	v52 =	vld [tilespmem:s0+$0x15000];
	v30 =	vadd.f32 $1.000000000e+00, v28;
	_ =	sdelay $0x1  }
0x3bc: {  	(erf) = vrcp.f32 v30;
	_ =	sdelay $0x2  }
0x3bd: {  	vm0 =	veq.s32 v52, $0x1;
	vm10 =	veq.s32 v52, $0x2;
	vm11 =	veq.s32 v52, $0x3  }
0x3be: {  	vm12 =	veq.s32 v52, $0x4;
	vm13 =	veq.s32 v52, $0x5;
	vm14 =	veq.s32 v52, $0x6  }
0x3bf: {  	vm15 =	veq.s32 v52, $0x7;
	vm4 =	veq.s32 v52, $0x8;
	vm1 =	veq.s32 v52, $0x9  }
0x3c0: {  	vm5 =	veq.s32 v52, $0xA;
	vm6 =	veq.s32 v52, $0xB;
	vm7 =	veq.s32 v52, $0xC  }
0x3c1: {  	vm8 =	veq.s32 v52, $0xD;
	v53 =	vmax.f32 v7, v6;
	v6 =	vsel vm0, v6, v7  }
0x3c2: {  	v7 =	vmax.f32 v53, v8;
	v6 =	vsel vm10, v8, v6;
	v8 =	vadd.f32 $-1.000000000e+00, v28  }
0x3c3: {  	vm9 =	veq.s32 v52, $0xE;
	vm10 =	veq.s32 v52, $0xF;
	v7 =	vmax.f32 v7, v10;
	v54 =	vpop (erf)  }
0x3c4: {  	v6 =	vsel vm11, v10, v6;
	v7 =	vmax.f32 v7, v12;
	v8 =	vmul.f32 v54, v8  }
0x3c5: {  	vm11 =	veq.s32 v52, $0x11;
	v6 =	vsel vm12, v12, v6;
	v7 =	vmax.f32 v7, v11  }
0x3c6: {  	v6 =	vsel vm13, v11, v6;
	v7 =	vmax.f32 v7, v9;
	v55 =	vmul.f32 v8, v8  }
0x3c7: {  	vm12 =	veq.s32 v52, $0x10;
	v6 =	vsel vm14, v9, v6;
	v7 =	vmax.f32 v7, v13  }
0x3c8: {  	v6 =	vsel vm15, v13, v6;
	v7 =	vmax.f32 v7, v14;
	v56 =	vmul.f32 $1.111111120e-01, v55  }
0x3c9: {  	vm13 =	veq.s32 v52, $0x12;
	v6 =	vsel vm4, v14, v6;
	v7 =	vmax.f32 v7, v15  }
0x3ca: {  	v6 =	vsel vm1, v15, v6;
	v7 =	vmax.f32 v7, v16;
	v10 =	vadd.f32 $1.428571490e-01, v56  }
0x3cb: {  	vm14 =	veq.s32 v52, $0x13;
	v6 =	vsel vm5, v16, v6;
	v7 =	vmax.f32 v7, v18  }
0x3cc: {  	v6 =	vsel vm6, v18, v6;
	v7 =	vmax.f32 v7, v19;
	v10 =	vmul.f32 v10, v55  }
0x3cd: {  	vm15 =	veq.s32 v52, $0x14;
	v6 =	vsel vm7, v19, v6;
	v7 =	vmax.f32 v7, v57  }
0x3ce: {  	v6 =	vsel vm8, v57, v6;
	v7 =	vmax.f32 v7, v59;
	v10 =	vadd.f32 $2.000000030e-01, v10  }
0x3cf: {  	v57 =	vshll.u32 v52, $0x7;
	v6 =	vsel vm9, v59, v6;
	v7 =	vmax.f32 v7, v61  }
0x3d0: {  	v6 =	vsel vm10, v61, v6;
	v7 =	vmax.f32 v7, v63;
	v10 =	vmul.f32 v10, v55  }
0x3d1: {  	v58 =	vor.u32 v2, v57;
	v6 =	vsel vm12, v63, v6;
	v7 =	vmax.f32 v7, v34  }
0x3d2: {  	v6 =	vsel vm11, v34, v6;
	v7 =	vmax.f32 v7, v36;
	v10 =	vadd.f32 $3.333333430e-01, v10  }
0x3d3: {  	v59 =	vadd.s32 v4, v57;
	v6 =	vsel vm13, v36, v6;
	v7 =	vmax.f32 v7, v38  }
0x3d4: {  	v6 =	vsel vm14, v38, v6;
	v60 =	vshrl.u32 v17, $0x17;
	v9 =	vmul.f32 v10, v55  }
0x3d5: {  	v7 =	vmax.f32 v7, v40;
	v63 =	vsel vm15, v40, v6;
	v61 =	vadd.s32 $0xFFFFFF81, v60  }
0x3d6: {  	v8 =	vadd.f32 v8, v8;
	v10 =	vcvt.s32.f32 v61;
	v9 =	vadd.f32 $1.000000000e+00, v9  }
0x3d7: {  	p2 =	por $0x1, $0x1;
	vm0 =	veq.f32 v63, v7  }
.Ltmp7:
0x3d8: {  	[tilespmem:v58+s30+$0x0] =	vst.idx.add.f32.msk $0xffff, v3;
	v6 =	vsel vm0, $0x3F800000, v1;
	v62 =	vmul.f32 $6.931471820e-01, v10;
	v8 =	vmul.f32 v9, v8;
	(pc) =	sbr.rel @!p2 .LBB2_11-.Ltmp7, $4  }
0x3d9: {  	[tilespmem:v59+s30+$0x0] =	vst.idx.add.f32.msk $0xffff, v6;
	v6 =	vadd.s32 v5, v57  }
0x3da: {  	v7 =	vadd.f32 v8, v62  }
0x3db: {  	s9 =	simm.s32 $0x20;
	p0 =	por $0x1, $0x1  }
0x3dc: {  	s7 =	simm.s32 $0x10;
	s0 =	sand.u32 $0x70, s29;
	s6 =	simm.s32 $0x80;
	v7 =	vsub.f32 v63, v7  }
.LBB2_12:
0x3dd: {  	s10 =	sand.u32 $0x70, s9  }
0x3de: {  	s11 =	sand.u32 $0xC00, s6;
	[tilespmem:v6+s30+$0x0] =	vst.idx.add.f32.msk $0xffff, v7;
	s12 =	smov.u32 s9;
	s8 =	sadd.s32 $0x10, s9  }
0x3df: {  	p2 =	sne.s32 s9, $0x1F0;
	s7 =	sor.u32 s11, s7;
	s9 =	sor.u32 s0, s11  }
0x3e0: {  	s0 =	smov.u32 s10;
	s11 =	sor.u32 $0x180, s7;
	v6 =	vld [tilespmem:s9+$0x1180];
	s7 =	smov.u32 s12  }
0x3e1: {  	v8 =	vld [tilespmem:s11+$0x0]  }
0x3e2: {  	v7 =	vld [tilespmem:s11+$0x15000]  }
0x3e3: {  	v9 =	vld [tilespmem:s9+$0x2180];
	_ =	sdelay $0x1  }
0x3e4: {  	v10 =	vmul.f32 $1.442695020e+00, v6;
	v11 =	vld [tilespmem:s9+$0x3180]  }
0x3e5: {  	v12 =	vmul.f32 $1.442695020e+00, v8;
	v13 =	vmax.f32 v8, v6  }
0x3e6: {  	vm0 =	veq.s32 v7, $0x1;
	v14 =	vld [tilespmem:s9+$0x4180];
	vm6 =	veq.s32 v7, $0x4;
	(erf) = vpow2.f32 v10  }
0x3e7: {  	vm4 =	veq.s32 v7, $0x6;
	v10 =	vmul.f32 $1.442695020e+00, v9;
	(erf) = vpow2.f32 v12  }
0x3e8: {  	vm5 =	veq.s32 v7, $0x2;
	vm3 =	veq.s32 v7, $0xA;
	v12 =	vmax.f32 v13, v9;
	v13 =	vld [tilespmem:s9+$0x5180]  }
0x3e9: {  	vm7 =	veq.s32 v7, $0x3;
	v15 =	vmul.f32 $1.442695020e+00, v11;
	(erf) = vpow2.f32 v10  }
0x3ea: {  	vm2 =	veq.s32 v7, $0xE;
	vm1 =	veq.s32 v7, $0xF;
	v10 =	vmax.f32 v12, v11;
	v12 =	vld [tilespmem:s9+$0x6180]  }
0x3eb: {  	v6 =	vsel vm0, v6, v8;
	v8 =	vmul.f32 $1.442695020e+00, v14;
	(erf) = vpow2.f32 v15  }
0x3ec: {  	vm0 =	veq.s32 v7, $0x11;
	v6 =	vsel vm5, v9, v6;
	vm5 =	veq.s32 v7, $0x8;
	v9 =	vld [tilespmem:s9+$0x7180]  }
0x3ed: {  	v10 =	vmax.f32 v10, v14;
	v16 =	vmul.f32 $1.442695020e+00, v13;
	(erf) = vpow2.f32 v8  }
0x3ee: {  	v6 =	vsel vm7, v11, v6;
	vm7 =	veq.s32 v7, $0x5;
	v8 =	vmax.f32 v10, v13;
	v10 =	vld [tilespmem:s9+$0x8180]  }
0x3ef: {  	v6 =	vsel vm6, v14, v6;
	v11 =	vmul.f32 $1.442695020e+00, v12;
	v14 =	vpop (erf);
	(erf) = vpow2.f32 v16  }
0x3f0: {  	vm6 =	veq.s32 v7, $0x7;
	v6 =	vsel vm7, v13, v6;
	v8 =	vmax.f32 v8, v12;
	v13 =	vld [tilespmem:s9+$0x9180];
	v15 =	vpop (erf)  }
0x3f1: {  	v14 =	vadd.f32 v14, v15;
	v17 =	vmul.f32 $1.442695020e+00, v9;
	(erf) = vpow2.f32 v11  }
0x3f2: {  	v11 =	vsel vm4, v12, v6;
	v8 =	vmax.f32 v8, v9;
	v6 =	vshll.u32 v7, $0x7;
	v12 =	vld [tilespmem:s9+$0xA180];
	v16 =	vpop (erf)  }
0x3f3: {  	v14 =	vadd.f32 v16, v14;
	v18 =	vmul.f32 $1.442695020e+00, v10;
	(erf) = vpow2.f32 v17  }
0x3f4: {  	vm4 =	veq.s32 v7, $0x9;
	v9 =	vsel vm6, v9, v11;
	v8 =	vmax.f32 v8, v10;
	v11 =	vld [tilespmem:s9+$0xB180];
	v15 =	vpop (erf)  }
0x3f5: {  	v14 =	vadd.f32 v15, v14;
	v17 =	vmul.f32 $1.442695020e+00, v13;
	(erf) = vpow2.f32 v18  }
0x3f6: {  	v9 =	vsel vm5, v10, v9;
	v8 =	vmax.f32 v8, v13;
	v10 =	vld [tilespmem:s9+$0xC180];
	v16 =	vpop (erf)  }
0x3f7: {  	v14 =	vadd.f32 v16, v14;
	v18 =	vmul.f32 $1.442695020e+00, v12;
	(erf) = vpow2.f32 v17  }
0x3f8: {  	v9 =	vsel vm4, v13, v9;
	vm4 =	veq.s32 v7, $0xB;
	v8 =	vmax.f32 v8, v12;
	v13 =	vld [tilespmem:s9+$0xD180];
	v15 =	vpop (erf)  }
0x3f9: {  	v14 =	vadd.f32 v15, v14;
	v17 =	vmul.f32 $1.442695020e+00, v11;
	(erf) = vpow2.f32 v18  }
0x3fa: {  	v9 =	vsel vm3, v12, v9;
	vm3 =	veq.s32 v7, $0xC;
	v8 =	vmax.f32 v8, v11;
	v12 =	vld [tilespmem:s9+$0xE180];
	v16 =	vpop (erf)  }
0x3fb: {  	v14 =	vadd.f32 v16, v14;
	v18 =	vmul.f32 $1.442695020e+00, v10;
	(erf) = vpow2.f32 v17  }
0x3fc: {  	v9 =	vsel vm4, v11, v9;
	vm4 =	veq.s32 v7, $0xD;
	v8 =	vmax.f32 v8, v10;
	v11 =	vld [tilespmem:s9+$0xF180];
	v15 =	vpop (erf)  }
0x3fd: {  	v14 =	vadd.f32 v15, v14;
	v15 =	vmul.f32 $1.442695020e+00, v13;
	(erf) = vpow2.f32 v18  }
0x3fe: {  	v9 =	vsel vm3, v10, v9;
	v8 =	vmax.f32 v8, v13;
	v10 =	vld [tilespmem:s9+$0x10180];
	v16 =	vpop (erf)  }
0x3ff: {  	v14 =	vadd.f32 v16, v14;
	v18 =	vmul.f32 $1.442695020e+00, v12;
	(erf) = vpow2.f32 v15  }
0x400: {  	v9 =	vsel vm4, v13, v9;
	v8 =	vmax.f32 v8, v12;
	v15 =	vor.u32 v2, v6;
	v13 =	vld [tilespmem:s9+$0x11180];
	v17 =	vpop (erf)  }
0x401: {  	v14 =	vadd.f32 v17, v14;
	v17 =	vmul.f32 $1.442695020e+00, v11;
	(erf) = vpow2.f32 v18  }
0x402: {  	v9 =	vsel vm2, v12, v9;
	vm2 =	veq.s32 v7, $0x10;
	v8 =	vmax.f32 v8, v11;
	v12 =	vld [tilespmem:s9+$0x12180];
	v16 =	vpop (erf)  }
0x403: {  	v14 =	vadd.f32 v16, v14;
	v19 =	vmul.f32 $1.442695020e+00, v10;
	(erf) = vpow2.f32 v17  }
0x404: {  	v9 =	vsel vm1, v11, v9;
	v8 =	vmax.f32 v8, v10;
	v17 =	vadd.s32 v4, v6;
	v11 =	vld [tilespmem:s9+$0x13180];
	v18 =	vpop (erf)  }
0x405: {  	v14 =	vadd.f32 v18, v14;
	v18 =	vmul.f32 $1.442695020e+00, v13;
	(erf) = vpow2.f32 v19  }
0x406: {  	vm1 =	veq.s32 v7, $0x12;
	v9 =	vsel vm2, v10, v9;
	v8 =	vmax.f32 v8, v13;
	v10 =	vld [tilespmem:s9+$0x14180];
	v16 =	vpop (erf)  }
0x407: {  	v14 =	vadd.f32 v16, v14;
	v16 =	vmul.f32 $1.442695020e+00, v12;
	[tilespmem:v15+s30+$0x0] =	vst.idx.add.f32.msk $0xffff, v3;
	(erf) = vpow2.f32 v18  }
0x408: {  	v9 =	vsel vm0, v13, v9;
	vm0 =	veq.s32 v7, $0x13;
	v8 =	vmax.f32 v8, v12;
	v13 =	vpop (erf)  }
0x409: {  	v13 =	vadd.f32 v13, v14;
	v14 =	vmul.f32 $1.442695020e+00, v11;
	(erf) = vpow2.f32 v16  }
0x40a: {  	v9 =	vsel vm1, v12, v9;
	vm1 =	veq.s32 v7, $0x14;
	v8 =	vmax.f32 v8, v11;
	v7 =	vpop (erf)  }
0x40b: {  	v7 =	vadd.f32 v7, v13;
	v12 =	vmul.f32 $1.442695020e+00, v10;
	(erf) = vpow2.f32 v14  }
0x40c: {  	v9 =	vsel vm0, v11, v9;
	v13 =	vmax.f32 v8, v10;
	v11 =	vpop (erf)  }
0x40d: {  	v9 =	vsel vm1, v10, v9;
	v7 =	vadd.f32 v11, v7;
	(erf) = vpow2.f32 v12  }
0x40e: {  	vm0 =	veq.f32 v9, v13;
	v8 =	vpop (erf)  }
0x40f: {  	v10 =	vsel vm0, $0x3F800000, v1;
	v7 =	vadd.f32 v8, v7  }
0x410: {  	[tilespmem:v17+s30+$0x0] =	vst.idx.add.f32.msk $0xffff, v10;
	v8 =	vpop (erf)  }
0x411: {  	v7 =	vadd.f32 v8, v7  }
0x412: {  	v8 =	vpop (erf)  }
0x413: {  	v7 =	vadd.f32 v8, v7  }
0x414: {  	v8 =	vpop (erf)  }
0x415: {  	v7 =	vadd.f32 v8, v7  }
0x416: {  	v8 =	vpop (erf)  }
0x417: {  	v7 =	vadd.f32 v8, v7;
	_ =	sdelay $0x1  }
0x418: {  	v8 =	vshrl.u32 v7, $0x17;
	v7 =	vand.u32 $0x7FFFFF, v7  }
0x419: {  	v8 =	vadd.s32 $0xFFFFFF81, v8;
	v7 =	vor.u32 $0x3F800000, v7  }
0x41a: {  	v10 =	vadd.f32 $1.000000000e+00, v7;
	v8 =	vcvt.s32.f32 v8;
	_ =	sdelay $0x1  }
0x41b: {  	(erf) = vrcp.f32 v10;
	_ =	sdelay $0x7  }
0x41c: {  	v7 =	vadd.f32 $-1.000000000e+00, v7  }
0x41d: {  	v10 =	vpop (erf)  }
0x41e: {  	v7 =	vmul.f32 v10, v7;
	_ =	sdelay $0x1  }
0x41f: {  	v10 =	vmul.f32 v7, v7;
	_ =	sdelay $0x1  }
0x420: {  	v11 =	vmul.f32 $1.111111120e-01, v10;
	_ =	sdelay $0x1  }
0x421: {  	v11 =	vadd.f32 $1.428571490e-01, v11;
	_ =	sdelay $0x1  }
0x422: {  	v11 =	vmul.f32 v11, v10;
	_ =	sdelay $0x1  }
0x423: {  	v11 =	vadd.f32 $2.000000030e-01, v11;
	_ =	sdelay $0x1  }
0x424: {  	v11 =	vmul.f32 v11, v10;
	_ =	sdelay $0x1  }
0x425: {  	v11 =	vadd.f32 $3.333333430e-01, v11;
	_ =	sdelay $0x1  }
0x426: {  	v10 =	vmul.f32 v11, v10;
	_ =	sdelay $0x1  }
0x427: {  	v7 =	vadd.f32 v7, v7;
	v10 =	vadd.f32 $1.000000000e+00, v10;
	_ =	sdelay $0x1  }
0x428: {  	v8 =	vmul.f32 $6.931471820e-01, v8;
	v7 =	vmul.f32 v10, v7  }
.Ltmp8:
0x429: {  	v6 =	vadd.s32 v5, v6;
	(pc) =	sbr.rel @p2 .LBB2_12-.Ltmp8, $3  }
0x42a: {  	v7 =	vadd.f32 v7, v8;
	_ =	sdelay $0x1  }
0x42b: {  	v7 =	vsub.f32 v9, v7  }
0x42c: {  	s6 =	sadd.s32 $0x80, s6;
	s9 =	smov.u32 s8  }
.LBB2_13:
0x42d: {  	_ =	sdelay $0x2  }
0x42e: {  	s6 =	sand.u32 $0xC00, s6  }
0x42f: {  	[tilespmem:v6+s30+$0x0] =	vst.idx.add.f32.msk @p0 $0xffff, v7;
	s7 =	sor.u32 s6, s7;
	s6 =	sor.u32 s0, s6  }
0x430: {  	s12 =	sor.u32 $0x180, s7;
	v6 =	vld [tilespmem:s6+$0x1180]  }
0x431: {  	v7 =	vld [tilespmem:s12+$0x0];
	_ =	sdelay $0x1  }
0x432: {  	v8 =	vld [tilespmem:s6+$0x2180];
	_ =	sdelay $0x1  }
0x433: {  	v10 =	vld [tilespmem:s6+$0x3180];
	v9 =	vmul.f32 $1.442695020e+00, v6  }
0x434: {  	v11 =	vmul.f32 $1.442695020e+00, v7  }
0x435: {  	v12 =	vld [tilespmem:s6+$0x4180];
	(erf) = vpow2.f32 v9  }
0x436: {  	v54 =	vmul.f32 $1.442695020e+00, v8;
	(erf) = vpow2.f32 v11  }
0x437: {  	v11 =	vld [tilespmem:s6+$0x5180]  }
0x438: {  	v13 =	vmul.f32 $1.442695020e+00, v10;
	(erf) = vpow2.f32 v54  }
0x439: {  	v9 =	vld [tilespmem:s6+$0x6180]  }
0x43a: {  	v14 =	vmul.f32 $1.442695020e+00, v12;
	(erf) = vpow2.f32 v13  }
0x43b: {  	v13 =	vld [tilespmem:s6+$0x7180]  }
0x43c: {  	(erf) = vpow2.f32 v14;
	v15 =	vmul.f32 $1.442695020e+00, v11  }
0x43d: {  	v14 =	vld [tilespmem:s6+$0x8180]  }
0x43e: {  	v16 =	vmul.f32 $1.442695020e+00, v9;
	v17 =	vpop (erf);
	(erf) = vpow2.f32 v15  }
0x43f: {  	v15 =	vld [tilespmem:s6+$0x9180];
	v18 =	vpop (erf)  }
0x440: {  	v55 =	vmul.f32 $1.442695020e+00, v13;
	(erf) = vpow2.f32 v16;
	v17 =	vadd.f32 v17, v18  }
0x441: {  	v16 =	vld [tilespmem:s6+$0xA180];
	v19 =	vpop (erf)  }
0x442: {  	v56 =	vmul.f32 $1.442695020e+00, v14;
	(erf) = vpow2.f32 v55;
	v17 =	vadd.f32 v19, v17  }
0x443: {  	v18 =	vld [tilespmem:s6+$0xB180];
	v20 =	vpop (erf)  }
0x444: {  	(erf) = vpow2.f32 v56;
	v57 =	vmul.f32 $1.442695020e+00, v15;
	v17 =	vadd.f32 v20, v17  }
0x445: {  	v19 =	vld [tilespmem:s6+$0xC180];
	v21 =	vpop (erf)  }
0x446: {  	v58 =	vmul.f32 $1.442695020e+00, v16;
	(erf) = vpow2.f32 v57;
	v17 =	vadd.f32 v21, v17  }
0x447: {  	v59 =	vld [tilespmem:s6+$0xD180];
	v22 =	vpop (erf)  }
0x448: {  	v60 =	vmul.f32 $1.442695020e+00, v18;
	(erf) = vpow2.f32 v58;
	v17 =	vadd.f32 v22, v17  }
0x449: {  	v61 =	vld [tilespmem:s6+$0xE180];
	v23 =	vpop (erf)  }
0x44a: {  	v62 =	vmul.f32 $1.442695020e+00, v19;
	(erf) = vpow2.f32 v60;
	v17 =	vadd.f32 v23, v17  }
0x44b: {  	v63 =	vld [tilespmem:s6+$0xF180];
	v24 =	vpop (erf)  }
0x44c: {  	v32 =	vmul.f32 $1.442695020e+00, v59;
	(erf) = vpow2.f32 v62;
	v17 =	vadd.f32 v24, v17  }
0x44d: {  	v33 =	vld [tilespmem:s6+$0x10180];
	v25 =	vpop (erf)  }
0x44e: {  	v34 =	vmul.f32 $1.442695020e+00, v61;
	(erf) = vpow2.f32 v32;
	v17 =	vadd.f32 v25, v17  }
0x44f: {  	v35 =	vld [tilespmem:s6+$0x11180];
	v26 =	vpop (erf)  }
0x450: {  	v36 =	vmul.f32 $1.442695020e+00, v63;
	(erf) = vpow2.f32 v34;
	v17 =	vadd.f32 v26, v17  }
0x451: {  	v37 =	vld [tilespmem:s6+$0x12180];
	v27 =	vpop (erf)  }
0x452: {  	v38 =	vmul.f32 $1.442695020e+00, v33;
	(erf) = vpow2.f32 v36;
	v17 =	vadd.f32 v27, v17  }
0x453: {  	v39 =	vld [tilespmem:s6+$0x13180];
	v28 =	vpop (erf)  }
0x454: {  	v40 =	vmul.f32 $1.442695020e+00, v35;
	(erf) = vpow2.f32 v38;
	v17 =	vadd.f32 v28, v17  }
0x455: {  	v41 =	vld [tilespmem:s6+$0x14180];
	v29 =	vpop (erf)  }
0x456: {  	v42 =	vmul.f32 $1.442695020e+00, v37;
	(erf) = vpow2.f32 v40;
	v17 =	vadd.f32 v29, v17  }
0x457: {  	v43 =	vpop (erf)  }
0x458: {  	v44 =	vmul.f32 $1.442695020e+00, v39;
	(erf) = vpow2.f32 v42;
	v17 =	vadd.f32 v43, v17  }
0x459: {  	v45 =	vpop (erf)  }
0x45a: {  	v46 =	vmul.f32 $1.442695020e+00, v41;
	(erf) = vpow2.f32 v44;
	v17 =	vadd.f32 v45, v17  }
0x45b: {  	v47 =	vpop (erf)  }
0x45c: {  	(erf) = vpow2.f32 v46;
	v17 =	vadd.f32 v47, v17  }
0x45d: {  	v48 =	vpop (erf)  }
0x45e: {  	v17 =	vadd.f32 v48, v17  }
0x45f: {  	v49 =	vpop (erf)  }
0x460: {  	v17 =	vadd.f32 v49, v17  }
0x461: {  	v50 =	vpop (erf)  }
0x462: {  	v17 =	vadd.f32 v50, v17  }
0x463: {  	v51 =	vpop (erf)  }
0x464: {  	v17 =	vadd.f32 v51, v17  }
0x465: {  	v52 =	vpop (erf)  }
0x466: {  	v17 =	vadd.f32 v52, v17;
	_ =	sdelay $0x1  }
0x467: {  	v28 =	vand.u32 $0x7FFFFF, v17  }
0x468: {  	v28 =	vor.u32 $0x3F800000, v28  }
0x469: {  	v53 =	vadd.f32 $1.000000000e+00, v28;
	_ =	sdelay $0x1  }
0x46a: {  	v30 =	vld [tilespmem:s12+$0x15000];
	(erf) = vrcp.f32 v53;
	_ =	sdelay $0x4  }
0x46b: {  	vm0 =	veq.s32 v30, $0x1  }
0x46c: {  	vm10 =	veq.s32 v30, $0x2;
	vm11 =	veq.s32 v30, $0x3;
	vm12 =	veq.s32 v30, $0x4  }
0x46d: {  	vm13 =	veq.s32 v30, $0x5;
	vm14 =	veq.s32 v30, $0x6;
	vm15 =	veq.s32 v30, $0x7  }
0x46e: {  	vm4 =	veq.s32 v30, $0x8;
	vm5 =	veq.s32 v30, $0x9;
	v55 =	vadd.f32 $-1.000000000e+00, v28  }
0x46f: {  	vm6 =	veq.s32 v30, $0xA;
	v54 =	vmax.f32 v7, v6;
	v6 =	vsel vm0, v6, v7;
	v56 =	vpop (erf)  }
0x470: {  	v7 =	vmax.f32 v54, v8;
	v6 =	vsel vm10, v8, v6;
	v8 =	vmul.f32 v56, v55  }
0x471: {  	vm7 =	veq.s32 v30, $0xB;
	vm8 =	veq.s32 v30, $0xC;
	vm9 =	veq.s32 v30, $0xD  }
0x472: {  	vm1 =	veq.s32 v30, $0x11;
	vm10 =	veq.s32 v30, $0xE;
	v57 =	vmul.f32 v8, v8  }
0x473: {  	v7 =	vmax.f32 v7, v10;
	v6 =	vsel vm11, v10, v6;
	vm11 =	veq.s32 v30, $0xF  }
0x474: {  	v6 =	vsel vm12, v12, v6;
	v7 =	vmax.f32 v7, v12;
	v58 =	vmul.f32 $1.111111120e-01, v57  }
0x475: {  	vm12 =	veq.s32 v30, $0x10;
	v7 =	vmax.f32 v7, v11;
	v6 =	vsel vm13, v11, v6  }
0x476: {  	v7 =	vmax.f32 v7, v9;
	v6 =	vsel vm14, v9, v6;
	v10 =	vadd.f32 $1.428571490e-01, v58  }
0x477: {  	vm13 =	veq.s32 v30, $0x12;
	v7 =	vmax.f32 v7, v13;
	v6 =	vsel vm15, v13, v6  }
0x478: {  	v7 =	vmax.f32 v7, v14;
	v6 =	vsel vm4, v14, v6;
	v10 =	vmul.f32 v10, v57  }
0x479: {  	vm14 =	veq.s32 v30, $0x13;
	v7 =	vmax.f32 v7, v15;
	v6 =	vsel vm5, v15, v6  }
0x47a: {  	v7 =	vmax.f32 v7, v16;
	v6 =	vsel vm6, v16, v6;
	v10 =	vadd.f32 $2.000000030e-01, v10  }
0x47b: {  	vm15 =	veq.s32 v30, $0x14;
	v7 =	vmax.f32 v7, v18;
	v6 =	vsel vm7, v18, v6  }
0x47c: {  	v7 =	vmax.f32 v7, v19;
	v6 =	vsel vm8, v19, v6;
	v10 =	vmul.f32 v10, v57  }
0x47d: {  	v7 =	vmax.f32 v7, v59;
	v6 =	vsel vm9, v59, v6;
	v59 =	vshll.u32 v30, $0x7  }
0x47e: {  	v7 =	vmax.f32 v7, v61;
	v6 =	vsel vm10, v61, v6;
	v10 =	vadd.f32 $3.333333430e-01, v10  }
0x47f: {  	v60 =	vor.u32 v2, v59;
	v7 =	vmax.f32 v7, v63;
	v6 =	vsel vm11, v63, v6  }
0x480: {  	v7 =	vmax.f32 v7, v33;
	v62 =	vshrl.u32 v17, $0x17;
	v9 =	vmul.f32 v10, v57  }
0x481: {  	v6 =	vsel vm12, v33, v6;
	v7 =	vmax.f32 v7, v35;
	v13 =	vadd.s32 $0xFFFFFF81, v62  }
0x482: {  	v13 =	vcvt.s32.f32 v13;
	v8 =	vadd.f32 v8, v8;
	v9 =	vadd.f32 $1.000000000e+00, v9  }
0x483: {  	v61 =	vadd.s32 v4, v59;
	v6 =	vsel vm1, v35, v6;
	v7 =	vmax.f32 v7, v37  }
0x484: {  	v6 =	vsel vm13, v37, v6;
	v63 =	vmul.f32 $6.931471820e-01, v13;
	v8 =	vmul.f32 v9, v8  }
0x485: {  	v11 =	vadd.s32 v5, v59;
	v7 =	vmax.f32 v7, v39;
	v6 =	vsel vm14, v39, v6  }
.Ltmp9:
0x486: {  	v7 =	vmax.f32 v7, v41;
	v6 =	vsel vm15, v41, v6;
	v8 =	vadd.f32 v8, v63;
	(pc) =	sbr.rel @!p1 .LBB2_14-.Ltmp9, $4  }
0x487: {  	vm0 =	veq.f32 v6, v7  }
0x488: {  	[tilespmem:v60+s30+$0x0] =	vst.idx.add.f32.msk $0xffff, v3;
	v7 =	vsel vm0, $0x3F800000, v1;
	v6 =	vsub.f32 v6, v8  }
0x489: {  	[tilespmem:v61+s30+$0x0] =	vst.idx.add.f32.msk $0xffff, v7  }
0x48a: {  	p0 =	por $0x0, $0x0;
	[tilespmem:v11+s30+$0x0] =	vst.idx.add.f32.msk $0xffff, v6  }
0x48b: {  	p1 =	por $0x1, $0x1  }
.Ltmp10:
0x48c: {  	s4 =	sor.u32 s4, s5;
	(pc) =	sbr.rel @!p1 .LBB2_17-.Ltmp10, $4  }
0x48d: {  	v7 =	vld [tilespmem:s4+$0x1200]  }
0x48e: {  	v9 =	vld [tilespmem:s4+$0x200]  }
0x48f: {  	s5 =	sand.u32 $0x70, s29;
	v8 =	vld [tilespmem:s4+$0x2200]  }
0x490: {  	s6 =	simm.s32 $0x20;
	s1 =	simm.s32 $0x80;
	p0 =	por $0x1, $0x1;
	v6 =	vld [tilespmem:s4+$0x3200]  }
.LBB2_16:
0x491: {  	s0 =	smov.u32 s6  }
0x492: {  	s7 =	sand.u32 $0x70, s6;
	s8 =	sand.u32 $0xC00, s1;
	s0 =	sadd.s32 $0x10, s6  }
0x493: {  	p1 =	sne.s32 s6, $0x1F0;
	s6 =	sor.u32 s8, s5;
	v10 =	vmul.f32 $1.442695020e+00, v7;
	s5 =	smov.u32 s7;
	v11 =	vld [tilespmem:s4+$0x4200]  }
0x494: {  	v12 =	vmul.f32 $1.442695020e+00, v9;
	v13 =	vmax.f32 v9, v7  }
0x495: {  	v14 =	vmax.f32 v13, v8;
	v15 =	vmul.f32 $1.442695020e+00, v8;
	v13 =	vld [tilespmem:s4+$0x5200];
	(erf) = vpow2.f32 v10  }
0x496: {  	v10 =	vmax.f32 v14, v6;
	v17 =	vmul.f32 $1.442695020e+00, v6;
	(erf) = vpow2.f32 v12  }
0x497: {  	v16 =	vld [tilespmem:s4+$0x6200];
	(erf) = vpow2.f32 v15  }
0x498: {  	v10 =	vmax.f32 v10, v11;
	v12 =	vmul.f32 $1.442695020e+00, v11  }
0x499: {  	v14 =	vld [tilespmem:s4+$0x7200];
	(erf) = vpow2.f32 v17  }
0x49a: {  	v10 =	vmax.f32 v10, v13;
	v18 =	vmul.f32 $1.442695020e+00, v13  }
0x49b: {  	v15 =	vld [tilespmem:s4+$0x8200];
	(erf) = vpow2.f32 v12  }
0x49c: {  	v12 =	vmul.f32 $1.442695020e+00, v16  }
0x49d: {  	v10 =	vmax.f32 v10, v16;
	v17 =	vld [tilespmem:s4+$0x9200];
	(erf) = vpow2.f32 v18  }
0x49e: {  	v10 =	vmax.f32 v10, v14;
	v20 =	vmul.f32 $1.442695020e+00, v14;
	v19 =	vpop (erf)  }
0x49f: {  	v18 =	vld [tilespmem:s4+$0xA200];
	v21 =	vpop (erf);
	(erf) = vpow2.f32 v12  }
0x4a0: {  	v12 =	vadd.f32 v19, v21;
	v10 =	vmax.f32 v10, v15;
	v21 =	vmul.f32 $1.442695020e+00, v15;
	v22 =	vpop (erf)  }
0x4a1: {  	v19 =	vld [tilespmem:s4+$0xB200];
	(erf) = vpow2.f32 v20  }
0x4a2: {  	v12 =	vadd.f32 v22, v12;
	v10 =	vmax.f32 v10, v17;
	v20 =	vmul.f32 $1.442695020e+00, v17;
	v22 =	vpop (erf)  }
0x4a3: {  	v23 =	vld [tilespmem:s4+$0xC200];
	(erf) = vpow2.f32 v21  }
0x4a4: {  	v12 =	vadd.f32 v22, v12;
	v10 =	vmax.f32 v10, v18;
	v21 =	vmul.f32 $1.442695020e+00, v18;
	v22 =	vpop (erf)  }
0x4a5: {  	v24 =	vld [tilespmem:s4+$0xD200];
	(erf) = vpow2.f32 v20  }
0x4a6: {  	v20 =	vadd.f32 v22, v12;
	v10 =	vmax.f32 v10, v19;
	v22 =	vmul.f32 $1.442695020e+00, v19;
	v25 =	vpop (erf)  }
0x4a7: {  	v26 =	vld [tilespmem:s4+$0xE200];
	(erf) = vpow2.f32 v21  }
0x4a8: {  	v12 =	vld [tilespmem:s4+$0x15200];
	v20 =	vadd.f32 v25, v20;
	v21 =	vmax.f32 v10, v23;
	v10 =	vmul.f32 $1.442695020e+00, v23;
	v25 =	vpop (erf)  }
0x4a9: {  	v27 =	vld [tilespmem:s4+$0xF200];
	(erf) = vpow2.f32 v22  }
0x4aa: {  	v20 =	vadd.f32 v25, v20;
	v22 =	vmul.f32 $1.442695020e+00, v24;
	v25 =	vpop (erf)  }
0x4ab: {  	v28 =	vld [tilespmem:s4+$0x10200];
	(erf) = vpow2.f32 v10  }
0x4ac: {  	v20 =	vadd.f32 v25, v20;
	v25 =	vmul.f32 $1.442695020e+00, v26;
	v29 =	vpop (erf)  }
0x4ad: {  	vm0 =	veq.s32 v12, $0x5;
	v30 =	vld [tilespmem:s4+$0x11200];
	v10 =	vshll.u32 v12, $0x7;
	(erf) = vpow2.f32 v22  }
0x4ae: {  	vm1 =	veq.s32 v12, $0x4;
	v20 =	vadd.f32 v29, v20;
	v22 =	vmul.f32 $1.442695020e+00, v27;
	v29 =	vpop (erf)  }
0x4af: {  	vm2 =	veq.s32 v12, $0x2;
	vm3 =	veq.s32 v12, $0x3;
	v31 =	vld [tilespmem:s4+$0x12200];
	(erf) = vpow2.f32 v25  }
0x4b0: {  	v20 =	vadd.f32 v29, v20;
	v25 =	vmul.f32 $1.442695020e+00, v28;
	v29 =	vor.u32 v2, v10;
	v32 =	vpop (erf)  }
0x4b1: {  	v21 =	vmax.f32 v21, v24;
	vm4 =	veq.s32 v12, $0x1;
	v33 =	vld [tilespmem:s4+$0x13200];
	(erf) = vpow2.f32 v22  }
0x4b2: {  	v21 =	vmax.f32 v21, v26;
	v20 =	vadd.f32 v32, v20;
	v22 =	vmul.f32 $1.442695020e+00, v30;
	v32 =	vpop (erf)  }
0x4b3: {  	v7 =	vsel vm4, v7, v9;
	v9 =	vmax.f32 v21, v27;
	v21 =	vld [tilespmem:s4+$0x14200];
	(erf) = vpow2.f32 v25;
	s4 =	smov.u32 s6  }
0x4b4: {  	v7 =	vsel vm2, v8, v7;
	v8 =	vadd.f32 v32, v20;
	v20 =	vmul.f32 $1.442695020e+00, v31;
	v25 =	vpop (erf)  }
0x4b5: {  	v6 =	vsel vm3, v6, v7;
	v7 =	vmax.f32 v9, v28;
	[tilespmem:v29+s30+$0x0] =	vst.idx.add.f32.msk $0xffff, v3;
	(erf) = vpow2.f32 v22  }
0x4b6: {  	v6 =	vsel vm1, v11, v6;
	v8 =	vadd.f32 v25, v8;
	v9 =	vmul.f32 $1.442695020e+00, v33;
	v11 =	vpop (erf)  }
0x4b7: {  	v6 =	vsel vm0, v13, v6;
	vm0 =	veq.s32 v12, $0x6;
	(erf) = vpow2.f32 v20  }
0x4b8: {  	v6 =	vsel vm0, v16, v6;
	v8 =	vadd.f32 v11, v8;
	v11 =	vmul.f32 $1.442695020e+00, v21;
	v13 =	vpop (erf)  }
0x4b9: {  	v7 =	vmax.f32 v7, v30;
	vm0 =	veq.s32 v12, $0x7;
	(erf) = vpow2.f32 v9  }
0x4ba: {  	v6 =	vsel vm0, v14, v6;
	vm0 =	veq.s32 v12, $0x8;
	v8 =	vadd.f32 v13, v8;
	v9 =	vpop (erf)  }
0x4bb: {  	v6 =	vsel vm0, v15, v6;
	vm0 =	veq.s32 v12, $0x9;
	(erf) = vpow2.f32 v11  }
0x4bc: {  	v6 =	vsel vm0, v17, v6;
	vm0 =	veq.s32 v12, $0xA;
	v8 =	vadd.f32 v9, v8;
	v9 =	vpop (erf)  }
0x4bd: {  	v7 =	vmax.f32 v7, v31;
	v6 =	vsel vm0, v18, v6;
	vm0 =	veq.s32 v12, $0xB  }
0x4be: {  	v6 =	vsel vm0, v19, v6;
	vm0 =	veq.s32 v12, $0xC;
	v8 =	vadd.f32 v9, v8;
	v9 =	vpop (erf)  }
0x4bf: {  	v7 =	vmax.f32 v7, v33;
	v6 =	vsel vm0, v23, v6;
	vm0 =	veq.s32 v12, $0xD  }
0x4c0: {  	v6 =	vsel vm0, v24, v6;
	vm0 =	veq.s32 v12, $0xE;
	v8 =	vadd.f32 v9, v8;
	v9 =	vpop (erf)  }
0x4c1: {  	v7 =	vmax.f32 v7, v21;
	v6 =	vsel vm0, v26, v6;
	vm0 =	veq.s32 v12, $0xF  }
0x4c2: {  	v6 =	vsel vm0, v27, v6;
	vm0 =	veq.s32 v12, $0x10;
	v8 =	vadd.f32 v9, v8;
	v9 =	vpop (erf)  }
0x4c3: {  	v6 =	vsel vm0, v28, v6;
	vm0 =	veq.s32 v12, $0x11  }
0x4c4: {  	v6 =	vsel vm0, v30, v6;
	vm0 =	veq.s32 v12, $0x12;
	v8 =	vadd.f32 v9, v8;
	v9 =	vpop (erf)  }
0x4c5: {  	v11 =	vadd.s32 v4, v10;
	v6 =	vsel vm0, v31, v6;
	vm0 =	veq.s32 v12, $0x13  }
0x4c6: {  	v6 =	vsel vm0, v33, v6;
	vm0 =	veq.s32 v12, $0x14;
	v8 =	vadd.f32 v9, v8  }
0x4c7: {  	v6 =	vsel vm0, v21, v6  }
0x4c8: {  	vm0 =	veq.f32 v6, v7;
	v7 =	vshrl.u32 v8, $0x17;
	v8 =	vand.u32 $0x7FFFFF, v8  }
0x4c9: {  	v9 =	vsel vm0, $0x3F800000, v1;
	v7 =	vadd.s32 $0xFFFFFF81, v7;
	v8 =	vor.u32 $0x3F800000, v8  }
0x4ca: {  	v12 =	vadd.f32 $1.000000000e+00, v8;
	v7 =	vcvt.s32.f32 v7;
	[tilespmem:v11+s30+$0x0] =	vst.idx.add.f32.msk $0xffff, v9;
	_ =	sdelay $0x1  }
0x4cb: {  	(erf) = vrcp.f32 v12;
	_ =	sdelay $0x6  }
0x4cc: {  	v8 =	vadd.f32 $-1.000000000e+00, v8;
	_ =	sdelay $0x1  }
0x4cd: {  	v9 =	vpop (erf)  }
0x4ce: {  	v8 =	vmul.f32 v9, v8;
	_ =	sdelay $0x1  }
0x4cf: {  	v9 =	vmul.f32 v8, v8;
	_ =	sdelay $0x1  }
0x4d0: {  	v11 =	vmul.f32 $1.111111120e-01, v9;
	_ =	sdelay $0x1  }
0x4d1: {  	v11 =	vadd.f32 $1.428571490e-01, v11;
	_ =	sdelay $0x1  }
0x4d2: {  	v11 =	vmul.f32 v11, v9;
	_ =	sdelay $0x1  }
0x4d3: {  	v11 =	vadd.f32 $2.000000030e-01, v11;
	_ =	sdelay $0x1  }
0x4d4: {  	v11 =	vmul.f32 v11, v9;
	_ =	sdelay $0x1  }
0x4d5: {  	v11 =	vadd.f32 $3.333333430e-01, v11;
	_ =	sdelay $0x1  }
0x4d6: {  	v9 =	vmul.f32 v11, v9  }
0x4d7: {  	v8 =	vadd.f32 v8, v8  }
0x4d8: {  	v9 =	vadd.f32 $1.000000000e+00, v9  }
0x4d9: {  	v7 =	vmul.f32 $6.931471820e-01, v7  }
0x4da: {  	v8 =	vmul.f32 v9, v8  }
0x4db: {  	v9 =	vadd.s32 v5, v10  }
0x4dc: {  	v7 =	vadd.f32 v8, v7;
	_ =	sdelay $0x1  }
0x4dd: {  	v6 =	vsub.f32 v6, v7;
	_ =	sdelay $0x1  }
.Ltmp11:
0x4de: {  	[tilespmem:v9+s30+$0x0] =	vst.idx.add.f32.msk $0xffff, v6;
	(pc) =	sbr.rel @p1 .LBB2_16-.Ltmp11, $4  }
0x4df: {  	v7 =	vld [tilespmem:s4+$0x1200]  }
0x4e0: {  	v9 =	vld [tilespmem:s4+$0x200]  }
0x4e1: {  	v8 =	vld [tilespmem:s4+$0x2200]  }
0x4e2: {  	s1 =	sadd.s32 $0x80, s1;
	s6 =	smov.u32 s0;
	v6 =	vld [tilespmem:s4+$0x3200]  }
.LBB2_17:
0x4e3: {  	_ = 	snop  }
0x4e4: {  	v10 =	vmul.f32 @p0 $1.442695020e+00, v7  }
0x4e5: {  	v11 =	vmul.f32 @p0 $1.442695020e+00, v9  }
0x4e6: {  	v12 =	vld @p0 [tilespmem:s4+$0x4200];
	(erf) = vpow2.f32 @p0 v10  }
0x4e7: {  	(erf) = vpow2.f32 @p0 v11;
	v11 =	vld @p0 [tilespmem:s4+$0x5200]  }
0x4e8: {  	v10 =	vmul.f32 @p0 $1.442695020e+00, v8;
	_ =	sdelay $0x1  }
0x4e9: {  	v13 =	vmul.f32 @p0 $1.442695020e+00, v6;
	(erf) = vpow2.f32 @p0 v10  }
0x4ea: {  	v10 =	vld @p0 [tilespmem:s4+$0x6200];
	v14 =	vmul.f32 @p0 $1.442695020e+00, v12  }
0x4eb: {  	(erf) = vpow2.f32 @p0 v13;
	v13 =	vld @p0 [tilespmem:s4+$0x7200];
	v15 =	vmul.f32 @p0 $1.442695020e+00, v11;
	_ =	sdelay $0x1  }
0x4ec: {  	(erf) = vpow2.f32 @p0 v14;
	v14 =	vld @p0 [tilespmem:s4+$0x8200];
	_ =	sdelay $0x1  }
0x4ed: {  	v17 =	vld @p0 [tilespmem:s4+$0x9200];
	v16 =	vmul.f32 @p0 $1.442695020e+00, v10;
	(erf) = vpow2.f32 @p0 v15;
	v15 =	vpop @p0 (erf)  }
0x4ee: {  	v19 =	vmul.f32 @p0 $1.442695020e+00, v13;
	v18 =	vpop @p0 (erf)  }
0x4ef: {  	(erf) = vpow2.f32 @p0 v16;
	v16 =	vld @p0 [tilespmem:s4+$0xA200];
	v15 =	vadd.f32 @p0 v15, v18  }
0x4f0: {  	v20 =	vmul.f32 @p0 $1.442695020e+00, v14;
	v18 =	vpop @p0 (erf)  }
0x4f1: {  	(erf) = vpow2.f32 @p0 v19;
	v15 =	vadd.f32 @p0 v18, v15;
	v18 =	vld @p0 [tilespmem:s4+$0xB200]  }
0x4f2: {  	v21 =	vmul.f32 @p0 $1.442695020e+00, v17;
	v19 =	vpop @p0 (erf)  }
0x4f3: {  	(erf) = vpow2.f32 @p0 v20;
	v15 =	vadd.f32 @p0 v19, v15;
	v19 =	vld @p0 [tilespmem:s4+$0xC200]  }
0x4f4: {  	v20 =	vpop @p0 (erf);
	v22 =	vmul.f32 @p0 $1.442695020e+00, v16  }
0x4f5: {  	(erf) = vpow2.f32 @p0 v21;
	v15 =	vadd.f32 @p0 v20, v15;
	v20 =	vld @p0 [tilespmem:s4+$0xD200]  }
0x4f6: {  	v21 =	vpop @p0 (erf);
	v23 =	vmul.f32 @p0 $1.442695020e+00, v18  }
0x4f7: {  	(erf) = vpow2.f32 @p0 v22;
	v15 =	vadd.f32 @p0 v21, v15;
	v21 =	vld @p0 [tilespmem:s4+$0xE200]  }
0x4f8: {  	v22 =	vpop @p0 (erf);
	v24 =	vmul.f32 @p0 $1.442695020e+00, v19  }
0x4f9: {  	(erf) = vpow2.f32 @p0 v23;
	v15 =	vadd.f32 @p0 v22, v15;
	v22 =	vld @p0 [tilespmem:s4+$0xF200]  }
0x4fa: {  	v23 =	vpop @p0 (erf);
	v25 =	vmul.f32 @p0 $1.442695020e+00, v20  }
0x4fb: {  	(erf) = vpow2.f32 @p0 v24;
	v15 =	vadd.f32 @p0 v23, v15;
	v23 =	vld @p0 [tilespmem:s4+$0x10200]  }
0x4fc: {  	v24 =	vpop @p0 (erf);
	v26 =	vmul.f32 @p0 $1.442695020e+00, v21  }
0x4fd: {  	(erf) = vpow2.f32 @p0 v25;
	v15 =	vadd.f32 @p0 v24, v15  }
0x4fe: {  	v24 =	vld @p0 [tilespmem:s4+$0x11200];
	v25 =	vpop @p0 (erf);
	v27 =	vmul.f32 @p0 $1.442695020e+00, v22  }
0x4ff: {  	(erf) = vpow2.f32 @p0 v26;
	v15 =	vadd.f32 @p0 v25, v15  }
0x500: {  	v25 =	vld @p0 [tilespmem:s4+$0x12200];
	v26 =	vpop @p0 (erf);
	v28 =	vmul.f32 @p0 $1.442695020e+00, v23  }
0x501: {  	(erf) = vpow2.f32 @p0 v27;
	v15 =	vadd.f32 @p0 v26, v15  }
0x502: {  	v26 =	vld @p0 [tilespmem:s4+$0x13200];
	v27 =	vpop @p0 (erf)  }
0x503: {  	v29 =	vmul.f32 @p0 $1.442695020e+00, v24;
	(erf) = vpow2.f32 @p0 v28;
	v15 =	vadd.f32 @p0 v27, v15  }
0x504: {  	v27 =	vld @p0 [tilespmem:s4+$0x14200];
	v28 =	vpop @p0 (erf)  }
0x505: {  	v30 =	vmul.f32 @p0 $1.442695020e+00, v25;
	(erf) = vpow2.f32 @p0 v29;
	v15 =	vadd.f32 @p0 v28, v15  }
0x506: {  	v28 =	vpop @p0 (erf)  }
0x507: {  	v29 =	vmul.f32 @p0 $1.442695020e+00, v26;
	(erf) = vpow2.f32 @p0 v30;
	v15 =	vadd.f32 @p0 v28, v15  }
0x508: {  	v28 =	vpop @p0 (erf)  }
0x509: {  	v30 =	vmul.f32 @p0 $1.442695020e+00, v27;
	(erf) = vpow2.f32 @p0 v29;
	v15 =	vadd.f32 @p0 v28, v15  }
0x50a: {  	v28 =	vpop @p0 (erf)  }
0x50b: {  	(erf) = vpow2.f32 @p0 v30;
	v15 =	vadd.f32 @p0 v28, v15  }
0x50c: {  	v28 =	vpop @p0 (erf)  }
0x50d: {  	v15 =	vadd.f32 @p0 v28, v15  }
0x50e: {  	v28 =	vpop @p0 (erf)  }
0x50f: {  	v15 =	vadd.f32 @p0 v28, v15  }
0x510: {  	v28 =	vpop @p0 (erf)  }
0x511: {  	v15 =	vadd.f32 @p0 v28, v15  }
0x512: {  	v28 =	vpop @p0 (erf)  }
0x513: {  	v15 =	vadd.f32 @p0 v28, v15  }
0x514: {  	v28 =	vpop @p0 (erf)  }
0x515: {  	v15 =	vadd.f32 @p0 v28, v15;
	_ =	sdelay $0x1  }
0x516: {  	v28 =	vand.u32 @p0 $0x7FFFFF, v15  }
0x517: {  	v28 =	vor.u32 @p0 $0x3F800000, v28  }
0x518: {  	v29 =	vadd.f32 @p0 $1.000000000e+00, v28;
	_ =	sdelay $0x1  }
0x519: {  	(erf) = vrcp.f32 @p0 v29  }
0x51a: {  	v30 =	vmax.f32 @p0 v9, v7  }
0x51b: {  	v30 =	vmax.f32 @p0 v30, v8  }
0x51c: {  	v29 =	vmax.f32 @p0 v30, v6;
	v30 =	vld @p0 [tilespmem:s4+$0x15200]  }
0x51d: {  	v29 =	vmax.f32 @p0 v29, v12  }
0x51e: {  	v29 =	vmax.f32 @p0 v29, v11  }
0x51f: {  	v29 =	vmax.f32 @p0 v29, v10  }
0x520: {  	v29 =	vmax.f32 @p0 v29, v13  }
0x521: {  	v28 =	vadd.f32 @p0 $-1.000000000e+00, v28;
	v29 =	vmax.f32 @p0 v29, v14;
	vm0 =	veq.s32 @p0 v30, $0x1  }
0x522: {  	vm1 =	veq.s32 @p0 v30, $0x2;
	v29 =	vmax.f32 @p0 v29, v17;
	v7 =	vsel @p0 vm0, v7, v9;
	v31 =	vpop @p0 (erf)  }
0x523: {  	vm0 =	veq.s32 @p0 v30, $0x3;
	v29 =	vmax.f32 @p0 v29, v16;
	v9 =	vmul.f32 @p0 v31, v28  }
0x524: {  	v7 =	vsel @p0 vm1, v8, v7;
	vm1 =	veq.s32 @p0 v30, $0x4;
	v8 =	vshll.u32 @p0 v30, $0x7  }
0x525: {  	v29 =	vmax.f32 @p0 v29, v18;
	v6 =	vsel @p0 vm0, v6, v7;
	v7 =	vmul.f32 @p0 v9, v9  }
0x526: {  	vm0 =	veq.s32 @p0 v30, $0x5;
	v6 =	vsel @p0 vm1, v12, v6;
	v28 =	vmax.f32 @p0 v29, v19  }
0x527: {  	v6 =	vsel @p0 vm0, v11, v6;
	vm0 =	veq.s32 @p0 v30, $0x6;
	v11 =	vmul.f32 @p0 $1.111111120e-01, v7  }
0x528: {  	v12 =	vmax.f32 @p0 v28, v20;
	v6 =	vsel @p0 vm0, v10, v6;
	vm0 =	veq.s32 @p0 v30, $0x7  }
0x529: {  	v6 =	vsel @p0 vm0, v13, v6;
	vm0 =	veq.s32 @p0 v30, $0x8;
	v10 =	vadd.f32 @p0 $1.428571490e-01, v11  }
0x52a: {  	v13 =	vshrl.u32 @p0 v15, $0x17;
	v6 =	vsel @p0 vm0, v14, v6;
	vm0 =	veq.s32 @p0 v30, $0x9  }
0x52b: {  	v6 =	vsel @p0 vm0, v17, v6;
	vm0 =	veq.s32 @p0 v30, $0xA;
	v10 =	vmul.f32 @p0 v10, v7  }
0x52c: {  	v9 =	vadd.f32 @p0 v9, v9;
	v6 =	vsel @p0 vm0, v16, v6;
	vm0 =	veq.s32 @p0 v30, $0xB  }
0x52d: {  	v11 =	vmax.f32 @p0 v12, v21;
	v6 =	vsel @p0 vm0, v18, v6;
	v10 =	vadd.f32 @p0 $2.000000030e-01, v10  }
0x52e: {  	vm0 =	veq.s32 @p0 v30, $0xC;
	v12 =	vor.u32 @p0 v2, v8;
	v11 =	vmax.f32 @p0 v11, v22  }
0x52f: {  	v6 =	vsel @p0 vm0, v19, v6;
	vm0 =	veq.s32 @p0 v30, $0xD;
	v10 =	vmul.f32 @p0 v10, v7  }
0x530: {  	v11 =	vmax.f32 @p0 v11, v23;
	v6 =	vsel @p0 vm0, v20, v6;
	vm0 =	veq.s32 @p0 v30, $0xE  }
0x531: {  	v6 =	vsel @p0 vm0, v21, v6;
	vm0 =	veq.s32 @p0 v30, $0xF;
	v10 =	vadd.f32 @p0 $3.333333430e-01, v10  }
0x532: {  	v11 =	vmax.f32 @p0 v11, v24;
	v6 =	vsel @p0 vm0, v22, v6;
	vm0 =	veq.s32 @p0 v30, $0x10  }
0x533: {  	v6 =	vsel @p0 vm0, v23, v6;
	vm0 =	veq.s32 @p0 v30, $0x11;
	v7 =	vmul.f32 @p0 v10, v7  }
0x534: {  	v11 =	vmax.f32 @p0 v11, v25;
	v6 =	vsel @p0 vm0, v24, v6;
	v10 =	vadd.s32 @p0 $0xFFFFFF81, v13  }
0x535: {  	vm0 =	veq.s32 @p0 v30, $0x12;
	v10 =	vcvt.s32.f32 @p0 v10;
	v7 =	vadd.f32 @p0 $1.000000000e+00, v7  }
0x536: {  	v11 =	vmax.f32 @p0 v11, v26;
	v6 =	vsel @p0 vm0, v25, v6;
	vm0 =	veq.s32 @p0 v30, $0x13  }
0x537: {  	v13 =	vadd.s32 @p0 v4, v8;
	v10 =	vmul.f32 @p0 $6.931471820e-01, v10;
	v7 =	vmul.f32 @p0 v7, v9  }
0x538: {  	v6 =	vsel @p0 vm0, v26, v6;
	vm0 =	veq.s32 @p0 v30, $0x14;
	v8 =	vadd.s32 @p0 v5, v8  }
0x539: {  	v6 =	vsel @p0 vm0, v27, v6;
	v9 =	vmax.f32 @p0 v11, v27;
	v7 =	vadd.f32 @p0 v7, v10  }
0x53a: {  	vm0 =	veq.f32 @p0 v6, v9  }
0x53b: {  	[tilespmem:v12+s30+$0x0] =	vst.idx.add.f32.msk @p0 $0xffff, v3;
	v9 =	vsel @p0 vm0, $0x3F800000, v1;
	v6 =	vsub.f32 @p0 v6, v7  }
0x53c: {  	s0 =	sand.u32 $0xC00, s1;
	[tilespmem:v13+s30+$0x0] =	vst.idx.add.f32.msk @p0 $0xffff, v9  }
0x53d: {  	s0 =	sor.u32 s0, s5;
	[tilespmem:v8+s30+$0x0] =	vst.idx.add.f32.msk @p0 $0xffff, v6  }
0x53e: {  	v6 =	vld [tilespmem:s0+$0x1200]  }
0x53f: {  	v7 =	vld [tilespmem:s0+$0x200];
	_ =	sdelay $0x1  }
0x540: {  	v8 =	vld [tilespmem:s0+$0x2200];
	_ =	sdelay $0x1  }
0x541: {  	v9 =	vld [tilespmem:s0+$0x3200];
	v10 =	vmul.f32 $1.442695020e+00, v6  }
0x542: {  	v11 =	vmul.f32 $1.442695020e+00, v7  }
0x543: {  	v12 =	vld [tilespmem:s0+$0x4200];
	(erf) = vpow2.f32 v10  }
0x544: {  	v10 =	vmul.f32 $1.442695020e+00, v8;
	(erf) = vpow2.f32 v11  }
0x545: {  	v11 =	vld [tilespmem:s0+$0x5200]  }
0x546: {  	v29 =	vmul.f32 $1.442695020e+00, v9;
	(erf) = vpow2.f32 v10  }
0x547: {  	v10 =	vld [tilespmem:s0+$0x6200]  }
0x548: {  	v30 =	vmul.f32 $1.442695020e+00, v12;
	(erf) = vpow2.f32 v29  }
0x549: {  	v13 =	vld [tilespmem:s0+$0x7200]  }
0x54a: {  	(erf) = vpow2.f32 v30;
	v31 =	vmul.f32 $1.442695020e+00, v11  }
0x54b: {  	v14 =	vld [tilespmem:s0+$0x8200]  }
0x54c: {  	v32 =	vmul.f32 $1.442695020e+00, v10;
	(erf) = vpow2.f32 v31;
	v33 =	vpop (erf)  }
0x54d: {  	v17 =	vld [tilespmem:s0+$0x9200];
	v34 =	vpop (erf)  }
0x54e: {  	v35 =	vmul.f32 $1.442695020e+00, v13;
	(erf) = vpow2.f32 v32;
	v15 =	vadd.f32 v33, v34  }
0x54f: {  	v16 =	vld [tilespmem:s0+$0xA200];
	v36 =	vpop (erf)  }
0x550: {  	v37 =	vmul.f32 $1.442695020e+00, v14;
	(erf) = vpow2.f32 v35;
	v15 =	vadd.f32 v36, v15  }
0x551: {  	v18 =	vld [tilespmem:s0+$0xB200];
	v38 =	vpop (erf)  }
0x552: {  	v39 =	vmul.f32 $1.442695020e+00, v17;
	(erf) = vpow2.f32 v37;
	v15 =	vadd.f32 v38, v15  }
0x553: {  	v19 =	vld [tilespmem:s0+$0xC200];
	v40 =	vpop (erf)  }
0x554: {  	v41 =	vmul.f32 $1.442695020e+00, v16;
	(erf) = vpow2.f32 v39;
	v15 =	vadd.f32 v40, v15  }
0x555: {  	v20 =	vld [tilespmem:s0+$0xD200];
	v42 =	vpop (erf)  }
0x556: {  	v43 =	vmul.f32 $1.442695020e+00, v18;
	(erf) = vpow2.f32 v41;
	v15 =	vadd.f32 v42, v15  }
0x557: {  	v21 =	vld [tilespmem:s0+$0xE200];
	v44 =	vpop (erf)  }
0x558: {  	v45 =	vmul.f32 $1.442695020e+00, v19;
	(erf) = vpow2.f32 v43;
	v15 =	vadd.f32 v44, v15  }
0x559: {  	v22 =	vld [tilespmem:s0+$0xF200];
	v46 =	vpop (erf)  }
0x55a: {  	v47 =	vmul.f32 $1.442695020e+00, v20;
	(erf) = vpow2.f32 v45;
	v15 =	vadd.f32 v46, v15  }
0x55b: {  	v23 =	vld [tilespmem:s0+$0x10200];
	v48 =	vpop (erf)  }
0x55c: {  	v49 =	vmul.f32 $1.442695020e+00, v21;
	(erf) = vpow2.f32 v47;
	v15 =	vadd.f32 v48, v15  }
0x55d: {  	v50 =	vld [tilespmem:s0+$0x11200];
	v51 =	vpop (erf)  }
0x55e: {  	v52 =	vmul.f32 $1.442695020e+00, v22;
	(erf) = vpow2.f32 v49;
	v15 =	vadd.f32 v51, v15  }
0x55f: {  	v53 =	vld [tilespmem:s0+$0x12200];
	v54 =	vpop (erf)  }
0x560: {  	v55 =	vmul.f32 $1.442695020e+00, v23;
	(erf) = vpow2.f32 v52;
	v15 =	vadd.f32 v54, v15  }
0x561: {  	v56 =	vld [tilespmem:s0+$0x13200];
	v57 =	vpop (erf)  }
0x562: {  	v58 =	vmul.f32 $1.442695020e+00, v50;
	(erf) = vpow2.f32 v55;
	v15 =	vadd.f32 v57, v15  }
0x563: {  	v59 =	vld [tilespmem:s0+$0x14200];
	v60 =	vpop (erf)  }
0x564: {  	v61 =	vmul.f32 $1.442695020e+00, v53;
	(erf) = vpow2.f32 v58;
	v15 =	vadd.f32 v60, v15  }
0x565: {  	v62 =	vpop (erf)  }
0x566: {  	v63 =	vmul.f32 $1.442695020e+00, v56;
	(erf) = vpow2.f32 v61;
	v15 =	vadd.f32 v62, v15  }
0x567: {  	v33 =	vpop (erf)  }
0x568: {  	v34 =	vmul.f32 $1.442695020e+00, v59;
	(erf) = vpow2.f32 v63;
	v15 =	vadd.f32 v33, v15  }
0x569: {  	v35 =	vpop (erf)  }
0x56a: {  	(erf) = vpow2.f32 v34;
	v15 =	vadd.f32 v35, v15  }
0x56b: {  	v36 =	vpop (erf)  }
0x56c: {  	v15 =	vadd.f32 v36, v15  }
0x56d: {  	v37 =	vpop (erf)  }
0x56e: {  	v15 =	vadd.f32 v37, v15  }
0x56f: {  	v38 =	vpop (erf)  }
0x570: {  	v15 =	vadd.f32 v38, v15  }
0x571: {  	v39 =	vpop (erf)  }
0x572: {  	v15 =	vadd.f32 v39, v15  }
0x573: {  	v40 =	vpop (erf)  }
0x574: {  	v15 =	vadd.f32 v40, v15;
	_ =	sdelay $0x1  }
0x575: {  	v28 =	vand.u32 $0x7FFFFF, v15  }
0x576: {  	v28 =	vor.u32 $0x3F800000, v28  }
0x577: {  	v41 =	vadd.f32 $1.000000000e+00, v28;
	_ =	sdelay $0x1  }
0x578: {  	(erf) = vrcp.f32 v41  }
0x579: {  	v42 =	vmax.f32 v7, v6  }
0x57a: {  	v30 =	vmax.f32 v42, v8  }
0x57b: {  	v43 =	vmax.f32 v30, v9;
	v44 =	vld [tilespmem:s0+$0x15200]  }
0x57c: {  	v29 =	vmax.f32 v43, v12  }
0x57d: {  	v29 =	vmax.f32 v29, v11  }
0x57e: {  	v29 =	vmax.f32 v29, v10  }
0x57f: {  	v29 =	vmax.f32 v29, v13  }
0x580: {  	v29 =	vmax.f32 v29, v14;
	vm13 =	veq.s32 v44, $0x1;
	v28 =	vadd.f32 $-1.000000000e+00, v28  }
0x581: {  	vm14 =	veq.s32 v44, $0x2;
	vm15 =	veq.s32 v44, $0x3;
	v6 =	vsel vm13, v6, v7;
	v45 =	vpop (erf)  }
0x582: {  	vm4 =	veq.s32 v44, $0x4;
	v6 =	vsel vm14, v8, v6;
	v7 =	vmul.f32 v45, v28  }
0x583: {  	vm5 =	veq.s32 v44, $0x5;
	vm6 =	veq.s32 v44, $0x6;
	v6 =	vsel vm15, v9, v6  }
0x584: {  	vm7 =	veq.s32 v44, $0x7;
	v6 =	vsel vm4, v12, v6;
	v8 =	vmul.f32 v7, v7  }
0x585: {  	vm8 =	veq.s32 v44, $0x8;
	vm9 =	veq.s32 v44, $0x9;
	v6 =	vsel vm5, v11, v6  }
0x586: {  	vm10 =	veq.s32 v44, $0xA;
	v6 =	vsel vm6, v10, v6;
	v11 =	vmul.f32 $1.111111120e-01, v8  }
0x587: {  	vm11 =	veq.s32 v44, $0xB;
	vm12 =	veq.s32 v44, $0xC;
	v6 =	vsel vm7, v13, v6  }
0x588: {  	v29 =	vmax.f32 v29, v17;
	v6 =	vsel vm8, v14, v6;
	v10 =	vadd.f32 $1.428571490e-01, v11  }
0x589: {  	vm13 =	veq.s32 v44, $0xD;
	v29 =	vmax.f32 v29, v16;
	v6 =	vsel vm9, v17, v6  }
0x58a: {  	vm14 =	veq.s32 v44, $0xE;
	v6 =	vsel vm10, v16, v6;
	v10 =	vmul.f32 v10, v8  }
0x58b: {  	v29 =	vmax.f32 v29, v18;
	v9 =	vshll.u32 v44, $0x7;
	v6 =	vsel vm11, v18, v6  }
0x58c: {  	vm15 =	veq.s32 v44, $0xF;
	v6 =	vsel vm12, v19, v6;
	v10 =	vadd.f32 $2.000000030e-01, v10  }
0x58d: {  	v46 =	vmax.f32 v29, v19;
	vm4 =	veq.s32 v44, $0x10;
	v6 =	vsel vm13, v20, v6  }
0x58e: {  	v48 =	vor.u32 v2, v9;
	v6 =	vsel vm14, v21, v6;
	v10 =	vmul.f32 v10, v8  }
0x58f: {  	v47 =	vmax.f32 v46, v20;
	vm5 =	veq.s32 v44, $0x11;
	v6 =	vsel vm15, v22, v6  }
0x590: {  	vm6 =	veq.s32 v44, $0x12;
	v6 =	vsel vm4, v23, v6;
	v10 =	vadd.f32 $3.333333430e-01, v10  }
0x591: {  	vm7 =	veq.s32 v44, $0x13;
	vm8 =	veq.s32 v44, $0x14;
	v6 =	vsel vm5, v50, v6  }
0x592: {  	v49 =	vshrl.u32 v15, $0x17;
	v11 =	vmax.f32 v47, v21;
	v8 =	vmul.f32 v10, v8  }
0x593: {  	v7 =	vadd.f32 v7, v7;
	v11 =	vmax.f32 v11, v22;
	v10 =	vadd.s32 $0xFFFFFF81, v49  }
0x594: {  	v11 =	vmax.f32 v11, v23;
	v10 =	vcvt.s32.f32 v10;
	v8 =	vadd.f32 $1.000000000e+00, v8  }
0x595: {  	v6 =	vsel vm6, v53, v6;
	v11 =	vmax.f32 v11, v50;
	v50 =	vadd.s32 v4, v9  }
0x596: {  	v11 =	vmax.f32 v11, v53;
	v10 =	vmul.f32 $6.931471820e-01, v10;
	v7 =	vmul.f32 v8, v7  }
0x597: {  	v6 =	vsel vm7, v56, v6;
	v11 =	vmax.f32 v11, v56;
	v8 =	vadd.s32 v5, v9  }
0x598: {  	v6 =	vsel vm8, v59, v6;
	v9 =	vmax.f32 v11, v59;
	v7 =	vadd.f32 v7, v10  }
0x599: {  	vm0 =	veq.f32 v6, v9  }
0x59a: {  	s1 =	simm.s32 $0x0;
	[tilespmem:v48+s30+$0x0] =	vst.idx.add.f32.msk $0xffff, v3;
	v9 =	vsel vm0, $0x3F800000, v1;
	v6 =	vsub.f32 v6, v7  }
0x59b: {  	s11 =	sand.u32 $0x70, s1;
	s12 =	sand.u32 $0xC00, s1;
	[tilespmem:v50+s30+$0x0] =	vst.idx.add.f32.msk $0xffff, v9  }
0x59c: {  	s0 =	sor.u32 s12, s11;
	[tilespmem:v8+s30+$0x0] =	vst.idx.add.f32.msk $0xffff, v6  }
0x59d: {  	v13 =	vld [tilespmem:s0+$0x280]  }
0x59e: {  	v14 =	vld [tilespmem:s0+$0x1280];
	_ =	sdelay $0x1  }
0x59f: {  	v15 =	vld [tilespmem:s0+$0x2280];
	_ =	sdelay $0x1  }
0x5a0: {  	v16 =	vld [tilespmem:s0+$0x3280];
	v6 =	vmul.f32 $1.442695020e+00, v13  }
0x5a1: {  	v7 =	vmul.f32 $1.442695020e+00, v14  }
0x5a2: {  	v8 =	vld [tilespmem:s0+$0x4280];
	(erf) = vpow2.f32 v6  }
0x5a3: {  	v6 =	vmul.f32 $1.442695020e+00, v15;
	(erf) = vpow2.f32 v7  }
0x5a4: {  	v9 =	vld [tilespmem:s0+$0x5280]  }
0x5a5: {  	v7 =	vmul.f32 $1.442695020e+00, v16;
	(erf) = vpow2.f32 v6  }
0x5a6: {  	v10 =	vld [tilespmem:s0+$0x6280]  }
0x5a7: {  	v6 =	vmul.f32 $1.442695020e+00, v8;
	(erf) = vpow2.f32 v7  }
0x5a8: {  	v11 =	vld [tilespmem:s0+$0x7280]  }
0x5a9: {  	v7 =	vmul.f32 $1.442695020e+00, v9;
	(erf) = vpow2.f32 v6  }
0x5aa: {  	v6 =	vld [tilespmem:s0+$0x8280]  }
0x5ab: {  	v51 =	vmul.f32 $1.442695020e+00, v10;
	(erf) = vpow2.f32 v7;
	v52 =	vpop (erf)  }
0x5ac: {  	v7 =	vld [tilespmem:s0+$0x9280];
	v53 =	vpop (erf)  }
0x5ad: {  	v54 =	vmul.f32 $1.442695020e+00, v11;
	(erf) = vpow2.f32 v51;
	v17 =	vadd.f32 v53, v52  }
0x5ae: {  	v12 =	vld [tilespmem:s0+$0xA280];
	v55 =	vpop (erf)  }
0x5af: {  	v56 =	vmul.f32 $1.442695020e+00, v6;
	(erf) = vpow2.f32 v54;
	v17 =	vadd.f32 v55, v17  }
0x5b0: {  	v18 =	vld [tilespmem:s0+$0xB280];
	v57 =	vpop (erf)  }
0x5b1: {  	v58 =	vmul.f32 $1.442695020e+00, v7;
	(erf) = vpow2.f32 v56;
	v17 =	vadd.f32 v57, v17  }
0x5b2: {  	v19 =	vld [tilespmem:s0+$0xC280];
	v59 =	vpop (erf)  }
0x5b3: {  	v60 =	vmul.f32 $1.442695020e+00, v12;
	(erf) = vpow2.f32 v58;
	v17 =	vadd.f32 v59, v17  }
0x5b4: {  	v20 =	vld [tilespmem:s0+$0xD280];
	v61 =	vpop (erf)  }
0x5b5: {  	v62 =	vmul.f32 $1.442695020e+00, v18;
	(erf) = vpow2.f32 v60;
	v17 =	vadd.f32 v61, v17  }
0x5b6: {  	v21 =	vld [tilespmem:s0+$0xE280];
	v63 =	vpop (erf)  }
0x5b7: {  	v28 =	vmul.f32 $1.442695020e+00, v19;
	(erf) = vpow2.f32 v62;
	v17 =	vadd.f32 v63, v17  }
0x5b8: {  	v22 =	vld [tilespmem:s0+$0xF280];
	v29 =	vpop (erf)  }
0x5b9: {  	v30 =	vmul.f32 $1.442695020e+00, v20;
	(erf) = vpow2.f32 v28;
	v17 =	vadd.f32 v29, v17  }
0x5ba: {  	v23 =	vld [tilespmem:s0+$0x10280];
	v31 =	vpop (erf)  }
0x5bb: {  	v32 =	vmul.f32 $1.442695020e+00, v21;
	(erf) = vpow2.f32 v30;
	v17 =	vadd.f32 v31, v17  }
0x5bc: {  	v24 =	vld [tilespmem:s0+$0x11280];
	v33 =	vpop (erf)  }
0x5bd: {  	v34 =	vmul.f32 $1.442695020e+00, v22;
	(erf) = vpow2.f32 v32;
	v17 =	vadd.f32 v33, v17  }
0x5be: {  	v35 =	vld [tilespmem:s0+$0x12280];
	v36 =	vpop (erf)  }
0x5bf: {  	v37 =	vmul.f32 $1.442695020e+00, v23;
	(erf) = vpow2.f32 v34;
	v17 =	vadd.f32 v36, v17  }
0x5c0: {  	v38 =	vld [tilespmem:s0+$0x13280];
	v39 =	vpop (erf)  }
0x5c1: {  	v40 =	vmul.f32 $1.442695020e+00, v24;
	(erf) = vpow2.f32 v37;
	v17 =	vadd.f32 v39, v17  }
0x5c2: {  	v41 =	vld [tilespmem:s0+$0x14280];
	v42 =	vpop (erf)  }
0x5c3: {  	v43 =	vmul.f32 $1.442695020e+00, v35;
	(erf) = vpow2.f32 v40;
	v17 =	vadd.f32 v42, v17  }
0x5c4: {  	v44 =	vpop (erf)  }
0x5c5: {  	v45 =	vmul.f32 $1.442695020e+00, v38;
	(erf) = vpow2.f32 v43;
	v17 =	vadd.f32 v44, v17  }
0x5c6: {  	v46 =	vpop (erf)  }
0x5c7: {  	v47 =	vmul.f32 $1.442695020e+00, v41;
	(erf) = vpow2.f32 v45;
	v17 =	vadd.f32 v46, v17  }
0x5c8: {  	v48 =	vpop (erf)  }
0x5c9: {  	(erf) = vpow2.f32 v47;
	v17 =	vadd.f32 v48, v17  }
0x5ca: {  	v49 =	vpop (erf)  }
0x5cb: {  	v17 =	vadd.f32 v49, v17  }
0x5cc: {  	v50 =	vpop (erf)  }
0x5cd: {  	v17 =	vadd.f32 v50, v17  }
0x5ce: {  	v51 =	vpop (erf)  }
0x5cf: {  	v17 =	vadd.f32 v51, v17  }
0x5d0: {  	v52 =	vpop (erf)  }
0x5d1: {  	v17 =	vadd.f32 v52, v17  }
0x5d2: {  	v53 =	vpop (erf)  }
0x5d3: {  	v17 =	vadd.f32 v53, v17;
	_ =	sdelay $0x1  }
0x5d4: {  	v28 =	vand.u32 $0x7FFFFF, v17  }
0x5d5: {  	v28 =	vor.u32 $0x3F800000, v28  }
0x5d6: {  	v54 =	vadd.f32 $1.000000000e+00, v28;
	_ =	sdelay $0x1  }
0x5d7: {  	(erf) = vrcp.f32 v54;
	_ =	sdelay $0x1  }
0x5d8: {  	v56 =	vld [tilespmem:s0+$0x15280];
	_ =	sdelay $0x3  }
0x5d9: {  	v55 =	vmax.f32 v13, v14  }
0x5da: {  	vm9 =	veq.s32 v56, $0x1;
	vm10 =	veq.s32 v56, $0x2;
	vm2 =	veq.s32 v56, $0x4  }
0x5db: {  	vm11 =	veq.s32 v56, $0x3;
	v60 =	vshll.u32 v56, $0x7;
	v28 =	vadd.f32 $-1.000000000e+00, v28  }
0x5dc: {  	vm12 =	veq.s32 v56, $0x5;
	vm13 =	veq.s32 v56, $0x6;
	vm14 =	veq.s32 v56, $0x7;
	v57 =	vpop (erf)  }
0x5dd: {  	vm15 =	veq.s32 v56, $0x8;
	vm4 =	veq.s32 v56, $0x9;
	v28 =	vmul.f32 v57, v28  }
0x5de: {  	vm5 =	veq.s32 v56, $0xA;
	vm6 =	veq.s32 v56, $0xB;
	vm7 =	veq.s32 v56, $0xC  }
0x5df: {  	v13 =	vsel vm9, v14, v13;
	v29 =	vmax.f32 v55, v15;
	v59 =	vmul.f32 v28, v28  }
0x5e0: {  	vm8 =	veq.s32 v56, $0xD;
	v13 =	vsel vm10, v15, v13;
	v29 =	vmax.f32 v29, v16  }
0x5e1: {  	v13 =	vsel vm11, v16, v13;
	v29 =	vmax.f32 v29, v8;
	v61 =	vmul.f32 $1.111111120e-01, v59  }
0x5e2: {  	vm9 =	veq.s32 v56, $0xE;
	v8 =	vsel vm2, v8, v13;
	v29 =	vmax.f32 v29, v9  }
0x5e3: {  	v8 =	vsel vm12, v9, v8;
	v29 =	vmax.f32 v29, v10;
	v63 =	vadd.f32 $1.428571490e-01, v61  }
0x5e4: {  	vm10 =	veq.s32 v56, $0xF;
	v8 =	vsel vm13, v10, v8;
	v29 =	vmax.f32 v29, v11  }
0x5e5: {  	v8 =	vsel vm14, v11, v8;
	v29 =	vmax.f32 v29, v6;
	v10 =	vmul.f32 v63, v59  }
0x5e6: {  	vm11 =	veq.s32 v56, $0x10;
	v6 =	vsel vm15, v6, v8;
	v29 =	vmax.f32 v29, v7  }
0x5e7: {  	v6 =	vsel vm4, v7, v6;
	v58 =	vmax.f32 v29, v12;
	v8 =	vadd.f32 $2.000000030e-01, v10  }
0x5e8: {  	vm12 =	veq.s32 v56, $0x11;
	v6 =	vsel vm5, v12, v6;
	v14 =	vmax.f32 v58, v18  }
0x5e9: {  	v6 =	vsel vm6, v18, v6;
	v14 =	vmax.f32 v14, v19;
	v7 =	vmul.f32 v8, v59  }
0x5ea: {  	vm13 =	veq.s32 v56, $0x13;
	v6 =	vsel vm7, v19, v6;
	v14 =	vmax.f32 v14, v20  }
0x5eb: {  	v6 =	vsel vm8, v20, v6;
	v62 =	vmax.f32 v14, v21;
	v7 =	vadd.f32 $3.333333430e-01, v7  }
0x5ec: {  	v11 =	vor.u32 v2, v60;
	v6 =	vsel vm9, v21, v6;
	v9 =	vmax.f32 v62, v22  }
0x5ed: {  	v6 =	vsel vm10, v22, v6;
	v10 =	vshrl.u32 v17, $0x17;
	v7 =	vmul.f32 v7, v59  }
0x5ee: {  	v9 =	vmax.f32 v9, v23;
	v6 =	vsel vm11, v23, v6;
	v8 =	vadd.s32 $0xFFFFFF81, v10  }
0x5ef: {  	v10 =	vadd.f32 v28, v28;
	v8 =	vcvt.s32.f32 v8;
	v7 =	vadd.f32 $1.000000000e+00, v7  }
0x5f0: {  	vm14 =	veq.s32 v56, $0x12;
	v9 =	vmax.f32 v9, v24;
	v6 =	vsel vm12, v24, v6  }
0x5f1: {  	p0 =	por $0x1, $0x1;
	v9 =	vmax.f32 v9, v35;
	v8 =	vmul.f32 $6.931471820e-01, v8;
	v7 =	vmul.f32 v7, v10  }
.Ltmp12:
0x5f2: {  	vm15 =	veq.s32 v56, $0x14;
	v6 =	vsel vm14, v35, v6;
	v9 =	vmax.f32 v9, v38;
	(pc) =	sbr.rel @!p0 .LBB2_19-.Ltmp12, $4  }
0x5f3: {  	v6 =	vsel vm13, v38, v6;
	v7 =	vadd.f32 v7, v8;
	v8 =	vadd.s32 v4, v60  }
0x5f4: {  	v9 =	vmax.f32 v9, v41;
	v10 =	vsel vm15, v41, v6;
	v6 =	vadd.s32 v5, v60  }
0x5f5: {  	vm0 =	veq.f32 v10, v9  }
0x5f6: {  	s5 =	simm.s32 $0x0;
	s4 =	simm.s32 $0x10;
	[tilespmem:v11+s30+$0x0] =	vst.idx.add.f32.msk $0xffff, v3;
	v9 =	vsel vm0, $0x3F800000, v1;
	v7 =	vsub.f32 v10, v7  }
.LBB2_18:
0x5f7: {  	p1 =	sne.s32 s4, $0x1F0  }
0x5f8: {  	[tilespmem:v8+s30+$0x0] =	vst.idx.add.f32.msk $0xffff, v9;
	s5 =	sadd.s32 $0x80, s5;
	s6 =	smov.u32 s4;
	s4 =	sadd.s32 $0x10, s4  }
0x5f9: {  	s6 =	sand.u32 $0x70, s6;
	s7 =	sand.u32 $0xC00, s5;
	[tilespmem:v6+s30+$0x0] =	vst.idx.add.f32.msk $0xffff, v7  }
0x5fa: {  	s6 =	sor.u32 s7, s6  }
0x5fb: {  	v7 =	vld [tilespmem:s6+$0x280]  }
0x5fc: {  	v8 =	vld [tilespmem:s6+$0x1280]  }
0x5fd: {  	v9 =	vld [tilespmem:s6+$0x2280]  }
0x5fe: {  	v6 =	vld [tilespmem:s6+$0x15280]  }
0x5ff: {  	v10 =	vld [tilespmem:s6+$0x3280]  }
0x600: {  	v11 =	vmul.f32 $1.442695020e+00, v7  }
0x601: {  	v12 =	vmax.f32 v7, v8;
	v13 =	vmul.f32 $1.442695020e+00, v8;
	v14 =	vld [tilespmem:s6+$0x4280]  }
0x602: {  	v12 =	vmax.f32 v12, v9;
	v15 =	vmul.f32 $1.442695020e+00, v9;
	(erf) = vpow2.f32 v11  }
0x603: {  	vm0 =	veq.s32 v6, $0x1;
	vm1 =	veq.s32 v6, $0x2;
	v11 =	vld [tilespmem:s6+$0x5280];
	(erf) = vpow2.f32 v13  }
0x604: {  	vm2 =	veq.s32 v6, $0x4;
	v13 =	vmul.f32 $1.442695020e+00, v10;
	(erf) = vpow2.f32 v15  }
0x605: {  	v7 =	vsel vm0, v8, v7;
	v8 =	vmax.f32 v12, v10;
	vm0 =	veq.s32 v6, $0x3;
	v12 =	vld [tilespmem:s6+$0x6280]  }
0x606: {  	v7 =	vsel vm1, v9, v7;
	v9 =	vmul.f32 $1.442695020e+00, v14;
	(erf) = vpow2.f32 v13  }
0x607: {  	v10 =	vsel vm0, v10, v7;
	v8 =	vmax.f32 v8, v14;
	v7 =	vshll.u32 v6, $0x7;
	v13 =	vld [tilespmem:s6+$0x7280]  }
0x608: {  	vm0 =	veq.s32 v6, $0x5;
	v15 =	vmul.f32 $1.442695020e+00, v11;
	(erf) = vpow2.f32 v9  }
0x609: {  	vm1 =	veq.s32 v6, $0x6;
	v9 =	vsel vm2, v14, v10;
	v10 =	vmax.f32 v8, v11;
	v8 =	vld [tilespmem:s6+$0x8280]  }
0x60a: {  	v9 =	vsel vm0, v11, v9;
	v17 =	vmul.f32 $1.442695020e+00, v12;
	(erf) = vpow2.f32 v15  }
0x60b: {  	vm0 =	veq.s32 v6, $0x7;
	v10 =	vmax.f32 v10, v12;
	v11 =	vsel vm1, v12, v9;
	v9 =	vld [tilespmem:s6+$0x9280];
	v12 =	vpop (erf)  }
0x60c: {  	v18 =	vmul.f32 $1.442695020e+00, v13;
	v11 =	vsel vm0, v13, v11;
	v16 =	vpop (erf);
	(erf) = vpow2.f32 v17  }
0x60d: {  	v13 =	vmax.f32 v10, v13;
	v12 =	vadd.f32 v16, v12;
	v10 =	vld [tilespmem:s6+$0xA280];
	v14 =	vpop (erf)  }
0x60e: {  	v16 =	vmax.f32 v13, v8;
	v13 =	vmul.f32 $1.442695020e+00, v8;
	(erf) = vpow2.f32 v18  }
0x60f: {  	v14 =	vadd.f32 v14, v12;
	v12 =	vld [tilespmem:s6+$0xB280];
	v15 =	vpop (erf)  }
0x610: {  	v19 =	vmul.f32 $1.442695020e+00, v9;
	(erf) = vpow2.f32 v13  }
0x611: {  	v14 =	vadd.f32 v15, v14;
	v13 =	vld [tilespmem:s6+$0xC280];
	v15 =	vpop (erf)  }
0x612: {  	v20 =	vmul.f32 $1.442695020e+00, v10;
	(erf) = vpow2.f32 v19  }
0x613: {  	v15 =	vadd.f32 v15, v14;
	v14 =	vld [tilespmem:s6+$0xD280];
	v17 =	vpop (erf)  }
0x614: {  	v21 =	vmul.f32 $1.442695020e+00, v12;
	(erf) = vpow2.f32 v20  }
0x615: {  	v16 =	vmax.f32 v16, v9;
	v17 =	vadd.f32 v17, v15;
	v15 =	vld [tilespmem:s6+$0xE280];
	v18 =	vpop (erf)  }
0x616: {  	v22 =	vmul.f32 $1.442695020e+00, v13;
	(erf) = vpow2.f32 v21  }
0x617: {  	v17 =	vadd.f32 v18, v17;
	v18 =	vmax.f32 v16, v10;
	v16 =	vld [tilespmem:s6+$0xF280];
	v19 =	vpop (erf)  }
0x618: {  	v18 =	vmax.f32 v18, v12;
	v23 =	vmul.f32 $1.442695020e+00, v14;
	(erf) = vpow2.f32 v22  }
0x619: {  	v19 =	vadd.f32 v19, v17;
	v18 =	vmax.f32 v18, v13;
	v17 =	vld [tilespmem:s6+$0x10280];
	v20 =	vpop (erf)  }
0x61a: {  	v18 =	vmax.f32 v18, v14;
	v22 =	vmul.f32 $1.442695020e+00, v15;
	(erf) = vpow2.f32 v23  }
0x61b: {  	v19 =	vadd.f32 v20, v19;
	v20 =	vmax.f32 v18, v15;
	v18 =	vld [tilespmem:s6+$0x11280];
	v21 =	vpop (erf)  }
0x61c: {  	v27 =	vmul.f32 $1.442695020e+00, v16;
	(erf) = vpow2.f32 v22  }
0x61d: {  	v20 =	vmax.f32 v20, v16;
	v22 =	vor.u32 v2, v7;
	v21 =	vadd.f32 v21, v19;
	v19 =	vld [tilespmem:s6+$0x12280];
	v24 =	vpop (erf)  }
0x61e: {  	v25 =	vmax.f32 v20, v17;
	v28 =	vmul.f32 $1.442695020e+00, v17;
	(erf) = vpow2.f32 v27  }
0x61f: {  	v21 =	vadd.f32 v24, v21;
	v20 =	vld [tilespmem:s6+$0x13280];
	v23 =	vpop (erf)  }
0x620: {  	v29 =	vmul.f32 $1.442695020e+00, v18;
	(erf) = vpow2.f32 v28  }
0x621: {  	v25 =	vmax.f32 v25, v18;
	v23 =	vadd.f32 v23, v21;
	v21 =	vld [tilespmem:s6+$0x14280];
	v26 =	vpop (erf)  }
0x622: {  	v27 =	vmul.f32 $1.442695020e+00, v19;
	[tilespmem:v22+s30+$0x0] =	vst.idx.add.f32.msk $0xffff, v3;
	(erf) = vpow2.f32 v29  }
0x623: {  	v22 =	vadd.f32 v26, v23;
	v23 =	vmax.f32 v25, v19;
	v24 =	vpop (erf)  }
0x624: {  	v23 =	vmax.f32 v23, v20;
	v25 =	vmul.f32 $1.442695020e+00, v20;
	(erf) = vpow2.f32 v27  }
0x625: {  	v22 =	vadd.f32 v24, v22;
	v24 =	vpop (erf)  }
0x626: {  	v23 =	vmax.f32 v23, v21;
	v26 =	vmul.f32 $1.442695020e+00, v21;
	(erf) = vpow2.f32 v25  }
0x627: {  	v22 =	vadd.f32 v24, v22;
	v24 =	vpop (erf)  }
0x628: {  	(erf) = vpow2.f32 v26  }
0x629: {  	v22 =	vadd.f32 v24, v22;
	v24 =	vpop (erf);
	_ =	sdelay $0x1  }
0x62a: {  	v22 =	vadd.f32 v24, v22;
	v24 =	vpop (erf);
	_ =	sdelay $0x1  }
0x62b: {  	v22 =	vadd.f32 v24, v22;
	v24 =	vpop (erf);
	_ =	sdelay $0x1  }
0x62c: {  	v22 =	vadd.f32 v24, v22;
	v24 =	vpop (erf);
	_ =	sdelay $0x1  }
0x62d: {  	v22 =	vadd.f32 v24, v22;
	v24 =	vpop (erf);
	_ =	sdelay $0x1  }
0x62e: {  	v22 =	vadd.f32 v24, v22;
	_ =	sdelay $0x1  }
0x62f: {  	v24 =	vshrl.u32 v22, $0x17;
	v22 =	vand.u32 $0x7FFFFF, v22  }
0x630: {  	v24 =	vadd.s32 $0xFFFFFF81, v24;
	v22 =	vor.u32 $0x3F800000, v22  }
0x631: {  	v25 =	vadd.f32 $1.000000000e+00, v22;
	v24 =	vcvt.s32.f32 v24;
	_ =	sdelay $0x1  }
0x632: {  	(erf) = vrcp.f32 v25;
	_ =	sdelay $0x6  }
0x633: {  	v22 =	vadd.f32 $-1.000000000e+00, v22;
	_ =	sdelay $0x1  }
0x634: {  	v25 =	vpop (erf)  }
0x635: {  	v22 =	vmul.f32 v25, v22;
	_ =	sdelay $0x1  }
0x636: {  	v25 =	vmul.f32 v22, v22;
	_ =	sdelay $0x1  }
0x637: {  	v26 =	vmul.f32 $1.111111120e-01, v25;
	_ =	sdelay $0x1  }
0x638: {  	v26 =	vadd.f32 $1.428571490e-01, v26;
	_ =	sdelay $0x1  }
0x639: {  	v26 =	vmul.f32 v26, v25  }
0x63a: {  	vm0 =	veq.s32 v6, $0x8  }
0x63b: {  	v8 =	vsel vm0, v8, v11;
	vm0 =	veq.s32 v6, $0x9;
	v11 =	vadd.f32 $2.000000030e-01, v26  }
0x63c: {  	v8 =	vsel vm0, v9, v8;
	vm0 =	veq.s32 v6, $0xA  }
0x63d: {  	v8 =	vsel vm0, v10, v8;
	vm0 =	veq.s32 v6, $0xB;
	v9 =	vmul.f32 v11, v25  }
0x63e: {  	v8 =	vsel vm0, v12, v8;
	vm0 =	veq.s32 v6, $0xC  }
0x63f: {  	v8 =	vsel vm0, v13, v8;
	vm0 =	veq.s32 v6, $0xD;
	v9 =	vadd.f32 $3.333333430e-01, v9  }
0x640: {  	vm1 =	veq.s32 v6, $0x13;
	v8 =	vsel vm0, v14, v8;
	vm0 =	veq.s32 v6, $0xE  }
0x641: {  	v8 =	vsel vm0, v15, v8;
	vm0 =	veq.s32 v6, $0xF;
	v9 =	vmul.f32 v9, v25  }
0x642: {  	v8 =	vsel vm0, v16, v8;
	vm0 =	veq.s32 v6, $0x10;
	v10 =	vadd.f32 v22, v22  }
0x643: {  	v8 =	vsel vm0, v17, v8;
	vm0 =	veq.s32 v6, $0x11;
	v9 =	vadd.f32 $1.000000000e+00, v9  }
0x644: {  	v8 =	vsel vm0, v18, v8;
	vm0 =	veq.s32 v6, $0x12;
	v11 =	vmul.f32 $6.931471820e-01, v24  }
.Ltmp13:
0x645: {  	v12 =	vsel vm0, v19, v8;
	v8 =	vadd.s32 v4, v7;
	v9 =	vmul.f32 v9, v10;
	(pc) =	sbr.rel @p1 .LBB2_18-.Ltmp13, $4  }
0x646: {  	vm0 =	veq.s32 v6, $0x14;
	v6 =	vadd.s32 v5, v7;
	v10 =	vsel vm1, v20, v12  }
0x647: {  	v7 =	vsel vm0, v21, v10;
	v10 =	vadd.f32 v9, v11  }
0x648: {  	vm0 =	veq.f32 v7, v23  }
0x649: {  	v9 =	vsel vm0, $0x3F800000, v1;
	v7 =	vsub.f32 v7, v10  }
.LBB2_19:
0x64a: {  	_ =	sdelay $0x3  }
0x64b: {  	[tilespmem:v8+s30+$0x0] =	vst.idx.add.f32.msk $0xffff, v9  }
0x64c: {  	[tilespmem:v6+s30+$0x0] =	vst.idx.add.f32.msk $0xffff, v7  }
0x64d: {  	v9 =	vld [tilespmem:s0+$0x300]  }
0x64e: {  	v10 =	vld [tilespmem:s0+$0x1300];
	_ =	sdelay $0x1  }
0x64f: {  	v11 =	vld [tilespmem:s0+$0x2300];
	_ =	sdelay $0x1  }
0x650: {  	v12 =	vld [tilespmem:s0+$0x3300];
	v6 =	vmul.f32 $1.442695020e+00, v9  }
0x651: {  	v14 =	vld [tilespmem:s0+$0x5300];
	v7 =	vmul.f32 $1.442695020e+00, v10  }
0x652: {  	v13 =	vld [tilespmem:s0+$0x4300];
	(erf) = vpow2.f32 v6  }
0x653: {  	v6 =	vmul.f32 $1.442695020e+00, v11;
	(erf) = vpow2.f32 v7;
	_ =	sdelay $0x1  }
0x654: {  	v7 =	vmul.f32 $1.442695020e+00, v12;
	(erf) = vpow2.f32 v6  }
0x655: {  	v15 =	vld [tilespmem:s0+$0x6300];
	v8 =	vmul.f32 $1.442695020e+00, v14  }
0x656: {  	v6 =	vmul.f32 $1.442695020e+00, v13;
	(erf) = vpow2.f32 v7  }
0x657: {  	v16 =	vld [tilespmem:s0+$0x7300]  }
0x658: {  	(erf) = vpow2.f32 v6  }
0x659: {  	v7 =	vld [tilespmem:s0+$0x8300]  }
0x65a: {  	v17 =	vmul.f32 $1.442695020e+00, v15;
	(erf) = vpow2.f32 v8;
	v8 =	vpop (erf)  }
0x65b: {  	v6 =	vld [tilespmem:s0+$0x9300];
	v18 =	vpop (erf)  }
0x65c: {  	v19 =	vmul.f32 $1.442695020e+00, v16;
	(erf) = vpow2.f32 v17;
	v28 =	vadd.f32 v18, v8  }
0x65d: {  	v8 =	vld [tilespmem:s0+$0xA300];
	v29 =	vpop (erf)  }
0x65e: {  	v20 =	vmul.f32 $1.442695020e+00, v7;
	(erf) = vpow2.f32 v19;
	v17 =	vadd.f32 v29, v28  }
0x65f: {  	v18 =	vld [tilespmem:s0+$0xB300];
	v30 =	vpop (erf)  }
0x660: {  	v21 =	vmul.f32 $1.442695020e+00, v6;
	(erf) = vpow2.f32 v20;
	v17 =	vadd.f32 v30, v17  }
0x661: {  	v19 =	vld [tilespmem:s0+$0xC300];
	v31 =	vpop (erf)  }
0x662: {  	(erf) = vpow2.f32 v21;
	v22 =	vmul.f32 $1.442695020e+00, v8;
	v17 =	vadd.f32 v31, v17  }
0x663: {  	v20 =	vld [tilespmem:s0+$0xD300];
	v32 =	vpop (erf)  }
0x664: {  	v23 =	vmul.f32 $1.442695020e+00, v18;
	(erf) = vpow2.f32 v22;
	v17 =	vadd.f32 v32, v17  }
0x665: {  	v33 =	vld [tilespmem:s0+$0xE300];
	v34 =	vpop (erf)  }
0x666: {  	v24 =	vmul.f32 $1.442695020e+00, v19;
	(erf) = vpow2.f32 v23;
	v17 =	vadd.f32 v34, v17  }
0x667: {  	v35 =	vld [tilespmem:s0+$0xF300];
	v36 =	vpop (erf)  }
0x668: {  	v25 =	vmul.f32 $1.442695020e+00, v20;
	(erf) = vpow2.f32 v24;
	v17 =	vadd.f32 v36, v17  }
0x669: {  	v37 =	vld [tilespmem:s0+$0x10300];
	v38 =	vpop (erf)  }
0x66a: {  	v26 =	vmul.f32 $1.442695020e+00, v33;
	(erf) = vpow2.f32 v25;
	v17 =	vadd.f32 v38, v17  }
0x66b: {  	v39 =	vld [tilespmem:s0+$0x11300];
	v40 =	vpop (erf)  }
0x66c: {  	v27 =	vmul.f32 $1.442695020e+00, v35;
	(erf) = vpow2.f32 v26;
	v17 =	vadd.f32 v40, v17  }
0x66d: {  	v41 =	vld [tilespmem:s0+$0x12300];
	v42 =	vpop (erf)  }
0x66e: {  	v28 =	vmul.f32 $1.442695020e+00, v37;
	(erf) = vpow2.f32 v27;
	v17 =	vadd.f32 v42, v17  }
0x66f: {  	v43 =	vld [tilespmem:s0+$0x13300];
	v44 =	vpop (erf)  }
0x670: {  	v29 =	vmul.f32 $1.442695020e+00, v39;
	(erf) = vpow2.f32 v28;
	v17 =	vadd.f32 v44, v17  }
0x671: {  	v45 =	vld [tilespmem:s0+$0x14300];
	v46 =	vpop (erf)  }
0x672: {  	v30 =	vmul.f32 $1.442695020e+00, v41;
	(erf) = vpow2.f32 v29;
	v17 =	vadd.f32 v46, v17  }
0x673: {  	v47 =	vpop (erf)  }
0x674: {  	v48 =	vmul.f32 $1.442695020e+00, v43;
	(erf) = vpow2.f32 v30;
	v17 =	vadd.f32 v47, v17  }
0x675: {  	v49 =	vpop (erf)  }
0x676: {  	v50 =	vmul.f32 $1.442695020e+00, v45;
	(erf) = vpow2.f32 v48;
	v17 =	vadd.f32 v49, v17  }
0x677: {  	v51 =	vpop (erf)  }
0x678: {  	(erf) = vpow2.f32 v50;
	v17 =	vadd.f32 v51, v17  }
0x679: {  	v52 =	vpop (erf)  }
0x67a: {  	v17 =	vadd.f32 v52, v17  }
0x67b: {  	v53 =	vpop (erf)  }
0x67c: {  	v17 =	vadd.f32 v53, v17  }
0x67d: {  	v54 =	vpop (erf)  }
0x67e: {  	v17 =	vadd.f32 v54, v17  }
0x67f: {  	v55 =	vpop (erf)  }
0x680: {  	v17 =	vadd.f32 v55, v17  }
0x681: {  	v56 =	vpop (erf)  }
0x682: {  	v17 =	vadd.f32 v56, v17;
	_ =	sdelay $0x1  }
0x683: {  	v28 =	vand.u32 $0x7FFFFF, v17  }
0x684: {  	v28 =	vor.u32 $0x3F800000, v28  }
0x685: {  	v57 =	vadd.f32 $1.000000000e+00, v28;
	_ =	sdelay $0x1  }
0x686: {  	(erf) = vrcp.f32 v57  }
0x687: {  	v58 =	vld [tilespmem:s0+$0x15300];
	_ =	sdelay $0x4  }
0x688: {  	vm0 =	veq.s32 v58, $0x1  }
0x689: {  	v59 =	vmax.f32 v9, v10;
	vm10 =	veq.s32 v58, $0x2;
	v9 =	vsel vm0, v10, v9  }
0x68a: {  	v9 =	vsel vm10, v11, v9;
	v29 =	vmax.f32 v59, v11;
	v11 =	vadd.f32 $-1.000000000e+00, v28  }
0x68b: {  	vm11 =	veq.s32 v58, $0x3;
	vm12 =	veq.s32 v58, $0x4;
	vm13 =	veq.s32 v58, $0x5;
	v60 =	vpop (erf)  }
0x68c: {  	vm14 =	veq.s32 v58, $0x6;
	vm15 =	veq.s32 v58, $0x7;
	v11 =	vmul.f32 v60, v11  }
0x68d: {  	v62 =	vshll.u32 v58, $0x7;
	vm4 =	veq.s32 v58, $0x8;
	vm5 =	veq.s32 v58, $0x9  }
0x68e: {  	v9 =	vsel vm11, v12, v9;
	v29 =	vmax.f32 v29, v12;
	v12 =	vmul.f32 v11, v11  }
0x68f: {  	vm6 =	veq.s32 v58, $0xA;
	vm7 =	veq.s32 v58, $0xB;
	vm8 =	veq.s32 v58, $0xC  }
0x690: {  	vm9 =	veq.s32 v58, $0xD;
	v10 =	vmax.f32 v29, v13;
	v61 =	vmul.f32 $1.111111120e-01, v12  }
0x691: {  	vm1 =	veq.s32 v58, $0x13;
	v9 =	vsel vm12, v13, v9;
	v10 =	vmax.f32 v10, v14  }
0x692: {  	v9 =	vsel vm13, v14, v9;
	v10 =	vmax.f32 v10, v15;
	v13 =	vadd.f32 $1.428571490e-01, v61  }
0x693: {  	vm10 =	veq.s32 v58, $0xE;
	v9 =	vsel vm14, v15, v9;
	v10 =	vmax.f32 v10, v16  }
0x694: {  	v9 =	vsel vm15, v16, v9;
	v10 =	vmax.f32 v10, v7;
	v13 =	vmul.f32 v13, v12  }
0x695: {  	vm11 =	veq.s32 v58, $0xF;
	v7 =	vsel vm4, v7, v9;
	v10 =	vmax.f32 v10, v6  }
0x696: {  	v6 =	vsel vm5, v6, v7;
	v10 =	vmax.f32 v10, v8;
	v13 =	vadd.f32 $2.000000030e-01, v13  }
0x697: {  	vm12 =	veq.s32 v58, $0x10;
	v6 =	vsel vm6, v8, v6;
	v10 =	vmax.f32 v10, v18  }
0x698: {  	v6 =	vsel vm7, v18, v6;
	v10 =	vmax.f32 v10, v19;
	v7 =	vmul.f32 v13, v12  }
0x699: {  	vm13 =	veq.s32 v58, $0x11;
	v6 =	vsel vm8, v19, v6;
	v10 =	vmax.f32 v10, v20  }
0x69a: {  	v6 =	vsel vm9, v20, v6;
	v10 =	vmax.f32 v10, v33;
	v7 =	vadd.f32 $3.333333430e-01, v7  }
0x69b: {  	vm14 =	veq.s32 v58, $0x12;
	v6 =	vsel vm10, v33, v6;
	v10 =	vmax.f32 v10, v35  }
0x69c: {  	v6 =	vsel vm11, v35, v6;
	v63 =	vshrl.u32 v17, $0x17;
	v7 =	vmul.f32 v7, v12  }
0x69d: {  	v10 =	vmax.f32 v10, v37;
	v6 =	vsel vm12, v37, v6;
	v8 =	vadd.s32 $0xFFFFFF81, v63  }
0x69e: {  	v8 =	vcvt.s32.f32 v8;
	v11 =	vadd.f32 v11, v11;
	v7 =	vadd.f32 $1.000000000e+00, v7  }
0x69f: {  	v9 =	vor.u32 v2, v62;
	v10 =	vmax.f32 v10, v39;
	v6 =	vsel vm13, v39, v6  }
0x6a0: {  	v10 =	vmax.f32 v10, v41;
	v8 =	vmul.f32 $6.931471820e-01, v8;
	v7 =	vmul.f32 v7, v11  }
.Ltmp14:
0x6a1: {  	vm15 =	veq.s32 v58, $0x14;
	v6 =	vsel vm14, v41, v6;
	v10 =	vmax.f32 v10, v43;
	(pc) =	sbr.rel @!p0 .LBB2_21-.Ltmp14, $4  }
0x6a2: {  	v6 =	vsel vm1, v43, v6;
	v7 =	vadd.f32 v7, v8;
	v8 =	vadd.s32 v4, v62  }
0x6a3: {  	v10 =	vmax.f32 v10, v45;
	v11 =	vsel vm15, v45, v6;
	v6 =	vadd.s32 v5, v62  }
0x6a4: {  	vm0 =	veq.f32 v11, v10  }
0x6a5: {  	s0 =	simm.s32 $0x10;
	[tilespmem:v9+s30+$0x0] =	vst.idx.add.f32.msk $0xffff, v3;
	v9 =	vsel vm0, $0x3F800000, v1;
	v7 =	vsub.f32 v11, v7  }
.LBB2_20:
0x6a6: {  	p0 =	sne.s32 s0, $0x1F0  }
0x6a7: {  	[tilespmem:v8+s30+$0x0] =	vst.idx.add.f32.msk $0xffff, v9;
	s1 =	sadd.s32 $0x80, s1;
	s4 =	smov.u32 s0;
	s0 =	sadd.s32 $0x10, s0  }
0x6a8: {  	s4 =	sand.u32 $0x70, s4;
	s5 =	sand.u32 $0xC00, s1;
	[tilespmem:v6+s30+$0x0] =	vst.idx.add.f32.msk $0xffff, v7  }
0x6a9: {  	s4 =	sor.u32 s5, s4  }
0x6aa: {  	v7 =	vld [tilespmem:s4+$0x300]  }
0x6ab: {  	v8 =	vld [tilespmem:s4+$0x1300]  }
0x6ac: {  	v9 =	vld [tilespmem:s4+$0x2300]  }
0x6ad: {  	v6 =	vld [tilespmem:s4+$0x15300]  }
0x6ae: {  	v10 =	vld [tilespmem:s4+$0x3300]  }
0x6af: {  	v11 =	vmul.f32 $1.442695020e+00, v7  }
0x6b0: {  	v12 =	vmax.f32 v7, v8;
	v13 =	vmul.f32 $1.442695020e+00, v8;
	v14 =	vld [tilespmem:s4+$0x4300]  }
0x6b1: {  	v12 =	vmax.f32 v12, v9;
	v15 =	vmul.f32 $1.442695020e+00, v9;
	(erf) = vpow2.f32 v11  }
0x6b2: {  	vm0 =	veq.s32 v6, $0x1;
	vm1 =	veq.s32 v6, $0x2;
	v11 =	vld [tilespmem:s4+$0x5300];
	(erf) = vpow2.f32 v13  }
0x6b3: {  	vm2 =	veq.s32 v6, $0x4;
	v13 =	vmul.f32 $1.442695020e+00, v10;
	(erf) = vpow2.f32 v15  }
0x6b4: {  	v7 =	vsel vm0, v8, v7;
	v8 =	vmax.f32 v12, v10;
	vm0 =	veq.s32 v6, $0x3;
	v12 =	vld [tilespmem:s4+$0x6300]  }
0x6b5: {  	v7 =	vsel vm1, v9, v7;
	v9 =	vmul.f32 $1.442695020e+00, v14;
	(erf) = vpow2.f32 v13  }
0x6b6: {  	v10 =	vsel vm0, v10, v7;
	v8 =	vmax.f32 v8, v14;
	v7 =	vshll.u32 v6, $0x7;
	v13 =	vld [tilespmem:s4+$0x7300]  }
0x6b7: {  	vm0 =	veq.s32 v6, $0x5;
	v15 =	vmul.f32 $1.442695020e+00, v11;
	(erf) = vpow2.f32 v9  }
0x6b8: {  	vm1 =	veq.s32 v6, $0x6;
	v9 =	vsel vm2, v14, v10;
	v10 =	vmax.f32 v8, v11;
	v8 =	vld [tilespmem:s4+$0x8300]  }
0x6b9: {  	v9 =	vsel vm0, v11, v9;
	v17 =	vmul.f32 $1.442695020e+00, v12;
	(erf) = vpow2.f32 v15  }
0x6ba: {  	vm0 =	veq.s32 v6, $0x7;
	v10 =	vmax.f32 v10, v12;
	v11 =	vsel vm1, v12, v9;
	v9 =	vld [tilespmem:s4+$0x9300];
	v12 =	vpop (erf)  }
0x6bb: {  	v18 =	vmul.f32 $1.442695020e+00, v13;
	v11 =	vsel vm0, v13, v11;
	v16 =	vpop (erf);
	(erf) = vpow2.f32 v17  }
0x6bc: {  	v13 =	vmax.f32 v10, v13;
	v12 =	vadd.f32 v16, v12;
	v10 =	vld [tilespmem:s4+$0xA300];
	v14 =	vpop (erf)  }
0x6bd: {  	v16 =	vmax.f32 v13, v8;
	v13 =	vmul.f32 $1.442695020e+00, v8;
	(erf) = vpow2.f32 v18  }
0x6be: {  	v14 =	vadd.f32 v14, v12;
	v12 =	vld [tilespmem:s4+$0xB300];
	v15 =	vpop (erf)  }
0x6bf: {  	v19 =	vmul.f32 $1.442695020e+00, v9;
	(erf) = vpow2.f32 v13  }
0x6c0: {  	v14 =	vadd.f32 v15, v14;
	v13 =	vld [tilespmem:s4+$0xC300];
	v15 =	vpop (erf)  }
0x6c1: {  	v20 =	vmul.f32 $1.442695020e+00, v10;
	(erf) = vpow2.f32 v19  }
0x6c2: {  	v15 =	vadd.f32 v15, v14;
	v14 =	vld [tilespmem:s4+$0xD300];
	v17 =	vpop (erf)  }
0x6c3: {  	v21 =	vmul.f32 $1.442695020e+00, v12;
	(erf) = vpow2.f32 v20  }
0x6c4: {  	v16 =	vmax.f32 v16, v9;
	v17 =	vadd.f32 v17, v15;
	v15 =	vld [tilespmem:s4+$0xE300];
	v18 =	vpop (erf)  }
0x6c5: {  	v22 =	vmul.f32 $1.442695020e+00, v13;
	(erf) = vpow2.f32 v21  }
0x6c6: {  	v17 =	vadd.f32 v18, v17;
	v18 =	vmax.f32 v16, v10;
	v16 =	vld [tilespmem:s4+$0xF300];
	v19 =	vpop (erf)  }
0x6c7: {  	v18 =	vmax.f32 v18, v12;
	v23 =	vmul.f32 $1.442695020e+00, v14;
	(erf) = vpow2.f32 v22  }
0x6c8: {  	v19 =	vadd.f32 v19, v17;
	v18 =	vmax.f32 v18, v13;
	v17 =	vld [tilespmem:s4+$0x10300];
	v20 =	vpop (erf)  }
0x6c9: {  	v18 =	vmax.f32 v18, v14;
	v22 =	vmul.f32 $1.442695020e+00, v15;
	(erf) = vpow2.f32 v23  }
0x6ca: {  	v19 =	vadd.f32 v20, v19;
	v20 =	vmax.f32 v18, v15;
	v18 =	vld [tilespmem:s4+$0x11300];
	v21 =	vpop (erf)  }
0x6cb: {  	v27 =	vmul.f32 $1.442695020e+00, v16;
	(erf) = vpow2.f32 v22  }
0x6cc: {  	v20 =	vmax.f32 v20, v16;
	v22 =	vor.u32 v2, v7;
	v21 =	vadd.f32 v21, v19;
	v19 =	vld [tilespmem:s4+$0x12300];
	v24 =	vpop (erf)  }
0x6cd: {  	v25 =	vmax.f32 v20, v17;
	v28 =	vmul.f32 $1.442695020e+00, v17;
	(erf) = vpow2.f32 v27  }
0x6ce: {  	v21 =	vadd.f32 v24, v21;
	v20 =	vld [tilespmem:s4+$0x13300];
	v23 =	vpop (erf)  }
0x6cf: {  	v29 =	vmul.f32 $1.442695020e+00, v18;
	(erf) = vpow2.f32 v28  }
0x6d0: {  	v25 =	vmax.f32 v25, v18;
	v23 =	vadd.f32 v23, v21;
	v21 =	vld [tilespmem:s4+$0x14300];
	v26 =	vpop (erf)  }
0x6d1: {  	v27 =	vmul.f32 $1.442695020e+00, v19;
	[tilespmem:v22+s30+$0x0] =	vst.idx.add.f32.msk $0xffff, v3;
	(erf) = vpow2.f32 v29  }
0x6d2: {  	v22 =	vadd.f32 v26, v23;
	v23 =	vmax.f32 v25, v19;
	v24 =	vpop (erf)  }
0x6d3: {  	v23 =	vmax.f32 v23, v20;
	v25 =	vmul.f32 $1.442695020e+00, v20;
	(erf) = vpow2.f32 v27  }
0x6d4: {  	v22 =	vadd.f32 v24, v22;
	v24 =	vpop (erf)  }
0x6d5: {  	v23 =	vmax.f32 v23, v21;
	v26 =	vmul.f32 $1.442695020e+00, v21;
	(erf) = vpow2.f32 v25  }
0x6d6: {  	v22 =	vadd.f32 v24, v22;
	v24 =	vpop (erf)  }
0x6d7: {  	(erf) = vpow2.f32 v26  }
0x6d8: {  	v22 =	vadd.f32 v24, v22;
	v24 =	vpop (erf);
	_ =	sdelay $0x1  }
0x6d9: {  	v22 =	vadd.f32 v24, v22;
	v24 =	vpop (erf);
	_ =	sdelay $0x1  }
0x6da: {  	v22 =	vadd.f32 v24, v22;
	v24 =	vpop (erf);
	_ =	sdelay $0x1  }
0x6db: {  	v22 =	vadd.f32 v24, v22;
	v24 =	vpop (erf);
	_ =	sdelay $0x1  }
0x6dc: {  	v22 =	vadd.f32 v24, v22;
	v24 =	vpop (erf);
	_ =	sdelay $0x1  }
0x6dd: {  	v22 =	vadd.f32 v24, v22;
	_ =	sdelay $0x1  }
0x6de: {  	v24 =	vshrl.u32 v22, $0x17;
	v22 =	vand.u32 $0x7FFFFF, v22  }
0x6df: {  	v24 =	vadd.s32 $0xFFFFFF81, v24;
	v22 =	vor.u32 $0x3F800000, v22  }
0x6e0: {  	v25 =	vadd.f32 $1.000000000e+00, v22;
	v24 =	vcvt.s32.f32 v24;
	_ =	sdelay $0x1  }
0x6e1: {  	(erf) = vrcp.f32 v25;
	_ =	sdelay $0x6  }
0x6e2: {  	v22 =	vadd.f32 $-1.000000000e+00, v22;
	_ =	sdelay $0x1  }
0x6e3: {  	v25 =	vpop (erf)  }
0x6e4: {  	v22 =	vmul.f32 v25, v22;
	_ =	sdelay $0x1  }
0x6e5: {  	v25 =	vmul.f32 v22, v22;
	_ =	sdelay $0x1  }
0x6e6: {  	v26 =	vmul.f32 $1.111111120e-01, v25;
	_ =	sdelay $0x1  }
0x6e7: {  	v26 =	vadd.f32 $1.428571490e-01, v26;
	_ =	sdelay $0x1  }
0x6e8: {  	v26 =	vmul.f32 v26, v25  }
0x6e9: {  	vm0 =	veq.s32 v6, $0x8  }
0x6ea: {  	v8 =	vsel vm0, v8, v11;
	vm0 =	veq.s32 v6, $0x9;
	v11 =	vadd.f32 $2.000000030e-01, v26  }
0x6eb: {  	v8 =	vsel vm0, v9, v8;
	vm0 =	veq.s32 v6, $0xA  }
0x6ec: {  	v8 =	vsel vm0, v10, v8;
	vm0 =	veq.s32 v6, $0xB;
	v9 =	vmul.f32 v11, v25  }
0x6ed: {  	v8 =	vsel vm0, v12, v8;
	vm0 =	veq.s32 v6, $0xC  }
0x6ee: {  	v8 =	vsel vm0, v13, v8;
	vm0 =	veq.s32 v6, $0xD;
	v9 =	vadd.f32 $3.333333430e-01, v9  }
0x6ef: {  	vm1 =	veq.s32 v6, $0x13;
	v8 =	vsel vm0, v14, v8;
	vm0 =	veq.s32 v6, $0xE  }
0x6f0: {  	v8 =	vsel vm0, v15, v8;
	vm0 =	veq.s32 v6, $0xF;
	v9 =	vmul.f32 v9, v25  }
0x6f1: {  	v8 =	vsel vm0, v16, v8;
	vm0 =	veq.s32 v6, $0x10;
	v10 =	vadd.f32 v22, v22  }
0x6f2: {  	v8 =	vsel vm0, v17, v8;
	vm0 =	veq.s32 v6, $0x11;
	v9 =	vadd.f32 $1.000000000e+00, v9  }
0x6f3: {  	v8 =	vsel vm0, v18, v8;
	vm0 =	veq.s32 v6, $0x12;
	v11 =	vmul.f32 $6.931471820e-01, v24  }
.Ltmp15:
0x6f4: {  	v12 =	vsel vm0, v19, v8;
	v8 =	vadd.s32 v4, v7;
	v9 =	vmul.f32 v9, v10;
	(pc) =	sbr.rel @p0 .LBB2_20-.Ltmp15, $4  }
0x6f5: {  	vm0 =	veq.s32 v6, $0x14;
	v6 =	vadd.s32 v5, v7;
	v10 =	vsel vm1, v20, v12  }
0x6f6: {  	v7 =	vsel vm0, v21, v10;
	v10 =	vadd.f32 v9, v11  }
0x6f7: {  	vm0 =	veq.f32 v7, v23  }
0x6f8: {  	v9 =	vsel vm0, $0x3F800000, v1;
	v7 =	vsub.f32 v7, v10  }
.LBB2_21:
0x6f9: {  	_ =	sdelay $0x2  }
0x6fa: {  	s0 =	simm.s32 $0x0  }
0x6fb: {  	[tilespmem:v8+s30+$0x0] =	vst.idx.add.f32.msk $0xffff, v9;
	s1 =	sor.u32 s0, s0  }
0x6fc: {  	[tilespmem:v6+s30+$0x0] =	vst.idx.add.f32.msk $0xffff, v7;
	s4 =	sand.u32 $0x70, s0;
	s5 =	sand.u32 $0xC00, s0;
	s1 =	sor.u32 $0x380, s1  }
0x6fd: {  	s4 =	sor.u32 s4, s5;
	v9 =	vld [tilespmem:s1+$0x0]  }
0x6fe: {  	v10 =	vld [tilespmem:s4+$0x1380];
	_ =	sdelay $0x1  }
0x6ff: {  	v11 =	vld [tilespmem:s4+$0x2380];
	_ =	sdelay $0x1  }
0x700: {  	v12 =	vld [tilespmem:s4+$0x3380];
	v6 =	vmul.f32 $1.442695020e+00, v9  }
0x701: {  	v14 =	vld [tilespmem:s4+$0x5380];
	v7 =	vmul.f32 $1.442695020e+00, v10  }
0x702: {  	v13 =	vld [tilespmem:s4+$0x4380];
	(erf) = vpow2.f32 v6  }
0x703: {  	v6 =	vmul.f32 $1.442695020e+00, v11;
	(erf) = vpow2.f32 v7;
	_ =	sdelay $0x1  }
0x704: {  	v7 =	vmul.f32 $1.442695020e+00, v12;
	(erf) = vpow2.f32 v6  }
0x705: {  	v15 =	vld [tilespmem:s4+$0x6380];
	v8 =	vmul.f32 $1.442695020e+00, v14  }
0x706: {  	v6 =	vmul.f32 $1.442695020e+00, v13;
	(erf) = vpow2.f32 v7  }
0x707: {  	v16 =	vld [tilespmem:s4+$0x7380]  }
0x708: {  	(erf) = vpow2.f32 v6  }
0x709: {  	v7 =	vld [tilespmem:s4+$0x8380]  }
0x70a: {  	v17 =	vmul.f32 $1.442695020e+00, v15;
	(erf) = vpow2.f32 v8;
	v8 =	vpop (erf)  }
0x70b: {  	v6 =	vld [tilespmem:s4+$0x9380];
	v18 =	vpop (erf)  }
0x70c: {  	v19 =	vmul.f32 $1.442695020e+00, v16;
	(erf) = vpow2.f32 v17;
	v28 =	vadd.f32 v18, v8  }
0x70d: {  	v8 =	vld [tilespmem:s4+$0xA380];
	v29 =	vpop (erf)  }
0x70e: {  	v20 =	vmul.f32 $1.442695020e+00, v7;
	(erf) = vpow2.f32 v19;
	v17 =	vadd.f32 v29, v28  }
0x70f: {  	v18 =	vld [tilespmem:s4+$0xB380];
	v30 =	vpop (erf)  }
0x710: {  	v21 =	vmul.f32 $1.442695020e+00, v6;
	(erf) = vpow2.f32 v20;
	v17 =	vadd.f32 v30, v17  }
0x711: {  	v19 =	vld [tilespmem:s4+$0xC380];
	v31 =	vpop (erf)  }
0x712: {  	(erf) = vpow2.f32 v21;
	v22 =	vmul.f32 $1.442695020e+00, v8;
	v17 =	vadd.f32 v31, v17  }
0x713: {  	v20 =	vld [tilespmem:s4+$0xD380];
	v32 =	vpop (erf)  }
0x714: {  	v23 =	vmul.f32 $1.442695020e+00, v18;
	(erf) = vpow2.f32 v22;
	v17 =	vadd.f32 v32, v17  }
0x715: {  	v33 =	vld [tilespmem:s4+$0xE380];
	v34 =	vpop (erf)  }
0x716: {  	v24 =	vmul.f32 $1.442695020e+00, v19;
	(erf) = vpow2.f32 v23;
	v17 =	vadd.f32 v34, v17  }
0x717: {  	v35 =	vld [tilespmem:s4+$0xF380];
	v36 =	vpop (erf)  }
0x718: {  	v25 =	vmul.f32 $1.442695020e+00, v20;
	(erf) = vpow2.f32 v24;
	v17 =	vadd.f32 v36, v17  }
0x719: {  	v37 =	vld [tilespmem:s4+$0x10380];
	v38 =	vpop (erf)  }
0x71a: {  	v26 =	vmul.f32 $1.442695020e+00, v33;
	(erf) = vpow2.f32 v25;
	v17 =	vadd.f32 v38, v17  }
0x71b: {  	v39 =	vld [tilespmem:s4+$0x11380];
	v40 =	vpop (erf)  }
0x71c: {  	v27 =	vmul.f32 $1.442695020e+00, v35;
	(erf) = vpow2.f32 v26;
	v17 =	vadd.f32 v40, v17  }
0x71d: {  	v41 =	vld [tilespmem:s4+$0x12380];
	v42 =	vpop (erf)  }
0x71e: {  	v28 =	vmul.f32 $1.442695020e+00, v37;
	(erf) = vpow2.f32 v27;
	v17 =	vadd.f32 v42, v17  }
0x71f: {  	v43 =	vld [tilespmem:s4+$0x13380];
	v44 =	vpop (erf)  }
0x720: {  	v29 =	vmul.f32 $1.442695020e+00, v39;
	(erf) = vpow2.f32 v28;
	v17 =	vadd.f32 v44, v17  }
0x721: {  	v45 =	vld [tilespmem:s4+$0x14380];
	v46 =	vpop (erf)  }
0x722: {  	v30 =	vmul.f32 $1.442695020e+00, v41;
	(erf) = vpow2.f32 v29;
	v17 =	vadd.f32 v46, v17  }
0x723: {  	v47 =	vpop (erf)  }
0x724: {  	v48 =	vmul.f32 $1.442695020e+00, v43;
	(erf) = vpow2.f32 v30;
	v17 =	vadd.f32 v47, v17  }
0x725: {  	v49 =	vpop (erf)  }
0x726: {  	v50 =	vmul.f32 $1.442695020e+00, v45;
	(erf) = vpow2.f32 v48;
	v17 =	vadd.f32 v49, v17  }
0x727: {  	v51 =	vpop (erf)  }
0x728: {  	(erf) = vpow2.f32 v50;
	v17 =	vadd.f32 v51, v17  }
0x729: {  	v52 =	vpop (erf)  }
0x72a: {  	v17 =	vadd.f32 v52, v17  }
0x72b: {  	v53 =	vpop (erf)  }
0x72c: {  	v17 =	vadd.f32 v53, v17  }
0x72d: {  	v54 =	vpop (erf)  }
0x72e: {  	v17 =	vadd.f32 v54, v17  }
0x72f: {  	v55 =	vpop (erf)  }
0x730: {  	v17 =	vadd.f32 v55, v17  }
0x731: {  	v56 =	vpop (erf)  }
0x732: {  	v17 =	vadd.f32 v56, v17;
	_ =	sdelay $0x1  }
0x733: {  	v28 =	vand.u32 $0x7FFFFF, v17  }
0x734: {  	v28 =	vor.u32 $0x3F800000, v28  }
0x735: {  	v57 =	vadd.f32 $1.000000000e+00, v28;
	_ =	sdelay $0x1  }
0x736: {  	(erf) = vrcp.f32 v57  }
0x737: {  	v58 =	vld [tilespmem:s1+$0x15000];
	_ =	sdelay $0x4  }
0x738: {  	vm0 =	veq.s32 v58, $0x1  }
0x739: {  	v59 =	vmax.f32 v9, v10;
	vm10 =	veq.s32 v58, $0x2;
	v9 =	vsel vm0, v10, v9  }
0x73a: {  	v9 =	vsel vm10, v11, v9;
	v29 =	vmax.f32 v59, v11;
	v11 =	vadd.f32 $-1.000000000e+00, v28  }
0x73b: {  	vm11 =	veq.s32 v58, $0x3;
	vm12 =	veq.s32 v58, $0x4;
	vm13 =	veq.s32 v58, $0x5;
	v60 =	vpop (erf)  }
0x73c: {  	vm14 =	veq.s32 v58, $0x6;
	vm15 =	veq.s32 v58, $0x7;
	v11 =	vmul.f32 v60, v11  }
0x73d: {  	v62 =	vshll.u32 v58, $0x7;
	vm4 =	veq.s32 v58, $0x8;
	vm5 =	veq.s32 v58, $0x9  }
0x73e: {  	v9 =	vsel vm11, v12, v9;
	v29 =	vmax.f32 v29, v12;
	v12 =	vmul.f32 v11, v11  }
0x73f: {  	vm6 =	veq.s32 v58, $0xA;
	vm7 =	veq.s32 v58, $0xB;
	vm8 =	veq.s32 v58, $0xC  }
0x740: {  	vm9 =	veq.s32 v58, $0xD;
	v10 =	vmax.f32 v29, v13;
	v61 =	vmul.f32 $1.111111120e-01, v12  }
0x741: {  	vm1 =	veq.s32 v58, $0x13;
	v9 =	vsel vm12, v13, v9;
	v10 =	vmax.f32 v10, v14  }
0x742: {  	v9 =	vsel vm13, v14, v9;
	v10 =	vmax.f32 v10, v15;
	v13 =	vadd.f32 $1.428571490e-01, v61  }
0x743: {  	vm10 =	veq.s32 v58, $0xE;
	v9 =	vsel vm14, v15, v9;
	v10 =	vmax.f32 v10, v16  }
0x744: {  	v9 =	vsel vm15, v16, v9;
	v10 =	vmax.f32 v10, v7;
	v13 =	vmul.f32 v13, v12  }
0x745: {  	vm11 =	veq.s32 v58, $0xF;
	v7 =	vsel vm4, v7, v9;
	v10 =	vmax.f32 v10, v6  }
0x746: {  	v6 =	vsel vm5, v6, v7;
	v10 =	vmax.f32 v10, v8;
	v13 =	vadd.f32 $2.000000030e-01, v13  }
0x747: {  	vm12 =	veq.s32 v58, $0x10;
	v6 =	vsel vm6, v8, v6;
	v10 =	vmax.f32 v10, v18  }
0x748: {  	v6 =	vsel vm7, v18, v6;
	v10 =	vmax.f32 v10, v19;
	v7 =	vmul.f32 v13, v12  }
0x749: {  	vm13 =	veq.s32 v58, $0x11;
	v6 =	vsel vm8, v19, v6;
	v10 =	vmax.f32 v10, v20  }
0x74a: {  	v6 =	vsel vm9, v20, v6;
	v10 =	vmax.f32 v10, v33;
	v7 =	vadd.f32 $3.333333430e-01, v7  }
0x74b: {  	vm14 =	veq.s32 v58, $0x12;
	v6 =	vsel vm10, v33, v6;
	v10 =	vmax.f32 v10, v35  }
0x74c: {  	v6 =	vsel vm11, v35, v6;
	v63 =	vshrl.u32 v17, $0x17;
	v7 =	vmul.f32 v7, v12  }
0x74d: {  	v10 =	vmax.f32 v10, v37;
	v6 =	vsel vm12, v37, v6;
	v8 =	vadd.s32 $0xFFFFFF81, v63  }
0x74e: {  	v8 =	vcvt.s32.f32 v8;
	v11 =	vadd.f32 v11, v11;
	v7 =	vadd.f32 $1.000000000e+00, v7  }
0x74f: {  	v9 =	vor.u32 v2, v62;
	v10 =	vmax.f32 v10, v39;
	v6 =	vsel vm13, v39, v6  }
0x750: {  	v10 =	vmax.f32 v10, v41;
	v8 =	vmul.f32 $6.931471820e-01, v8;
	v7 =	vmul.f32 v7, v11  }
0x751: {  	vm15 =	veq.s32 v58, $0x14;
	v6 =	vsel vm14, v41, v6;
	v10 =	vmax.f32 v10, v43  }
0x752: {  	v6 =	vsel vm1, v43, v6;
	v7 =	vadd.f32 v7, v8;
	v8 =	vadd.s32 v4, v62  }
0x753: {  	v10 =	vmax.f32 v10, v45;
	v11 =	vsel vm15, v45, v6;
	v6 =	vadd.s32 v5, v62  }
0x754: {  	vm0 =	veq.f32 v11, v10  }
0x755: {  	s1 =	simm.s32 $0x10;
	[tilespmem:v9+s30+$0x0] =	vst.idx.add.f32.msk $0xffff, v3;
	v9 =	vsel vm0, $0x3F800000, v1;
	v7 =	vsub.f32 v11, v7  }
.LBB2_22:
0x756: {  	p0 =	sne.s32 s1, $0x1F0  }
0x757: {  	[tilespmem:v8+s30+$0x0] =	vst.idx.add.f32.msk $0xffff, v9;
	s0 =	sadd.s32 $0x80, s0;
	s4 =	smov.u32 s1;
	s1 =	sadd.s32 $0x10, s1  }
0x758: {  	s5 =	sand.u32 $0x70, s4;
	s6 =	sand.u32 $0xC00, s0;
	s4 =	sor.u32 s0, s4;
	[tilespmem:v6+s30+$0x0] =	vst.idx.add.f32.msk $0xffff, v7  }
0x759: {  	s7 =	sor.u32 $0x380, s4;
	s4 =	sor.u32 s5, s6  }
0x75a: {  	v7 =	vld [tilespmem:s7+$0x0]  }
0x75b: {  	v8 =	vld [tilespmem:s4+$0x1380]  }
0x75c: {  	v9 =	vld [tilespmem:s4+$0x2380]  }
0x75d: {  	v6 =	vld [tilespmem:s7+$0x15000]  }
0x75e: {  	v10 =	vld [tilespmem:s4+$0x3380]  }
0x75f: {  	v11 =	vmul.f32 $1.442695020e+00, v7  }
0x760: {  	v12 =	vmax.f32 v7, v8;
	v13 =	vmul.f32 $1.442695020e+00, v8;
	v14 =	vld [tilespmem:s4+$0x4380]  }
0x761: {  	v12 =	vmax.f32 v12, v9;
	v15 =	vmul.f32 $1.442695020e+00, v9;
	(erf) = vpow2.f32 v11  }
0x762: {  	vm0 =	veq.s32 v6, $0x1;
	vm1 =	veq.s32 v6, $0x2;
	v11 =	vld [tilespmem:s4+$0x5380];
	(erf) = vpow2.f32 v13  }
0x763: {  	vm2 =	veq.s32 v6, $0x4;
	v13 =	vmul.f32 $1.442695020e+00, v10;
	(erf) = vpow2.f32 v15  }
0x764: {  	v7 =	vsel vm0, v8, v7;
	v8 =	vmax.f32 v12, v10;
	vm0 =	veq.s32 v6, $0x3;
	v12 =	vld [tilespmem:s4+$0x6380]  }
0x765: {  	v7 =	vsel vm1, v9, v7;
	v9 =	vmul.f32 $1.442695020e+00, v14;
	(erf) = vpow2.f32 v13  }
0x766: {  	v10 =	vsel vm0, v10, v7;
	v8 =	vmax.f32 v8, v14;
	v7 =	vshll.u32 v6, $0x7;
	v13 =	vld [tilespmem:s4+$0x7380]  }
0x767: {  	vm0 =	veq.s32 v6, $0x5;
	v15 =	vmul.f32 $1.442695020e+00, v11;
	(erf) = vpow2.f32 v9  }
0x768: {  	vm1 =	veq.s32 v6, $0x6;
	v9 =	vsel vm2, v14, v10;
	v10 =	vmax.f32 v8, v11;
	v8 =	vld [tilespmem:s4+$0x8380]  }
0x769: {  	v9 =	vsel vm0, v11, v9;
	v17 =	vmul.f32 $1.442695020e+00, v12;
	(erf) = vpow2.f32 v15  }
0x76a: {  	vm0 =	veq.s32 v6, $0x7;
	v10 =	vmax.f32 v10, v12;
	v11 =	vsel vm1, v12, v9;
	v9 =	vld [tilespmem:s4+$0x9380];
	v12 =	vpop (erf)  }
0x76b: {  	v18 =	vmul.f32 $1.442695020e+00, v13;
	v11 =	vsel vm0, v13, v11;
	v16 =	vpop (erf);
	(erf) = vpow2.f32 v17  }
0x76c: {  	v13 =	vmax.f32 v10, v13;
	v12 =	vadd.f32 v16, v12;
	v10 =	vld [tilespmem:s4+$0xA380];
	v14 =	vpop (erf)  }
0x76d: {  	v16 =	vmax.f32 v13, v8;
	v13 =	vmul.f32 $1.442695020e+00, v8;
	(erf) = vpow2.f32 v18  }
0x76e: {  	v14 =	vadd.f32 v14, v12;
	v12 =	vld [tilespmem:s4+$0xB380];
	v15 =	vpop (erf)  }
0x76f: {  	v19 =	vmul.f32 $1.442695020e+00, v9;
	(erf) = vpow2.f32 v13  }
0x770: {  	v14 =	vadd.f32 v15, v14;
	v13 =	vld [tilespmem:s4+$0xC380];
	v15 =	vpop (erf)  }
0x771: {  	v20 =	vmul.f32 $1.442695020e+00, v10;
	(erf) = vpow2.f32 v19  }
0x772: {  	v15 =	vadd.f32 v15, v14;
	v14 =	vld [tilespmem:s4+$0xD380];
	v17 =	vpop (erf)  }
0x773: {  	v21 =	vmul.f32 $1.442695020e+00, v12;
	(erf) = vpow2.f32 v20  }
0x774: {  	v16 =	vmax.f32 v16, v9;
	v17 =	vadd.f32 v17, v15;
	v15 =	vld [tilespmem:s4+$0xE380];
	v18 =	vpop (erf)  }
0x775: {  	v22 =	vmul.f32 $1.442695020e+00, v13;
	(erf) = vpow2.f32 v21  }
0x776: {  	v17 =	vadd.f32 v18, v17;
	v18 =	vmax.f32 v16, v10;
	v16 =	vld [tilespmem:s4+$0xF380];
	v19 =	vpop (erf)  }
0x777: {  	v18 =	vmax.f32 v18, v12;
	v23 =	vmul.f32 $1.442695020e+00, v14;
	(erf) = vpow2.f32 v22  }
0x778: {  	v19 =	vadd.f32 v19, v17;
	v18 =	vmax.f32 v18, v13;
	v17 =	vld [tilespmem:s4+$0x10380];
	v20 =	vpop (erf)  }
0x779: {  	v18 =	vmax.f32 v18, v14;
	v22 =	vmul.f32 $1.442695020e+00, v15;
	(erf) = vpow2.f32 v23  }
0x77a: {  	v19 =	vadd.f32 v20, v19;
	v20 =	vmax.f32 v18, v15;
	v18 =	vld [tilespmem:s4+$0x11380];
	v21 =	vpop (erf)  }
0x77b: {  	v27 =	vmul.f32 $1.442695020e+00, v16;
	(erf) = vpow2.f32 v22  }
0x77c: {  	v20 =	vmax.f32 v20, v16;
	v22 =	vor.u32 v2, v7;
	v21 =	vadd.f32 v21, v19;
	v19 =	vld [tilespmem:s4+$0x12380];
	v24 =	vpop (erf)  }
0x77d: {  	v25 =	vmax.f32 v20, v17;
	v28 =	vmul.f32 $1.442695020e+00, v17;
	(erf) = vpow2.f32 v27  }
0x77e: {  	v21 =	vadd.f32 v24, v21;
	v20 =	vld [tilespmem:s4+$0x13380];
	v23 =	vpop (erf)  }
0x77f: {  	v29 =	vmul.f32 $1.442695020e+00, v18;
	(erf) = vpow2.f32 v28  }
0x780: {  	v25 =	vmax.f32 v25, v18;
	v23 =	vadd.f32 v23, v21;
	v21 =	vld [tilespmem:s4+$0x14380];
	v26 =	vpop (erf)  }
0x781: {  	v27 =	vmul.f32 $1.442695020e+00, v19;
	[tilespmem:v22+s30+$0x0] =	vst.idx.add.f32.msk $0xffff, v3;
	(erf) = vpow2.f32 v29  }
0x782: {  	v22 =	vadd.f32 v26, v23;
	v23 =	vmax.f32 v25, v19;
	v24 =	vpop (erf)  }
0x783: {  	v23 =	vmax.f32 v23, v20;
	v25 =	vmul.f32 $1.442695020e+00, v20;
	(erf) = vpow2.f32 v27  }
0x784: {  	v22 =	vadd.f32 v24, v22;
	v24 =	vpop (erf)  }
0x785: {  	v23 =	vmax.f32 v23, v21;
	v26 =	vmul.f32 $1.442695020e+00, v21;
	(erf) = vpow2.f32 v25  }
0x786: {  	v22 =	vadd.f32 v24, v22;
	v24 =	vpop (erf)  }
0x787: {  	(erf) = vpow2.f32 v26  }
0x788: {  	v22 =	vadd.f32 v24, v22;
	v24 =	vpop (erf);
	_ =	sdelay $0x1  }
0x789: {  	v22 =	vadd.f32 v24, v22;
	v24 =	vpop (erf);
	_ =	sdelay $0x1  }
0x78a: {  	v22 =	vadd.f32 v24, v22;
	v24 =	vpop (erf);
	_ =	sdelay $0x1  }
0x78b: {  	v22 =	vadd.f32 v24, v22;
	v24 =	vpop (erf);
	_ =	sdelay $0x1  }
0x78c: {  	v22 =	vadd.f32 v24, v22;
	v24 =	vpop (erf);
	_ =	sdelay $0x1  }
0x78d: {  	v22 =	vadd.f32 v24, v22;
	_ =	sdelay $0x1  }
0x78e: {  	v24 =	vshrl.u32 v22, $0x17;
	v22 =	vand.u32 $0x7FFFFF, v22  }
0x78f: {  	v24 =	vadd.s32 $0xFFFFFF81, v24;
	v22 =	vor.u32 $0x3F800000, v22  }
0x790: {  	v25 =	vadd.f32 $1.000000000e+00, v22;
	v24 =	vcvt.s32.f32 v24;
	_ =	sdelay $0x1  }
0x791: {  	(erf) = vrcp.f32 v25;
	_ =	sdelay $0x6  }
0x792: {  	v22 =	vadd.f32 $-1.000000000e+00, v22;
	_ =	sdelay $0x1  }
0x793: {  	v25 =	vpop (erf)  }
0x794: {  	v22 =	vmul.f32 v25, v22;
	_ =	sdelay $0x1  }
0x795: {  	v25 =	vmul.f32 v22, v22;
	_ =	sdelay $0x1  }
0x796: {  	v26 =	vmul.f32 $1.111111120e-01, v25;
	_ =	sdelay $0x1  }
0x797: {  	v26 =	vadd.f32 $1.428571490e-01, v26;
	_ =	sdelay $0x1  }
0x798: {  	v26 =	vmul.f32 v26, v25  }
0x799: {  	vm0 =	veq.s32 v6, $0x8  }
0x79a: {  	v8 =	vsel vm0, v8, v11;
	vm0 =	veq.s32 v6, $0x9;
	v11 =	vadd.f32 $2.000000030e-01, v26  }
0x79b: {  	v8 =	vsel vm0, v9, v8;
	vm0 =	veq.s32 v6, $0xA  }
0x79c: {  	v8 =	vsel vm0, v10, v8;
	vm0 =	veq.s32 v6, $0xB;
	v9 =	vmul.f32 v11, v25  }
0x79d: {  	v8 =	vsel vm0, v12, v8;
	vm0 =	veq.s32 v6, $0xC  }
0x79e: {  	v8 =	vsel vm0, v13, v8;
	vm0 =	veq.s32 v6, $0xD;
	v9 =	vadd.f32 $3.333333430e-01, v9  }
0x79f: {  	vm1 =	veq.s32 v6, $0x13;
	v8 =	vsel vm0, v14, v8;
	vm0 =	veq.s32 v6, $0xE  }
0x7a0: {  	v8 =	vsel vm0, v15, v8;
	vm0 =	veq.s32 v6, $0xF;
	v9 =	vmul.f32 v9, v25  }
0x7a1: {  	v8 =	vsel vm0, v16, v8;
	vm0 =	veq.s32 v6, $0x10;
	v10 =	vadd.f32 v22, v22  }
0x7a2: {  	v8 =	vsel vm0, v17, v8;
	vm0 =	veq.s32 v6, $0x11;
	v9 =	vadd.f32 $1.000000000e+00, v9  }
0x7a3: {  	v8 =	vsel vm0, v18, v8;
	vm0 =	veq.s32 v6, $0x12;
	v11 =	vmul.f32 $6.931471820e-01, v24  }
.Ltmp16:
0x7a4: {  	v12 =	vsel vm0, v19, v8;
	v8 =	vadd.s32 v4, v7;
	v9 =	vmul.f32 v9, v10;
	(pc) =	sbr.rel @p0 .LBB2_22-.Ltmp16, $4  }
0x7a5: {  	vm0 =	veq.s32 v6, $0x14;
	v6 =	vadd.s32 v5, v7;
	v10 =	vsel vm1, v20, v12  }
0x7a6: {  	v7 =	vsel vm0, v21, v10;
	v10 =	vadd.f32 v9, v11  }
0x7a7: {  	vm0 =	veq.f32 v7, v23  }
0x7a8: {  	v9 =	vsel vm0, $0x3F800000, v1;
	v7 =	vsub.f32 v7, v10  }
0x7a9: {  	_ =	sdelay $0x3  }
0x7aa: {  	[tilespmem:v8+s30+$0x0] =	vst.idx.add.f32.msk $0xffff, v9;
	s31 =	sadd.s32 $0x1, s31  }
0x7ab: {  	[tilespmem:v6+s30+$0x0] =	vst.idx.add.f32.msk $0xffff, v7;
	p0 =	sne.s32 s31, s25  }
0x7ac: {  	[hbm4b:s23+s2] =	stream.linear.scatter [tilespmem:s30], [sflag:$0x1], $0x2000, $0x38;
	[tilespmem:$0x18000] =	vst v63  }
.Ltmp17:
0x7ad: {  	_ = 	snop;
	(pc) =	sbr.rel @p0 .LBB2_1-.Ltmp17, $4  }
.Ltmp18:
0x7ae: {  	_ = 	snop;
	(pc) =	sbr.rel @!p0 .LBB2_24-.Ltmp18, $4  }
0x7af: {  	_ =	swait.ge [sflag:s28], $0x2000  }
0x7b0: {  	[sflag:s28] =	ssyncset.done $0x0  }
0x7b1: {  	[sflag:s28] =	ssyncadd.s32 $0xFFFFE000  }
0x7b2: {  	_ = 	snop  }
.LBB2_6:
.Ltmp19:
0x7b3: {  	(pc) =	sbr.rel .LBB2_9-.Ltmp19, $2  }
0x7b4: {  	_ =	sdelay $0x2  }
0x7b5: {  	p1 =	por $0x0, $0x0  }
.LBB2_14:
.Ltmp20:
0x7b6: {  	(pc) =	sbr.rel .LBB2_17-.Ltmp20, $2  }
0x7b7: {  	_ =	sdelay $0x2  }
0x7b8: {  	_ = 	snop  }
.LBB2_11:
.Ltmp21:
0x7b9: {  	(pc) =	sbr.rel .LBB2_13-.Ltmp21, $2  }
0x7ba: {  	_ =	sdelay $0x2  }
0x7bb: {  	s7 =	simm.s32 $0x10  }
.LBB2_24:
0x7bc: {  	_ =	sfence.sel $0x180000  }
0x7bd: {  	[bflag:$0x0] =	sbarrier.arrive $0xFFFF  }
0x7be: {  	_ =	strace $0x90000047  }
0x7bf: {  	s0 =	stileid.u32;
	[bflag:$0x2] =	sbarrier.arrive $0xFFFF  }
0x7c0: {  	p0 =	sne.s32 s0, $0x0;
	s0 =	rddreg [dreg:$0x3]  }
0x7c1: {  	s0 =	sadd.s32 @!p0 $0x100000, s0  }
0x7c2: {  	[sflag:s0] =	ssyncadd.tile.s32 @!p0 $0x1;
	_ =	shalt  }
.Lfunc_end2:
_tile_overlayer_lowered:
.L_overlay_start_2:
0x7c3: {  	(tag) =	ssettag $0x2  }
0x7c4: {  	s0 =	rddreg [dreg:$0x0];
	s2 =	stileid.u32  }
0x7c5: {  	s1 =	rddreg [dreg:$0x1];
	p0 =	sne.s32 s2, $0x0  }
0x7c6: {  	s3 =	rddreg [dreg:$0x2];
	[bflag:$0x3] =	sbarrier.arrive $0xFFFF;
	s2 =	simm.s32 @!p0 $0x1C01  }
0x7c7: {  	[timem:s3], [sflag:s2] =	dma.local @!p0 [hbm:s0], s1  }
0x7c8: {  	s0 =	simm.s32 @!p0 $0x1  }
0x7c9: {  	_ =	swait.ge @!p0 [sflag:s0], s1  }
0x7ca: {  	s1 =	ssub.s32 @!p0 $0x0, s1;
	[sflag:s0] =	ssyncset.done @!p0 $0x0  }
0x7cb: {  	[sflag:s0] =	ssyncadd.s32 @!p0 s1  }
0x7cc: {  	[bflag:$0x3] =	sbarrier.arrive $0xFFFF  }
0x7cd: {  	_ =	shalt  }

</sc_bundles>
